<compile_context>
chip_gen: v7x
topology: tpu7x:2x2x1
jax: 0.10.2.dev20260603
libtpu: 0.0.44.dev20260713+nightly
codegen_flags: <defaults>
</compile_context>

<pallas_src>
import jax
import jax.numpy as jnp
from jax import lax
from jax.experimental import pallas as pl
from jax.experimental.pallas import tpu as pltpu
from jax.experimental.pallas import tpu_sc as plsc

BATCH = 4096
N_TOKENS = 50
TOKENS = BATCH * N_TOKENS
CHUNK = 128
NCHUNKS = TOKENS // CHUNK
NW = 32
CPW = NCHUNKS // NW
D_OUT = 256
N_ROWS = 100000
N_FIELDS = 8
LANES = 16

FIELDS = (
    (0, 0, 64, 0),
    (1, 64, 32, 1),
    (2, 96, 32, 1),
    (3, 128, 32, 1),
    (4, 160, 32, 1),
    (5, 192, 16, 2),
    (6, 208, 16, 3),
    (7, 224, 32, 4),
)
TABLE_WIDTHS = (64, 32, 16, 16, 32)


def _body(idx_hbm, sp_hbm, mv_hbm, ab_hbm, it_hbm, lm_hbm, out_hbm,
          idxr, idxv, bufs0, bufs1, gsem0, gsem1, wsem0, wsem1, isem):
    tables = (sp_hbm, mv_hbm, ab_hbm, it_hbm, lm_hbm)
    bufs = (bufs0, bufs1)
    gsems = (gsem0, gsem1)
    wsems = (wsem0, wsem1)
    wid = lax.axis_index("s") * 2 + lax.axis_index("c")
    chunk0 = wid * CPW
    lanes8 = lax.iota(jnp.int32, LANES) * N_FIELDS

    def deinterleave(b):
        for f in range(N_FIELDS):
            for grp in range(CHUNK // LANES):
                vec = plsc.load_gather(
                    idxr.at[b], [lanes8 + (grp * LANES * N_FIELDS + f)])
                idxv[b, f, pl.ds(grp * LANES, LANES)] = vec

    def fire_gathers(b):
        for i, (row, _, _, targ) in enumerate(FIELDS):
            pltpu.async_copy(tables[targ].at[idxv.at[b, row]], bufs[b][i],
                             gsems[b])

    def wait_gathers(b):
        for i, (row, _, _, targ) in enumerate(FIELDS):
            pltpu.make_async_copy(tables[targ].at[idxv.at[b, row]], bufs[b][i],
                                  gsems[b]).wait()

    def fire_writes(b, g):
        tok = pl.multiple_of(g * CHUNK, CHUNK)
        for i, (_, col, w, _) in enumerate(FIELDS):
            pltpu.async_copy(
                bufs[b][i], out_hbm.at[pl.ds(tok, CHUNK), pl.ds(col, w)],
                wsems[b])

    def wait_writes(b):
        for i, (_, col, w, _) in enumerate(FIELDS):
            pltpu.make_async_copy(
                bufs[b][i], out_hbm.at[pl.ds(0, CHUNK), pl.ds(col, w)],
                wsems[b]).wait()

    pltpu.sync_copy(idx_hbm.at[chunk0], idxr.at[0])
    deinterleave(0)
    fire_gathers(0)

    def pair(jj, carry):
        for b in (0, 1):
            j = jj * 2 + b
            g = chunk0 + j

            @pl.when(j + 1 < CPW)
            def _prefetch_idx():
                pltpu.async_copy(idx_hbm.at[g + 1], idxr.at[1 - b], isem)

            @pl.when(j >= 1)
            def _():
                wait_writes(1 - b)

            @pl.when(j + 1 < CPW)
            def _next_gathers():
                pltpu.make_async_copy(idx_hbm.at[g + 1], idxr.at[1 - b],
                                      isem).wait()
                deinterleave(1 - b)
                fire_gathers(1 - b)

            wait_gathers(b)
            fire_writes(b, g)

        return carry

    lax.fori_loop(0, CPW // 2, pair, 0)
    wait_writes((CPW - 1) % 2)


@jax.jit
def _run(idx, sp, mv, ab, it, lm):
    def field_bufs():
        return tuple(pltpu.VMEM((CHUNK, w), jnp.float32) for _, _, w, _ in FIELDS)
    scratch = [
        pltpu.VMEM((2, CHUNK * N_FIELDS), jnp.int32),
        pltpu.VMEM((2, N_FIELDS, CHUNK), jnp.int32),
        field_bufs(),
        field_bufs(),
        pltpu.SemaphoreType.DMA,
        pltpu.SemaphoreType.DMA,
        pltpu.SemaphoreType.DMA,
        pltpu.SemaphoreType.DMA,
        pltpu.SemaphoreType.DMA,
    ]
    kern = pl.kernel(
        _body,
        out_type=jax.ShapeDtypeStruct((TOKENS, D_OUT), jnp.float32),
        mesh=plsc.VectorSubcoreMesh(core_axis_name="c", subcore_axis_name="s"),
        scratch_types=scratch,
        compiler_params=pltpu.CompilerParams(use_tc_tiling_on_sc=False,
                                             needs_layout_passes=False),
    )
    return kern(idx, sp, mv, ab, it, lm)


def kernel(int_ids, species_emb, move_emb, ability_emb, item_emb, last_move_emb):
    ids = int_ids.astype(jnp.int32)
    pieces = [ids.reshape(-1)]
    for t in (species_emb, move_emb, ability_emb, item_emb, last_move_emb):
        pieces.append(lax.bitcast_convert_type(t, jnp.int32).reshape(-1))
    flat = jnp.concatenate(pieces)

    idx = lax.slice(flat, (0,), (NCHUNKS * CHUNK * N_FIELDS,)).reshape(
        NCHUNKS, CHUNK * N_FIELDS)
    off = NCHUNKS * CHUNK * N_FIELDS
    views = []
    for w in TABLE_WIDTHS:
        v = lax.slice(flat, (off,), (off + N_ROWS * w,)).reshape(N_ROWS, w)
        views.append(lax.bitcast_convert_type(v, jnp.float32))
        off += N_ROWS * w

    out = _run(idx, *views)
    return out.reshape(BATCH, N_TOKENS, D_OUT)

# --- scband reference (transcript-rebuilt; emitter-appended) ---
"""Pipeline reference for scband-pokemon-embeddings-90615220011088 (READ-ONLY COPY).

The authoritative reference and input builder live on the scoring server;
editing this copy changes nothing except your own understanding.
"""

import jax, jax.numpy as jnp
import numpy as np

N_SPECIES = 100000
N_MOVES = 100000
N_ABILITIES = 100000
N_ITEMS = 100000
D_SPECIES = 64
D_MOVE = 32
D_ABILITY = 16
D_ITEM = 16
BATCH = 4096
N_TOKENS = 50


def setup_inputs(seed: int = 0) -> dict:
    key = jax.random.key(seed)
    ks = jax.random.split(key, 6)
    int_ids = jax.random.randint(ks[0], (BATCH, N_TOKENS, 8), 0, N_SPECIES, dtype=jnp.int32).astype(jnp.int64)
    species_emb = (jax.random.normal(ks[1], (N_SPECIES, D_SPECIES), dtype=jnp.float32)).at[0].set(0.0)
    move_emb = (jax.random.normal(ks[2], (N_MOVES, D_MOVE), dtype=jnp.float32)).at[0].set(0.0)
    ability_emb = (jax.random.normal(ks[3], (N_ABILITIES, D_ABILITY), dtype=jnp.float32)).at[0].set(0.0)
    item_emb = (jax.random.normal(ks[4], (N_ITEMS, D_ITEM), dtype=jnp.float32)).at[0].set(0.0)
    last_move_emb = (jax.random.normal(ks[5], (N_MOVES, D_MOVE), dtype=jnp.float32)).at[0].set(0.0)
    return {
        "int_ids": int_ids,
        "species_emb": species_emb,
        "move_emb": move_emb,
        "ability_emb": ability_emb,
        "item_emb": item_emb,
        "last_move_emb": last_move_emb,
    }


def reference(int_ids, species_emb, move_emb, ability_emb, item_emb, last_move_emb):
    species = jnp.take(species_emb, int_ids[..., 0], axis=0)
    moves = jnp.concatenate([
        jnp.take(move_emb, int_ids[..., 1], axis=0),
        jnp.take(move_emb, int_ids[..., 2], axis=0),
        jnp.take(move_emb, int_ids[..., 3], axis=0),
        jnp.take(move_emb, int_ids[..., 4], axis=0),
    ], axis=-1)
    ability = jnp.take(ability_emb, int_ids[..., 5], axis=0)
    item = jnp.take(item_emb, int_ids[..., 6], axis=0)
    last_move = jnp.take(last_move_emb, int_ids[..., 7], axis=0)
    return jnp.concatenate([species, moves, ability, item, last_move], axis=-1)

if __name__ == "__main__":
    import jax
    _d = setup_inputs()
    print(jax.jit(kernel)(*tuple(_d.values())))

</pallas_src>

<mosaic_0001>
#map = affine_map<(d0, d1) -> (0, 0)>
module attributes {stable_mosaic.version = 14 : i64} {
  func.func @_body(%arg0: i32, %arg1: i32, %arg2: memref<1600x1024xi32, #tpu.memory_space<hbm>>, %arg3: memref<100000x64xf32, #tpu.memory_space<hbm>>, %arg4: memref<100000x32xf32, #tpu.memory_space<hbm>>, %arg5: memref<100000x16xf32, #tpu.memory_space<hbm>>, %arg6: memref<100000x16xf32, #tpu.memory_space<hbm>>, %arg7: memref<100000x32xf32, #tpu.memory_space<hbm>>, %arg8: memref<204800x256xf32, #tpu.memory_space<hbm>>, %arg9: memref<2x1024xi32, #tpu.memory_space<vmem>>, %arg10: memref<2x8x128xi32, #tpu.memory_space<vmem>>, %arg11: memref<128x64xf32, #tpu.memory_space<vmem>>, %arg12: memref<128x32xf32, #tpu.memory_space<vmem>>, %arg13: memref<128x32xf32, #tpu.memory_space<vmem>>, %arg14: memref<128x32xf32, #tpu.memory_space<vmem>>, %arg15: memref<128x32xf32, #tpu.memory_space<vmem>>, %arg16: memref<128x16xf32, #tpu.memory_space<vmem>>, %arg17: memref<128x16xf32, #tpu.memory_space<vmem>>, %arg18: memref<128x32xf32, #tpu.memory_space<vmem>>, %arg19: memref<128x64xf32, #tpu.memory_space<vmem>>, %arg20: memref<128x32xf32, #tpu.memory_space<vmem>>, %arg21: memref<128x32xf32, #tpu.memory_space<vmem>>, %arg22: memref<128x32xf32, #tpu.memory_space<vmem>>, %arg23: memref<128x32xf32, #tpu.memory_space<vmem>>, %arg24: memref<128x16xf32, #tpu.memory_space<vmem>>, %arg25: memref<128x16xf32, #tpu.memory_space<vmem>>, %arg26: memref<128x32xf32, #tpu.memory_space<vmem>>, %arg27: memref<!tpu.dma_semaphore, #tpu.memory_space<semaphore_mem>>, %arg28: memref<!tpu.dma_semaphore, #tpu.memory_space<semaphore_mem>>, %arg29: memref<!tpu.dma_semaphore, #tpu.memory_space<semaphore_mem>>, %arg30: memref<!tpu.dma_semaphore, #tpu.memory_space<semaphore_mem>>, %arg31: memref<!tpu.dma_semaphore, #tpu.memory_space<semaphore_mem>>) attributes {dimension_semantics = [#tpu.dimension_semantics<core_parallel>, #tpu.dimension_semantics<subcore_parallel>], iteration_bounds = array<i64: 2, 16>, scalar_prefetch = 0 : i64, scratch_operands = 23 : i64, tpu.core_type = #tpu.core_type<sc_vector_subcore>, window_params = [{transform_indices = #map}, {transform_indices = #map}, {transform_indices = #map}, {transform_indices = #map}, {transform_indices = #map}, {transform_indices = #map}, {transform_indices = #map}]} {
    %mul3A = arith.constant 2 : i32
    %mul3A_0 = arith.muli %arg1, %mul3A : i32
    %add3A = arith.addi %mul3A_0, %arg0 : i32
    %mul3A_1 = arith.constant 50 : i32
    %mul3A_2 = arith.muli %add3A, %mul3A_1 : i32
    %iota3A = tpu.iota {dimensions = array<i32: 0>} : vector<16xi32>
    %mul3A_3 = arith.constant 8 : i32
    %mul3A_4 = vector.broadcast %mul3A_3 : i32 to vector<16xi32>
    %mul3A_5 = arith.muli %iota3A, %mul3A_4 : vector<16xi32>
    %run_scoped3A = arith.constant 0 : i32
    "tpu.region"() ({
      %run_scoped3A_1015 = tpu.sem_alloc : memref<!tpu.dma_semaphore, #tpu.memory_space<semaphore_mem>>
      %dma_start3A_1016 = arith.constant 0 : i32
      %dma_start3A_1017 = tpu.memref_slice %arg9[%run_scoped3A, %dma_start3A_1016] : memref<2x1024xi32, #tpu.memory_space<vmem>> -> memref<1x1024xi32, #tpu.memory_space<vmem>>
      %dma_start3A_1018 = tpu.memref_squeeze %dma_start3A_1017 : memref<1x1024xi32, #tpu.memory_space<vmem>> -> memref<1024xi32, #tpu.memory_space<vmem>>
      %dma_start3A_1019 = arith.constant 0 : i32
      %dma_start3A_1020 = tpu.memref_slice %arg2[%mul3A_2, %dma_start3A_1019] : memref<1600x1024xi32, #tpu.memory_space<hbm>> -> memref<1x1024xi32, #tpu.memory_space<hbm>>
      %dma_start3A_1021 = tpu.memref_squeeze %dma_start3A_1020 : memref<1x1024xi32, #tpu.memory_space<hbm>> -> memref<1024xi32, #tpu.memory_space<hbm>>
      %dma_start3A_1022 = arith.constant 0 : i32
      %dma_start3A_1023 = tpu.memref_slice %arg9[%run_scoped3A, %dma_start3A_1022] : memref<2x1024xi32, #tpu.memory_space<vmem>> -> memref<1x1024xi32, #tpu.memory_space<vmem>>
      %dma_start3A_1024 = tpu.memref_squeeze %dma_start3A_1023 : memref<1x1024xi32, #tpu.memory_space<vmem>> -> memref<1024xi32, #tpu.memory_space<vmem>>
      %dma_start3A_1025 = arith.constant 0 : i32
      %dma_start3A_1026 = tpu.memref_slice %arg2[%mul3A_2, %dma_start3A_1025] : memref<1600x1024xi32, #tpu.memory_space<hbm>> -> memref<1x1024xi32, #tpu.memory_space<hbm>>
      %dma_start3A_1027 = tpu.memref_squeeze %dma_start3A_1026 : memref<1x1024xi32, #tpu.memory_space<hbm>> -> memref<1024xi32, #tpu.memory_space<hbm>>
      tpu.enqueue_dma source(%dma_start3A_1027 : memref<1024xi32, #tpu.memory_space<hbm>>) target(%dma_start3A_1024 : memref<1024xi32, #tpu.memory_space<vmem>>) target_semaphore(%run_scoped3A_1015 : memref<!tpu.dma_semaphore, #tpu.memory_space<semaphore_mem>>)
      %dma_wait3A_1028 = arith.constant 0 : i32
      %dma_wait3A_1029 = tpu.memref_slice %arg9[%run_scoped3A, %dma_wait3A_1028] : memref<2x1024xi32, #tpu.memory_space<vmem>> -> memref<1x1024xi32, #tpu.memory_space<vmem>>
      %dma_wait3A_1030 = tpu.memref_squeeze %dma_wait3A_1029 : memref<1x1024xi32, #tpu.memory_space<vmem>> -> memref<1024xi32, #tpu.memory_space<vmem>>
      %dma_wait3A_1031 = arith.constant 0 : i32
      %dma_wait3A_1032 = tpu.memref_slice %arg2[%mul3A_2, %dma_wait3A_1031] : memref<1600x1024xi32, #tpu.memory_space<hbm>> -> memref<1x1024xi32, #tpu.memory_space<hbm>>
      %dma_wait3A_1033 = tpu.memref_squeeze %dma_wait3A_1032 : memref<1x1024xi32, #tpu.memory_space<hbm>> -> memref<1024xi32, #tpu.memory_space<hbm>>
      %dma_wait3A_1034 = arith.constant 0 : i32
      %dma_wait3A_1035 = tpu.memref_slice %arg9[%run_scoped3A, %dma_wait3A_1034] : memref<2x1024xi32, #tpu.memory_space<vmem>> -> memref<1x1024xi32, #tpu.memory_space<vmem>>
      %dma_wait3A_1036 = tpu.memref_squeeze %dma_wait3A_1035 : memref<1x1024xi32, #tpu.memory_space<vmem>> -> memref<1024xi32, #tpu.memory_space<vmem>>
      %dma_wait3A_1037 = arith.constant 0 : i32
      %dma_wait3A_1038 = tpu.memref_slice %arg2[%mul3A_2, %dma_wait3A_1037] : memref<1600x1024xi32, #tpu.memory_space<hbm>> -> memref<1x1024xi32, #tpu.memory_space<hbm>>
      %dma_wait3A_1039 = tpu.memref_squeeze %dma_wait3A_1038 : memref<1x1024xi32, #tpu.memory_space<hbm>> -> memref<1024xi32, #tpu.memory_space<hbm>>
      tpu.wait_dma2 semaphore(%run_scoped3A_1015 : memref<!tpu.dma_semaphore, #tpu.memory_space<semaphore_mem>>) src(%dma_wait3A_1039 : memref<1024xi32, #tpu.memory_space<hbm>>) dst(%dma_wait3A_1036 : memref<1024xi32, #tpu.memory_space<vmem>>)
      tpu.yield
    }) : () -> ()
    %add3A_6 = arith.constant 0 : i32
    %add3A_7 = vector.broadcast %add3A_6 : i32 to vector<16xi32>
    %add3A_8 = arith.addi %mul3A_5, %add3A_7 : vector<16xi32>
    %gather3A = arith.constant 0 : i32
    %gather3A_9 = arith.constant 0 : i32
    %gather3A_10 = tpu.memref_slice %arg9[%gather3A, %gather3A_9] : memref<2x1024xi32, #tpu.memory_space<vmem>> -> memref<1x1024xi32, #tpu.memory_space<vmem>>
    %gather3A_11 = tpu.memref_squeeze %gather3A_10 : memref<1x1024xi32, #tpu.memory_space<vmem>> -> memref<1024xi32, #tpu.memory_space<vmem>>
    %gather3A_12 = tpu.vector_load_idx %gather3A_11[%add3A_8] : memref<1024xi32, #tpu.memory_space<vmem>>[vector<16xi32>], vector<16xi32>,
    %swap3A = arith.constant 0 : i32
    %swap3A_13 = arith.constant 0 : i32
    %swap3A_14 = arith.index_cast %swap3A : i32 to index
    %swap3A_15 = arith.index_cast %swap3A_13 : i32 to index
    %swap3A_16 = arith.constant 0 : index
    %swap3A_17 = tpu.vector_load %arg10[%swap3A_14, %swap3A_15, %swap3A_16] {strides = array<i32>} : memref<2x8x128xi32, #tpu.memory_space<vmem>>, vector<16xi32>,
    tpu.vector_store %arg10[%swap3A_14, %swap3A_15, %swap3A_16], %gather3A_12 {strides = array<i32>} : memref<2x8x128xi32, #tpu.memory_space<vmem>>, vector<16xi32>,
    %add3A_18 = arith.constant 128 : i32
    %add3A_19 = vector.broadcast %add3A_18 : i32 to vector<16xi32>
    %add3A_20 = arith.addi %mul3A_5, %add3A_19 : vector<16xi32>
    %gather3A_21 = arith.constant 0 : i32
    %gather3A_22 = arith.constant 0 : i32
    %gather3A_23 = tpu.memref_slice %arg9[%gather3A_21, %gather3A_22] : memref<2x1024xi32, #tpu.memory_space<vmem>> -> memref<1x1024xi32, #tpu.memory_space<vmem>>
    %gather3A_24 = tpu.memref_squeeze %gather3A_23 : memref<1x1024xi32, #tpu.memory_space<vmem>> -> memref<1024xi32, #tpu.memory_space<vmem>>
    %gather3A_25 = tpu.vector_load_idx %gather3A_24[%add3A_20] : memref<1024xi32, #tpu.memory_space<vmem>>[vector<16xi32>], vector<16xi32>,
    %swap3A_26 = arith.constant 0 : i32
    %swap3A_27 = arith.constant 0 : i32
    %swap3A_28 = arith.index_cast %swap3A_26 : i32 to index
    %swap3A_29 = arith.index_cast %swap3A_27 : i32 to index
    %swap3A_30 = arith.constant 16 : index
    %swap3A_31 = tpu.vector_load %arg10[%swap3A_28, %swap3A_29, %swap3A_30] {strides = array<i32>} : memref<2x8x128xi32, #tpu.memory_space<vmem>>, vector<16xi32>,
    tpu.vector_store %arg10[%swap3A_28, %swap3A_29, %swap3A_30], %gather3A_25 {strides = array<i32>} : memref<2x8x128xi32, #tpu.memory_space<vmem>>, vector<16xi32>,
    %add3A_32 = arith.constant 256 : i32
    %add3A_33 = vector.broadcast %add3A_32 : i32 to vector<16xi32>
    %add3A_34 = arith.addi %mul3A_5, %add3A_33 : vector<16xi32>
    %gather3A_35 = arith.constant 0 : i32
    %gather3A_36 = arith.constant 0 : i32
    %gather3A_37 = tpu.memref_slice %arg9[%gather3A_35, %gather3A_36] : memref<2x1024xi32, #tpu.memory_space<vmem>> -> memref<1x1024xi32, #tpu.memory_space<vmem>>
    %gather3A_38 = tpu.memref_squeeze %gather3A_37 : memref<1x1024xi32, #tpu.memory_space<vmem>> -> memref<1024xi32, #tpu.memory_space<vmem>>
    %gather3A_39 = tpu.vector_load_idx %gather3A_38[%add3A_34] : memref<1024xi32, #tpu.memory_space<vmem>>[vector<16xi32>], vector<16xi32>,
    %swap3A_40 = arith.constant 0 : i32
    %swap3A_41 = arith.constant 0 : i32
    %swap3A_42 = arith.index_cast %swap3A_40 : i32 to index
    %swap3A_43 = arith.index_cast %swap3A_41 : i32 to index
    %swap3A_44 = arith.constant 32 : index
    %swap3A_45 = tpu.vector_load %arg10[%swap3A_42, %swap3A_43, %swap3A_44] {strides = array<i32>} : memref<2x8x128xi32, #tpu.memory_space<vmem>>, vector<16xi32>,
    tpu.vector_store %arg10[%swap3A_42, %swap3A_43, %swap3A_44], %gather3A_39 {strides = array<i32>} : memref<2x8x128xi32, #tpu.memory_space<vmem>>, vector<16xi32>,
    %add3A_46 = arith.constant 384 : i32
    %add3A_47 = vector.broadcast %add3A_46 : i32 to vector<16xi32>
    %add3A_48 = arith.addi %mul3A_5, %add3A_47 : vector<16xi32>
    %gather3A_49 = arith.constant 0 : i32
    %gather3A_50 = arith.constant 0 : i32
    %gather3A_51 = tpu.memref_slice %arg9[%gather3A_49, %gather3A_50] : memref<2x1024xi32, #tpu.memory_space<vmem>> -> memref<1x1024xi32, #tpu.memory_space<vmem>>
    %gather3A_52 = tpu.memref_squeeze %gather3A_51 : memref<1x1024xi32, #tpu.memory_space<vmem>> -> memref<1024xi32, #tpu.memory_space<vmem>>
    %gather3A_53 = tpu.vector_load_idx %gather3A_52[%add3A_48] : memref<1024xi32, #tpu.memory_space<vmem>>[vector<16xi32>], vector<16xi32>,
    %swap3A_54 = arith.constant 0 : i32
    %swap3A_55 = arith.constant 0 : i32
    %swap3A_56 = arith.index_cast %swap3A_54 : i32 to index
    %swap3A_57 = arith.index_cast %swap3A_55 : i32 to index
    %swap3A_58 = arith.constant 48 : index
    %swap3A_59 = tpu.vector_load %arg10[%swap3A_56, %swap3A_57, %swap3A_58] {strides = array<i32>} : memref<2x8x128xi32, #tpu.memory_space<vmem>>, vector<16xi32>,
    tpu.vector_store %arg10[%swap3A_56, %swap3A_57, %swap3A_58], %gather3A_53 {strides = array<i32>} : memref<2x8x128xi32, #tpu.memory_space<vmem>>, vector<16xi32>,
    %add3A_60 = arith.constant 512 : i32
    %add3A_61 = vector.broadcast %add3A_60 : i32 to vector<16xi32>
    %add3A_62 = arith.addi %mul3A_5, %add3A_61 : vector<16xi32>
    %gather3A_63 = arith.constant 0 : i32
    %gather3A_64 = arith.constant 0 : i32
    %gather3A_65 = tpu.memref_slice %arg9[%gather3A_63, %gather3A_64] : memref<2x1024xi32, #tpu.memory_space<vmem>> -> memref<1x1024xi32, #tpu.memory_space<vmem>>
    %gather3A_66 = tpu.memref_squeeze %gather3A_65 : memref<1x1024xi32, #tpu.memory_space<vmem>> -> memref<1024xi32, #tpu.memory_space<vmem>>
    %gather3A_67 = tpu.vector_load_idx %gather3A_66[%add3A_62] : memref<1024xi32, #tpu.memory_space<vmem>>[vector<16xi32>], vector<16xi32>,
    %swap3A_68 = arith.constant 0 : i32
    %swap3A_69 = arith.constant 0 : i32
    %swap3A_70 = arith.index_cast %swap3A_68 : i32 to index
    %swap3A_71 = arith.index_cast %swap3A_69 : i32 to index
    %swap3A_72 = arith.constant 64 : index
    %swap3A_73 = tpu.vector_load %arg10[%swap3A_70, %swap3A_71, %swap3A_72] {strides = array<i32>} : memref<2x8x128xi32, #tpu.memory_space<vmem>>, vector<16xi32>,
    tpu.vector_store %arg10[%swap3A_70, %swap3A_71, %swap3A_72], %gather3A_67 {strides = array<i32>} : memref<2x8x128xi32, #tpu.memory_space<vmem>>, vector<16xi32>,
    %add3A_74 = arith.constant 640 : i32
    %add3A_75 = vector.broadcast %add3A_74 : i32 to vector<16xi32>
    %add3A_76 = arith.addi %mul3A_5, %add3A_75 : vector<16xi32>
    %gather3A_77 = arith.constant 0 : i32
    %gather3A_78 = arith.constant 0 : i32
    %gather3A_79 = tpu.memref_slice %arg9[%gather3A_77, %gather3A_78] : memref<2x1024xi32, #tpu.memory_space<vmem>> -> memref<1x1024xi32, #tpu.memory_space<vmem>>
    %gather3A_80 = tpu.memref_squeeze %gather3A_79 : memref<1x1024xi32, #tpu.memory_space<vmem>> -> memref<1024xi32, #tpu.memory_space<vmem>>
    %gather3A_81 = tpu.vector_load_idx %gather3A_80[%add3A_76] : memref<1024xi32, #tpu.memory_space<vmem>>[vector<16xi32>], vector<16xi32>,
    %swap3A_82 = arith.constant 0 : i32
    %swap3A_83 = arith.constant 0 : i32
    %swap3A_84 = arith.index_cast %swap3A_82 : i32 to index
    %swap3A_85 = arith.index_cast %swap3A_83 : i32 to index
    %swap3A_86 = arith.constant 80 : index
    %swap3A_87 = tpu.vector_load %arg10[%swap3A_84, %swap3A_85, %swap3A_86] {strides = array<i32>} : memref<2x8x128xi32, #tpu.memory_space<vmem>>, vector<16xi32>,
    tpu.vector_store %arg10[%swap3A_84, %swap3A_85, %swap3A_86], %gather3A_81 {strides = array<i32>} : memref<2x8x128xi32, #tpu.memory_space<vmem>>, vector<16xi32>,
    %add3A_88 = arith.constant 768 : i32
    %add3A_89 = vector.broadcast %add3A_88 : i32 to vector<16xi32>
    %add3A_90 = arith.addi %mul3A_5, %add3A_89 : vector<16xi32>
    %gather3A_91 = arith.constant 0 : i32
    %gather3A_92 = arith.constant 0 : i32
    %gather3A_93 = tpu.memref_slice %arg9[%gather3A_91, %gather3A_92] : memref<2x1024xi32, #tpu.memory_space<vmem>> -> memref<1x1024xi32, #tpu.memory_space<vmem>>
    %gather3A_94 = tpu.memref_squeeze %gather3A_93 : memref<1x1024xi32, #tpu.memory_space<vmem>> -> memref<1024xi32, #tpu.memory_space<vmem>>
    %gather3A_95 = tpu.vector_load_idx %gather3A_94[%add3A_90] : memref<1024xi32, #tpu.memory_space<vmem>>[vector<16xi32>], vector<16xi32>,
    %swap3A_96 = arith.constant 0 : i32
    %swap3A_97 = arith.constant 0 : i32
    %swap3A_98 = arith.index_cast %swap3A_96 : i32 to index
    %swap3A_99 = arith.index_cast %swap3A_97 : i32 to index
    %swap3A_100 = arith.constant 96 : index
    %swap3A_101 = tpu.vector_load %arg10[%swap3A_98, %swap3A_99, %swap3A_100] {strides = array<i32>} : memref<2x8x128xi32, #tpu.memory_space<vmem>>, vector<16xi32>,
    tpu.vector_store %arg10[%swap3A_98, %swap3A_99, %swap3A_100], %gather3A_95 {strides = array<i32>} : memref<2x8x128xi32, #tpu.memory_space<vmem>>, vector<16xi32>,
    %add3A_102 = arith.constant 896 : i32
    %add3A_103 = vector.broadcast %add3A_102 : i32 to vector<16xi32>
    %add3A_104 = arith.addi %mul3A_5, %add3A_103 : vector<16xi32>
    %gather3A_105 = arith.constant 0 : i32
    %gather3A_106 = arith.constant 0 : i32
    %gather3A_107 = tpu.memref_slice %arg9[%gather3A_105, %gather3A_106] : memref<2x1024xi32, #tpu.memory_space<vmem>> -> memref<1x1024xi32, #tpu.memory_space<vmem>>
    %gather3A_108 = tpu.memref_squeeze %gather3A_107 : memref<1x1024xi32, #tpu.memory_space<vmem>> -> memref<1024xi32, #tpu.memory_space<vmem>>
    %gather3A_109 = tpu.vector_load_idx %gather3A_108[%add3A_104] : memref<1024xi32, #tpu.memory_space<vmem>>[vector<16xi32>], vector<16xi32>,
    %swap3A_110 = arith.constant 0 : i32
    %swap3A_111 = arith.constant 0 : i32
    %swap3A_112 = arith.index_cast %swap3A_110 : i32 to index
    %swap3A_113 = arith.index_cast %swap3A_111 : i32 to index
    %swap3A_114 = arith.constant 112 : index
    %swap3A_115 = tpu.vector_load %arg10[%swap3A_112, %swap3A_113, %swap3A_114] {strides = array<i32>} : memref<2x8x128xi32, #tpu.memory_space<vmem>>, vector<16xi32>,
    tpu.vector_store %arg10[%swap3A_112, %swap3A_113, %swap3A_114], %gather3A_109 {strides = array<i32>} : memref<2x8x128xi32, #tpu.memory_space<vmem>>, vector<16xi32>,
    %add3A_116 = arith.constant 1 : i32
    %add3A_117 = vector.broadcast %add3A_116 : i32 to vector<16xi32>
    %add3A_118 = arith.addi %mul3A_5, %add3A_117 : vector<16xi32>
    %gather3A_119 = arith.constant 0 : i32
    %gather3A_120 = arith.constant 0 : i32
    %gather3A_121 = tpu.memref_slice %arg9[%gather3A_119, %gather3A_120] : memref<2x1024xi32, #tpu.memory_space<vmem>> -> memref<1x1024xi32, #tpu.memory_space<vmem>>
    %gather3A_122 = tpu.memref_squeeze %gather3A_121 : memref<1x1024xi32, #tpu.memory_space<vmem>> -> memref<1024xi32, #tpu.memory_space<vmem>>
    %gather3A_123 = tpu.vector_load_idx %gather3A_122[%add3A_118] : memref<1024xi32, #tpu.memory_space<vmem>>[vector<16xi32>], vector<16xi32>,
    %swap3A_124 = arith.constant 0 : i32
    %swap3A_125 = arith.constant 1 : i32
    %swap3A_126 = arith.index_cast %swap3A_124 : i32 to index
    %swap3A_127 = arith.index_cast %swap3A_125 : i32 to index
    %swap3A_128 = arith.constant 0 : index
    %swap3A_129 = tpu.vector_load %arg10[%swap3A_126, %swap3A_127, %swap3A_128] {strides = array<i32>} : memref<2x8x128xi32, #tpu.memory_space<vmem>>, vector<16xi32>,
    tpu.vector_store %arg10[%swap3A_126, %swap3A_127, %swap3A_128], %gather3A_123 {strides = array<i32>} : memref<2x8x128xi32, #tpu.memory_space<vmem>>, vector<16xi32>,
    %add3A_130 = arith.constant 129 : i32
    %add3A_131 = vector.broadcast %add3A_130 : i32 to vector<16xi32>
    %add3A_132 = arith.addi %mul3A_5, %add3A_131 : vector<16xi32>
    %gather3A_133 = arith.constant 0 : i32
    %gather3A_134 = arith.constant 0 : i32
    %gather3A_135 = tpu.memref_slice %arg9[%gather3A_133, %gather3A_134] : memref<2x1024xi32, #tpu.memory_space<vmem>> -> memref<1x1024xi32, #tpu.memory_space<vmem>>
    %gather3A_136 = tpu.memref_squeeze %gather3A_135 : memref<1x1024xi32, #tpu.memory_space<vmem>> -> memref<1024xi32, #tpu.memory_space<vmem>>
    %gather3A_137 = tpu.vector_load_idx %gather3A_136[%add3A_132] : memref<1024xi32, #tpu.memory_space<vmem>>[vector<16xi32>], vector<16xi32>,
    %swap3A_138 = arith.constant 0 : i32
    %swap3A_139 = arith.constant 1 : i32
    %swap3A_140 = arith.index_cast %swap3A_138 : i32 to index
    %swap3A_141 = arith.index_cast %swap3A_139 : i32 to index
    %swap3A_142 = arith.constant 16 : index
    %swap3A_143 = tpu.vector_load %arg10[%swap3A_140, %swap3A_141, %swap3A_142] {strides = array<i32>} : memref<2x8x128xi32, #tpu.memory_space<vmem>>, vector<16xi32>,
    tpu.vector_store %arg10[%swap3A_140, %swap3A_141, %swap3A_142], %gather3A_137 {strides = array<i32>} : memref<2x8x128xi32, #tpu.memory_space<vmem>>, vector<16xi32>,
    %add3A_144 = arith.constant 257 : i32
    %add3A_145 = vector.broadcast %add3A_144 : i32 to vector<16xi32>
    %add3A_146 = arith.addi %mul3A_5, %add3A_145 : vector<16xi32>
    %gather3A_147 = arith.constant 0 : i32
    %gather3A_148 = arith.constant 0 : i32
    %gather3A_149 = tpu.memref_slice %arg9[%gather3A_147, %gather3A_148] : memref<2x1024xi32, #tpu.memory_space<vmem>> -> memref<1x1024xi32, #tpu.memory_space<vmem>>
    %gather3A_150 = tpu.memref_squeeze %gather3A_149 : memref<1x1024xi32, #tpu.memory_space<vmem>> -> memref<1024xi32, #tpu.memory_space<vmem>>
    %gather3A_151 = tpu.vector_load_idx %gather3A_150[%add3A_146] : memref<1024xi32, #tpu.memory_space<vmem>>[vector<16xi32>], vector<16xi32>,
    %swap3A_152 = arith.constant 0 : i32
    %swap3A_153 = arith.constant 1 : i32
    %swap3A_154 = arith.index_cast %swap3A_152 : i32 to index
    %swap3A_155 = arith.index_cast %swap3A_153 : i32 to index
    %swap3A_156 = arith.constant 32 : index
    %swap3A_157 = tpu.vector_load %arg10[%swap3A_154, %swap3A_155, %swap3A_156] {strides = array<i32>} : memref<2x8x128xi32, #tpu.memory_space<vmem>>, vector<16xi32>,
    tpu.vector_store %arg10[%swap3A_154, %swap3A_155, %swap3A_156], %gather3A_151 {strides = array<i32>} : memref<2x8x128xi32, #tpu.memory_space<vmem>>, vector<16xi32>,
    %add3A_158 = arith.constant 385 : i32
    %add3A_159 = vector.broadcast %add3A_158 : i32 to vector<16xi32>
    %add3A_160 = arith.addi %mul3A_5, %add3A_159 : vector<16xi32>
    %gather3A_161 = arith.constant 0 : i32
    %gather3A_162 = arith.constant 0 : i32
    %gather3A_163 = tpu.memref_slice %arg9[%gather3A_161, %gather3A_162] : memref<2x1024xi32, #tpu.memory_space<vmem>> -> memref<1x1024xi32, #tpu.memory_space<vmem>>
    %gather3A_164 = tpu.memref_squeeze %gather3A_163 : memref<1x1024xi32, #tpu.memory_space<vmem>> -> memref<1024xi32, #tpu.memory_space<vmem>>
    %gather3A_165 = tpu.vector_load_idx %gather3A_164[%add3A_160] : memref<1024xi32, #tpu.memory_space<vmem>>[vector<16xi32>], vector<16xi32>,
    %swap3A_166 = arith.constant 0 : i32
    %swap3A_167 = arith.constant 1 : i32
    %swap3A_168 = arith.index_cast %swap3A_166 : i32 to index
    %swap3A_169 = arith.index_cast %swap3A_167 : i32 to index
    %swap3A_170 = arith.constant 48 : index
    %swap3A_171 = tpu.vector_load %arg10[%swap3A_168, %swap3A_169, %swap3A_170] {strides = array<i32>} : memref<2x8x128xi32, #tpu.memory_space<vmem>>, vector<16xi32>,
    tpu.vector_store %arg10[%swap3A_168, %swap3A_169, %swap3A_170], %gather3A_165 {strides = array<i32>} : memref<2x8x128xi32, #tpu.memory_space<vmem>>, vector<16xi32>,
    %add3A_172 = arith.constant 513 : i32
    %add3A_173 = vector.broadcast %add3A_172 : i32 to vector<16xi32>
    %add3A_174 = arith.addi %mul3A_5, %add3A_173 : vector<16xi32>
    %gather3A_175 = arith.constant 0 : i32
    %gather3A_176 = arith.constant 0 : i32
    %gather3A_177 = tpu.memref_slice %arg9[%gather3A_175, %gather3A_176] : memref<2x1024xi32, #tpu.memory_space<vmem>> -> memref<1x1024xi32, #tpu.memory_space<vmem>>
    %gather3A_178 = tpu.memref_squeeze %gather3A_177 : memref<1x1024xi32, #tpu.memory_space<vmem>> -> memref<1024xi32, #tpu.memory_space<vmem>>
    %gather3A_179 = tpu.vector_load_idx %gather3A_178[%add3A_174] : memref<1024xi32, #tpu.memory_space<vmem>>[vector<16xi32>], vector<16xi32>,
    %swap3A_180 = arith.constant 0 : i32
    %swap3A_181 = arith.constant 1 : i32
    %swap3A_182 = arith.index_cast %swap3A_180 : i32 to index
    %swap3A_183 = arith.index_cast %swap3A_181 : i32 to index
    %swap3A_184 = arith.constant 64 : index
    %swap3A_185 = tpu.vector_load %arg10[%swap3A_182, %swap3A_183, %swap3A_184] {strides = array<i32>} : memref<2x8x128xi32, #tpu.memory_space<vmem>>, vector<16xi32>,
    tpu.vector_store %arg10[%swap3A_182, %swap3A_183, %swap3A_184], %gather3A_179 {strides = array<i32>} : memref<2x8x128xi32, #tpu.memory_space<vmem>>, vector<16xi32>,
    %add3A_186 = arith.constant 641 : i32
    %add3A_187 = vector.broadcast %add3A_186 : i32 to vector<16xi32>
    %add3A_188 = arith.addi %mul3A_5, %add3A_187 : vector<16xi32>
    %gather3A_189 = arith.constant 0 : i32
    %gather3A_190 = arith.constant 0 : i32
    %gather3A_191 = tpu.memref_slice %arg9[%gather3A_189, %gather3A_190] : memref<2x1024xi32, #tpu.memory_space<vmem>> -> memref<1x1024xi32, #tpu.memory_space<vmem>>
    %gather3A_192 = tpu.memref_squeeze %gather3A_191 : memref<1x1024xi32, #tpu.memory_space<vmem>> -> memref<1024xi32, #tpu.memory_space<vmem>>
    %gather3A_193 = tpu.vector_load_idx %gather3A_192[%add3A_188] : memref<1024xi32, #tpu.memory_space<vmem>>[vector<16xi32>], vector<16xi32>,
    %swap3A_194 = arith.constant 0 : i32
    %swap3A_195 = arith.constant 1 : i32
    %swap3A_196 = arith.index_cast %swap3A_194 : i32 to index
    %swap3A_197 = arith.index_cast %swap3A_195 : i32 to index
    %swap3A_198 = arith.constant 80 : index
    %swap3A_199 = tpu.vector_load %arg10[%swap3A_196, %swap3A_197, %swap3A_198] {strides = array<i32>} : memref<2x8x128xi32, #tpu.memory_space<vmem>>, vector<16xi32>,
    tpu.vector_store %arg10[%swap3A_196, %swap3A_197, %swap3A_198], %gather3A_193 {strides = array<i32>} : memref<2x8x128xi32, #tpu.memory_space<vmem>>, vector<16xi32>,
    %add3A_200 = arith.constant 769 : i32
    %add3A_201 = vector.broadcast %add3A_200 : i32 to vector<16xi32>
    %add3A_202 = arith.addi %mul3A_5, %add3A_201 : vector<16xi32>
    %gather3A_203 = arith.constant 0 : i32
    %gather3A_204 = arith.constant 0 : i32
    %gather3A_205 = tpu.memref_slice %arg9[%gather3A_203, %gather3A_204] : memref<2x1024xi32, #tpu.memory_space<vmem>> -> memref<1x1024xi32, #tpu.memory_space<vmem>>
    %gather3A_206 = tpu.memref_squeeze %gather3A_205 : memref<1x1024xi32, #tpu.memory_space<vmem>> -> memref<1024xi32, #tpu.memory_space<vmem>>
    %gather3A_207 = tpu.vector_load_idx %gather3A_206[%add3A_202] : memref<1024xi32, #tpu.memory_space<vmem>>[vector<16xi32>], vector<16xi32>,
    %swap3A_208 = arith.constant 0 : i32
    %swap3A_209 = arith.constant 1 : i32
    %swap3A_210 = arith.index_cast %swap3A_208 : i32 to index
    %swap3A_211 = arith.index_cast %swap3A_209 : i32 to index
    %swap3A_212 = arith.constant 96 : index
    %swap3A_213 = tpu.vector_load %arg10[%swap3A_210, %swap3A_211, %swap3A_212] {strides = array<i32>} : memref<2x8x128xi32, #tpu.memory_space<vmem>>, vector<16xi32>,
    tpu.vector_store %arg10[%swap3A_210, %swap3A_211, %swap3A_212], %gather3A_207 {strides = array<i32>} : memref<2x8x128xi32, #tpu.memory_space<vmem>>, vector<16xi32>,
    %add3A_214 = arith.constant 897 : i32
    %add3A_215 = vector.broadcast %add3A_214 : i32 to vector<16xi32>
    %add3A_216 = arith.addi %mul3A_5, %add3A_215 : vector<16xi32>
    %gather3A_217 = arith.constant 0 : i32
    %gather3A_218 = arith.constant 0 : i32
    %gather3A_219 = tpu.memref_slice %arg9[%gather3A_217, %gather3A_218] : memref<2x1024xi32, #tpu.memory_space<vmem>> -> memref<1x1024xi32, #tpu.memory_space<vmem>>
    %gather3A_220 = tpu.memref_squeeze %gather3A_219 : memref<1x1024xi32, #tpu.memory_space<vmem>> -> memref<1024xi32, #tpu.memory_space<vmem>>
    %gather3A_221 = tpu.vector_load_idx %gather3A_220[%add3A_216] : memref<1024xi32, #tpu.memory_space<vmem>>[vector<16xi32>], vector<16xi32>,
    %swap3A_222 = arith.constant 0 : i32
    %swap3A_223 = arith.constant 1 : i32
    %swap3A_224 = arith.index_cast %swap3A_222 : i32 to index
    %swap3A_225 = arith.index_cast %swap3A_223 : i32 to index
    %swap3A_226 = arith.constant 112 : index
    %swap3A_227 = tpu.vector_load %arg10[%swap3A_224, %swap3A_225, %swap3A_226] {strides = array<i32>} : memref<2x8x128xi32, #tpu.memory_space<vmem>>, vector<16xi32>,
    tpu.vector_store %arg10[%swap3A_224, %swap3A_225, %swap3A_226], %gather3A_221 {strides = array<i32>} : memref<2x8x128xi32, #tpu.memory_space<vmem>>, vector<16xi32>,
    %add3A_228 = arith.constant 2 : i32
    %add3A_229 = vector.broadcast %add3A_228 : i32 to vector<16xi32>
    %add3A_230 = arith.addi %mul3A_5, %add3A_229 : vector<16xi32>
    %gather3A_231 = arith.constant 0 : i32
    %gather3A_232 = arith.constant 0 : i32
    %gather3A_233 = tpu.memref_slice %arg9[%gather3A_231, %gather3A_232] : memref<2x1024xi32, #tpu.memory_space<vmem>> -> memref<1x1024xi32, #tpu.memory_space<vmem>>
    %gather3A_234 = tpu.memref_squeeze %gather3A_233 : memref<1x1024xi32, #tpu.memory_space<vmem>> -> memref<1024xi32, #tpu.memory_space<vmem>>
    %gather3A_235 = tpu.vector_load_idx %gather3A_234[%add3A_230] : memref<1024xi32, #tpu.memory_space<vmem>>[vector<16xi32>], vector<16xi32>,
    %swap3A_236 = arith.constant 0 : i32
    %swap3A_237 = arith.constant 2 : i32
    %swap3A_238 = arith.index_cast %swap3A_236 : i32 to index
    %swap3A_239 = arith.index_cast %swap3A_237 : i32 to index
    %swap3A_240 = arith.constant 0 : index
    %swap3A_241 = tpu.vector_load %arg10[%swap3A_238, %swap3A_239, %swap3A_240] {strides = array<i32>} : memref<2x8x128xi32, #tpu.memory_space<vmem>>, vector<16xi32>,
    tpu.vector_store %arg10[%swap3A_238, %swap3A_239, %swap3A_240], %gather3A_235 {strides = array<i32>} : memref<2x8x128xi32, #tpu.memory_space<vmem>>, vector<16xi32>,
    %add3A_242 = arith.constant 130 : i32
    %add3A_243 = vector.broadcast %add3A_242 : i32 to vector<16xi32>
    %add3A_244 = arith.addi %mul3A_5, %add3A_243 : vector<16xi32>
    %gather3A_245 = arith.constant 0 : i32
    %gather3A_246 = arith.constant 0 : i32
    %gather3A_247 = tpu.memref_slice %arg9[%gather3A_245, %gather3A_246] : memref<2x1024xi32, #tpu.memory_space<vmem>> -> memref<1x1024xi32, #tpu.memory_space<vmem>>
    %gather3A_248 = tpu.memref_squeeze %gather3A_247 : memref<1x1024xi32, #tpu.memory_space<vmem>> -> memref<1024xi32, #tpu.memory_space<vmem>>
    %gather3A_249 = tpu.vector_load_idx %gather3A_248[%add3A_244] : memref<1024xi32, #tpu.memory_space<vmem>>[vector<16xi32>], vector<16xi32>,
    %swap3A_250 = arith.constant 0 : i32
    %swap3A_251 = arith.constant 2 : i32
    %swap3A_252 = arith.index_cast %swap3A_250 : i32 to index
    %swap3A_253 = arith.index_cast %swap3A_251 : i32 to index
    %swap3A_254 = arith.constant 16 : index
    %swap3A_255 = tpu.vector_load %arg10[%swap3A_252, %swap3A_253, %swap3A_254] {strides = array<i32>} : memref<2x8x128xi32, #tpu.memory_space<vmem>>, vector<16xi32>,
    tpu.vector_store %arg10[%swap3A_252, %swap3A_253, %swap3A_254], %gather3A_249 {strides = array<i32>} : memref<2x8x128xi32, #tpu.memory_space<vmem>>, vector<16xi32>,
    %add3A_256 = arith.constant 258 : i32
    %add3A_257 = vector.broadcast %add3A_256 : i32 to vector<16xi32>
    %add3A_258 = arith.addi %mul3A_5, %add3A_257 : vector<16xi32>
    %gather3A_259 = arith.constant 0 : i32
    %gather3A_260 = arith.constant 0 : i32
    %gather3A_261 = tpu.memref_slice %arg9[%gather3A_259, %gather3A_260] : memref<2x1024xi32, #tpu.memory_space<vmem>> -> memref<1x1024xi32, #tpu.memory_space<vmem>>
    %gather3A_262 = tpu.memref_squeeze %gather3A_261 : memref<1x1024xi32, #tpu.memory_space<vmem>> -> memref<1024xi32, #tpu.memory_space<vmem>>
    %gather3A_263 = tpu.vector_load_idx %gather3A_262[%add3A_258] : memref<1024xi32, #tpu.memory_space<vmem>>[vector<16xi32>], vector<16xi32>,
    %swap3A_264 = arith.constant 0 : i32
    %swap3A_265 = arith.constant 2 : i32
    %swap3A_266 = arith.index_cast %swap3A_264 : i32 to index
    %swap3A_267 = arith.index_cast %swap3A_265 : i32 to index
    %swap3A_268 = arith.constant 32 : index
    %swap3A_269 = tpu.vector_load %arg10[%swap3A_266, %swap3A_267, %swap3A_268] {strides = array<i32>} : memref<2x8x128xi32, #tpu.memory_space<vmem>>, vector<16xi32>,
    tpu.vector_store %arg10[%swap3A_266, %swap3A_267, %swap3A_268], %gather3A_263 {strides = array<i32>} : memref<2x8x128xi32, #tpu.memory_space<vmem>>, vector<16xi32>,
    %add3A_270 = arith.constant 386 : i32
    %add3A_271 = vector.broadcast %add3A_270 : i32 to vector<16xi32>
    %add3A_272 = arith.addi %mul3A_5, %add3A_271 : vector<16xi32>
    %gather3A_273 = arith.constant 0 : i32
    %gather3A_274 = arith.constant 0 : i32
    %gather3A_275 = tpu.memref_slice %arg9[%gather3A_273, %gather3A_274] : memref<2x1024xi32, #tpu.memory_space<vmem>> -> memref<1x1024xi32, #tpu.memory_space<vmem>>
    %gather3A_276 = tpu.memref_squeeze %gather3A_275 : memref<1x1024xi32, #tpu.memory_space<vmem>> -> memref<1024xi32, #tpu.memory_space<vmem>>
    %gather3A_277 = tpu.vector_load_idx %gather3A_276[%add3A_272] : memref<1024xi32, #tpu.memory_space<vmem>>[vector<16xi32>], vector<16xi32>,
    %swap3A_278 = arith.constant 0 : i32
    %swap3A_279 = arith.constant 2 : i32
    %swap3A_280 = arith.index_cast %swap3A_278 : i32 to index
    %swap3A_281 = arith.index_cast %swap3A_279 : i32 to index
    %swap3A_282 = arith.constant 48 : index
    %swap3A_283 = tpu.vector_load %arg10[%swap3A_280, %swap3A_281, %swap3A_282] {strides = array<i32>} : memref<2x8x128xi32, #tpu.memory_space<vmem>>, vector<16xi32>,
    tpu.vector_store %arg10[%swap3A_280, %swap3A_281, %swap3A_282], %gather3A_277 {strides = array<i32>} : memref<2x8x128xi32, #tpu.memory_space<vmem>>, vector<16xi32>,
    %add3A_284 = arith.constant 514 : i32
    %add3A_285 = vector.broadcast %add3A_284 : i32 to vector<16xi32>
    %add3A_286 = arith.addi %mul3A_5, %add3A_285 : vector<16xi32>
    %gather3A_287 = arith.constant 0 : i32
    %gather3A_288 = arith.constant 0 : i32
    %gather3A_289 = tpu.memref_slice %arg9[%gather3A_287, %gather3A_288] : memref<2x1024xi32, #tpu.memory_space<vmem>> -> memref<1x1024xi32, #tpu.memory_space<vmem>>
    %gather3A_290 = tpu.memref_squeeze %gather3A_289 : memref<1x1024xi32, #tpu.memory_space<vmem>> -> memref<1024xi32, #tpu.memory_space<vmem>>
    %gather3A_291 = tpu.vector_load_idx %gather3A_290[%add3A_286] : memref<1024xi32, #tpu.memory_space<vmem>>[vector<16xi32>], vector<16xi32>,
    %swap3A_292 = arith.constant 0 : i32
    %swap3A_293 = arith.constant 2 : i32
    %swap3A_294 = arith.index_cast %swap3A_292 : i32 to index
    %swap3A_295 = arith.index_cast %swap3A_293 : i32 to index
    %swap3A_296 = arith.constant 64 : index
    %swap3A_297 = tpu.vector_load %arg10[%swap3A_294, %swap3A_295, %swap3A_296] {strides = array<i32>} : memref<2x8x128xi32, #tpu.memory_space<vmem>>, vector<16xi32>,
    tpu.vector_store %arg10[%swap3A_294, %swap3A_295, %swap3A_296], %gather3A_291 {strides = array<i32>} : memref<2x8x128xi32, #tpu.memory_space<vmem>>, vector<16xi32>,
    %add3A_298 = arith.constant 642 : i32
    %add3A_299 = vector.broadcast %add3A_298 : i32 to vector<16xi32>
    %add3A_300 = arith.addi %mul3A_5, %add3A_299 : vector<16xi32>
    %gather3A_301 = arith.constant 0 : i32
    %gather3A_302 = arith.constant 0 : i32
    %gather3A_303 = tpu.memref_slice %arg9[%gather3A_301, %gather3A_302] : memref<2x1024xi32, #tpu.memory_space<vmem>> -> memref<1x1024xi32, #tpu.memory_space<vmem>>
    %gather3A_304 = tpu.memref_squeeze %gather3A_303 : memref<1x1024xi32, #tpu.memory_space<vmem>> -> memref<1024xi32, #tpu.memory_space<vmem>>
    %gather3A_305 = tpu.vector_load_idx %gather3A_304[%add3A_300] : memref<1024xi32, #tpu.memory_space<vmem>>[vector<16xi32>], vector<16xi32>,
    %swap3A_306 = arith.constant 0 : i32
    %swap3A_307 = arith.constant 2 : i32
    %swap3A_308 = arith.index_cast %swap3A_306 : i32 to index
    %swap3A_309 = arith.index_cast %swap3A_307 : i32 to index
    %swap3A_310 = arith.constant 80 : index
    %swap3A_311 = tpu.vector_load %arg10[%swap3A_308, %swap3A_309, %swap3A_310] {strides = array<i32>} : memref<2x8x128xi32, #tpu.memory_space<vmem>>, vector<16xi32>,
    tpu.vector_store %arg10[%swap3A_308, %swap3A_309, %swap3A_310], %gather3A_305 {strides = array<i32>} : memref<2x8x128xi32, #tpu.memory_space<vmem>>, vector<16xi32>,
    %add3A_312 = arith.constant 770 : i32
    %add3A_313 = vector.broadcast %add3A_312 : i32 to vector<16xi32>
    %add3A_314 = arith.addi %mul3A_5, %add3A_313 : vector<16xi32>
    %gather3A_315 = arith.constant 0 : i32
    %gather3A_316 = arith.constant 0 : i32
    %gather3A_317 = tpu.memref_slice %arg9[%gather3A_315, %gather3A_316] : memref<2x1024xi32, #tpu.memory_space<vmem>> -> memref<1x1024xi32, #tpu.memory_space<vmem>>
    %gather3A_318 = tpu.memref_squeeze %gather3A_317 : memref<1x1024xi32, #tpu.memory_space<vmem>> -> memref<1024xi32, #tpu.memory_space<vmem>>
    %gather3A_319 = tpu.vector_load_idx %gather3A_318[%add3A_314] : memref<1024xi32, #tpu.memory_space<vmem>>[vector<16xi32>], vector<16xi32>,
    %swap3A_320 = arith.constant 0 : i32
    %swap3A_321 = arith.constant 2 : i32
    %swap3A_322 = arith.index_cast %swap3A_320 : i32 to index
    %swap3A_323 = arith.index_cast %swap3A_321 : i32 to index
    %swap3A_324 = arith.constant 96 : index
    %swap3A_325 = tpu.vector_load %arg10[%swap3A_322, %swap3A_323, %swap3A_324] {strides = array<i32>} : memref<2x8x128xi32, #tpu.memory_space<vmem>>, vector<16xi32>,
    tpu.vector_store %arg10[%swap3A_322, %swap3A_323, %swap3A_324], %gather3A_319 {strides = array<i32>} : memref<2x8x128xi32, #tpu.memory_space<vmem>>, vector<16xi32>,
    %add3A_326 = arith.constant 898 : i32
    %add3A_327 = vector.broadcast %add3A_326 : i32 to vector<16xi32>
    %add3A_328 = arith.addi %mul3A_5, %add3A_327 : vector<16xi32>
    %gather3A_329 = arith.constant 0 : i32
    %gather3A_330 = arith.constant 0 : i32
    %gather3A_331 = tpu.memref_slice %arg9[%gather3A_329, %gather3A_330] : memref<2x1024xi32, #tpu.memory_space<vmem>> -> memref<1x1024xi32, #tpu.memory_space<vmem>>
    %gather3A_332 = tpu.memref_squeeze %gather3A_331 : memref<1x1024xi32, #tpu.memory_space<vmem>> -> memref<1024xi32, #tpu.memory_space<vmem>>
    %gather3A_333 = tpu.vector_load_idx %gather3A_332[%add3A_328] : memref<1024xi32, #tpu.memory_space<vmem>>[vector<16xi32>], vector<16xi32>,
    %swap3A_334 = arith.constant 0 : i32
    %swap3A_335 = arith.constant 2 : i32
    %swap3A_336 = arith.index_cast %swap3A_334 : i32 to index
    %swap3A_337 = arith.index_cast %swap3A_335 : i32 to index
    %swap3A_338 = arith.constant 112 : index
    %swap3A_339 = tpu.vector_load %arg10[%swap3A_336, %swap3A_337, %swap3A_338] {strides = array<i32>} : memref<2x8x128xi32, #tpu.memory_space<vmem>>, vector<16xi32>,
    tpu.vector_store %arg10[%swap3A_336, %swap3A_337, %swap3A_338], %gather3A_333 {strides = array<i32>} : memref<2x8x128xi32, #tpu.memory_space<vmem>>, vector<16xi32>,
    %add3A_340 = arith.constant 3 : i32
    %add3A_341 = vector.broadcast %add3A_340 : i32 to vector<16xi32>
    %add3A_342 = arith.addi %mul3A_5, %add3A_341 : vector<16xi32>
    %gather3A_343 = arith.constant 0 : i32
    %gather3A_344 = arith.constant 0 : i32
    %gather3A_345 = tpu.memref_slice %arg9[%gather3A_343, %gather3A_344] : memref<2x1024xi32, #tpu.memory_space<vmem>> -> memref<1x1024xi32, #tpu.memory_space<vmem>>
    %gather3A_346 = tpu.memref_squeeze %gather3A_345 : memref<1x1024xi32, #tpu.memory_space<vmem>> -> memref<1024xi32, #tpu.memory_space<vmem>>
    %gather3A_347 = tpu.vector_load_idx %gather3A_346[%add3A_342] : memref<1024xi32, #tpu.memory_space<vmem>>[vector<16xi32>], vector<16xi32>,
    %swap3A_348 = arith.constant 0 : i32
    %swap3A_349 = arith.constant 3 : i32
    %swap3A_350 = arith.index_cast %swap3A_348 : i32 to index
    %swap3A_351 = arith.index_cast %swap3A_349 : i32 to index
    %swap3A_352 = arith.constant 0 : index
    %swap3A_353 = tpu.vector_load %arg10[%swap3A_350, %swap3A_351, %swap3A_352] {strides = array<i32>} : memref<2x8x128xi32, #tpu.memory_space<vmem>>, vector<16xi32>,
    tpu.vector_store %arg10[%swap3A_350, %swap3A_351, %swap3A_352], %gather3A_347 {strides = array<i32>} : memref<2x8x128xi32, #tpu.memory_space<vmem>>, vector<16xi32>,
    %add3A_354 = arith.constant 131 : i32
    %add3A_355 = vector.broadcast %add3A_354 : i32 to vector<16xi32>
    %add3A_356 = arith.addi %mul3A_5, %add3A_355 : vector<16xi32>
    %gather3A_357 = arith.constant 0 : i32
    %gather3A_358 = arith.constant 0 : i32
    %gather3A_359 = tpu.memref_slice %arg9[%gather3A_357, %gather3A_358] : memref<2x1024xi32, #tpu.memory_space<vmem>> -> memref<1x1024xi32, #tpu.memory_space<vmem>>
    %gather3A_360 = tpu.memref_squeeze %gather3A_359 : memref<1x1024xi32, #tpu.memory_space<vmem>> -> memref<1024xi32, #tpu.memory_space<vmem>>
    %gather3A_361 = tpu.vector_load_idx %gather3A_360[%add3A_356] : memref<1024xi32, #tpu.memory_space<vmem>>[vector<16xi32>], vector<16xi32>,
    %swap3A_362 = arith.constant 0 : i32
    %swap3A_363 = arith.constant 3 : i32
    %swap3A_364 = arith.index_cast %swap3A_362 : i32 to index
    %swap3A_365 = arith.index_cast %swap3A_363 : i32 to index
    %swap3A_366 = arith.constant 16 : index
    %swap3A_367 = tpu.vector_load %arg10[%swap3A_364, %swap3A_365, %swap3A_366] {strides = array<i32>} : memref<2x8x128xi32, #tpu.memory_space<vmem>>, vector<16xi32>,
    tpu.vector_store %arg10[%swap3A_364, %swap3A_365, %swap3A_366], %gather3A_361 {strides = array<i32>} : memref<2x8x128xi32, #tpu.memory_space<vmem>>, vector<16xi32>,
    %add3A_368 = arith.constant 259 : i32
    %add3A_369 = vector.broadcast %add3A_368 : i32 to vector<16xi32>
    %add3A_370 = arith.addi %mul3A_5, %add3A_369 : vector<16xi32>
    %gather3A_371 = arith.constant 0 : i32
    %gather3A_372 = arith.constant 0 : i32
    %gather3A_373 = tpu.memref_slice %arg9[%gather3A_371, %gather3A_372] : memref<2x1024xi32, #tpu.memory_space<vmem>> -> memref<1x1024xi32, #tpu.memory_space<vmem>>
    %gather3A_374 = tpu.memref_squeeze %gather3A_373 : memref<1x1024xi32, #tpu.memory_space<vmem>> -> memref<1024xi32, #tpu.memory_space<vmem>>
    %gather3A_375 = tpu.vector_load_idx %gather3A_374[%add3A_370] : memref<1024xi32, #tpu.memory_space<vmem>>[vector<16xi32>], vector<16xi32>,
    %swap3A_376 = arith.constant 0 : i32
    %swap3A_377 = arith.constant 3 : i32
    %swap3A_378 = arith.index_cast %swap3A_376 : i32 to index
    %swap3A_379 = arith.index_cast %swap3A_377 : i32 to index
    %swap3A_380 = arith.constant 32 : index
    %swap3A_381 = tpu.vector_load %arg10[%swap3A_378, %swap3A_379, %swap3A_380] {strides = array<i32>} : memref<2x8x128xi32, #tpu.memory_space<vmem>>, vector<16xi32>,
    tpu.vector_store %arg10[%swap3A_378, %swap3A_379, %swap3A_380], %gather3A_375 {strides = array<i32>} : memref<2x8x128xi32, #tpu.memory_space<vmem>>, vector<16xi32>,
    %add3A_382 = arith.constant 387 : i32
    %add3A_383 = vector.broadcast %add3A_382 : i32 to vector<16xi32>
    %add3A_384 = arith.addi %mul3A_5, %add3A_383 : vector<16xi32>
    %gather3A_385 = arith.constant 0 : i32
    %gather3A_386 = arith.constant 0 : i32
    %gather3A_387 = tpu.memref_slice %arg9[%gather3A_385, %gather3A_386] : memref<2x1024xi32, #tpu.memory_space<vmem>> -> memref<1x1024xi32, #tpu.memory_space<vmem>>
    %gather3A_388 = tpu.memref_squeeze %gather3A_387 : memref<1x1024xi32, #tpu.memory_space<vmem>> -> memref<1024xi32, #tpu.memory_space<vmem>>
    %gather3A_389 = tpu.vector_load_idx %gather3A_388[%add3A_384] : memref<1024xi32, #tpu.memory_space<vmem>>[vector<16xi32>], vector<16xi32>,
    %swap3A_390 = arith.constant 0 : i32
    %swap3A_391 = arith.constant 3 : i32
    %swap3A_392 = arith.index_cast %swap3A_390 : i32 to index
    %swap3A_393 = arith.index_cast %swap3A_391 : i32 to index
    %swap3A_394 = arith.constant 48 : index
    %swap3A_395 = tpu.vector_load %arg10[%swap3A_392, %swap3A_393, %swap3A_394] {strides = array<i32>} : memref<2x8x128xi32, #tpu.memory_space<vmem>>, vector<16xi32>,
    tpu.vector_store %arg10[%swap3A_392, %swap3A_393, %swap3A_394], %gather3A_389 {strides = array<i32>} : memref<2x8x128xi32, #tpu.memory_space<vmem>>, vector<16xi32>,
    %add3A_396 = arith.constant 515 : i32
    %add3A_397 = vector.broadcast %add3A_396 : i32 to vector<16xi32>
    %add3A_398 = arith.addi %mul3A_5, %add3A_397 : vector<16xi32>
    %gather3A_399 = arith.constant 0 : i32
    %gather3A_400 = arith.constant 0 : i32
    %gather3A_401 = tpu.memref_slice %arg9[%gather3A_399, %gather3A_400] : memref<2x1024xi32, #tpu.memory_space<vmem>> -> memref<1x1024xi32, #tpu.memory_space<vmem>>
    %gather3A_402 = tpu.memref_squeeze %gather3A_401 : memref<1x1024xi32, #tpu.memory_space<vmem>> -> memref<1024xi32, #tpu.memory_space<vmem>>
    %gather3A_403 = tpu.vector_load_idx %gather3A_402[%add3A_398] : memref<1024xi32, #tpu.memory_space<vmem>>[vector<16xi32>], vector<16xi32>,
    %swap3A_404 = arith.constant 0 : i32
    %swap3A_405 = arith.constant 3 : i32
    %swap3A_406 = arith.index_cast %swap3A_404 : i32 to index
    %swap3A_407 = arith.index_cast %swap3A_405 : i32 to index
    %swap3A_408 = arith.constant 64 : index
    %swap3A_409 = tpu.vector_load %arg10[%swap3A_406, %swap3A_407, %swap3A_408] {strides = array<i32>} : memref<2x8x128xi32, #tpu.memory_space<vmem>>, vector<16xi32>,
    tpu.vector_store %arg10[%swap3A_406, %swap3A_407, %swap3A_408], %gather3A_403 {strides = array<i32>} : memref<2x8x128xi32, #tpu.memory_space<vmem>>, vector<16xi32>,
    %add3A_410 = arith.constant 643 : i32
    %add3A_411 = vector.broadcast %add3A_410 : i32 to vector<16xi32>
    %add3A_412 = arith.addi %mul3A_5, %add3A_411 : vector<16xi32>
    %gather3A_413 = arith.constant 0 : i32
    %gather3A_414 = arith.constant 0 : i32
    %gather3A_415 = tpu.memref_slice %arg9[%gather3A_413, %gather3A_414] : memref<2x1024xi32, #tpu.memory_space<vmem>> -> memref<1x1024xi32, #tpu.memory_space<vmem>>
    %gather3A_416 = tpu.memref_squeeze %gather3A_415 : memref<1x1024xi32, #tpu.memory_space<vmem>> -> memref<1024xi32, #tpu.memory_space<vmem>>
    %gather3A_417 = tpu.vector_load_idx %gather3A_416[%add3A_412] : memref<1024xi32, #tpu.memory_space<vmem>>[vector<16xi32>], vector<16xi32>,
    %swap3A_418 = arith.constant 0 : i32
    %swap3A_419 = arith.constant 3 : i32
    %swap3A_420 = arith.index_cast %swap3A_418 : i32 to index
    %swap3A_421 = arith.index_cast %swap3A_419 : i32 to index
    %swap3A_422 = arith.constant 80 : index
    %swap3A_423 = tpu.vector_load %arg10[%swap3A_420, %swap3A_421, %swap3A_422] {strides = array<i32>} : memref<2x8x128xi32, #tpu.memory_space<vmem>>, vector<16xi32>,
    tpu.vector_store %arg10[%swap3A_420, %swap3A_421, %swap3A_422], %gather3A_417 {strides = array<i32>} : memref<2x8x128xi32, #tpu.memory_space<vmem>>, vector<16xi32>,
    %add3A_424 = arith.constant 771 : i32
    %add3A_425 = vector.broadcast %add3A_424 : i32 to vector<16xi32>
    %add3A_426 = arith.addi %mul3A_5, %add3A_425 : vector<16xi32>
    %gather3A_427 = arith.constant 0 : i32
    %gather3A_428 = arith.constant 0 : i32
    %gather3A_429 = tpu.memref_slice %arg9[%gather3A_427, %gather3A_428] : memref<2x1024xi32, #tpu.memory_space<vmem>> -> memref<1x1024xi32, #tpu.memory_space<vmem>>
    %gather3A_430 = tpu.memref_squeeze %gather3A_429 : memref<1x1024xi32, #tpu.memory_space<vmem>> -> memref<1024xi32, #tpu.memory_space<vmem>>
    %gather3A_431 = tpu.vector_load_idx %gather3A_430[%add3A_426] : memref<1024xi32, #tpu.memory_space<vmem>>[vector<16xi32>], vector<16xi32>,
    %swap3A_432 = arith.constant 0 : i32
    %swap3A_433 = arith.constant 3 : i32
    %swap3A_434 = arith.index_cast %swap3A_432 : i32 to index
    %swap3A_435 = arith.index_cast %swap3A_433 : i32 to index
    %swap3A_436 = arith.constant 96 : index
    %swap3A_437 = tpu.vector_load %arg10[%swap3A_434, %swap3A_435, %swap3A_436] {strides = array<i32>} : memref<2x8x128xi32, #tpu.memory_space<vmem>>, vector<16xi32>,
    tpu.vector_store %arg10[%swap3A_434, %swap3A_435, %swap3A_436], %gather3A_431 {strides = array<i32>} : memref<2x8x128xi32, #tpu.memory_space<vmem>>, vector<16xi32>,
    %add3A_438 = arith.constant 899 : i32
    %add3A_439 = vector.broadcast %add3A_438 : i32 to vector<16xi32>
    %add3A_440 = arith.addi %mul3A_5, %add3A_439 : vector<16xi32>
    %gather3A_441 = arith.constant 0 : i32
    %gather3A_442 = arith.constant 0 : i32
    %gather3A_443 = tpu.memref_slice %arg9[%gather3A_441, %gather3A_442] : memref<2x1024xi32, #tpu.memory_space<vmem>> -> memref<1x1024xi32, #tpu.memory_space<vmem>>
    %gather3A_444 = tpu.memref_squeeze %gather3A_443 : memref<1x1024xi32, #tpu.memory_space<vmem>> -> memref<1024xi32, #tpu.memory_space<vmem>>
    %gather3A_445 = tpu.vector_load_idx %gather3A_444[%add3A_440] : memref<1024xi32, #tpu.memory_space<vmem>>[vector<16xi32>], vector<16xi32>,
    %swap3A_446 = arith.constant 0 : i32
    %swap3A_447 = arith.constant 3 : i32
    %swap3A_448 = arith.index_cast %swap3A_446 : i32 to index
    %swap3A_449 = arith.index_cast %swap3A_447 : i32 to index
    %swap3A_450 = arith.constant 112 : index
    %swap3A_451 = tpu.vector_load %arg10[%swap3A_448, %swap3A_449, %swap3A_450] {strides = array<i32>} : memref<2x8x128xi32, #tpu.memory_space<vmem>>, vector<16xi32>,
    tpu.vector_store %arg10[%swap3A_448, %swap3A_449, %swap3A_450], %gather3A_445 {strides = array<i32>} : memref<2x8x128xi32, #tpu.memory_space<vmem>>, vector<16xi32>,
    %add3A_452 = arith.constant 4 : i32
    %add3A_453 = vector.broadcast %add3A_452 : i32 to vector<16xi32>
    %add3A_454 = arith.addi %mul3A_5, %add3A_453 : vector<16xi32>
    %gather3A_455 = arith.constant 0 : i32
    %gather3A_456 = arith.constant 0 : i32
    %gather3A_457 = tpu.memref_slice %arg9[%gather3A_455, %gather3A_456] : memref<2x1024xi32, #tpu.memory_space<vmem>> -> memref<1x1024xi32, #tpu.memory_space<vmem>>
    %gather3A_458 = tpu.memref_squeeze %gather3A_457 : memref<1x1024xi32, #tpu.memory_space<vmem>> -> memref<1024xi32, #tpu.memory_space<vmem>>
    %gather3A_459 = tpu.vector_load_idx %gather3A_458[%add3A_454] : memref<1024xi32, #tpu.memory_space<vmem>>[vector<16xi32>], vector<16xi32>,
    %swap3A_460 = arith.constant 0 : i32
    %swap3A_461 = arith.constant 4 : i32
    %swap3A_462 = arith.index_cast %swap3A_460 : i32 to index
    %swap3A_463 = arith.index_cast %swap3A_461 : i32 to index
    %swap3A_464 = arith.constant 0 : index
    %swap3A_465 = tpu.vector_load %arg10[%swap3A_462, %swap3A_463, %swap3A_464] {strides = array<i32>} : memref<2x8x128xi32, #tpu.memory_space<vmem>>, vector<16xi32>,
    tpu.vector_store %arg10[%swap3A_462, %swap3A_463, %swap3A_464], %gather3A_459 {strides = array<i32>} : memref<2x8x128xi32, #tpu.memory_space<vmem>>, vector<16xi32>,
    %add3A_466 = arith.constant 132 : i32
    %add3A_467 = vector.broadcast %add3A_466 : i32 to vector<16xi32>
    %add3A_468 = arith.addi %mul3A_5, %add3A_467 : vector<16xi32>
    %gather3A_469 = arith.constant 0 : i32
    %gather3A_470 = arith.constant 0 : i32
    %gather3A_471 = tpu.memref_slice %arg9[%gather3A_469, %gather3A_470] : memref<2x1024xi32, #tpu.memory_space<vmem>> -> memref<1x1024xi32, #tpu.memory_space<vmem>>
    %gather3A_472 = tpu.memref_squeeze %gather3A_471 : memref<1x1024xi32, #tpu.memory_space<vmem>> -> memref<1024xi32, #tpu.memory_space<vmem>>
    %gather3A_473 = tpu.vector_load_idx %gather3A_472[%add3A_468] : memref<1024xi32, #tpu.memory_space<vmem>>[vector<16xi32>], vector<16xi32>,
    %swap3A_474 = arith.constant 0 : i32
    %swap3A_475 = arith.constant 4 : i32
    %swap3A_476 = arith.index_cast %swap3A_474 : i32 to index
    %swap3A_477 = arith.index_cast %swap3A_475 : i32 to index
    %swap3A_478 = arith.constant 16 : index
    %swap3A_479 = tpu.vector_load %arg10[%swap3A_476, %swap3A_477, %swap3A_478] {strides = array<i32>} : memref<2x8x128xi32, #tpu.memory_space<vmem>>, vector<16xi32>,
    tpu.vector_store %arg10[%swap3A_476, %swap3A_477, %swap3A_478], %gather3A_473 {strides = array<i32>} : memref<2x8x128xi32, #tpu.memory_space<vmem>>, vector<16xi32>,
    %add3A_480 = arith.constant 260 : i32
    %add3A_481 = vector.broadcast %add3A_480 : i32 to vector<16xi32>
    %add3A_482 = arith.addi %mul3A_5, %add3A_481 : vector<16xi32>
    %gather3A_483 = arith.constant 0 : i32
    %gather3A_484 = arith.constant 0 : i32
    %gather3A_485 = tpu.memref_slice %arg9[%gather3A_483, %gather3A_484] : memref<2x1024xi32, #tpu.memory_space<vmem>> -> memref<1x1024xi32, #tpu.memory_space<vmem>>
    %gather3A_486 = tpu.memref_squeeze %gather3A_485 : memref<1x1024xi32, #tpu.memory_space<vmem>> -> memref<1024xi32, #tpu.memory_space<vmem>>
    %gather3A_487 = tpu.vector_load_idx %gather3A_486[%add3A_482] : memref<1024xi32, #tpu.memory_space<vmem>>[vector<16xi32>], vector<16xi32>,
    %swap3A_488 = arith.constant 0 : i32
    %swap3A_489 = arith.constant 4 : i32
    %swap3A_490 = arith.index_cast %swap3A_488 : i32 to index
    %swap3A_491 = arith.index_cast %swap3A_489 : i32 to index
    %swap3A_492 = arith.constant 32 : index
    %swap3A_493 = tpu.vector_load %arg10[%swap3A_490, %swap3A_491, %swap3A_492] {strides = array<i32>} : memref<2x8x128xi32, #tpu.memory_space<vmem>>, vector<16xi32>,
    tpu.vector_store %arg10[%swap3A_490, %swap3A_491, %swap3A_492], %gather3A_487 {strides = array<i32>} : memref<2x8x128xi32, #tpu.memory_space<vmem>>, vector<16xi32>,
    %add3A_494 = arith.constant 388 : i32
    %add3A_495 = vector.broadcast %add3A_494 : i32 to vector<16xi32>
    %add3A_496 = arith.addi %mul3A_5, %add3A_495 : vector<16xi32>
    %gather3A_497 = arith.constant 0 : i32
    %gather3A_498 = arith.constant 0 : i32
    %gather3A_499 = tpu.memref_slice %arg9[%gather3A_497, %gather3A_498] : memref<2x1024xi32, #tpu.memory_space<vmem>> -> memref<1x1024xi32, #tpu.memory_space<vmem>>
    %gather3A_500 = tpu.memref_squeeze %gather3A_499 : memref<1x1024xi32, #tpu.memory_space<vmem>> -> memref<1024xi32, #tpu.memory_space<vmem>>
    %gather3A_501 = tpu.vector_load_idx %gather3A_500[%add3A_496] : memref<1024xi32, #tpu.memory_space<vmem>>[vector<16xi32>], vector<16xi32>,
    %swap3A_502 = arith.constant 0 : i32
    %swap3A_503 = arith.constant 4 : i32
    %swap3A_504 = arith.index_cast %swap3A_502 : i32 to index
    %swap3A_505 = arith.index_cast %swap3A_503 : i32 to index
    %swap3A_506 = arith.constant 48 : index
    %swap3A_507 = tpu.vector_load %arg10[%swap3A_504, %swap3A_505, %swap3A_506] {strides = array<i32>} : memref<2x8x128xi32, #tpu.memory_space<vmem>>, vector<16xi32>,
    tpu.vector_store %arg10[%swap3A_504, %swap3A_505, %swap3A_506], %gather3A_501 {strides = array<i32>} : memref<2x8x128xi32, #tpu.memory_space<vmem>>, vector<16xi32>,
    %add3A_508 = arith.constant 516 : i32
    %add3A_509 = vector.broadcast %add3A_508 : i32 to vector<16xi32>
    %add3A_510 = arith.addi %mul3A_5, %add3A_509 : vector<16xi32>
    %gather3A_511 = arith.constant 0 : i32
    %gather3A_512 = arith.constant 0 : i32
    %gather3A_513 = tpu.memref_slice %arg9[%gather3A_511, %gather3A_512] : memref<2x1024xi32, #tpu.memory_space<vmem>> -> memref<1x1024xi32, #tpu.memory_space<vmem>>
    %gather3A_514 = tpu.memref_squeeze %gather3A_513 : memref<1x1024xi32, #tpu.memory_space<vmem>> -> memref<1024xi32, #tpu.memory_space<vmem>>
    %gather3A_515 = tpu.vector_load_idx %gather3A_514[%add3A_510] : memref<1024xi32, #tpu.memory_space<vmem>>[vector<16xi32>], vector<16xi32>,
    %swap3A_516 = arith.constant 0 : i32
    %swap3A_517 = arith.constant 4 : i32
    %swap3A_518 = arith.index_cast %swap3A_516 : i32 to index
    %swap3A_519 = arith.index_cast %swap3A_517 : i32 to index
    %swap3A_520 = arith.constant 64 : index
    %swap3A_521 = tpu.vector_load %arg10[%swap3A_518, %swap3A_519, %swap3A_520] {strides = array<i32>} : memref<2x8x128xi32, #tpu.memory_space<vmem>>, vector<16xi32>,
    tpu.vector_store %arg10[%swap3A_518, %swap3A_519, %swap3A_520], %gather3A_515 {strides = array<i32>} : memref<2x8x128xi32, #tpu.memory_space<vmem>>, vector<16xi32>,
    %add3A_522 = arith.constant 644 : i32
    %add3A_523 = vector.broadcast %add3A_522 : i32 to vector<16xi32>
    %add3A_524 = arith.addi %mul3A_5, %add3A_523 : vector<16xi32>
    %gather3A_525 = arith.constant 0 : i32
    %gather3A_526 = arith.constant 0 : i32
    %gather3A_527 = tpu.memref_slice %arg9[%gather3A_525, %gather3A_526] : memref<2x1024xi32, #tpu.memory_space<vmem>> -> memref<1x1024xi32, #tpu.memory_space<vmem>>
    %gather3A_528 = tpu.memref_squeeze %gather3A_527 : memref<1x1024xi32, #tpu.memory_space<vmem>> -> memref<1024xi32, #tpu.memory_space<vmem>>
    %gather3A_529 = tpu.vector_load_idx %gather3A_528[%add3A_524] : memref<1024xi32, #tpu.memory_space<vmem>>[vector<16xi32>], vector<16xi32>,
    %swap3A_530 = arith.constant 0 : i32
    %swap3A_531 = arith.constant 4 : i32
    %swap3A_532 = arith.index_cast %swap3A_530 : i32 to index
    %swap3A_533 = arith.index_cast %swap3A_531 : i32 to index
    %swap3A_534 = arith.constant 80 : index
    %swap3A_535 = tpu.vector_load %arg10[%swap3A_532, %swap3A_533, %swap3A_534] {strides = array<i32>} : memref<2x8x128xi32, #tpu.memory_space<vmem>>, vector<16xi32>,
    tpu.vector_store %arg10[%swap3A_532, %swap3A_533, %swap3A_534], %gather3A_529 {strides = array<i32>} : memref<2x8x128xi32, #tpu.memory_space<vmem>>, vector<16xi32>,
    %add3A_536 = arith.constant 772 : i32
    %add3A_537 = vector.broadcast %add3A_536 : i32 to vector<16xi32>
    %add3A_538 = arith.addi %mul3A_5, %add3A_537 : vector<16xi32>
    %gather3A_539 = arith.constant 0 : i32
    %gather3A_540 = arith.constant 0 : i32
    %gather3A_541 = tpu.memref_slice %arg9[%gather3A_539, %gather3A_540] : memref<2x1024xi32, #tpu.memory_space<vmem>> -> memref<1x1024xi32, #tpu.memory_space<vmem>>
    %gather3A_542 = tpu.memref_squeeze %gather3A_541 : memref<1x1024xi32, #tpu.memory_space<vmem>> -> memref<1024xi32, #tpu.memory_space<vmem>>
    %gather3A_543 = tpu.vector_load_idx %gather3A_542[%add3A_538] : memref<1024xi32, #tpu.memory_space<vmem>>[vector<16xi32>], vector<16xi32>,
    %swap3A_544 = arith.constant 0 : i32
    %swap3A_545 = arith.constant 4 : i32
    %swap3A_546 = arith.index_cast %swap3A_544 : i32 to index
    %swap3A_547 = arith.index_cast %swap3A_545 : i32 to index
    %swap3A_548 = arith.constant 96 : index
    %swap3A_549 = tpu.vector_load %arg10[%swap3A_546, %swap3A_547, %swap3A_548] {strides = array<i32>} : memref<2x8x128xi32, #tpu.memory_space<vmem>>, vector<16xi32>,
    tpu.vector_store %arg10[%swap3A_546, %swap3A_547, %swap3A_548], %gather3A_543 {strides = array<i32>} : memref<2x8x128xi32, #tpu.memory_space<vmem>>, vector<16xi32>,
    %add3A_550 = arith.constant 900 : i32
    %add3A_551 = vector.broadcast %add3A_550 : i32 to vector<16xi32>
    %add3A_552 = arith.addi %mul3A_5, %add3A_551 : vector<16xi32>
    %gather3A_553 = arith.constant 0 : i32
    %gather3A_554 = arith.constant 0 : i32
    %gather3A_555 = tpu.memref_slice %arg9[%gather3A_553, %gather3A_554] : memref<2x1024xi32, #tpu.memory_space<vmem>> -> memref<1x1024xi32, #tpu.memory_space<vmem>>
    %gather3A_556 = tpu.memref_squeeze %gather3A_555 : memref<1x1024xi32, #tpu.memory_space<vmem>> -> memref<1024xi32, #tpu.memory_space<vmem>>
    %gather3A_557 = tpu.vector_load_idx %gather3A_556[%add3A_552] : memref<1024xi32, #tpu.memory_space<vmem>>[vector<16xi32>], vector<16xi32>,
    %swap3A_558 = arith.constant 0 : i32
    %swap3A_559 = arith.constant 4 : i32
    %swap3A_560 = arith.index_cast %swap3A_558 : i32 to index
    %swap3A_561 = arith.index_cast %swap3A_559 : i32 to index
    %swap3A_562 = arith.constant 112 : index
    %swap3A_563 = tpu.vector_load %arg10[%swap3A_560, %swap3A_561, %swap3A_562] {strides = array<i32>} : memref<2x8x128xi32, #tpu.memory_space<vmem>>, vector<16xi32>,
    tpu.vector_store %arg10[%swap3A_560, %swap3A_561, %swap3A_562], %gather3A_557 {strides = array<i32>} : memref<2x8x128xi32, #tpu.memory_space<vmem>>, vector<16xi32>,
    %add3A_564 = arith.constant 5 : i32
    %add3A_565 = vector.broadcast %add3A_564 : i32 to vector<16xi32>
    %add3A_566 = arith.addi %mul3A_5, %add3A_565 : vector<16xi32>
    %gather3A_567 = arith.constant 0 : i32
    %gather3A_568 = arith.constant 0 : i32
    %gather3A_569 = tpu.memref_slice %arg9[%gather3A_567, %gather3A_568] : memref<2x1024xi32, #tpu.memory_space<vmem>> -> memref<1x1024xi32, #tpu.memory_space<vmem>>
    %gather3A_570 = tpu.memref_squeeze %gather3A_569 : memref<1x1024xi32, #tpu.memory_space<vmem>> -> memref<1024xi32, #tpu.memory_space<vmem>>
    %gather3A_571 = tpu.vector_load_idx %gather3A_570[%add3A_566] : memref<1024xi32, #tpu.memory_space<vmem>>[vector<16xi32>], vector<16xi32>,
    %swap3A_572 = arith.constant 0 : i32
    %swap3A_573 = arith.constant 5 : i32
    %swap3A_574 = arith.index_cast %swap3A_572 : i32 to index
    %swap3A_575 = arith.index_cast %swap3A_573 : i32 to index
    %swap3A_576 = arith.constant 0 : index
    %swap3A_577 = tpu.vector_load %arg10[%swap3A_574, %swap3A_575, %swap3A_576] {strides = array<i32>} : memref<2x8x128xi32, #tpu.memory_space<vmem>>, vector<16xi32>,
    tpu.vector_store %arg10[%swap3A_574, %swap3A_575, %swap3A_576], %gather3A_571 {strides = array<i32>} : memref<2x8x128xi32, #tpu.memory_space<vmem>>, vector<16xi32>,
    %add3A_578 = arith.constant 133 : i32
    %add3A_579 = vector.broadcast %add3A_578 : i32 to vector<16xi32>
    %add3A_580 = arith.addi %mul3A_5, %add3A_579 : vector<16xi32>
    %gather3A_581 = arith.constant 0 : i32
    %gather3A_582 = arith.constant 0 : i32
    %gather3A_583 = tpu.memref_slice %arg9[%gather3A_581, %gather3A_582] : memref<2x1024xi32, #tpu.memory_space<vmem>> -> memref<1x1024xi32, #tpu.memory_space<vmem>>
    %gather3A_584 = tpu.memref_squeeze %gather3A_583 : memref<1x1024xi32, #tpu.memory_space<vmem>> -> memref<1024xi32, #tpu.memory_space<vmem>>
    %gather3A_585 = tpu.vector_load_idx %gather3A_584[%add3A_580] : memref<1024xi32, #tpu.memory_space<vmem>>[vector<16xi32>], vector<16xi32>,
    %swap3A_586 = arith.constant 0 : i32
    %swap3A_587 = arith.constant 5 : i32
    %swap3A_588 = arith.index_cast %swap3A_586 : i32 to index
    %swap3A_589 = arith.index_cast %swap3A_587 : i32 to index
    %swap3A_590 = arith.constant 16 : index
    %swap3A_591 = tpu.vector_load %arg10[%swap3A_588, %swap3A_589, %swap3A_590] {strides = array<i32>} : memref<2x8x128xi32, #tpu.memory_space<vmem>>, vector<16xi32>,
    tpu.vector_store %arg10[%swap3A_588, %swap3A_589, %swap3A_590], %gather3A_585 {strides = array<i32>} : memref<2x8x128xi32, #tpu.memory_space<vmem>>, vector<16xi32>,
    %add3A_592 = arith.constant 261 : i32
    %add3A_593 = vector.broadcast %add3A_592 : i32 to vector<16xi32>
    %add3A_594 = arith.addi %mul3A_5, %add3A_593 : vector<16xi32>
    %gather3A_595 = arith.constant 0 : i32
    %gather3A_596 = arith.constant 0 : i32
    %gather3A_597 = tpu.memref_slice %arg9[%gather3A_595, %gather3A_596] : memref<2x1024xi32, #tpu.memory_space<vmem>> -> memref<1x1024xi32, #tpu.memory_space<vmem>>
    %gather3A_598 = tpu.memref_squeeze %gather3A_597 : memref<1x1024xi32, #tpu.memory_space<vmem>> -> memref<1024xi32, #tpu.memory_space<vmem>>
    %gather3A_599 = tpu.vector_load_idx %gather3A_598[%add3A_594] : memref<1024xi32, #tpu.memory_space<vmem>>[vector<16xi32>], vector<16xi32>,
    %swap3A_600 = arith.constant 0 : i32
    %swap3A_601 = arith.constant 5 : i32
    %swap3A_602 = arith.index_cast %swap3A_600 : i32 to index
    %swap3A_603 = arith.index_cast %swap3A_601 : i32 to index
    %swap3A_604 = arith.constant 32 : index
    %swap3A_605 = tpu.vector_load %arg10[%swap3A_602, %swap3A_603, %swap3A_604] {strides = array<i32>} : memref<2x8x128xi32, #tpu.memory_space<vmem>>, vector<16xi32>,
    tpu.vector_store %arg10[%swap3A_602, %swap3A_603, %swap3A_604], %gather3A_599 {strides = array<i32>} : memref<2x8x128xi32, #tpu.memory_space<vmem>>, vector<16xi32>,
    %add3A_606 = arith.constant 389 : i32
    %add3A_607 = vector.broadcast %add3A_606 : i32 to vector<16xi32>
    %add3A_608 = arith.addi %mul3A_5, %add3A_607 : vector<16xi32>
    %gather3A_609 = arith.constant 0 : i32
    %gather3A_610 = arith.constant 0 : i32
    %gather3A_611 = tpu.memref_slice %arg9[%gather3A_609, %gather3A_610] : memref<2x1024xi32, #tpu.memory_space<vmem>> -> memref<1x1024xi32, #tpu.memory_space<vmem>>
    %gather3A_612 = tpu.memref_squeeze %gather3A_611 : memref<1x1024xi32, #tpu.memory_space<vmem>> -> memref<1024xi32, #tpu.memory_space<vmem>>
    %gather3A_613 = tpu.vector_load_idx %gather3A_612[%add3A_608] : memref<1024xi32, #tpu.memory_space<vmem>>[vector<16xi32>], vector<16xi32>,
    %swap3A_614 = arith.constant 0 : i32
    %swap3A_615 = arith.constant 5 : i32
    %swap3A_616 = arith.index_cast %swap3A_614 : i32 to index
    %swap3A_617 = arith.index_cast %swap3A_615 : i32 to index
    %swap3A_618 = arith.constant 48 : index
    %swap3A_619 = tpu.vector_load %arg10[%swap3A_616, %swap3A_617, %swap3A_618] {strides = array<i32>} : memref<2x8x128xi32, #tpu.memory_space<vmem>>, vector<16xi32>,
    tpu.vector_store %arg10[%swap3A_616, %swap3A_617, %swap3A_618], %gather3A_613 {strides = array<i32>} : memref<2x8x128xi32, #tpu.memory_space<vmem>>, vector<16xi32>,
    %add3A_620 = arith.constant 517 : i32
    %add3A_621 = vector.broadcast %add3A_620 : i32 to vector<16xi32>
    %add3A_622 = arith.addi %mul3A_5, %add3A_621 : vector<16xi32>
    %gather3A_623 = arith.constant 0 : i32
    %gather3A_624 = arith.constant 0 : i32
    %gather3A_625 = tpu.memref_slice %arg9[%gather3A_623, %gather3A_624] : memref<2x1024xi32, #tpu.memory_space<vmem>> -> memref<1x1024xi32, #tpu.memory_space<vmem>>
    %gather3A_626 = tpu.memref_squeeze %gather3A_625 : memref<1x1024xi32, #tpu.memory_space<vmem>> -> memref<1024xi32, #tpu.memory_space<vmem>>
    %gather3A_627 = tpu.vector_load_idx %gather3A_626[%add3A_622] : memref<1024xi32, #tpu.memory_space<vmem>>[vector<16xi32>], vector<16xi32>,
    %swap3A_628 = arith.constant 0 : i32
    %swap3A_629 = arith.constant 5 : i32
    %swap3A_630 = arith.index_cast %swap3A_628 : i32 to index
    %swap3A_631 = arith.index_cast %swap3A_629 : i32 to index
    %swap3A_632 = arith.constant 64 : index
    %swap3A_633 = tpu.vector_load %arg10[%swap3A_630, %swap3A_631, %swap3A_632] {strides = array<i32>} : memref<2x8x128xi32, #tpu.memory_space<vmem>>, vector<16xi32>,
    tpu.vector_store %arg10[%swap3A_630, %swap3A_631, %swap3A_632], %gather3A_627 {strides = array<i32>} : memref<2x8x128xi32, #tpu.memory_space<vmem>>, vector<16xi32>,
    %add3A_634 = arith.constant 645 : i32
    %add3A_635 = vector.broadcast %add3A_634 : i32 to vector<16xi32>
    %add3A_636 = arith.addi %mul3A_5, %add3A_635 : vector<16xi32>
    %gather3A_637 = arith.constant 0 : i32
    %gather3A_638 = arith.constant 0 : i32
    %gather3A_639 = tpu.memref_slice %arg9[%gather3A_637, %gather3A_638] : memref<2x1024xi32, #tpu.memory_space<vmem>> -> memref<1x1024xi32, #tpu.memory_space<vmem>>
    %gather3A_640 = tpu.memref_squeeze %gather3A_639 : memref<1x1024xi32, #tpu.memory_space<vmem>> -> memref<1024xi32, #tpu.memory_space<vmem>>
    %gather3A_641 = tpu.vector_load_idx %gather3A_640[%add3A_636] : memref<1024xi32, #tpu.memory_space<vmem>>[vector<16xi32>], vector<16xi32>,
    %swap3A_642 = arith.constant 0 : i32
    %swap3A_643 = arith.constant 5 : i32
    %swap3A_644 = arith.index_cast %swap3A_642 : i32 to index
    %swap3A_645 = arith.index_cast %swap3A_643 : i32 to index
    %swap3A_646 = arith.constant 80 : index
    %swap3A_647 = tpu.vector_load %arg10[%swap3A_644, %swap3A_645, %swap3A_646] {strides = array<i32>} : memref<2x8x128xi32, #tpu.memory_space<vmem>>, vector<16xi32>,
    tpu.vector_store %arg10[%swap3A_644, %swap3A_645, %swap3A_646], %gather3A_641 {strides = array<i32>} : memref<2x8x128xi32, #tpu.memory_space<vmem>>, vector<16xi32>,
    %add3A_648 = arith.constant 773 : i32
    %add3A_649 = vector.broadcast %add3A_648 : i32 to vector<16xi32>
    %add3A_650 = arith.addi %mul3A_5, %add3A_649 : vector<16xi32>
    %gather3A_651 = arith.constant 0 : i32
    %gather3A_652 = arith.constant 0 : i32
    %gather3A_653 = tpu.memref_slice %arg9[%gather3A_651, %gather3A_652] : memref<2x1024xi32, #tpu.memory_space<vmem>> -> memref<1x1024xi32, #tpu.memory_space<vmem>>
    %gather3A_654 = tpu.memref_squeeze %gather3A_653 : memref<1x1024xi32, #tpu.memory_space<vmem>> -> memref<1024xi32, #tpu.memory_space<vmem>>
    %gather3A_655 = tpu.vector_load_idx %gather3A_654[%add3A_650] : memref<1024xi32, #tpu.memory_space<vmem>>[vector<16xi32>], vector<16xi32>,
    %swap3A_656 = arith.constant 0 : i32
    %swap3A_657 = arith.constant 5 : i32
    %swap3A_658 = arith.index_cast %swap3A_656 : i32 to index
    %swap3A_659 = arith.index_cast %swap3A_657 : i32 to index
    %swap3A_660 = arith.constant 96 : index
    %swap3A_661 = tpu.vector_load %arg10[%swap3A_658, %swap3A_659, %swap3A_660] {strides = array<i32>} : memref<2x8x128xi32, #tpu.memory_space<vmem>>, vector<16xi32>,
    tpu.vector_store %arg10[%swap3A_658, %swap3A_659, %swap3A_660], %gather3A_655 {strides = array<i32>} : memref<2x8x128xi32, #tpu.memory_space<vmem>>, vector<16xi32>,
    %add3A_662 = arith.constant 901 : i32
    %add3A_663 = vector.broadcast %add3A_662 : i32 to vector<16xi32>
    %add3A_664 = arith.addi %mul3A_5, %add3A_663 : vector<16xi32>
    %gather3A_665 = arith.constant 0 : i32
    %gather3A_666 = arith.constant 0 : i32
    %gather3A_667 = tpu.memref_slice %arg9[%gather3A_665, %gather3A_666] : memref<2x1024xi32, #tpu.memory_space<vmem>> -> memref<1x1024xi32, #tpu.memory_space<vmem>>
    %gather3A_668 = tpu.memref_squeeze %gather3A_667 : memref<1x1024xi32, #tpu.memory_space<vmem>> -> memref<1024xi32, #tpu.memory_space<vmem>>
    %gather3A_669 = tpu.vector_load_idx %gather3A_668[%add3A_664] : memref<1024xi32, #tpu.memory_space<vmem>>[vector<16xi32>], vector<16xi32>,
    %swap3A_670 = arith.constant 0 : i32
    %swap3A_671 = arith.constant 5 : i32
    %swap3A_672 = arith.index_cast %swap3A_670 : i32 to index
    %swap3A_673 = arith.index_cast %swap3A_671 : i32 to index
    %swap3A_674 = arith.constant 112 : index
    %swap3A_675 = tpu.vector_load %arg10[%swap3A_672, %swap3A_673, %swap3A_674] {strides = array<i32>} : memref<2x8x128xi32, #tpu.memory_space<vmem>>, vector<16xi32>,
    tpu.vector_store %arg10[%swap3A_672, %swap3A_673, %swap3A_674], %gather3A_669 {strides = array<i32>} : memref<2x8x128xi32, #tpu.memory_space<vmem>>, vector<16xi32>,
    %add3A_676 = arith.constant 6 : i32
    %add3A_677 = vector.broadcast %add3A_676 : i32 to vector<16xi32>
    %add3A_678 = arith.addi %mul3A_5, %add3A_677 : vector<16xi32>
    %gather3A_679 = arith.constant 0 : i32
    %gather3A_680 = arith.constant 0 : i32
    %gather3A_681 = tpu.memref_slice %arg9[%gather3A_679, %gather3A_680] : memref<2x1024xi32, #tpu.memory_space<vmem>> -> memref<1x1024xi32, #tpu.memory_space<vmem>>
    %gather3A_682 = tpu.memref_squeeze %gather3A_681 : memref<1x1024xi32, #tpu.memory_space<vmem>> -> memref<1024xi32, #tpu.memory_space<vmem>>
    %gather3A_683 = tpu.vector_load_idx %gather3A_682[%add3A_678] : memref<1024xi32, #tpu.memory_space<vmem>>[vector<16xi32>], vector<16xi32>,
    %swap3A_684 = arith.constant 0 : i32
    %swap3A_685 = arith.constant 6 : i32
    %swap3A_686 = arith.index_cast %swap3A_684 : i32 to index
    %swap3A_687 = arith.index_cast %swap3A_685 : i32 to index
    %swap3A_688 = arith.constant 0 : index
    %swap3A_689 = tpu.vector_load %arg10[%swap3A_686, %swap3A_687, %swap3A_688] {strides = array<i32>} : memref<2x8x128xi32, #tpu.memory_space<vmem>>, vector<16xi32>,
    tpu.vector_store %arg10[%swap3A_686, %swap3A_687, %swap3A_688], %gather3A_683 {strides = array<i32>} : memref<2x8x128xi32, #tpu.memory_space<vmem>>, vector<16xi32>,
    %add3A_690 = arith.constant 134 : i32
    %add3A_691 = vector.broadcast %add3A_690 : i32 to vector<16xi32>
    %add3A_692 = arith.addi %mul3A_5, %add3A_691 : vector<16xi32>
    %gather3A_693 = arith.constant 0 : i32
    %gather3A_694 = arith.constant 0 : i32
    %gather3A_695 = tpu.memref_slice %arg9[%gather3A_693, %gather3A_694] : memref<2x1024xi32, #tpu.memory_space<vmem>> -> memref<1x1024xi32, #tpu.memory_space<vmem>>
    %gather3A_696 = tpu.memref_squeeze %gather3A_695 : memref<1x1024xi32, #tpu.memory_space<vmem>> -> memref<1024xi32, #tpu.memory_space<vmem>>
    %gather3A_697 = tpu.vector_load_idx %gather3A_696[%add3A_692] : memref<1024xi32, #tpu.memory_space<vmem>>[vector<16xi32>], vector<16xi32>,
    %swap3A_698 = arith.constant 0 : i32
    %swap3A_699 = arith.constant 6 : i32
    %swap3A_700 = arith.index_cast %swap3A_698 : i32 to index
    %swap3A_701 = arith.index_cast %swap3A_699 : i32 to index
    %swap3A_702 = arith.constant 16 : index
    %swap3A_703 = tpu.vector_load %arg10[%swap3A_700, %swap3A_701, %swap3A_702] {strides = array<i32>} : memref<2x8x128xi32, #tpu.memory_space<vmem>>, vector<16xi32>,
    tpu.vector_store %arg10[%swap3A_700, %swap3A_701, %swap3A_702], %gather3A_697 {strides = array<i32>} : memref<2x8x128xi32, #tpu.memory_space<vmem>>, vector<16xi32>,
    %add3A_704 = arith.constant 262 : i32
    %add3A_705 = vector.broadcast %add3A_704 : i32 to vector<16xi32>
    %add3A_706 = arith.addi %mul3A_5, %add3A_705 : vector<16xi32>
    %gather3A_707 = arith.constant 0 : i32
    %gather3A_708 = arith.constant 0 : i32
    %gather3A_709 = tpu.memref_slice %arg9[%gather3A_707, %gather3A_708] : memref<2x1024xi32, #tpu.memory_space<vmem>> -> memref<1x1024xi32, #tpu.memory_space<vmem>>
    %gather3A_710 = tpu.memref_squeeze %gather3A_709 : memref<1x1024xi32, #tpu.memory_space<vmem>> -> memref<1024xi32, #tpu.memory_space<vmem>>
    %gather3A_711 = tpu.vector_load_idx %gather3A_710[%add3A_706] : memref<1024xi32, #tpu.memory_space<vmem>>[vector<16xi32>], vector<16xi32>,
    %swap3A_712 = arith.constant 0 : i32
    %swap3A_713 = arith.constant 6 : i32
    %swap3A_714 = arith.index_cast %swap3A_712 : i32 to index
    %swap3A_715 = arith.index_cast %swap3A_713 : i32 to index
    %swap3A_716 = arith.constant 32 : index
    %swap3A_717 = tpu.vector_load %arg10[%swap3A_714, %swap3A_715, %swap3A_716] {strides = array<i32>} : memref<2x8x128xi32, #tpu.memory_space<vmem>>, vector<16xi32>,
    tpu.vector_store %arg10[%swap3A_714, %swap3A_715, %swap3A_716], %gather3A_711 {strides = array<i32>} : memref<2x8x128xi32, #tpu.memory_space<vmem>>, vector<16xi32>,
    %add3A_718 = arith.constant 390 : i32
    %add3A_719 = vector.broadcast %add3A_718 : i32 to vector<16xi32>
    %add3A_720 = arith.addi %mul3A_5, %add3A_719 : vector<16xi32>
    %gather3A_721 = arith.constant 0 : i32
    %gather3A_722 = arith.constant 0 : i32
    %gather3A_723 = tpu.memref_slice %arg9[%gather3A_721, %gather3A_722] : memref<2x1024xi32, #tpu.memory_space<vmem>> -> memref<1x1024xi32, #tpu.memory_space<vmem>>
    %gather3A_724 = tpu.memref_squeeze %gather3A_723 : memref<1x1024xi32, #tpu.memory_space<vmem>> -> memref<1024xi32, #tpu.memory_space<vmem>>
    %gather3A_725 = tpu.vector_load_idx %gather3A_724[%add3A_720] : memref<1024xi32, #tpu.memory_space<vmem>>[vector<16xi32>], vector<16xi32>,
    %swap3A_726 = arith.constant 0 : i32
    %swap3A_727 = arith.constant 6 : i32
    %swap3A_728 = arith.index_cast %swap3A_726 : i32 to index
    %swap3A_729 = arith.index_cast %swap3A_727 : i32 to index
    %swap3A_730 = arith.constant 48 : index
    %swap3A_731 = tpu.vector_load %arg10[%swap3A_728, %swap3A_729, %swap3A_730] {strides = array<i32>} : memref<2x8x128xi32, #tpu.memory_space<vmem>>, vector<16xi32>,
    tpu.vector_store %arg10[%swap3A_728, %swap3A_729, %swap3A_730], %gather3A_725 {strides = array<i32>} : memref<2x8x128xi32, #tpu.memory_space<vmem>>, vector<16xi32>,
    %add3A_732 = arith.constant 518 : i32
    %add3A_733 = vector.broadcast %add3A_732 : i32 to vector<16xi32>
    %add3A_734 = arith.addi %mul3A_5, %add3A_733 : vector<16xi32>
    %gather3A_735 = arith.constant 0 : i32
    %gather3A_736 = arith.constant 0 : i32
    %gather3A_737 = tpu.memref_slice %arg9[%gather3A_735, %gather3A_736] : memref<2x1024xi32, #tpu.memory_space<vmem>> -> memref<1x1024xi32, #tpu.memory_space<vmem>>
    %gather3A_738 = tpu.memref_squeeze %gather3A_737 : memref<1x1024xi32, #tpu.memory_space<vmem>> -> memref<1024xi32, #tpu.memory_space<vmem>>
    %gather3A_739 = tpu.vector_load_idx %gather3A_738[%add3A_734] : memref<1024xi32, #tpu.memory_space<vmem>>[vector<16xi32>], vector<16xi32>,
    %swap3A_740 = arith.constant 0 : i32
    %swap3A_741 = arith.constant 6 : i32
    %swap3A_742 = arith.index_cast %swap3A_740 : i32 to index
    %swap3A_743 = arith.index_cast %swap3A_741 : i32 to index
    %swap3A_744 = arith.constant 64 : index
    %swap3A_745 = tpu.vector_load %arg10[%swap3A_742, %swap3A_743, %swap3A_744] {strides = array<i32>} : memref<2x8x128xi32, #tpu.memory_space<vmem>>, vector<16xi32>,
    tpu.vector_store %arg10[%swap3A_742, %swap3A_743, %swap3A_744], %gather3A_739 {strides = array<i32>} : memref<2x8x128xi32, #tpu.memory_space<vmem>>, vector<16xi32>,
    %add3A_746 = arith.constant 646 : i32
    %add3A_747 = vector.broadcast %add3A_746 : i32 to vector<16xi32>
    %add3A_748 = arith.addi %mul3A_5, %add3A_747 : vector<16xi32>
    %gather3A_749 = arith.constant 0 : i32
    %gather3A_750 = arith.constant 0 : i32
    %gather3A_751 = tpu.memref_slice %arg9[%gather3A_749, %gather3A_750] : memref<2x1024xi32, #tpu.memory_space<vmem>> -> memref<1x1024xi32, #tpu.memory_space<vmem>>
    %gather3A_752 = tpu.memref_squeeze %gather3A_751 : memref<1x1024xi32, #tpu.memory_space<vmem>> -> memref<1024xi32, #tpu.memory_space<vmem>>
    %gather3A_753 = tpu.vector_load_idx %gather3A_752[%add3A_748] : memref<1024xi32, #tpu.memory_space<vmem>>[vector<16xi32>], vector<16xi32>,
    %swap3A_754 = arith.constant 0 : i32
    %swap3A_755 = arith.constant 6 : i32
    %swap3A_756 = arith.index_cast %swap3A_754 : i32 to index
    %swap3A_757 = arith.index_cast %swap3A_755 : i32 to index
    %swap3A_758 = arith.constant 80 : index
    %swap3A_759 = tpu.vector_load %arg10[%swap3A_756, %swap3A_757, %swap3A_758] {strides = array<i32>} : memref<2x8x128xi32, #tpu.memory_space<vmem>>, vector<16xi32>,
    tpu.vector_store %arg10[%swap3A_756, %swap3A_757, %swap3A_758], %gather3A_753 {strides = array<i32>} : memref<2x8x128xi32, #tpu.memory_space<vmem>>, vector<16xi32>,
    %add3A_760 = arith.constant 774 : i32
    %add3A_761 = vector.broadcast %add3A_760 : i32 to vector<16xi32>
    %add3A_762 = arith.addi %mul3A_5, %add3A_761 : vector<16xi32>
    %gather3A_763 = arith.constant 0 : i32
    %gather3A_764 = arith.constant 0 : i32
    %gather3A_765 = tpu.memref_slice %arg9[%gather3A_763, %gather3A_764] : memref<2x1024xi32, #tpu.memory_space<vmem>> -> memref<1x1024xi32, #tpu.memory_space<vmem>>
    %gather3A_766 = tpu.memref_squeeze %gather3A_765 : memref<1x1024xi32, #tpu.memory_space<vmem>> -> memref<1024xi32, #tpu.memory_space<vmem>>
    %gather3A_767 = tpu.vector_load_idx %gather3A_766[%add3A_762] : memref<1024xi32, #tpu.memory_space<vmem>>[vector<16xi32>], vector<16xi32>,
    %swap3A_768 = arith.constant 0 : i32
    %swap3A_769 = arith.constant 6 : i32
    %swap3A_770 = arith.index_cast %swap3A_768 : i32 to index
    %swap3A_771 = arith.index_cast %swap3A_769 : i32 to index
    %swap3A_772 = arith.constant 96 : index
    %swap3A_773 = tpu.vector_load %arg10[%swap3A_770, %swap3A_771, %swap3A_772] {strides = array<i32>} : memref<2x8x128xi32, #tpu.memory_space<vmem>>, vector<16xi32>,
    tpu.vector_store %arg10[%swap3A_770, %swap3A_771, %swap3A_772], %gather3A_767 {strides = array<i32>} : memref<2x8x128xi32, #tpu.memory_space<vmem>>, vector<16xi32>,
    %add3A_774 = arith.constant 902 : i32
    %add3A_775 = vector.broadcast %add3A_774 : i32 to vector<16xi32>
    %add3A_776 = arith.addi %mul3A_5, %add3A_775 : vector<16xi32>
    %gather3A_777 = arith.constant 0 : i32
    %gather3A_778 = arith.constant 0 : i32
    %gather3A_779 = tpu.memref_slice %arg9[%gather3A_777, %gather3A_778] : memref<2x1024xi32, #tpu.memory_space<vmem>> -> memref<1x1024xi32, #tpu.memory_space<vmem>>
    %gather3A_780 = tpu.memref_squeeze %gather3A_779 : memref<1x1024xi32, #tpu.memory_space<vmem>> -> memref<1024xi32, #tpu.memory_space<vmem>>
    %gather3A_781 = tpu.vector_load_idx %gather3A_780[%add3A_776] : memref<1024xi32, #tpu.memory_space<vmem>>[vector<16xi32>], vector<16xi32>,
    %swap3A_782 = arith.constant 0 : i32
    %swap3A_783 = arith.constant 6 : i32
    %swap3A_784 = arith.index_cast %swap3A_782 : i32 to index
    %swap3A_785 = arith.index_cast %swap3A_783 : i32 to index
    %swap3A_786 = arith.constant 112 : index
    %swap3A_787 = tpu.vector_load %arg10[%swap3A_784, %swap3A_785, %swap3A_786] {strides = array<i32>} : memref<2x8x128xi32, #tpu.memory_space<vmem>>, vector<16xi32>,
    tpu.vector_store %arg10[%swap3A_784, %swap3A_785, %swap3A_786], %gather3A_781 {strides = array<i32>} : memref<2x8x128xi32, #tpu.memory_space<vmem>>, vector<16xi32>,
    %add3A_788 = arith.constant 7 : i32
    %add3A_789 = vector.broadcast %add3A_788 : i32 to vector<16xi32>
    %add3A_790 = arith.addi %mul3A_5, %add3A_789 : vector<16xi32>
    %gather3A_791 = arith.constant 0 : i32
    %gather3A_792 = arith.constant 0 : i32
    %gather3A_793 = tpu.memref_slice %arg9[%gather3A_791, %gather3A_792] : memref<2x1024xi32, #tpu.memory_space<vmem>> -> memref<1x1024xi32, #tpu.memory_space<vmem>>
    %gather3A_794 = tpu.memref_squeeze %gather3A_793 : memref<1x1024xi32, #tpu.memory_space<vmem>> -> memref<1024xi32, #tpu.memory_space<vmem>>
    %gather3A_795 = tpu.vector_load_idx %gather3A_794[%add3A_790] : memref<1024xi32, #tpu.memory_space<vmem>>[vector<16xi32>], vector<16xi32>,
    %swap3A_796 = arith.constant 0 : i32
    %swap3A_797 = arith.constant 7 : i32
    %swap3A_798 = arith.index_cast %swap3A_796 : i32 to index
    %swap3A_799 = arith.index_cast %swap3A_797 : i32 to index
    %swap3A_800 = arith.constant 0 : index
    %swap3A_801 = tpu.vector_load %arg10[%swap3A_798, %swap3A_799, %swap3A_800] {strides = array<i32>} : memref<2x8x128xi32, #tpu.memory_space<vmem>>, vector<16xi32>,
    tpu.vector_store %arg10[%swap3A_798, %swap3A_799, %swap3A_800], %gather3A_795 {strides = array<i32>} : memref<2x8x128xi32, #tpu.memory_space<vmem>>, vector<16xi32>,
    %add3A_802 = arith.constant 135 : i32
    %add3A_803 = vector.broadcast %add3A_802 : i32 to vector<16xi32>
    %add3A_804 = arith.addi %mul3A_5, %add3A_803 : vector<16xi32>
    %gather3A_805 = arith.constant 0 : i32
    %gather3A_806 = arith.constant 0 : i32
    %gather3A_807 = tpu.memref_slice %arg9[%gather3A_805, %gather3A_806] : memref<2x1024xi32, #tpu.memory_space<vmem>> -> memref<1x1024xi32, #tpu.memory_space<vmem>>
    %gather3A_808 = tpu.memref_squeeze %gather3A_807 : memref<1x1024xi32, #tpu.memory_space<vmem>> -> memref<1024xi32, #tpu.memory_space<vmem>>
    %gather3A_809 = tpu.vector_load_idx %gather3A_808[%add3A_804] : memref<1024xi32, #tpu.memory_space<vmem>>[vector<16xi32>], vector<16xi32>,
    %swap3A_810 = arith.constant 0 : i32
    %swap3A_811 = arith.constant 7 : i32
    %swap3A_812 = arith.index_cast %swap3A_810 : i32 to index
    %swap3A_813 = arith.index_cast %swap3A_811 : i32 to index
    %swap3A_814 = arith.constant 16 : index
    %swap3A_815 = tpu.vector_load %arg10[%swap3A_812, %swap3A_813, %swap3A_814] {strides = array<i32>} : memref<2x8x128xi32, #tpu.memory_space<vmem>>, vector<16xi32>,
    tpu.vector_store %arg10[%swap3A_812, %swap3A_813, %swap3A_814], %gather3A_809 {strides = array<i32>} : memref<2x8x128xi32, #tpu.memory_space<vmem>>, vector<16xi32>,
    %add3A_816 = arith.constant 263 : i32
    %add3A_817 = vector.broadcast %add3A_816 : i32 to vector<16xi32>
    %add3A_818 = arith.addi %mul3A_5, %add3A_817 : vector<16xi32>
    %gather3A_819 = arith.constant 0 : i32
    %gather3A_820 = arith.constant 0 : i32
    %gather3A_821 = tpu.memref_slice %arg9[%gather3A_819, %gather3A_820] : memref<2x1024xi32, #tpu.memory_space<vmem>> -> memref<1x1024xi32, #tpu.memory_space<vmem>>
    %gather3A_822 = tpu.memref_squeeze %gather3A_821 : memref<1x1024xi32, #tpu.memory_space<vmem>> -> memref<1024xi32, #tpu.memory_space<vmem>>
    %gather3A_823 = tpu.vector_load_idx %gather3A_822[%add3A_818] : memref<1024xi32, #tpu.memory_space<vmem>>[vector<16xi32>], vector<16xi32>,
    %swap3A_824 = arith.constant 0 : i32
    %swap3A_825 = arith.constant 7 : i32
    %swap3A_826 = arith.index_cast %swap3A_824 : i32 to index
    %swap3A_827 = arith.index_cast %swap3A_825 : i32 to index
    %swap3A_828 = arith.constant 32 : index
    %swap3A_829 = tpu.vector_load %arg10[%swap3A_826, %swap3A_827, %swap3A_828] {strides = array<i32>} : memref<2x8x128xi32, #tpu.memory_space<vmem>>, vector<16xi32>,
    tpu.vector_store %arg10[%swap3A_826, %swap3A_827, %swap3A_828], %gather3A_823 {strides = array<i32>} : memref<2x8x128xi32, #tpu.memory_space<vmem>>, vector<16xi32>,
    %add3A_830 = arith.constant 391 : i32
    %add3A_831 = vector.broadcast %add3A_830 : i32 to vector<16xi32>
    %add3A_832 = arith.addi %mul3A_5, %add3A_831 : vector<16xi32>
    %gather3A_833 = arith.constant 0 : i32
    %gather3A_834 = arith.constant 0 : i32
    %gather3A_835 = tpu.memref_slice %arg9[%gather3A_833, %gather3A_834] : memref<2x1024xi32, #tpu.memory_space<vmem>> -> memref<1x1024xi32, #tpu.memory_space<vmem>>
    %gather3A_836 = tpu.memref_squeeze %gather3A_835 : memref<1x1024xi32, #tpu.memory_space<vmem>> -> memref<1024xi32, #tpu.memory_space<vmem>>
    %gather3A_837 = tpu.vector_load_idx %gather3A_836[%add3A_832] : memref<1024xi32, #tpu.memory_space<vmem>>[vector<16xi32>], vector<16xi32>,
    %swap3A_838 = arith.constant 0 : i32
    %swap3A_839 = arith.constant 7 : i32
    %swap3A_840 = arith.index_cast %swap3A_838 : i32 to index
    %swap3A_841 = arith.index_cast %swap3A_839 : i32 to index
    %swap3A_842 = arith.constant 48 : index
    %swap3A_843 = tpu.vector_load %arg10[%swap3A_840, %swap3A_841, %swap3A_842] {strides = array<i32>} : memref<2x8x128xi32, #tpu.memory_space<vmem>>, vector<16xi32>,
    tpu.vector_store %arg10[%swap3A_840, %swap3A_841, %swap3A_842], %gather3A_837 {strides = array<i32>} : memref<2x8x128xi32, #tpu.memory_space<vmem>>, vector<16xi32>,
    %add3A_844 = arith.constant 519 : i32
    %add3A_845 = vector.broadcast %add3A_844 : i32 to vector<16xi32>
    %add3A_846 = arith.addi %mul3A_5, %add3A_845 : vector<16xi32>
    %gather3A_847 = arith.constant 0 : i32
    %gather3A_848 = arith.constant 0 : i32
    %gather3A_849 = tpu.memref_slice %arg9[%gather3A_847, %gather3A_848] : memref<2x1024xi32, #tpu.memory_space<vmem>> -> memref<1x1024xi32, #tpu.memory_space<vmem>>
    %gather3A_850 = tpu.memref_squeeze %gather3A_849 : memref<1x1024xi32, #tpu.memory_space<vmem>> -> memref<1024xi32, #tpu.memory_space<vmem>>
    %gather3A_851 = tpu.vector_load_idx %gather3A_850[%add3A_846] : memref<1024xi32, #tpu.memory_space<vmem>>[vector<16xi32>], vector<16xi32>,
    %swap3A_852 = arith.constant 0 : i32
    %swap3A_853 = arith.constant 7 : i32
    %swap3A_854 = arith.index_cast %swap3A_852 : i32 to index
    %swap3A_855 = arith.index_cast %swap3A_853 : i32 to index
    %swap3A_856 = arith.constant 64 : index
    %swap3A_857 = tpu.vector_load %arg10[%swap3A_854, %swap3A_855, %swap3A_856] {strides = array<i32>} : memref<2x8x128xi32, #tpu.memory_space<vmem>>, vector<16xi32>,
    tpu.vector_store %arg10[%swap3A_854, %swap3A_855, %swap3A_856], %gather3A_851 {strides = array<i32>} : memref<2x8x128xi32, #tpu.memory_space<vmem>>, vector<16xi32>,
    %add3A_858 = arith.constant 647 : i32
    %add3A_859 = vector.broadcast %add3A_858 : i32 to vector<16xi32>
    %add3A_860 = arith.addi %mul3A_5, %add3A_859 : vector<16xi32>
    %gather3A_861 = arith.constant 0 : i32
    %gather3A_862 = arith.constant 0 : i32
    %gather3A_863 = tpu.memref_slice %arg9[%gather3A_861, %gather3A_862] : memref<2x1024xi32, #tpu.memory_space<vmem>> -> memref<1x1024xi32, #tpu.memory_space<vmem>>
    %gather3A_864 = tpu.memref_squeeze %gather3A_863 : memref<1x1024xi32, #tpu.memory_space<vmem>> -> memref<1024xi32, #tpu.memory_space<vmem>>
    %gather3A_865 = tpu.vector_load_idx %gather3A_864[%add3A_860] : memref<1024xi32, #tpu.memory_space<vmem>>[vector<16xi32>], vector<16xi32>,
    %swap3A_866 = arith.constant 0 : i32
    %swap3A_867 = arith.constant 7 : i32
    %swap3A_868 = arith.index_cast %swap3A_866 : i32 to index
    %swap3A_869 = arith.index_cast %swap3A_867 : i32 to index
    %swap3A_870 = arith.constant 80 : index
    %swap3A_871 = tpu.vector_load %arg10[%swap3A_868, %swap3A_869, %swap3A_870] {strides = array<i32>} : memref<2x8x128xi32, #tpu.memory_space<vmem>>, vector<16xi32>,
    tpu.vector_store %arg10[%swap3A_868, %swap3A_869, %swap3A_870], %gather3A_865 {strides = array<i32>} : memref<2x8x128xi32, #tpu.memory_space<vmem>>, vector<16xi32>,
    %add3A_872 = arith.constant 775 : i32
    %add3A_873 = vector.broadcast %add3A_872 : i32 to vector<16xi32>
    %add3A_874 = arith.addi %mul3A_5, %add3A_873 : vector<16xi32>
    %gather3A_875 = arith.constant 0 : i32
    %gather3A_876 = arith.constant 0 : i32
    %gather3A_877 = tpu.memref_slice %arg9[%gather3A_875, %gather3A_876] : memref<2x1024xi32, #tpu.memory_space<vmem>> -> memref<1x1024xi32, #tpu.memory_space<vmem>>
    %gather3A_878 = tpu.memref_squeeze %gather3A_877 : memref<1x1024xi32, #tpu.memory_space<vmem>> -> memref<1024xi32, #tpu.memory_space<vmem>>
    %gather3A_879 = tpu.vector_load_idx %gather3A_878[%add3A_874] : memref<1024xi32, #tpu.memory_space<vmem>>[vector<16xi32>], vector<16xi32>,
    %swap3A_880 = arith.constant 0 : i32
    %swap3A_881 = arith.constant 7 : i32
    %swap3A_882 = arith.index_cast %swap3A_880 : i32 to index
    %swap3A_883 = arith.index_cast %swap3A_881 : i32 to index
    %swap3A_884 = arith.constant 96 : index
    %swap3A_885 = tpu.vector_load %arg10[%swap3A_882, %swap3A_883, %swap3A_884] {strides = array<i32>} : memref<2x8x128xi32, #tpu.memory_space<vmem>>, vector<16xi32>,
    tpu.vector_store %arg10[%swap3A_882, %swap3A_883, %swap3A_884], %gather3A_879 {strides = array<i32>} : memref<2x8x128xi32, #tpu.memory_space<vmem>>, vector<16xi32>,
    %add3A_886 = arith.constant 903 : i32
    %add3A_887 = vector.broadcast %add3A_886 : i32 to vector<16xi32>
    %add3A_888 = arith.addi %mul3A_5, %add3A_887 : vector<16xi32>
    %gather3A_889 = arith.constant 0 : i32
    %gather3A_890 = arith.constant 0 : i32
    %gather3A_891 = tpu.memref_slice %arg9[%gather3A_889, %gather3A_890] : memref<2x1024xi32, #tpu.memory_space<vmem>> -> memref<1x1024xi32, #tpu.memory_space<vmem>>
    %gather3A_892 = tpu.memref_squeeze %gather3A_891 : memref<1x1024xi32, #tpu.memory_space<vmem>> -> memref<1024xi32, #tpu.memory_space<vmem>>
    %gather3A_893 = tpu.vector_load_idx %gather3A_892[%add3A_888] : memref<1024xi32, #tpu.memory_space<vmem>>[vector<16xi32>], vector<16xi32>,
    %swap3A_894 = arith.constant 0 : i32
    %swap3A_895 = arith.constant 7 : i32
    %swap3A_896 = arith.index_cast %swap3A_894 : i32 to index
    %swap3A_897 = arith.index_cast %swap3A_895 : i32 to index
    %swap3A_898 = arith.constant 112 : index
    %swap3A_899 = tpu.vector_load %arg10[%swap3A_896, %swap3A_897, %swap3A_898] {strides = array<i32>} : memref<2x8x128xi32, #tpu.memory_space<vmem>>, vector<16xi32>,
    tpu.vector_store %arg10[%swap3A_896, %swap3A_897, %swap3A_898], %gather3A_893 {strides = array<i32>} : memref<2x8x128xi32, #tpu.memory_space<vmem>>, vector<16xi32>,
    %dma_start3A = arith.constant 0 : i32
    %dma_start3A_900 = arith.constant 0 : i32
    %dma_start3A_901 = arith.constant 0 : i32
    %dma_start3A_902 = tpu.memref_slice %arg10[%dma_start3A, %dma_start3A_900, %dma_start3A_901] : memref<2x8x128xi32, #tpu.memory_space<vmem>> -> memref<1x1x128xi32, #tpu.memory_space<vmem>>
    %dma_start3A_903 = tpu.memref_squeeze %dma_start3A_902 : memref<1x1x128xi32, #tpu.memory_space<vmem>> -> memref<128xi32, #tpu.memory_space<vmem>>
    %dma_start3A_904 = arith.constant 0 : i32
    %dma_start3A_905 = arith.constant 0 : i32
    %dma_start3A_906 = tpu.memref_slice %arg3[%dma_start3A_904, %dma_start3A_905] : memref<100000x64xf32, #tpu.memory_space<hbm>> -> memref<100000x64xf32, #tpu.memory_space<hbm>>
    tpu.enqueue_indirect_dma source(%dma_start3A_906 : memref<100000x64xf32, #tpu.memory_space<hbm>>) target(%arg11 : memref<128x64xf32, #tpu.memory_space<vmem>>) offsets(%dma_start3A_903 : memref<128xi32, #tpu.memory_space<vmem>>) semaphore(%arg27 : memref<!tpu.dma_semaphore, #tpu.memory_space<semaphore_mem>>)
    %dma_start3A_907 = arith.constant 0 : i32
    %dma_start3A_908 = arith.constant 1 : i32
    %dma_start3A_909 = arith.constant 0 : i32
    %dma_start3A_910 = tpu.memref_slice %arg10[%dma_start3A_907, %dma_start3A_908, %dma_start3A_909] : memref<2x8x128xi32, #tpu.memory_space<vmem>> -> memref<1x1x128xi32, #tpu.memory_space<vmem>>
    %dma_start3A_911 = tpu.memref_squeeze %dma_start3A_910 : memref<1x1x128xi32, #tpu.memory_space<vmem>> -> memref<128xi32, #tpu.memory_space<vmem>>
    %dma_start3A_912 = arith.constant 0 : i32
    %dma_start3A_913 = arith.constant 0 : i32
    %dma_start3A_914 = tpu.memref_slice %arg4[%dma_start3A_912, %dma_start3A_913] : memref<100000x32xf32, #tpu.memory_space<hbm>> -> memref<100000x32xf32, #tpu.memory_space<hbm>>
    tpu.enqueue_indirect_dma source(%dma_start3A_914 : memref<100000x32xf32, #tpu.memory_space<hbm>>) target(%arg12 : memref<128x32xf32, #tpu.memory_space<vmem>>) offsets(%dma_start3A_911 : memref<128xi32, #tpu.memory_space<vmem>>) semaphore(%arg27 : memref<!tpu.dma_semaphore, #tpu.memory_space<semaphore_mem>>)
    %dma_start3A_915 = arith.constant 0 : i32
    %dma_start3A_916 = arith.constant 2 : i32
    %dma_start3A_917 = arith.constant 0 : i32
    %dma_start3A_918 = tpu.memref_slice %arg10[%dma_start3A_915, %dma_start3A_916, %dma_start3A_917] : memref<2x8x128xi32, #tpu.memory_space<vmem>> -> memref<1x1x128xi32, #tpu.memory_space<vmem>>
    %dma_start3A_919 = tpu.memref_squeeze %dma_start3A_918 : memref<1x1x128xi32, #tpu.memory_space<vmem>> -> memref<128xi32, #tpu.memory_space<vmem>>
    %dma_start3A_920 = arith.constant 0 : i32
    %dma_start3A_921 = arith.constant 0 : i32
    %dma_start3A_922 = tpu.memref_slice %arg4[%dma_start3A_920, %dma_start3A_921] : memref<100000x32xf32, #tpu.memory_space<hbm>> -> memref<100000x32xf32, #tpu.memory_space<hbm>>
    tpu.enqueue_indirect_dma source(%dma_start3A_922 : memref<100000x32xf32, #tpu.memory_space<hbm>>) target(%arg13 : memref<128x32xf32, #tpu.memory_space<vmem>>) offsets(%dma_start3A_919 : memref<128xi32, #tpu.memory_space<vmem>>) semaphore(%arg27 : memref<!tpu.dma_semaphore, #tpu.memory_space<semaphore_mem>>)
    %dma_start3A_923 = arith.constant 0 : i32
    %dma_start3A_924 = arith.constant 3 : i32
    %dma_start3A_925 = arith.constant 0 : i32
    %dma_start3A_926 = tpu.memref_slice %arg10[%dma_start3A_923, %dma_start3A_924, %dma_start3A_925] : memref<2x8x128xi32, #tpu.memory_space<vmem>> -> memref<1x1x128xi32, #tpu.memory_space<vmem>>
    %dma_start3A_927 = tpu.memref_squeeze %dma_start3A_926 : memref<1x1x128xi32, #tpu.memory_space<vmem>> -> memref<128xi32, #tpu.memory_space<vmem>>
    %dma_start3A_928 = arith.constant 0 : i32
    %dma_start3A_929 = arith.constant 0 : i32
    %dma_start3A_930 = tpu.memref_slice %arg4[%dma_start3A_928, %dma_start3A_929] : memref<100000x32xf32, #tpu.memory_space<hbm>> -> memref<100000x32xf32, #tpu.memory_space<hbm>>
    tpu.enqueue_indirect_dma source(%dma_start3A_930 : memref<100000x32xf32, #tpu.memory_space<hbm>>) target(%arg14 : memref<128x32xf32, #tpu.memory_space<vmem>>) offsets(%dma_start3A_927 : memref<128xi32, #tpu.memory_space<vmem>>) semaphore(%arg27 : memref<!tpu.dma_semaphore, #tpu.memory_space<semaphore_mem>>)
    %dma_start3A_931 = arith.constant 0 : i32
    %dma_start3A_932 = arith.constant 4 : i32
    %dma_start3A_933 = arith.constant 0 : i32
    %dma_start3A_934 = tpu.memref_slice %arg10[%dma_start3A_931, %dma_start3A_932, %dma_start3A_933] : memref<2x8x128xi32, #tpu.memory_space<vmem>> -> memref<1x1x128xi32, #tpu.memory_space<vmem>>
    %dma_start3A_935 = tpu.memref_squeeze %dma_start3A_934 : memref<1x1x128xi32, #tpu.memory_space<vmem>> -> memref<128xi32, #tpu.memory_space<vmem>>
    %dma_start3A_936 = arith.constant 0 : i32
    %dma_start3A_937 = arith.constant 0 : i32
    %dma_start3A_938 = tpu.memref_slice %arg4[%dma_start3A_936, %dma_start3A_937] : memref<100000x32xf32, #tpu.memory_space<hbm>> -> memref<100000x32xf32, #tpu.memory_space<hbm>>
    tpu.enqueue_indirect_dma source(%dma_start3A_938 : memref<100000x32xf32, #tpu.memory_space<hbm>>) target(%arg15 : memref<128x32xf32, #tpu.memory_space<vmem>>) offsets(%dma_start3A_935 : memref<128xi32, #tpu.memory_space<vmem>>) semaphore(%arg27 : memref<!tpu.dma_semaphore, #tpu.memory_space<semaphore_mem>>)
    %dma_start3A_939 = arith.constant 0 : i32
    %dma_start3A_940 = arith.constant 5 : i32
    %dma_start3A_941 = arith.constant 0 : i32
    %dma_start3A_942 = tpu.memref_slice %arg10[%dma_start3A_939, %dma_start3A_940, %dma_start3A_941] : memref<2x8x128xi32, #tpu.memory_space<vmem>> -> memref<1x1x128xi32, #tpu.memory_space<vmem>>
    %dma_start3A_943 = tpu.memref_squeeze %dma_start3A_942 : memref<1x1x128xi32, #tpu.memory_space<vmem>> -> memref<128xi32, #tpu.memory_space<vmem>>
    %dma_start3A_944 = arith.constant 0 : i32
    %dma_start3A_945 = arith.constant 0 : i32
    %dma_start3A_946 = tpu.memref_slice %arg5[%dma_start3A_944, %dma_start3A_945] : memref<100000x16xf32, #tpu.memory_space<hbm>> -> memref<100000x16xf32, #tpu.memory_space<hbm>>
    tpu.enqueue_indirect_dma source(%dma_start3A_946 : memref<100000x16xf32, #tpu.memory_space<hbm>>) target(%arg16 : memref<128x16xf32, #tpu.memory_space<vmem>>) offsets(%dma_start3A_943 : memref<128xi32, #tpu.memory_space<vmem>>) semaphore(%arg27 : memref<!tpu.dma_semaphore, #tpu.memory_space<semaphore_mem>>)
    %dma_start3A_947 = arith.constant 0 : i32
    %dma_start3A_948 = arith.constant 6 : i32
    %dma_start3A_949 = arith.constant 0 : i32
    %dma_start3A_950 = tpu.memref_slice %arg10[%dma_start3A_947, %dma_start3A_948, %dma_start3A_949] : memref<2x8x128xi32, #tpu.memory_space<vmem>> -> memref<1x1x128xi32, #tpu.memory_space<vmem>>
    %dma_start3A_951 = tpu.memref_squeeze %dma_start3A_950 : memref<1x1x128xi32, #tpu.memory_space<vmem>> -> memref<128xi32, #tpu.memory_space<vmem>>
    %dma_start3A_952 = arith.constant 0 : i32
    %dma_start3A_953 = arith.constant 0 : i32
    %dma_start3A_954 = tpu.memref_slice %arg6[%dma_start3A_952, %dma_start3A_953] : memref<100000x16xf32, #tpu.memory_space<hbm>> -> memref<100000x16xf32, #tpu.memory_space<hbm>>
    tpu.enqueue_indirect_dma source(%dma_start3A_954 : memref<100000x16xf32, #tpu.memory_space<hbm>>) target(%arg17 : memref<128x16xf32, #tpu.memory_space<vmem>>) offsets(%dma_start3A_951 : memref<128xi32, #tpu.memory_space<vmem>>) semaphore(%arg27 : memref<!tpu.dma_semaphore, #tpu.memory_space<semaphore_mem>>)
    %dma_start3A_955 = arith.constant 0 : i32
    %dma_start3A_956 = arith.constant 7 : i32
    %dma_start3A_957 = arith.constant 0 : i32
    %dma_start3A_958 = tpu.memref_slice %arg10[%dma_start3A_955, %dma_start3A_956, %dma_start3A_957] : memref<2x8x128xi32, #tpu.memory_space<vmem>> -> memref<1x1x128xi32, #tpu.memory_space<vmem>>
    %dma_start3A_959 = tpu.memref_squeeze %dma_start3A_958 : memref<1x1x128xi32, #tpu.memory_space<vmem>> -> memref<128xi32, #tpu.memory_space<vmem>>
    %dma_start3A_960 = arith.constant 0 : i32
    %dma_start3A_961 = arith.constant 0 : i32
    %dma_start3A_962 = tpu.memref_slice %arg7[%dma_start3A_960, %dma_start3A_961] : memref<100000x32xf32, #tpu.memory_space<hbm>> -> memref<100000x32xf32, #tpu.memory_space<hbm>>
    tpu.enqueue_indirect_dma source(%dma_start3A_962 : memref<100000x32xf32, #tpu.memory_space<hbm>>) target(%arg18 : memref<128x32xf32, #tpu.memory_space<vmem>>) offsets(%dma_start3A_959 : memref<128xi32, #tpu.memory_space<vmem>>) semaphore(%arg27 : memref<!tpu.dma_semaphore, #tpu.memory_space<semaphore_mem>>)
    %scan3A = arith.constant 0 : i32
    %scan3A_963 = arith.constant 0 : i32
    %scan3A_964 = arith.constant 25 : i32
    %scan3A_965 = arith.addi %scan3A_963, %scan3A_964 : i32
    %scan3A_966 = arith.constant 1 : i32
    scf.for %scan3A_1015 = %scan3A_963 to %scan3A_965 step %scan3A_966  : i32 {
      %mul3A_1016 = arith.constant 2 : i32
      %mul3A_1017 = arith.muli %scan3A_1015, %mul3A_1016 : i32
      %add3A_1018 = arith.constant 0 : i32
      %add3A_1019 = arith.addi %mul3A_1017, %add3A_1018 : i32
      %add3A_1020 = arith.addi %mul3A_2, %add3A_1019 : i32
      %add3A_1021 = arith.constant 1 : i32
      %add3A_1022 = arith.addi %add3A_1019, %add3A_1021 : i32
      %lt3A = arith.constant 50 : i32
      %lt3A_1023 = arith.cmpi slt, %add3A_1022, %lt3A : i32
      %convert_element_type3A = arith.extui %lt3A_1023 : i1 to i32
      %cond3A = arith.constant 0 : i32
      %cond3A_1024 = arith.cmpi ne, %convert_element_type3A, %cond3A : i32
      scf.if %cond3A_1024 {
        %add3A_1257 = arith.constant 1 : i32
        %add3A_1258 = arith.addi %add3A_1020, %add3A_1257 : i32
        %dma_start3A_1259 = arith.constant 1 : i32
        %dma_start3A_1260 = arith.constant 0 : i32
        %dma_start3A_1261 = tpu.memref_slice %arg9[%dma_start3A_1259, %dma_start3A_1260] : memref<2x1024xi32, #tpu.memory_space<vmem>> -> memref<1x1024xi32, #tpu.memory_space<vmem>>
        %dma_start3A_1262 = tpu.memref_squeeze %dma_start3A_1261 : memref<1x1024xi32, #tpu.memory_space<vmem>> -> memref<1024xi32, #tpu.memory_space<vmem>>
        %dma_start3A_1263 = arith.constant 0 : i32
        %dma_start3A_1264 = tpu.memref_slice %arg2[%add3A_1258, %dma_start3A_1263] : memref<1600x1024xi32, #tpu.memory_space<hbm>> -> memref<1x1024xi32, #tpu.memory_space<hbm>>
        %dma_start3A_1265 = tpu.memref_squeeze %dma_start3A_1264 : memref<1x1024xi32, #tpu.memory_space<hbm>> -> memref<1024xi32, #tpu.memory_space<hbm>>
        %dma_start3A_1266 = arith.constant 0 : i32
        %dma_start3A_1267 = tpu.memref_slice %arg9[%dma_start3A_1259, %dma_start3A_1266] : memref<2x1024xi32, #tpu.memory_space<vmem>> -> memref<1x1024xi32, #tpu.memory_space<vmem>>
        %dma_start3A_1268 = tpu.memref_squeeze %dma_start3A_1267 : memref<1x1024xi32, #tpu.memory_space<vmem>> -> memref<1024xi32, #tpu.memory_space<vmem>>
        %dma_start3A_1269 = arith.constant 0 : i32
        %dma_start3A_1270 = tpu.memref_slice %arg2[%add3A_1258, %dma_start3A_1269] : memref<1600x1024xi32, #tpu.memory_space<hbm>> -> memref<1x1024xi32, #tpu.memory_space<hbm>>
        %dma_start3A_1271 = tpu.memref_squeeze %dma_start3A_1270 : memref<1x1024xi32, #tpu.memory_space<hbm>> -> memref<1024xi32, #tpu.memory_space<hbm>>
        tpu.enqueue_dma source(%dma_start3A_1271 : memref<1024xi32, #tpu.memory_space<hbm>>) target(%dma_start3A_1268 : memref<1024xi32, #tpu.memory_space<vmem>>) target_semaphore(%arg31 : memref<!tpu.dma_semaphore, #tpu.memory_space<semaphore_mem>>)
      } else {
      }
      %ge3A = arith.constant 1 : i32
      %ge3A_1025 = arith.cmpi sge, %add3A_1019, %ge3A : i32
      %convert_element_type3A_1026 = arith.extui %ge3A_1025 : i1 to i32
      %cond3A_1027 = arith.constant 0 : i32
      %cond3A_1028 = arith.cmpi ne, %convert_element_type3A_1026, %cond3A_1027 : i32
      scf.if %cond3A_1028 {
        %dma_wait3A_1257 = arith.constant 0 : i32
        %dma_wait3A_1258 = arith.constant 0 : i32
        %dma_wait3A_1259 = tpu.memref_slice %arg8[%dma_wait3A_1257, %dma_wait3A_1258] : memref<204800x256xf32, #tpu.memory_space<hbm>> -> memref<128x64xf32, #tpu.memory_space<hbm>>
        %dma_wait3A_1260 = arith.constant 0 : i32
        %dma_wait3A_1261 = arith.constant 0 : i32
        %dma_wait3A_1262 = tpu.memref_slice %arg8[%dma_wait3A_1260, %dma_wait3A_1261] : memref<204800x256xf32, #tpu.memory_space<hbm>> -> memref<128x64xf32, #tpu.memory_space<hbm>>
        tpu.wait_dma2 semaphore(%arg30 : memref<!tpu.dma_semaphore, #tpu.memory_space<semaphore_mem>>) src(%arg19 : memref<128x64xf32, #tpu.memory_space<vmem>>) dst(%dma_wait3A_1262 : memref<128x64xf32, #tpu.memory_space<hbm>>)
        %dma_wait3A_1263 = arith.constant 0 : i32
        %dma_wait3A_1264 = arith.constant 64 : i32
        %dma_wait3A_1265 = tpu.memref_slice %arg8[%dma_wait3A_1263, %dma_wait3A_1264] : memref<204800x256xf32, #tpu.memory_space<hbm>> -> memref<128x32xf32, #tpu.memory_space<hbm>>
        %dma_wait3A_1266 = arith.constant 0 : i32
        %dma_wait3A_1267 = arith.constant 64 : i32
        %dma_wait3A_1268 = tpu.memref_slice %arg8[%dma_wait3A_1266, %dma_wait3A_1267] : memref<204800x256xf32, #tpu.memory_space<hbm>> -> memref<128x32xf32, #tpu.memory_space<hbm>>
        tpu.wait_dma2 semaphore(%arg30 : memref<!tpu.dma_semaphore, #tpu.memory_space<semaphore_mem>>) src(%arg20 : memref<128x32xf32, #tpu.memory_space<vmem>>) dst(%dma_wait3A_1268 : memref<128x32xf32, #tpu.memory_space<hbm>>)
        %dma_wait3A_1269 = arith.constant 0 : i32
        %dma_wait3A_1270 = arith.constant 96 : i32
        %dma_wait3A_1271 = tpu.memref_slice %arg8[%dma_wait3A_1269, %dma_wait3A_1270] : memref<204800x256xf32, #tpu.memory_space<hbm>> -> memref<128x32xf32, #tpu.memory_space<hbm>>
        %dma_wait3A_1272 = arith.constant 0 : i32
        %dma_wait3A_1273 = arith.constant 96 : i32
        %dma_wait3A_1274 = tpu.memref_slice %arg8[%dma_wait3A_1272, %dma_wait3A_1273] : memref<204800x256xf32, #tpu.memory_space<hbm>> -> memref<128x32xf32, #tpu.memory_space<hbm>>
        tpu.wait_dma2 semaphore(%arg30 : memref<!tpu.dma_semaphore, #tpu.memory_space<semaphore_mem>>) src(%arg21 : memref<128x32xf32, #tpu.memory_space<vmem>>) dst(%dma_wait3A_1274 : memref<128x32xf32, #tpu.memory_space<hbm>>)
        %dma_wait3A_1275 = arith.constant 0 : i32
        %dma_wait3A_1276 = arith.constant 128 : i32
        %dma_wait3A_1277 = tpu.memref_slice %arg8[%dma_wait3A_1275, %dma_wait3A_1276] : memref<204800x256xf32, #tpu.memory_space<hbm>> -> memref<128x32xf32, #tpu.memory_space<hbm>>
        %dma_wait3A_1278 = arith.constant 0 : i32
        %dma_wait3A_1279 = arith.constant 128 : i32
        %dma_wait3A_1280 = tpu.memref_slice %arg8[%dma_wait3A_1278, %dma_wait3A_1279] : memref<204800x256xf32, #tpu.memory_space<hbm>> -> memref<128x32xf32, #tpu.memory_space<hbm>>
        tpu.wait_dma2 semaphore(%arg30 : memref<!tpu.dma_semaphore, #tpu.memory_space<semaphore_mem>>) src(%arg22 : memref<128x32xf32, #tpu.memory_space<vmem>>) dst(%dma_wait3A_1280 : memref<128x32xf32, #tpu.memory_space<hbm>>)
        %dma_wait3A_1281 = arith.constant 0 : i32
        %dma_wait3A_1282 = arith.constant 160 : i32
        %dma_wait3A_1283 = tpu.memref_slice %arg8[%dma_wait3A_1281, %dma_wait3A_1282] : memref<204800x256xf32, #tpu.memory_space<hbm>> -> memref<128x32xf32, #tpu.memory_space<hbm>>
        %dma_wait3A_1284 = arith.constant 0 : i32
        %dma_wait3A_1285 = arith.constant 160 : i32
        %dma_wait3A_1286 = tpu.memref_slice %arg8[%dma_wait3A_1284, %dma_wait3A_1285] : memref<204800x256xf32, #tpu.memory_space<hbm>> -> memref<128x32xf32, #tpu.memory_space<hbm>>
        tpu.wait_dma2 semaphore(%arg30 : memref<!tpu.dma_semaphore, #tpu.memory_space<semaphore_mem>>) src(%arg23 : memref<128x32xf32, #tpu.memory_space<vmem>>) dst(%dma_wait3A_1286 : memref<128x32xf32, #tpu.memory_space<hbm>>)
        %dma_wait3A_1287 = arith.constant 0 : i32
        %dma_wait3A_1288 = arith.constant 192 : i32
        %dma_wait3A_1289 = tpu.memref_slice %arg8[%dma_wait3A_1287, %dma_wait3A_1288] : memref<204800x256xf32, #tpu.memory_space<hbm>> -> memref<128x16xf32, #tpu.memory_space<hbm>>
        %dma_wait3A_1290 = arith.constant 0 : i32
        %dma_wait3A_1291 = arith.constant 192 : i32
        %dma_wait3A_1292 = tpu.memref_slice %arg8[%dma_wait3A_1290, %dma_wait3A_1291] : memref<204800x256xf32, #tpu.memory_space<hbm>> -> memref<128x16xf32, #tpu.memory_space<hbm>>
        tpu.wait_dma2 semaphore(%arg30 : memref<!tpu.dma_semaphore, #tpu.memory_space<semaphore_mem>>) src(%arg24 : memref<128x16xf32, #tpu.memory_space<vmem>>) dst(%dma_wait3A_1292 : memref<128x16xf32, #tpu.memory_space<hbm>>)
        %dma_wait3A_1293 = arith.constant 0 : i32
        %dma_wait3A_1294 = arith.constant 208 : i32
        %dma_wait3A_1295 = tpu.memref_slice %arg8[%dma_wait3A_1293, %dma_wait3A_1294] : memref<204800x256xf32, #tpu.memory_space<hbm>> -> memref<128x16xf32, #tpu.memory_space<hbm>>
        %dma_wait3A_1296 = arith.constant 0 : i32
        %dma_wait3A_1297 = arith.constant 208 : i32
        %dma_wait3A_1298 = tpu.memref_slice %arg8[%dma_wait3A_1296, %dma_wait3A_1297] : memref<204800x256xf32, #tpu.memory_space<hbm>> -> memref<128x16xf32, #tpu.memory_space<hbm>>
        tpu.wait_dma2 semaphore(%arg30 : memref<!tpu.dma_semaphore, #tpu.memory_space<semaphore_mem>>) src(%arg25 : memref<128x16xf32, #tpu.memory_space<vmem>>) dst(%dma_wait3A_1298 : memref<128x16xf32, #tpu.memory_space<hbm>>)
        %dma_wait3A_1299 = arith.constant 0 : i32
        %dma_wait3A_1300 = arith.constant 224 : i32
        %dma_wait3A_1301 = tpu.memref_slice %arg8[%dma_wait3A_1299, %dma_wait3A_1300] : memref<204800x256xf32, #tpu.memory_space<hbm>> -> memref<128x32xf32, #tpu.memory_space<hbm>>
        %dma_wait3A_1302 = arith.constant 0 : i32
        %dma_wait3A_1303 = arith.constant 224 : i32
        %dma_wait3A_1304 = tpu.memref_slice %arg8[%dma_wait3A_1302, %dma_wait3A_1303] : memref<204800x256xf32, #tpu.memory_space<hbm>> -> memref<128x32xf32, #tpu.memory_space<hbm>>
        tpu.wait_dma2 semaphore(%arg30 : memref<!tpu.dma_semaphore, #tpu.memory_space<semaphore_mem>>) src(%arg26 : memref<128x32xf32, #tpu.memory_space<vmem>>) dst(%dma_wait3A_1304 : memref<128x32xf32, #tpu.memory_space<hbm>>)
      } else {
      }
      %add3A_1029 = arith.constant 1 : i32
      %add3A_1030 = arith.addi %add3A_1019, %add3A_1029 : i32
      %lt3A_1031 = arith.constant 50 : i32
      %lt3A_1032 = arith.cmpi slt, %add3A_1030, %lt3A_1031 : i32
      %convert_element_type3A_1033 = arith.extui %lt3A_1032 : i1 to i32
      %cond3A_1034 = arith.constant 0 : i32
      %cond3A_1035 = arith.cmpi ne, %convert_element_type3A_1033, %cond3A_1034 : i32
      scf.if %cond3A_1035 {
        %add3A_1257 = arith.constant 1 : i32
        %add3A_1258 = arith.addi %add3A_1020, %add3A_1257 : i32
        %dma_wait3A_1259 = arith.constant 1 : i32
        %dma_wait3A_1260 = arith.constant 0 : i32
        %dma_wait3A_1261 = tpu.memref_slice %arg9[%dma_wait3A_1259, %dma_wait3A_1260] : memref<2x1024xi32, #tpu.memory_space<vmem>> -> memref<1x1024xi32, #tpu.memory_space<vmem>>
        %dma_wait3A_1262 = tpu.memref_squeeze %dma_wait3A_1261 : memref<1x1024xi32, #tpu.memory_space<vmem>> -> memref<1024xi32, #tpu.memory_space<vmem>>
        %dma_wait3A_1263 = arith.constant 0 : i32
        %dma_wait3A_1264 = tpu.memref_slice %arg2[%add3A_1258, %dma_wait3A_1263] : memref<1600x1024xi32, #tpu.memory_space<hbm>> -> memref<1x1024xi32, #tpu.memory_space<hbm>>
        %dma_wait3A_1265 = tpu.memref_squeeze %dma_wait3A_1264 : memref<1x1024xi32, #tpu.memory_space<hbm>> -> memref<1024xi32, #tpu.memory_space<hbm>>
        %dma_wait3A_1266 = arith.constant 0 : i32
        %dma_wait3A_1267 = tpu.memref_slice %arg9[%dma_wait3A_1259, %dma_wait3A_1266] : memref<2x1024xi32, #tpu.memory_space<vmem>> -> memref<1x1024xi32, #tpu.memory_space<vmem>>
        %dma_wait3A_1268 = tpu.memref_squeeze %dma_wait3A_1267 : memref<1x1024xi32, #tpu.memory_space<vmem>> -> memref<1024xi32, #tpu.memory_space<vmem>>
        %dma_wait3A_1269 = arith.constant 0 : i32
        %dma_wait3A_1270 = tpu.memref_slice %arg2[%add3A_1258, %dma_wait3A_1269] : memref<1600x1024xi32, #tpu.memory_space<hbm>> -> memref<1x1024xi32, #tpu.memory_space<hbm>>
        %dma_wait3A_1271 = tpu.memref_squeeze %dma_wait3A_1270 : memref<1x1024xi32, #tpu.memory_space<hbm>> -> memref<1024xi32, #tpu.memory_space<hbm>>
        tpu.wait_dma2 semaphore(%arg31 : memref<!tpu.dma_semaphore, #tpu.memory_space<semaphore_mem>>) src(%dma_wait3A_1271 : memref<1024xi32, #tpu.memory_space<hbm>>) dst(%dma_wait3A_1268 : memref<1024xi32, #tpu.memory_space<vmem>>)
        %add3A_1272 = arith.constant 0 : i32
        %add3A_1273 = vector.broadcast %add3A_1272 : i32 to vector<16xi32>
        %add3A_1274 = arith.addi %mul3A_5, %add3A_1273 : vector<16xi32>
        %gather3A_1275 = arith.constant 1 : i32
        %gather3A_1276 = arith.constant 0 : i32
        %gather3A_1277 = tpu.memref_slice %arg9[%gather3A_1275, %gather3A_1276] : memref<2x1024xi32, #tpu.memory_space<vmem>> -> memref<1x1024xi32, #tpu.memory_space<vmem>>
        %gather3A_1278 = tpu.memref_squeeze %gather3A_1277 : memref<1x1024xi32, #tpu.memory_space<vmem>> -> memref<1024xi32, #tpu.memory_space<vmem>>
        %gather3A_1279 = tpu.vector_load_idx %gather3A_1278[%add3A_1274] : memref<1024xi32, #tpu.memory_space<vmem>>[vector<16xi32>], vector<16xi32>,
        %swap3A_1280 = arith.constant 1 : i32
        %swap3A_1281 = arith.constant 0 : i32
        %swap3A_1282 = arith.index_cast %swap3A_1280 : i32 to index
        %swap3A_1283 = arith.index_cast %swap3A_1281 : i32 to index
        %swap3A_1284 = arith.constant 0 : index
        %swap3A_1285 = tpu.vector_load %arg10[%swap3A_1282, %swap3A_1283, %swap3A_1284] {strides = array<i32>} : memref<2x8x128xi32, #tpu.memory_space<vmem>>, vector<16xi32>,
        tpu.vector_store %arg10[%swap3A_1282, %swap3A_1283, %swap3A_1284], %gather3A_1279 {strides = array<i32>} : memref<2x8x128xi32, #tpu.memory_space<vmem>>, vector<16xi32>,
        %add3A_1286 = arith.constant 128 : i32
        %add3A_1287 = vector.broadcast %add3A_1286 : i32 to vector<16xi32>
        %add3A_1288 = arith.addi %mul3A_5, %add3A_1287 : vector<16xi32>
        %gather3A_1289 = arith.constant 1 : i32
        %gather3A_1290 = arith.constant 0 : i32
        %gather3A_1291 = tpu.memref_slice %arg9[%gather3A_1289, %gather3A_1290] : memref<2x1024xi32, #tpu.memory_space<vmem>> -> memref<1x1024xi32, #tpu.memory_space<vmem>>
        %gather3A_1292 = tpu.memref_squeeze %gather3A_1291 : memref<1x1024xi32, #tpu.memory_space<vmem>> -> memref<1024xi32, #tpu.memory_space<vmem>>
        %gather3A_1293 = tpu.vector_load_idx %gather3A_1292[%add3A_1288] : memref<1024xi32, #tpu.memory_space<vmem>>[vector<16xi32>], vector<16xi32>,
        %swap3A_1294 = arith.constant 1 : i32
        %swap3A_1295 = arith.constant 0 : i32
        %swap3A_1296 = arith.index_cast %swap3A_1294 : i32 to index
        %swap3A_1297 = arith.index_cast %swap3A_1295 : i32 to index
        %swap3A_1298 = arith.constant 16 : index
        %swap3A_1299 = tpu.vector_load %arg10[%swap3A_1296, %swap3A_1297, %swap3A_1298] {strides = array<i32>} : memref<2x8x128xi32, #tpu.memory_space<vmem>>, vector<16xi32>,
        tpu.vector_store %arg10[%swap3A_1296, %swap3A_1297, %swap3A_1298], %gather3A_1293 {strides = array<i32>} : memref<2x8x128xi32, #tpu.memory_space<vmem>>, vector<16xi32>,
        %add3A_1300 = arith.constant 256 : i32
        %add3A_1301 = vector.broadcast %add3A_1300 : i32 to vector<16xi32>
        %add3A_1302 = arith.addi %mul3A_5, %add3A_1301 : vector<16xi32>
        %gather3A_1303 = arith.constant 1 : i32
        %gather3A_1304 = arith.constant 0 : i32
        %gather3A_1305 = tpu.memref_slice %arg9[%gather3A_1303, %gather3A_1304] : memref<2x1024xi32, #tpu.memory_space<vmem>> -> memref<1x1024xi32, #tpu.memory_space<vmem>>
        %gather3A_1306 = tpu.memref_squeeze %gather3A_1305 : memref<1x1024xi32, #tpu.memory_space<vmem>> -> memref<1024xi32, #tpu.memory_space<vmem>>
        %gather3A_1307 = tpu.vector_load_idx %gather3A_1306[%add3A_1302] : memref<1024xi32, #tpu.memory_space<vmem>>[vector<16xi32>], vector<16xi32>,
        %swap3A_1308 = arith.constant 1 : i32
        %swap3A_1309 = arith.constant 0 : i32
        %swap3A_1310 = arith.index_cast %swap3A_1308 : i32 to index
        %swap3A_1311 = arith.index_cast %swap3A_1309 : i32 to index
        %swap3A_1312 = arith.constant 32 : index
        %swap3A_1313 = tpu.vector_load %arg10[%swap3A_1310, %swap3A_1311, %swap3A_1312] {strides = array<i32>} : memref<2x8x128xi32, #tpu.memory_space<vmem>>, vector<16xi32>,
        tpu.vector_store %arg10[%swap3A_1310, %swap3A_1311, %swap3A_1312], %gather3A_1307 {strides = array<i32>} : memref<2x8x128xi32, #tpu.memory_space<vmem>>, vector<16xi32>,
        %add3A_1314 = arith.constant 384 : i32
        %add3A_1315 = vector.broadcast %add3A_1314 : i32 to vector<16xi32>
        %add3A_1316 = arith.addi %mul3A_5, %add3A_1315 : vector<16xi32>
        %gather3A_1317 = arith.constant 1 : i32
        %gather3A_1318 = arith.constant 0 : i32
        %gather3A_1319 = tpu.memref_slice %arg9[%gather3A_1317, %gather3A_1318] : memref<2x1024xi32, #tpu.memory_space<vmem>> -> memref<1x1024xi32, #tpu.memory_space<vmem>>
        %gather3A_1320 = tpu.memref_squeeze %gather3A_1319 : memref<1x1024xi32, #tpu.memory_space<vmem>> -> memref<1024xi32, #tpu.memory_space<vmem>>
        %gather3A_1321 = tpu.vector_load_idx %gather3A_1320[%add3A_1316] : memref<1024xi32, #tpu.memory_space<vmem>>[vector<16xi32>], vector<16xi32>,
        %swap3A_1322 = arith.constant 1 : i32
        %swap3A_1323 = arith.constant 0 : i32
        %swap3A_1324 = arith.index_cast %swap3A_1322 : i32 to index
        %swap3A_1325 = arith.index_cast %swap3A_1323 : i32 to index
        %swap3A_1326 = arith.constant 48 : index
        %swap3A_1327 = tpu.vector_load %arg10[%swap3A_1324, %swap3A_1325, %swap3A_1326] {strides = array<i32>} : memref<2x8x128xi32, #tpu.memory_space<vmem>>, vector<16xi32>,
        tpu.vector_store %arg10[%swap3A_1324, %swap3A_1325, %swap3A_1326], %gather3A_1321 {strides = array<i32>} : memref<2x8x128xi32, #tpu.memory_space<vmem>>, vector<16xi32>,
        %add3A_1328 = arith.constant 512 : i32
        %add3A_1329 = vector.broadcast %add3A_1328 : i32 to vector<16xi32>
        %add3A_1330 = arith.addi %mul3A_5, %add3A_1329 : vector<16xi32>
        %gather3A_1331 = arith.constant 1 : i32
        %gather3A_1332 = arith.constant 0 : i32
        %gather3A_1333 = tpu.memref_slice %arg9[%gather3A_1331, %gather3A_1332] : memref<2x1024xi32, #tpu.memory_space<vmem>> -> memref<1x1024xi32, #tpu.memory_space<vmem>>
        %gather3A_1334 = tpu.memref_squeeze %gather3A_1333 : memref<1x1024xi32, #tpu.memory_space<vmem>> -> memref<1024xi32, #tpu.memory_space<vmem>>
        %gather3A_1335 = tpu.vector_load_idx %gather3A_1334[%add3A_1330] : memref<1024xi32, #tpu.memory_space<vmem>>[vector<16xi32>], vector<16xi32>,
        %swap3A_1336 = arith.constant 1 : i32
        %swap3A_1337 = arith.constant 0 : i32
        %swap3A_1338 = arith.index_cast %swap3A_1336 : i32 to index
        %swap3A_1339 = arith.index_cast %swap3A_1337 : i32 to index
        %swap3A_1340 = arith.constant 64 : index
        %swap3A_1341 = tpu.vector_load %arg10[%swap3A_1338, %swap3A_1339, %swap3A_1340] {strides = array<i32>} : memref<2x8x128xi32, #tpu.memory_space<vmem>>, vector<16xi32>,
        tpu.vector_store %arg10[%swap3A_1338, %swap3A_1339, %swap3A_1340], %gather3A_1335 {strides = array<i32>} : memref<2x8x128xi32, #tpu.memory_space<vmem>>, vector<16xi32>,
        %add3A_1342 = arith.constant 640 : i32
        %add3A_1343 = vector.broadcast %add3A_1342 : i32 to vector<16xi32>
        %add3A_1344 = arith.addi %mul3A_5, %add3A_1343 : vector<16xi32>
        %gather3A_1345 = arith.constant 1 : i32
        %gather3A_1346 = arith.constant 0 : i32
        %gather3A_1347 = tpu.memref_slice %arg9[%gather3A_1345, %gather3A_1346] : memref<2x1024xi32, #tpu.memory_space<vmem>> -> memref<1x1024xi32, #tpu.memory_space<vmem>>
        %gather3A_1348 = tpu.memref_squeeze %gather3A_1347 : memref<1x1024xi32, #tpu.memory_space<vmem>> -> memref<1024xi32, #tpu.memory_space<vmem>>
        %gather3A_1349 = tpu.vector_load_idx %gather3A_1348[%add3A_1344] : memref<1024xi32, #tpu.memory_space<vmem>>[vector<16xi32>], vector<16xi32>,
        %swap3A_1350 = arith.constant 1 : i32
        %swap3A_1351 = arith.constant 0 : i32
        %swap3A_1352 = arith.index_cast %swap3A_1350 : i32 to index
        %swap3A_1353 = arith.index_cast %swap3A_1351 : i32 to index
        %swap3A_1354 = arith.constant 80 : index
        %swap3A_1355 = tpu.vector_load %arg10[%swap3A_1352, %swap3A_1353, %swap3A_1354] {strides = array<i32>} : memref<2x8x128xi32, #tpu.memory_space<vmem>>, vector<16xi32>,
        tpu.vector_store %arg10[%swap3A_1352, %swap3A_1353, %swap3A_1354], %gather3A_1349 {strides = array<i32>} : memref<2x8x128xi32, #tpu.memory_space<vmem>>, vector<16xi32>,
        %add3A_1356 = arith.constant 768 : i32
        %add3A_1357 = vector.broadcast %add3A_1356 : i32 to vector<16xi32>
        %add3A_1358 = arith.addi %mul3A_5, %add3A_1357 : vector<16xi32>
        %gather3A_1359 = arith.constant 1 : i32
        %gather3A_1360 = arith.constant 0 : i32
        %gather3A_1361 = tpu.memref_slice %arg9[%gather3A_1359, %gather3A_1360] : memref<2x1024xi32, #tpu.memory_space<vmem>> -> memref<1x1024xi32, #tpu.memory_space<vmem>>
        %gather3A_1362 = tpu.memref_squeeze %gather3A_1361 : memref<1x1024xi32, #tpu.memory_space<vmem>> -> memref<1024xi32, #tpu.memory_space<vmem>>
        %gather3A_1363 = tpu.vector_load_idx %gather3A_1362[%add3A_1358] : memref<1024xi32, #tpu.memory_space<vmem>>[vector<16xi32>], vector<16xi32>,
        %swap3A_1364 = arith.constant 1 : i32
        %swap3A_1365 = arith.constant 0 : i32
        %swap3A_1366 = arith.index_cast %swap3A_1364 : i32 to index
        %swap3A_1367 = arith.index_cast %swap3A_1365 : i32 to index
        %swap3A_1368 = arith.constant 96 : index
        %swap3A_1369 = tpu.vector_load %arg10[%swap3A_1366, %swap3A_1367, %swap3A_1368] {strides = array<i32>} : memref<2x8x128xi32, #tpu.memory_space<vmem>>, vector<16xi32>,
        tpu.vector_store %arg10[%swap3A_1366, %swap3A_1367, %swap3A_1368], %gather3A_1363 {strides = array<i32>} : memref<2x8x128xi32, #tpu.memory_space<vmem>>, vector<16xi32>,
        %add3A_1370 = arith.constant 896 : i32
        %add3A_1371 = vector.broadcast %add3A_1370 : i32 to vector<16xi32>
        %add3A_1372 = arith.addi %mul3A_5, %add3A_1371 : vector<16xi32>
        %gather3A_1373 = arith.constant 1 : i32
        %gather3A_1374 = arith.constant 0 : i32
        %gather3A_1375 = tpu.memref_slice %arg9[%gather3A_1373, %gather3A_1374] : memref<2x1024xi32, #tpu.memory_space<vmem>> -> memref<1x1024xi32, #tpu.memory_space<vmem>>
        %gather3A_1376 = tpu.memref_squeeze %gather3A_1375 : memref<1x1024xi32, #tpu.memory_space<vmem>> -> memref<1024xi32, #tpu.memory_space<vmem>>
        %gather3A_1377 = tpu.vector_load_idx %gather3A_1376[%add3A_1372] : memref<1024xi32, #tpu.memory_space<vmem>>[vector<16xi32>], vector<16xi32>,
        %swap3A_1378 = arith.constant 1 : i32
        %swap3A_1379 = arith.constant 0 : i32
        %swap3A_1380 = arith.index_cast %swap3A_1378 : i32 to index
        %swap3A_1381 = arith.index_cast %swap3A_1379 : i32 to index
        %swap3A_1382 = arith.constant 112 : index
        %swap3A_1383 = tpu.vector_load %arg10[%swap3A_1380, %swap3A_1381, %swap3A_1382] {strides = array<i32>} : memref<2x8x128xi32, #tpu.memory_space<vmem>>, vector<16xi32>,
        tpu.vector_store %arg10[%swap3A_1380, %swap3A_1381, %swap3A_1382], %gather3A_1377 {strides = array<i32>} : memref<2x8x128xi32, #tpu.memory_space<vmem>>, vector<16xi32>,
        %add3A_1384 = arith.constant 1 : i32
        %add3A_1385 = vector.broadcast %add3A_1384 : i32 to vector<16xi32>
        %add3A_1386 = arith.addi %mul3A_5, %add3A_1385 : vector<16xi32>
        %gather3A_1387 = arith.constant 1 : i32
        %gather3A_1388 = arith.constant 0 : i32
        %gather3A_1389 = tpu.memref_slice %arg9[%gather3A_1387, %gather3A_1388] : memref<2x1024xi32, #tpu.memory_space<vmem>> -> memref<1x1024xi32, #tpu.memory_space<vmem>>
        %gather3A_1390 = tpu.memref_squeeze %gather3A_1389 : memref<1x1024xi32, #tpu.memory_space<vmem>> -> memref<1024xi32, #tpu.memory_space<vmem>>
        %gather3A_1391 = tpu.vector_load_idx %gather3A_1390[%add3A_1386] : memref<1024xi32, #tpu.memory_space<vmem>>[vector<16xi32>], vector<16xi32>,
        %swap3A_1392 = arith.constant 1 : i32
        %swap3A_1393 = arith.constant 1 : i32
        %swap3A_1394 = arith.index_cast %swap3A_1392 : i32 to index
        %swap3A_1395 = arith.index_cast %swap3A_1393 : i32 to index
        %swap3A_1396 = arith.constant 0 : index
        %swap3A_1397 = tpu.vector_load %arg10[%swap3A_1394, %swap3A_1395, %swap3A_1396] {strides = array<i32>} : memref<2x8x128xi32, #tpu.memory_space<vmem>>, vector<16xi32>,
        tpu.vector_store %arg10[%swap3A_1394, %swap3A_1395, %swap3A_1396], %gather3A_1391 {strides = array<i32>} : memref<2x8x128xi32, #tpu.memory_space<vmem>>, vector<16xi32>,
        %add3A_1398 = arith.constant 129 : i32
        %add3A_1399 = vector.broadcast %add3A_1398 : i32 to vector<16xi32>
        %add3A_1400 = arith.addi %mul3A_5, %add3A_1399 : vector<16xi32>
        %gather3A_1401 = arith.constant 1 : i32
        %gather3A_1402 = arith.constant 0 : i32
        %gather3A_1403 = tpu.memref_slice %arg9[%gather3A_1401, %gather3A_1402] : memref<2x1024xi32, #tpu.memory_space<vmem>> -> memref<1x1024xi32, #tpu.memory_space<vmem>>
        %gather3A_1404 = tpu.memref_squeeze %gather3A_1403 : memref<1x1024xi32, #tpu.memory_space<vmem>> -> memref<1024xi32, #tpu.memory_space<vmem>>
        %gather3A_1405 = tpu.vector_load_idx %gather3A_1404[%add3A_1400] : memref<1024xi32, #tpu.memory_space<vmem>>[vector<16xi32>], vector<16xi32>,
        %swap3A_1406 = arith.constant 1 : i32
        %swap3A_1407 = arith.constant 1 : i32
        %swap3A_1408 = arith.index_cast %swap3A_1406 : i32 to index
        %swap3A_1409 = arith.index_cast %swap3A_1407 : i32 to index
        %swap3A_1410 = arith.constant 16 : index
        %swap3A_1411 = tpu.vector_load %arg10[%swap3A_1408, %swap3A_1409, %swap3A_1410] {strides = array<i32>} : memref<2x8x128xi32, #tpu.memory_space<vmem>>, vector<16xi32>,
        tpu.vector_store %arg10[%swap3A_1408, %swap3A_1409, %swap3A_1410], %gather3A_1405 {strides = array<i32>} : memref<2x8x128xi32, #tpu.memory_space<vmem>>, vector<16xi32>,
        %add3A_1412 = arith.constant 257 : i32
        %add3A_1413 = vector.broadcast %add3A_1412 : i32 to vector<16xi32>
        %add3A_1414 = arith.addi %mul3A_5, %add3A_1413 : vector<16xi32>
        %gather3A_1415 = arith.constant 1 : i32
        %gather3A_1416 = arith.constant 0 : i32
        %gather3A_1417 = tpu.memref_slice %arg9[%gather3A_1415, %gather3A_1416] : memref<2x1024xi32, #tpu.memory_space<vmem>> -> memref<1x1024xi32, #tpu.memory_space<vmem>>
        %gather3A_1418 = tpu.memref_squeeze %gather3A_1417 : memref<1x1024xi32, #tpu.memory_space<vmem>> -> memref<1024xi32, #tpu.memory_space<vmem>>
        %gather3A_1419 = tpu.vector_load_idx %gather3A_1418[%add3A_1414] : memref<1024xi32, #tpu.memory_space<vmem>>[vector<16xi32>], vector<16xi32>,
        %swap3A_1420 = arith.constant 1 : i32
        %swap3A_1421 = arith.constant 1 : i32
        %swap3A_1422 = arith.index_cast %swap3A_1420 : i32 to index
        %swap3A_1423 = arith.index_cast %swap3A_1421 : i32 to index
        %swap3A_1424 = arith.constant 32 : index
        %swap3A_1425 = tpu.vector_load %arg10[%swap3A_1422, %swap3A_1423, %swap3A_1424] {strides = array<i32>} : memref<2x8x128xi32, #tpu.memory_space<vmem>>, vector<16xi32>,
        tpu.vector_store %arg10[%swap3A_1422, %swap3A_1423, %swap3A_1424], %gather3A_1419 {strides = array<i32>} : memref<2x8x128xi32, #tpu.memory_space<vmem>>, vector<16xi32>,
        %add3A_1426 = arith.constant 385 : i32
        %add3A_1427 = vector.broadcast %add3A_1426 : i32 to vector<16xi32>
        %add3A_1428 = arith.addi %mul3A_5, %add3A_1427 : vector<16xi32>
        %gather3A_1429 = arith.constant 1 : i32
        %gather3A_1430 = arith.constant 0 : i32
        %gather3A_1431 = tpu.memref_slice %arg9[%gather3A_1429, %gather3A_1430] : memref<2x1024xi32, #tpu.memory_space<vmem>> -> memref<1x1024xi32, #tpu.memory_space<vmem>>
        %gather3A_1432 = tpu.memref_squeeze %gather3A_1431 : memref<1x1024xi32, #tpu.memory_space<vmem>> -> memref<1024xi32, #tpu.memory_space<vmem>>
        %gather3A_1433 = tpu.vector_load_idx %gather3A_1432[%add3A_1428] : memref<1024xi32, #tpu.memory_space<vmem>>[vector<16xi32>], vector<16xi32>,
        %swap3A_1434 = arith.constant 1 : i32
        %swap3A_1435 = arith.constant 1 : i32
        %swap3A_1436 = arith.index_cast %swap3A_1434 : i32 to index
        %swap3A_1437 = arith.index_cast %swap3A_1435 : i32 to index
        %swap3A_1438 = arith.constant 48 : index
        %swap3A_1439 = tpu.vector_load %arg10[%swap3A_1436, %swap3A_1437, %swap3A_1438] {strides = array<i32>} : memref<2x8x128xi32, #tpu.memory_space<vmem>>, vector<16xi32>,
        tpu.vector_store %arg10[%swap3A_1436, %swap3A_1437, %swap3A_1438], %gather3A_1433 {strides = array<i32>} : memref<2x8x128xi32, #tpu.memory_space<vmem>>, vector<16xi32>,
        %add3A_1440 = arith.constant 513 : i32
        %add3A_1441 = vector.broadcast %add3A_1440 : i32 to vector<16xi32>
        %add3A_1442 = arith.addi %mul3A_5, %add3A_1441 : vector<16xi32>
        %gather3A_1443 = arith.constant 1 : i32
        %gather3A_1444 = arith.constant 0 : i32
        %gather3A_1445 = tpu.memref_slice %arg9[%gather3A_1443, %gather3A_1444] : memref<2x1024xi32, #tpu.memory_space<vmem>> -> memref<1x1024xi32, #tpu.memory_space<vmem>>
        %gather3A_1446 = tpu.memref_squeeze %gather3A_1445 : memref<1x1024xi32, #tpu.memory_space<vmem>> -> memref<1024xi32, #tpu.memory_space<vmem>>
        %gather3A_1447 = tpu.vector_load_idx %gather3A_1446[%add3A_1442] : memref<1024xi32, #tpu.memory_space<vmem>>[vector<16xi32>], vector<16xi32>,
        %swap3A_1448 = arith.constant 1 : i32
        %swap3A_1449 = arith.constant 1 : i32
        %swap3A_1450 = arith.index_cast %swap3A_1448 : i32 to index
        %swap3A_1451 = arith.index_cast %swap3A_1449 : i32 to index
        %swap3A_1452 = arith.constant 64 : index
        %swap3A_1453 = tpu.vector_load %arg10[%swap3A_1450, %swap3A_1451, %swap3A_1452] {strides = array<i32>} : memref<2x8x128xi32, #tpu.memory_space<vmem>>, vector<16xi32>,
        tpu.vector_store %arg10[%swap3A_1450, %swap3A_1451, %swap3A_1452], %gather3A_1447 {strides = array<i32>} : memref<2x8x128xi32, #tpu.memory_space<vmem>>, vector<16xi32>,
        %add3A_1454 = arith.constant 641 : i32
        %add3A_1455 = vector.broadcast %add3A_1454 : i32 to vector<16xi32>
        %add3A_1456 = arith.addi %mul3A_5, %add3A_1455 : vector<16xi32>
        %gather3A_1457 = arith.constant 1 : i32
        %gather3A_1458 = arith.constant 0 : i32
        %gather3A_1459 = tpu.memref_slice %arg9[%gather3A_1457, %gather3A_1458] : memref<2x1024xi32, #tpu.memory_space<vmem>> -> memref<1x1024xi32, #tpu.memory_space<vmem>>
        %gather3A_1460 = tpu.memref_squeeze %gather3A_1459 : memref<1x1024xi32, #tpu.memory_space<vmem>> -> memref<1024xi32, #tpu.memory_space<vmem>>
        %gather3A_1461 = tpu.vector_load_idx %gather3A_1460[%add3A_1456] : memref<1024xi32, #tpu.memory_space<vmem>>[vector<16xi32>], vector<16xi32>,
        %swap3A_1462 = arith.constant 1 : i32
        %swap3A_1463 = arith.constant 1 : i32
        %swap3A_1464 = arith.index_cast %swap3A_1462 : i32 to index
        %swap3A_1465 = arith.index_cast %swap3A_1463 : i32 to index
        %swap3A_1466 = arith.constant 80 : index
        %swap3A_1467 = tpu.vector_load %arg10[%swap3A_1464, %swap3A_1465, %swap3A_1466] {strides = array<i32>} : memref<2x8x128xi32, #tpu.memory_space<vmem>>, vector<16xi32>,
        tpu.vector_store %arg10[%swap3A_1464, %swap3A_1465, %swap3A_1466], %gather3A_1461 {strides = array<i32>} : memref<2x8x128xi32, #tpu.memory_space<vmem>>, vector<16xi32>,
        %add3A_1468 = arith.constant 769 : i32
        %add3A_1469 = vector.broadcast %add3A_1468 : i32 to vector<16xi32>
        %add3A_1470 = arith.addi %mul3A_5, %add3A_1469 : vector<16xi32>
        %gather3A_1471 = arith.constant 1 : i32
        %gather3A_1472 = arith.constant 0 : i32
        %gather3A_1473 = tpu.memref_slice %arg9[%gather3A_1471, %gather3A_1472] : memref<2x1024xi32, #tpu.memory_space<vmem>> -> memref<1x1024xi32, #tpu.memory_space<vmem>>
        %gather3A_1474 = tpu.memref_squeeze %gather3A_1473 : memref<1x1024xi32, #tpu.memory_space<vmem>> -> memref<1024xi32, #tpu.memory_space<vmem>>
        %gather3A_1475 = tpu.vector_load_idx %gather3A_1474[%add3A_1470] : memref<1024xi32, #tpu.memory_space<vmem>>[vector<16xi32>], vector<16xi32>,
        %swap3A_1476 = arith.constant 1 : i32
        %swap3A_1477 = arith.constant 1 : i32
        %swap3A_1478 = arith.index_cast %swap3A_1476 : i32 to index
        %swap3A_1479 = arith.index_cast %swap3A_1477 : i32 to index
        %swap3A_1480 = arith.constant 96 : index
        %swap3A_1481 = tpu.vector_load %arg10[%swap3A_1478, %swap3A_1479, %swap3A_1480] {strides = array<i32>} : memref<2x8x128xi32, #tpu.memory_space<vmem>>, vector<16xi32>,
        tpu.vector_store %arg10[%swap3A_1478, %swap3A_1479, %swap3A_1480], %gather3A_1475 {strides = array<i32>} : memref<2x8x128xi32, #tpu.memory_space<vmem>>, vector<16xi32>,
        %add3A_1482 = arith.constant 897 : i32
        %add3A_1483 = vector.broadcast %add3A_1482 : i32 to vector<16xi32>
        %add3A_1484 = arith.addi %mul3A_5, %add3A_1483 : vector<16xi32>
        %gather3A_1485 = arith.constant 1 : i32
        %gather3A_1486 = arith.constant 0 : i32
        %gather3A_1487 = tpu.memref_slice %arg9[%gather3A_1485, %gather3A_1486] : memref<2x1024xi32, #tpu.memory_space<vmem>> -> memref<1x1024xi32, #tpu.memory_space<vmem>>
        %gather3A_1488 = tpu.memref_squeeze %gather3A_1487 : memref<1x1024xi32, #tpu.memory_space<vmem>> -> memref<1024xi32, #tpu.memory_space<vmem>>
        %gather3A_1489 = tpu.vector_load_idx %gather3A_1488[%add3A_1484] : memref<1024xi32, #tpu.memory_space<vmem>>[vector<16xi32>], vector<16xi32>,
        %swap3A_1490 = arith.constant 1 : i32
        %swap3A_1491 = arith.constant 1 : i32
        %swap3A_1492 = arith.index_cast %swap3A_1490 : i32 to index
        %swap3A_1493 = arith.index_cast %swap3A_1491 : i32 to index
        %swap3A_1494 = arith.constant 112 : index
        %swap3A_1495 = tpu.vector_load %arg10[%swap3A_1492, %swap3A_1493, %swap3A_1494] {strides = array<i32>} : memref<2x8x128xi32, #tpu.memory_space<vmem>>, vector<16xi32>,
        tpu.vector_store %arg10[%swap3A_1492, %swap3A_1493, %swap3A_1494], %gather3A_1489 {strides = array<i32>} : memref<2x8x128xi32, #tpu.memory_space<vmem>>, vector<16xi32>,
        %add3A_1496 = arith.constant 2 : i32
        %add3A_1497 = vector.broadcast %add3A_1496 : i32 to vector<16xi32>
        %add3A_1498 = arith.addi %mul3A_5, %add3A_1497 : vector<16xi32>
        %gather3A_1499 = arith.constant 1 : i32
        %gather3A_1500 = arith.constant 0 : i32
        %gather3A_1501 = tpu.memref_slice %arg9[%gather3A_1499, %gather3A_1500] : memref<2x1024xi32, #tpu.memory_space<vmem>> -> memref<1x1024xi32, #tpu.memory_space<vmem>>
        %gather3A_1502 = tpu.memref_squeeze %gather3A_1501 : memref<1x1024xi32, #tpu.memory_space<vmem>> -> memref<1024xi32, #tpu.memory_space<vmem>>
        %gather3A_1503 = tpu.vector_load_idx %gather3A_1502[%add3A_1498] : memref<1024xi32, #tpu.memory_space<vmem>>[vector<16xi32>], vector<16xi32>,
        %swap3A_1504 = arith.constant 1 : i32
        %swap3A_1505 = arith.constant 2 : i32
        %swap3A_1506 = arith.index_cast %swap3A_1504 : i32 to index
        %swap3A_1507 = arith.index_cast %swap3A_1505 : i32 to index
        %swap3A_1508 = arith.constant 0 : index
        %swap3A_1509 = tpu.vector_load %arg10[%swap3A_1506, %swap3A_1507, %swap3A_1508] {strides = array<i32>} : memref<2x8x128xi32, #tpu.memory_space<vmem>>, vector<16xi32>,
        tpu.vector_store %arg10[%swap3A_1506, %swap3A_1507, %swap3A_1508], %gather3A_1503 {strides = array<i32>} : memref<2x8x128xi32, #tpu.memory_space<vmem>>, vector<16xi32>,
        %add3A_1510 = arith.constant 130 : i32
        %add3A_1511 = vector.broadcast %add3A_1510 : i32 to vector<16xi32>
        %add3A_1512 = arith.addi %mul3A_5, %add3A_1511 : vector<16xi32>
        %gather3A_1513 = arith.constant 1 : i32
        %gather3A_1514 = arith.constant 0 : i32
        %gather3A_1515 = tpu.memref_slice %arg9[%gather3A_1513, %gather3A_1514] : memref<2x1024xi32, #tpu.memory_space<vmem>> -> memref<1x1024xi32, #tpu.memory_space<vmem>>
        %gather3A_1516 = tpu.memref_squeeze %gather3A_1515 : memref<1x1024xi32, #tpu.memory_space<vmem>> -> memref<1024xi32, #tpu.memory_space<vmem>>
        %gather3A_1517 = tpu.vector_load_idx %gather3A_1516[%add3A_1512] : memref<1024xi32, #tpu.memory_space<vmem>>[vector<16xi32>], vector<16xi32>,
        %swap3A_1518 = arith.constant 1 : i32
        %swap3A_1519 = arith.constant 2 : i32
        %swap3A_1520 = arith.index_cast %swap3A_1518 : i32 to index
        %swap3A_1521 = arith.index_cast %swap3A_1519 : i32 to index
        %swap3A_1522 = arith.constant 16 : index
        %swap3A_1523 = tpu.vector_load %arg10[%swap3A_1520, %swap3A_1521, %swap3A_1522] {strides = array<i32>} : memref<2x8x128xi32, #tpu.memory_space<vmem>>, vector<16xi32>,
        tpu.vector_store %arg10[%swap3A_1520, %swap3A_1521, %swap3A_1522], %gather3A_1517 {strides = array<i32>} : memref<2x8x128xi32, #tpu.memory_space<vmem>>, vector<16xi32>,
        %add3A_1524 = arith.constant 258 : i32
        %add3A_1525 = vector.broadcast %add3A_1524 : i32 to vector<16xi32>
        %add3A_1526 = arith.addi %mul3A_5, %add3A_1525 : vector<16xi32>
        %gather3A_1527 = arith.constant 1 : i32
        %gather3A_1528 = arith.constant 0 : i32
        %gather3A_1529 = tpu.memref_slice %arg9[%gather3A_1527, %gather3A_1528] : memref<2x1024xi32, #tpu.memory_space<vmem>> -> memref<1x1024xi32, #tpu.memory_space<vmem>>
        %gather3A_1530 = tpu.memref_squeeze %gather3A_1529 : memref<1x1024xi32, #tpu.memory_space<vmem>> -> memref<1024xi32, #tpu.memory_space<vmem>>
        %gather3A_1531 = tpu.vector_load_idx %gather3A_1530[%add3A_1526] : memref<1024xi32, #tpu.memory_space<vmem>>[vector<16xi32>], vector<16xi32>,
        %swap3A_1532 = arith.constant 1 : i32
        %swap3A_1533 = arith.constant 2 : i32
        %swap3A_1534 = arith.index_cast %swap3A_1532 : i32 to index
        %swap3A_1535 = arith.index_cast %swap3A_1533 : i32 to index
        %swap3A_1536 = arith.constant 32 : index
        %swap3A_1537 = tpu.vector_load %arg10[%swap3A_1534, %swap3A_1535, %swap3A_1536] {strides = array<i32>} : memref<2x8x128xi32, #tpu.memory_space<vmem>>, vector<16xi32>,
        tpu.vector_store %arg10[%swap3A_1534, %swap3A_1535, %swap3A_1536], %gather3A_1531 {strides = array<i32>} : memref<2x8x128xi32, #tpu.memory_space<vmem>>, vector<16xi32>,
        %add3A_1538 = arith.constant 386 : i32
        %add3A_1539 = vector.broadcast %add3A_1538 : i32 to vector<16xi32>
        %add3A_1540 = arith.addi %mul3A_5, %add3A_1539 : vector<16xi32>
        %gather3A_1541 = arith.constant 1 : i32
        %gather3A_1542 = arith.constant 0 : i32
        %gather3A_1543 = tpu.memref_slice %arg9[%gather3A_1541, %gather3A_1542] : memref<2x1024xi32, #tpu.memory_space<vmem>> -> memref<1x1024xi32, #tpu.memory_space<vmem>>
        %gather3A_1544 = tpu.memref_squeeze %gather3A_1543 : memref<1x1024xi32, #tpu.memory_space<vmem>> -> memref<1024xi32, #tpu.memory_space<vmem>>
        %gather3A_1545 = tpu.vector_load_idx %gather3A_1544[%add3A_1540] : memref<1024xi32, #tpu.memory_space<vmem>>[vector<16xi32>], vector<16xi32>,
        %swap3A_1546 = arith.constant 1 : i32
        %swap3A_1547 = arith.constant 2 : i32
        %swap3A_1548 = arith.index_cast %swap3A_1546 : i32 to index
        %swap3A_1549 = arith.index_cast %swap3A_1547 : i32 to index
        %swap3A_1550 = arith.constant 48 : index
        %swap3A_1551 = tpu.vector_load %arg10[%swap3A_1548, %swap3A_1549, %swap3A_1550] {strides = array<i32>} : memref<2x8x128xi32, #tpu.memory_space<vmem>>, vector<16xi32>,
        tpu.vector_store %arg10[%swap3A_1548, %swap3A_1549, %swap3A_1550], %gather3A_1545 {strides = array<i32>} : memref<2x8x128xi32, #tpu.memory_space<vmem>>, vector<16xi32>,
        %add3A_1552 = arith.constant 514 : i32
        %add3A_1553 = vector.broadcast %add3A_1552 : i32 to vector<16xi32>
        %add3A_1554 = arith.addi %mul3A_5, %add3A_1553 : vector<16xi32>
        %gather3A_1555 = arith.constant 1 : i32
        %gather3A_1556 = arith.constant 0 : i32
        %gather3A_1557 = tpu.memref_slice %arg9[%gather3A_1555, %gather3A_1556] : memref<2x1024xi32, #tpu.memory_space<vmem>> -> memref<1x1024xi32, #tpu.memory_space<vmem>>
        %gather3A_1558 = tpu.memref_squeeze %gather3A_1557 : memref<1x1024xi32, #tpu.memory_space<vmem>> -> memref<1024xi32, #tpu.memory_space<vmem>>
        %gather3A_1559 = tpu.vector_load_idx %gather3A_1558[%add3A_1554] : memref<1024xi32, #tpu.memory_space<vmem>>[vector<16xi32>], vector<16xi32>,
        %swap3A_1560 = arith.constant 1 : i32
        %swap3A_1561 = arith.constant 2 : i32
        %swap3A_1562 = arith.index_cast %swap3A_1560 : i32 to index
        %swap3A_1563 = arith.index_cast %swap3A_1561 : i32 to index
        %swap3A_1564 = arith.constant 64 : index
        %swap3A_1565 = tpu.vector_load %arg10[%swap3A_1562, %swap3A_1563, %swap3A_1564] {strides = array<i32>} : memref<2x8x128xi32, #tpu.memory_space<vmem>>, vector<16xi32>,
        tpu.vector_store %arg10[%swap3A_1562, %swap3A_1563, %swap3A_1564], %gather3A_1559 {strides = array<i32>} : memref<2x8x128xi32, #tpu.memory_space<vmem>>, vector<16xi32>,
        %add3A_1566 = arith.constant 642 : i32
        %add3A_1567 = vector.broadcast %add3A_1566 : i32 to vector<16xi32>
        %add3A_1568 = arith.addi %mul3A_5, %add3A_1567 : vector<16xi32>
        %gather3A_1569 = arith.constant 1 : i32
        %gather3A_1570 = arith.constant 0 : i32
        %gather3A_1571 = tpu.memref_slice %arg9[%gather3A_1569, %gather3A_1570] : memref<2x1024xi32, #tpu.memory_space<vmem>> -> memref<1x1024xi32, #tpu.memory_space<vmem>>
        %gather3A_1572 = tpu.memref_squeeze %gather3A_1571 : memref<1x1024xi32, #tpu.memory_space<vmem>> -> memref<1024xi32, #tpu.memory_space<vmem>>
        %gather3A_1573 = tpu.vector_load_idx %gather3A_1572[%add3A_1568] : memref<1024xi32, #tpu.memory_space<vmem>>[vector<16xi32>], vector<16xi32>,
        %swap3A_1574 = arith.constant 1 : i32
        %swap3A_1575 = arith.constant 2 : i32
        %swap3A_1576 = arith.index_cast %swap3A_1574 : i32 to index
        %swap3A_1577 = arith.index_cast %swap3A_1575 : i32 to index
        %swap3A_1578 = arith.constant 80 : index
        %swap3A_1579 = tpu.vector_load %arg10[%swap3A_1576, %swap3A_1577, %swap3A_1578] {strides = array<i32>} : memref<2x8x128xi32, #tpu.memory_space<vmem>>, vector<16xi32>,
        tpu.vector_store %arg10[%swap3A_1576, %swap3A_1577, %swap3A_1578], %gather3A_1573 {strides = array<i32>} : memref<2x8x128xi32, #tpu.memory_space<vmem>>, vector<16xi32>,
        %add3A_1580 = arith.constant 770 : i32
        %add3A_1581 = vector.broadcast %add3A_1580 : i32 to vector<16xi32>
        %add3A_1582 = arith.addi %mul3A_5, %add3A_1581 : vector<16xi32>
        %gather3A_1583 = arith.constant 1 : i32
        %gather3A_1584 = arith.constant 0 : i32
        %gather3A_1585 = tpu.memref_slice %arg9[%gather3A_1583, %gather3A_1584] : memref<2x1024xi32, #tpu.memory_space<vmem>> -> memref<1x1024xi32, #tpu.memory_space<vmem>>
        %gather3A_1586 = tpu.memref_squeeze %gather3A_1585 : memref<1x1024xi32, #tpu.memory_space<vmem>> -> memref<1024xi32, #tpu.memory_space<vmem>>
        %gather3A_1587 = tpu.vector_load_idx %gather3A_1586[%add3A_1582] : memref<1024xi32, #tpu.memory_space<vmem>>[vector<16xi32>], vector<16xi32>,
        %swap3A_1588 = arith.constant 1 : i32
        %swap3A_1589 = arith.constant 2 : i32
        %swap3A_1590 = arith.index_cast %swap3A_1588 : i32 to index
        %swap3A_1591 = arith.index_cast %swap3A_1589 : i32 to index
        %swap3A_1592 = arith.constant 96 : index
        %swap3A_1593 = tpu.vector_load %arg10[%swap3A_1590, %swap3A_1591, %swap3A_1592] {strides = array<i32>} : memref<2x8x128xi32, #tpu.memory_space<vmem>>, vector<16xi32>,
        tpu.vector_store %arg10[%swap3A_1590, %swap3A_1591, %swap3A_1592], %gather3A_1587 {strides = array<i32>} : memref<2x8x128xi32, #tpu.memory_space<vmem>>, vector<16xi32>,
        %add3A_1594 = arith.constant 898 : i32
        %add3A_1595 = vector.broadcast %add3A_1594 : i32 to vector<16xi32>
        %add3A_1596 = arith.addi %mul3A_5, %add3A_1595 : vector<16xi32>
        %gather3A_1597 = arith.constant 1 : i32
        %gather3A_1598 = arith.constant 0 : i32
        %gather3A_1599 = tpu.memref_slice %arg9[%gather3A_1597, %gather3A_1598] : memref<2x1024xi32, #tpu.memory_space<vmem>> -> memref<1x1024xi32, #tpu.memory_space<vmem>>
        %gather3A_1600 = tpu.memref_squeeze %gather3A_1599 : memref<1x1024xi32, #tpu.memory_space<vmem>> -> memref<1024xi32, #tpu.memory_space<vmem>>
        %gather3A_1601 = tpu.vector_load_idx %gather3A_1600[%add3A_1596] : memref<1024xi32, #tpu.memory_space<vmem>>[vector<16xi32>], vector<16xi32>,
        %swap3A_1602 = arith.constant 1 : i32
        %swap3A_1603 = arith.constant 2 : i32
        %swap3A_1604 = arith.index_cast %swap3A_1602 : i32 to index
        %swap3A_1605 = arith.index_cast %swap3A_1603 : i32 to index
        %swap3A_1606 = arith.constant 112 : index
        %swap3A_1607 = tpu.vector_load %arg10[%swap3A_1604, %swap3A_1605, %swap3A_1606] {strides = array<i32>} : memref<2x8x128xi32, #tpu.memory_space<vmem>>, vector<16xi32>,
        tpu.vector_store %arg10[%swap3A_1604, %swap3A_1605, %swap3A_1606], %gather3A_1601 {strides = array<i32>} : memref<2x8x128xi32, #tpu.memory_space<vmem>>, vector<16xi32>,
        %add3A_1608 = arith.constant 3 : i32
        %add3A_1609 = vector.broadcast %add3A_1608 : i32 to vector<16xi32>
        %add3A_1610 = arith.addi %mul3A_5, %add3A_1609 : vector<16xi32>
        %gather3A_1611 = arith.constant 1 : i32
        %gather3A_1612 = arith.constant 0 : i32
        %gather3A_1613 = tpu.memref_slice %arg9[%gather3A_1611, %gather3A_1612] : memref<2x1024xi32, #tpu.memory_space<vmem>> -> memref<1x1024xi32, #tpu.memory_space<vmem>>
        %gather3A_1614 = tpu.memref_squeeze %gather3A_1613 : memref<1x1024xi32, #tpu.memory_space<vmem>> -> memref<1024xi32, #tpu.memory_space<vmem>>
        %gather3A_1615 = tpu.vector_load_idx %gather3A_1614[%add3A_1610] : memref<1024xi32, #tpu.memory_space<vmem>>[vector<16xi32>], vector<16xi32>,
        %swap3A_1616 = arith.constant 1 : i32
        %swap3A_1617 = arith.constant 3 : i32
        %swap3A_1618 = arith.index_cast %swap3A_1616 : i32 to index
        %swap3A_1619 = arith.index_cast %swap3A_1617 : i32 to index
        %swap3A_1620 = arith.constant 0 : index
        %swap3A_1621 = tpu.vector_load %arg10[%swap3A_1618, %swap3A_1619, %swap3A_1620] {strides = array<i32>} : memref<2x8x128xi32, #tpu.memory_space<vmem>>, vector<16xi32>,
        tpu.vector_store %arg10[%swap3A_1618, %swap3A_1619, %swap3A_1620], %gather3A_1615 {strides = array<i32>} : memref<2x8x128xi32, #tpu.memory_space<vmem>>, vector<16xi32>,
        %add3A_1622 = arith.constant 131 : i32
        %add3A_1623 = vector.broadcast %add3A_1622 : i32 to vector<16xi32>
        %add3A_1624 = arith.addi %mul3A_5, %add3A_1623 : vector<16xi32>
        %gather3A_1625 = arith.constant 1 : i32
        %gather3A_1626 = arith.constant 0 : i32
        %gather3A_1627 = tpu.memref_slice %arg9[%gather3A_1625, %gather3A_1626] : memref<2x1024xi32, #tpu.memory_space<vmem>> -> memref<1x1024xi32, #tpu.memory_space<vmem>>
        %gather3A_1628 = tpu.memref_squeeze %gather3A_1627 : memref<1x1024xi32, #tpu.memory_space<vmem>> -> memref<1024xi32, #tpu.memory_space<vmem>>
        %gather3A_1629 = tpu.vector_load_idx %gather3A_1628[%add3A_1624] : memref<1024xi32, #tpu.memory_space<vmem>>[vector<16xi32>], vector<16xi32>,
        %swap3A_1630 = arith.constant 1 : i32
        %swap3A_1631 = arith.constant 3 : i32
        %swap3A_1632 = arith.index_cast %swap3A_1630 : i32 to index
        %swap3A_1633 = arith.index_cast %swap3A_1631 : i32 to index
        %swap3A_1634 = arith.constant 16 : index
        %swap3A_1635 = tpu.vector_load %arg10[%swap3A_1632, %swap3A_1633, %swap3A_1634] {strides = array<i32>} : memref<2x8x128xi32, #tpu.memory_space<vmem>>, vector<16xi32>,
        tpu.vector_store %arg10[%swap3A_1632, %swap3A_1633, %swap3A_1634], %gather3A_1629 {strides = array<i32>} : memref<2x8x128xi32, #tpu.memory_space<vmem>>, vector<16xi32>,
        %add3A_1636 = arith.constant 259 : i32
        %add3A_1637 = vector.broadcast %add3A_1636 : i32 to vector<16xi32>
        %add3A_1638 = arith.addi %mul3A_5, %add3A_1637 : vector<16xi32>
        %gather3A_1639 = arith.constant 1 : i32
        %gather3A_1640 = arith.constant 0 : i32
        %gather3A_1641 = tpu.memref_slice %arg9[%gather3A_1639, %gather3A_1640] : memref<2x1024xi32, #tpu.memory_space<vmem>> -> memref<1x1024xi32, #tpu.memory_space<vmem>>
        %gather3A_1642 = tpu.memref_squeeze %gather3A_1641 : memref<1x1024xi32, #tpu.memory_space<vmem>> -> memref<1024xi32, #tpu.memory_space<vmem>>
        %gather3A_1643 = tpu.vector_load_idx %gather3A_1642[%add3A_1638] : memref<1024xi32, #tpu.memory_space<vmem>>[vector<16xi32>], vector<16xi32>,
        %swap3A_1644 = arith.constant 1 : i32
        %swap3A_1645 = arith.constant 3 : i32
        %swap3A_1646 = arith.index_cast %swap3A_1644 : i32 to index
        %swap3A_1647 = arith.index_cast %swap3A_1645 : i32 to index
        %swap3A_1648 = arith.constant 32 : index
        %swap3A_1649 = tpu.vector_load %arg10[%swap3A_1646, %swap3A_1647, %swap3A_1648] {strides = array<i32>} : memref<2x8x128xi32, #tpu.memory_space<vmem>>, vector<16xi32>,
        tpu.vector_store %arg10[%swap3A_1646, %swap3A_1647, %swap3A_1648], %gather3A_1643 {strides = array<i32>} : memref<2x8x128xi32, #tpu.memory_space<vmem>>, vector<16xi32>,
        %add3A_1650 = arith.constant 387 : i32
        %add3A_1651 = vector.broadcast %add3A_1650 : i32 to vector<16xi32>
        %add3A_1652 = arith.addi %mul3A_5, %add3A_1651 : vector<16xi32>
        %gather3A_1653 = arith.constant 1 : i32
        %gather3A_1654 = arith.constant 0 : i32
        %gather3A_1655 = tpu.memref_slice %arg9[%gather3A_1653, %gather3A_1654] : memref<2x1024xi32, #tpu.memory_space<vmem>> -> memref<1x1024xi32, #tpu.memory_space<vmem>>
        %gather3A_1656 = tpu.memref_squeeze %gather3A_1655 : memref<1x1024xi32, #tpu.memory_space<vmem>> -> memref<1024xi32, #tpu.memory_space<vmem>>
        %gather3A_1657 = tpu.vector_load_idx %gather3A_1656[%add3A_1652] : memref<1024xi32, #tpu.memory_space<vmem>>[vector<16xi32>], vector<16xi32>,
        %swap3A_1658 = arith.constant 1 : i32
        %swap3A_1659 = arith.constant 3 : i32
        %swap3A_1660 = arith.index_cast %swap3A_1658 : i32 to index
        %swap3A_1661 = arith.index_cast %swap3A_1659 : i32 to index
        %swap3A_1662 = arith.constant 48 : index
        %swap3A_1663 = tpu.vector_load %arg10[%swap3A_1660, %swap3A_1661, %swap3A_1662] {strides = array<i32>} : memref<2x8x128xi32, #tpu.memory_space<vmem>>, vector<16xi32>,
        tpu.vector_store %arg10[%swap3A_1660, %swap3A_1661, %swap3A_1662], %gather3A_1657 {strides = array<i32>} : memref<2x8x128xi32, #tpu.memory_space<vmem>>, vector<16xi32>,
        %add3A_1664 = arith.constant 515 : i32
        %add3A_1665 = vector.broadcast %add3A_1664 : i32 to vector<16xi32>
        %add3A_1666 = arith.addi %mul3A_5, %add3A_1665 : vector<16xi32>
        %gather3A_1667 = arith.constant 1 : i32
        %gather3A_1668 = arith.constant 0 : i32
        %gather3A_1669 = tpu.memref_slice %arg9[%gather3A_1667, %gather3A_1668] : memref<2x1024xi32, #tpu.memory_space<vmem>> -> memref<1x1024xi32, #tpu.memory_space<vmem>>
        %gather3A_1670 = tpu.memref_squeeze %gather3A_1669 : memref<1x1024xi32, #tpu.memory_space<vmem>> -> memref<1024xi32, #tpu.memory_space<vmem>>
        %gather3A_1671 = tpu.vector_load_idx %gather3A_1670[%add3A_1666] : memref<1024xi32, #tpu.memory_space<vmem>>[vector<16xi32>], vector<16xi32>,
        %swap3A_1672 = arith.constant 1 : i32
        %swap3A_1673 = arith.constant 3 : i32
        %swap3A_1674 = arith.index_cast %swap3A_1672 : i32 to index
        %swap3A_1675 = arith.index_cast %swap3A_1673 : i32 to index
        %swap3A_1676 = arith.constant 64 : index
        %swap3A_1677 = tpu.vector_load %arg10[%swap3A_1674, %swap3A_1675, %swap3A_1676] {strides = array<i32>} : memref<2x8x128xi32, #tpu.memory_space<vmem>>, vector<16xi32>,
        tpu.vector_store %arg10[%swap3A_1674, %swap3A_1675, %swap3A_1676], %gather3A_1671 {strides = array<i32>} : memref<2x8x128xi32, #tpu.memory_space<vmem>>, vector<16xi32>,
        %add3A_1678 = arith.constant 643 : i32
        %add3A_1679 = vector.broadcast %add3A_1678 : i32 to vector<16xi32>
        %add3A_1680 = arith.addi %mul3A_5, %add3A_1679 : vector<16xi32>
        %gather3A_1681 = arith.constant 1 : i32
        %gather3A_1682 = arith.constant 0 : i32
        %gather3A_1683 = tpu.memref_slice %arg9[%gather3A_1681, %gather3A_1682] : memref<2x1024xi32, #tpu.memory_space<vmem>> -> memref<1x1024xi32, #tpu.memory_space<vmem>>
        %gather3A_1684 = tpu.memref_squeeze %gather3A_1683 : memref<1x1024xi32, #tpu.memory_space<vmem>> -> memref<1024xi32, #tpu.memory_space<vmem>>
        %gather3A_1685 = tpu.vector_load_idx %gather3A_1684[%add3A_1680] : memref<1024xi32, #tpu.memory_space<vmem>>[vector<16xi32>], vector<16xi32>,
        %swap3A_1686 = arith.constant 1 : i32
        %swap3A_1687 = arith.constant 3 : i32
        %swap3A_1688 = arith.index_cast %swap3A_1686 : i32 to index
        %swap3A_1689 = arith.index_cast %swap3A_1687 : i32 to index
        %swap3A_1690 = arith.constant 80 : index
        %swap3A_1691 = tpu.vector_load %arg10[%swap3A_1688, %swap3A_1689, %swap3A_1690] {strides = array<i32>} : memref<2x8x128xi32, #tpu.memory_space<vmem>>, vector<16xi32>,
        tpu.vector_store %arg10[%swap3A_1688, %swap3A_1689, %swap3A_1690], %gather3A_1685 {strides = array<i32>} : memref<2x8x128xi32, #tpu.memory_space<vmem>>, vector<16xi32>,
        %add3A_1692 = arith.constant 771 : i32
        %add3A_1693 = vector.broadcast %add3A_1692 : i32 to vector<16xi32>
        %add3A_1694 = arith.addi %mul3A_5, %add3A_1693 : vector<16xi32>
        %gather3A_1695 = arith.constant 1 : i32
        %gather3A_1696 = arith.constant 0 : i32
        %gather3A_1697 = tpu.memref_slice %arg9[%gather3A_1695, %gather3A_1696] : memref<2x1024xi32, #tpu.memory_space<vmem>> -> memref<1x1024xi32, #tpu.memory_space<vmem>>
        %gather3A_1698 = tpu.memref_squeeze %gather3A_1697 : memref<1x1024xi32, #tpu.memory_space<vmem>> -> memref<1024xi32, #tpu.memory_space<vmem>>
        %gather3A_1699 = tpu.vector_load_idx %gather3A_1698[%add3A_1694] : memref<1024xi32, #tpu.memory_space<vmem>>[vector<16xi32>], vector<16xi32>,
        %swap3A_1700 = arith.constant 1 : i32
        %swap3A_1701 = arith.constant 3 : i32
        %swap3A_1702 = arith.index_cast %swap3A_1700 : i32 to index
        %swap3A_1703 = arith.index_cast %swap3A_1701 : i32 to index
        %swap3A_1704 = arith.constant 96 : index
        %swap3A_1705 = tpu.vector_load %arg10[%swap3A_1702, %swap3A_1703, %swap3A_1704] {strides = array<i32>} : memref<2x8x128xi32, #tpu.memory_space<vmem>>, vector<16xi32>,
        tpu.vector_store %arg10[%swap3A_1702, %swap3A_1703, %swap3A_1704], %gather3A_1699 {strides = array<i32>} : memref<2x8x128xi32, #tpu.memory_space<vmem>>, vector<16xi32>,
        %add3A_1706 = arith.constant 899 : i32
        %add3A_1707 = vector.broadcast %add3A_1706 : i32 to vector<16xi32>
        %add3A_1708 = arith.addi %mul3A_5, %add3A_1707 : vector<16xi32>
        %gather3A_1709 = arith.constant 1 : i32
        %gather3A_1710 = arith.constant 0 : i32
        %gather3A_1711 = tpu.memref_slice %arg9[%gather3A_1709, %gather3A_1710] : memref<2x1024xi32, #tpu.memory_space<vmem>> -> memref<1x1024xi32, #tpu.memory_space<vmem>>
        %gather3A_1712 = tpu.memref_squeeze %gather3A_1711 : memref<1x1024xi32, #tpu.memory_space<vmem>> -> memref<1024xi32, #tpu.memory_space<vmem>>
        %gather3A_1713 = tpu.vector_load_idx %gather3A_1712[%add3A_1708] : memref<1024xi32, #tpu.memory_space<vmem>>[vector<16xi32>], vector<16xi32>,
        %swap3A_1714 = arith.constant 1 : i32
        %swap3A_1715 = arith.constant 3 : i32
        %swap3A_1716 = arith.index_cast %swap3A_1714 : i32 to index
        %swap3A_1717 = arith.index_cast %swap3A_1715 : i32 to index
        %swap3A_1718 = arith.constant 112 : index
        %swap3A_1719 = tpu.vector_load %arg10[%swap3A_1716, %swap3A_1717, %swap3A_1718] {strides = array<i32>} : memref<2x8x128xi32, #tpu.memory_space<vmem>>, vector<16xi32>,
        tpu.vector_store %arg10[%swap3A_1716, %swap3A_1717, %swap3A_1718], %gather3A_1713 {strides = array<i32>} : memref<2x8x128xi32, #tpu.memory_space<vmem>>, vector<16xi32>,
        %add3A_1720 = arith.constant 4 : i32
        %add3A_1721 = vector.broadcast %add3A_1720 : i32 to vector<16xi32>
        %add3A_1722 = arith.addi %mul3A_5, %add3A_1721 : vector<16xi32>
        %gather3A_1723 = arith.constant 1 : i32
        %gather3A_1724 = arith.constant 0 : i32
        %gather3A_1725 = tpu.memref_slice %arg9[%gather3A_1723, %gather3A_1724] : memref<2x1024xi32, #tpu.memory_space<vmem>> -> memref<1x1024xi32, #tpu.memory_space<vmem>>
        %gather3A_1726 = tpu.memref_squeeze %gather3A_1725 : memref<1x1024xi32, #tpu.memory_space<vmem>> -> memref<1024xi32, #tpu.memory_space<vmem>>
        %gather3A_1727 = tpu.vector_load_idx %gather3A_1726[%add3A_1722] : memref<1024xi32, #tpu.memory_space<vmem>>[vector<16xi32>], vector<16xi32>,
        %swap3A_1728 = arith.constant 1 : i32
        %swap3A_1729 = arith.constant 4 : i32
        %swap3A_1730 = arith.index_cast %swap3A_1728 : i32 to index
        %swap3A_1731 = arith.index_cast %swap3A_1729 : i32 to index
        %swap3A_1732 = arith.constant 0 : index
        %swap3A_1733 = tpu.vector_load %arg10[%swap3A_1730, %swap3A_1731, %swap3A_1732] {strides = array<i32>} : memref<2x8x128xi32, #tpu.memory_space<vmem>>, vector<16xi32>,
        tpu.vector_store %arg10[%swap3A_1730, %swap3A_1731, %swap3A_1732], %gather3A_1727 {strides = array<i32>} : memref<2x8x128xi32, #tpu.memory_space<vmem>>, vector<16xi32>,
        %add3A_1734 = arith.constant 132 : i32
        %add3A_1735 = vector.broadcast %add3A_1734 : i32 to vector<16xi32>
        %add3A_1736 = arith.addi %mul3A_5, %add3A_1735 : vector<16xi32>
        %gather3A_1737 = arith.constant 1 : i32
        %gather3A_1738 = arith.constant 0 : i32
        %gather3A_1739 = tpu.memref_slice %arg9[%gather3A_1737, %gather3A_1738] : memref<2x1024xi32, #tpu.memory_space<vmem>> -> memref<1x1024xi32, #tpu.memory_space<vmem>>
        %gather3A_1740 = tpu.memref_squeeze %gather3A_1739 : memref<1x1024xi32, #tpu.memory_space<vmem>> -> memref<1024xi32, #tpu.memory_space<vmem>>
        %gather3A_1741 = tpu.vector_load_idx %gather3A_1740[%add3A_1736] : memref<1024xi32, #tpu.memory_space<vmem>>[vector<16xi32>], vector<16xi32>,
        %swap3A_1742 = arith.constant 1 : i32
        %swap3A_1743 = arith.constant 4 : i32
        %swap3A_1744 = arith.index_cast %swap3A_1742 : i32 to index
        %swap3A_1745 = arith.index_cast %swap3A_1743 : i32 to index
        %swap3A_1746 = arith.constant 16 : index
        %swap3A_1747 = tpu.vector_load %arg10[%swap3A_1744, %swap3A_1745, %swap3A_1746] {strides = array<i32>} : memref<2x8x128xi32, #tpu.memory_space<vmem>>, vector<16xi32>,
        tpu.vector_store %arg10[%swap3A_1744, %swap3A_1745, %swap3A_1746], %gather3A_1741 {strides = array<i32>} : memref<2x8x128xi32, #tpu.memory_space<vmem>>, vector<16xi32>,
        %add3A_1748 = arith.constant 260 : i32
        %add3A_1749 = vector.broadcast %add3A_1748 : i32 to vector<16xi32>
        %add3A_1750 = arith.addi %mul3A_5, %add3A_1749 : vector<16xi32>
        %gather3A_1751 = arith.constant 1 : i32
        %gather3A_1752 = arith.constant 0 : i32
        %gather3A_1753 = tpu.memref_slice %arg9[%gather3A_1751, %gather3A_1752] : memref<2x1024xi32, #tpu.memory_space<vmem>> -> memref<1x1024xi32, #tpu.memory_space<vmem>>
        %gather3A_1754 = tpu.memref_squeeze %gather3A_1753 : memref<1x1024xi32, #tpu.memory_space<vmem>> -> memref<1024xi32, #tpu.memory_space<vmem>>
        %gather3A_1755 = tpu.vector_load_idx %gather3A_1754[%add3A_1750] : memref<1024xi32, #tpu.memory_space<vmem>>[vector<16xi32>], vector<16xi32>,
        %swap3A_1756 = arith.constant 1 : i32
        %swap3A_1757 = arith.constant 4 : i32
        %swap3A_1758 = arith.index_cast %swap3A_1756 : i32 to index
        %swap3A_1759 = arith.index_cast %swap3A_1757 : i32 to index
        %swap3A_1760 = arith.constant 32 : index
        %swap3A_1761 = tpu.vector_load %arg10[%swap3A_1758, %swap3A_1759, %swap3A_1760] {strides = array<i32>} : memref<2x8x128xi32, #tpu.memory_space<vmem>>, vector<16xi32>,
        tpu.vector_store %arg10[%swap3A_1758, %swap3A_1759, %swap3A_1760], %gather3A_1755 {strides = array<i32>} : memref<2x8x128xi32, #tpu.memory_space<vmem>>, vector<16xi32>,
        %add3A_1762 = arith.constant 388 : i32
        %add3A_1763 = vector.broadcast %add3A_1762 : i32 to vector<16xi32>
        %add3A_1764 = arith.addi %mul3A_5, %add3A_1763 : vector<16xi32>
        %gather3A_1765 = arith.constant 1 : i32
        %gather3A_1766 = arith.constant 0 : i32
        %gather3A_1767 = tpu.memref_slice %arg9[%gather3A_1765, %gather3A_1766] : memref<2x1024xi32, #tpu.memory_space<vmem>> -> memref<1x1024xi32, #tpu.memory_space<vmem>>
        %gather3A_1768 = tpu.memref_squeeze %gather3A_1767 : memref<1x1024xi32, #tpu.memory_space<vmem>> -> memref<1024xi32, #tpu.memory_space<vmem>>
        %gather3A_1769 = tpu.vector_load_idx %gather3A_1768[%add3A_1764] : memref<1024xi32, #tpu.memory_space<vmem>>[vector<16xi32>], vector<16xi32>,
        %swap3A_1770 = arith.constant 1 : i32
        %swap3A_1771 = arith.constant 4 : i32
        %swap3A_1772 = arith.index_cast %swap3A_1770 : i32 to index
        %swap3A_1773 = arith.index_cast %swap3A_1771 : i32 to index
        %swap3A_1774 = arith.constant 48 : index
        %swap3A_1775 = tpu.vector_load %arg10[%swap3A_1772, %swap3A_1773, %swap3A_1774] {strides = array<i32>} : memref<2x8x128xi32, #tpu.memory_space<vmem>>, vector<16xi32>,
        tpu.vector_store %arg10[%swap3A_1772, %swap3A_1773, %swap3A_1774], %gather3A_1769 {strides = array<i32>} : memref<2x8x128xi32, #tpu.memory_space<vmem>>, vector<16xi32>,
        %add3A_1776 = arith.constant 516 : i32
        %add3A_1777 = vector.broadcast %add3A_1776 : i32 to vector<16xi32>
        %add3A_1778 = arith.addi %mul3A_5, %add3A_1777 : vector<16xi32>
        %gather3A_1779 = arith.constant 1 : i32
        %gather3A_1780 = arith.constant 0 : i32
        %gather3A_1781 = tpu.memref_slice %arg9[%gather3A_1779, %gather3A_1780] : memref<2x1024xi32, #tpu.memory_space<vmem>> -> memref<1x1024xi32, #tpu.memory_space<vmem>>
        %gather3A_1782 = tpu.memref_squeeze %gather3A_1781 : memref<1x1024xi32, #tpu.memory_space<vmem>> -> memref<1024xi32, #tpu.memory_space<vmem>>
        %gather3A_1783 = tpu.vector_load_idx %gather3A_1782[%add3A_1778] : memref<1024xi32, #tpu.memory_space<vmem>>[vector<16xi32>], vector<16xi32>,
        %swap3A_1784 = arith.constant 1 : i32
        %swap3A_1785 = arith.constant 4 : i32
        %swap3A_1786 = arith.index_cast %swap3A_1784 : i32 to index
        %swap3A_1787 = arith.index_cast %swap3A_1785 : i32 to index
        %swap3A_1788 = arith.constant 64 : index
        %swap3A_1789 = tpu.vector_load %arg10[%swap3A_1786, %swap3A_1787, %swap3A_1788] {strides = array<i32>} : memref<2x8x128xi32, #tpu.memory_space<vmem>>, vector<16xi32>,
        tpu.vector_store %arg10[%swap3A_1786, %swap3A_1787, %swap3A_1788], %gather3A_1783 {strides = array<i32>} : memref<2x8x128xi32, #tpu.memory_space<vmem>>, vector<16xi32>,
        %add3A_1790 = arith.constant 644 : i32
        %add3A_1791 = vector.broadcast %add3A_1790 : i32 to vector<16xi32>
        %add3A_1792 = arith.addi %mul3A_5, %add3A_1791 : vector<16xi32>
        %gather3A_1793 = arith.constant 1 : i32
        %gather3A_1794 = arith.constant 0 : i32
        %gather3A_1795 = tpu.memref_slice %arg9[%gather3A_1793, %gather3A_1794] : memref<2x1024xi32, #tpu.memory_space<vmem>> -> memref<1x1024xi32, #tpu.memory_space<vmem>>
        %gather3A_1796 = tpu.memref_squeeze %gather3A_1795 : memref<1x1024xi32, #tpu.memory_space<vmem>> -> memref<1024xi32, #tpu.memory_space<vmem>>
        %gather3A_1797 = tpu.vector_load_idx %gather3A_1796[%add3A_1792] : memref<1024xi32, #tpu.memory_space<vmem>>[vector<16xi32>], vector<16xi32>,
        %swap3A_1798 = arith.constant 1 : i32
        %swap3A_1799 = arith.constant 4 : i32
        %swap3A_1800 = arith.index_cast %swap3A_1798 : i32 to index
        %swap3A_1801 = arith.index_cast %swap3A_1799 : i32 to index
        %swap3A_1802 = arith.constant 80 : index
        %swap3A_1803 = tpu.vector_load %arg10[%swap3A_1800, %swap3A_1801, %swap3A_1802] {strides = array<i32>} : memref<2x8x128xi32, #tpu.memory_space<vmem>>, vector<16xi32>,
        tpu.vector_store %arg10[%swap3A_1800, %swap3A_1801, %swap3A_1802], %gather3A_1797 {strides = array<i32>} : memref<2x8x128xi32, #tpu.memory_space<vmem>>, vector<16xi32>,
        %add3A_1804 = arith.constant 772 : i32
        %add3A_1805 = vector.broadcast %add3A_1804 : i32 to vector<16xi32>
        %add3A_1806 = arith.addi %mul3A_5, %add3A_1805 : vector<16xi32>
        %gather3A_1807 = arith.constant 1 : i32
        %gather3A_1808 = arith.constant 0 : i32
        %gather3A_1809 = tpu.memref_slice %arg9[%gather3A_1807, %gather3A_1808] : memref<2x1024xi32, #tpu.memory_space<vmem>> -> memref<1x1024xi32, #tpu.memory_space<vmem>>
        %gather3A_1810 = tpu.memref_squeeze %gather3A_1809 : memref<1x1024xi32, #tpu.memory_space<vmem>> -> memref<1024xi32, #tpu.memory_space<vmem>>
        %gather3A_1811 = tpu.vector_load_idx %gather3A_1810[%add3A_1806] : memref<1024xi32, #tpu.memory_space<vmem>>[vector<16xi32>], vector<16xi32>,
        %swap3A_1812 = arith.constant 1 : i32
        %swap3A_1813 = arith.constant 4 : i32
        %swap3A_1814 = arith.index_cast %swap3A_1812 : i32 to index
        %swap3A_1815 = arith.index_cast %swap3A_1813 : i32 to index
        %swap3A_1816 = arith.constant 96 : index
        %swap3A_1817 = tpu.vector_load %arg10[%swap3A_1814, %swap3A_1815, %swap3A_1816] {strides = array<i32>} : memref<2x8x128xi32, #tpu.memory_space<vmem>>, vector<16xi32>,
        tpu.vector_store %arg10[%swap3A_1814, %swap3A_1815, %swap3A_1816], %gather3A_1811 {strides = array<i32>} : memref<2x8x128xi32, #tpu.memory_space<vmem>>, vector<16xi32>,
        %add3A_1818 = arith.constant 900 : i32
        %add3A_1819 = vector.broadcast %add3A_1818 : i32 to vector<16xi32>
        %add3A_1820 = arith.addi %mul3A_5, %add3A_1819 : vector<16xi32>
        %gather3A_1821 = arith.constant 1 : i32
        %gather3A_1822 = arith.constant 0 : i32
        %gather3A_1823 = tpu.memref_slice %arg9[%gather3A_1821, %gather3A_1822] : memref<2x1024xi32, #tpu.memory_space<vmem>> -> memref<1x1024xi32, #tpu.memory_space<vmem>>
        %gather3A_1824 = tpu.memref_squeeze %gather3A_1823 : memref<1x1024xi32, #tpu.memory_space<vmem>> -> memref<1024xi32, #tpu.memory_space<vmem>>
        %gather3A_1825 = tpu.vector_load_idx %gather3A_1824[%add3A_1820] : memref<1024xi32, #tpu.memory_space<vmem>>[vector<16xi32>], vector<16xi32>,
        %swap3A_1826 = arith.constant 1 : i32
        %swap3A_1827 = arith.constant 4 : i32
        %swap3A_1828 = arith.index_cast %swap3A_1826 : i32 to index
        %swap3A_1829 = arith.index_cast %swap3A_1827 : i32 to index
        %swap3A_1830 = arith.constant 112 : index
        %swap3A_1831 = tpu.vector_load %arg10[%swap3A_1828, %swap3A_1829, %swap3A_1830] {strides = array<i32>} : memref<2x8x128xi32, #tpu.memory_space<vmem>>, vector<16xi32>,
        tpu.vector_store %arg10[%swap3A_1828, %swap3A_1829, %swap3A_1830], %gather3A_1825 {strides = array<i32>} : memref<2x8x128xi32, #tpu.memory_space<vmem>>, vector<16xi32>,
        %add3A_1832 = arith.constant 5 : i32
        %add3A_1833 = vector.broadcast %add3A_1832 : i32 to vector<16xi32>
        %add3A_1834 = arith.addi %mul3A_5, %add3A_1833 : vector<16xi32>
        %gather3A_1835 = arith.constant 1 : i32
        %gather3A_1836 = arith.constant 0 : i32
        %gather3A_1837 = tpu.memref_slice %arg9[%gather3A_1835, %gather3A_1836] : memref<2x1024xi32, #tpu.memory_space<vmem>> -> memref<1x1024xi32, #tpu.memory_space<vmem>>
        %gather3A_1838 = tpu.memref_squeeze %gather3A_1837 : memref<1x1024xi32, #tpu.memory_space<vmem>> -> memref<1024xi32, #tpu.memory_space<vmem>>
        %gather3A_1839 = tpu.vector_load_idx %gather3A_1838[%add3A_1834] : memref<1024xi32, #tpu.memory_space<vmem>>[vector<16xi32>], vector<16xi32>,
        %swap3A_1840 = arith.constant 1 : i32
        %swap3A_1841 = arith.constant 5 : i32
        %swap3A_1842 = arith.index_cast %swap3A_1840 : i32 to index
        %swap3A_1843 = arith.index_cast %swap3A_1841 : i32 to index
        %swap3A_1844 = arith.constant 0 : index
        %swap3A_1845 = tpu.vector_load %arg10[%swap3A_1842, %swap3A_1843, %swap3A_1844] {strides = array<i32>} : memref<2x8x128xi32, #tpu.memory_space<vmem>>, vector<16xi32>,
        tpu.vector_store %arg10[%swap3A_1842, %swap3A_1843, %swap3A_1844], %gather3A_1839 {strides = array<i32>} : memref<2x8x128xi32, #tpu.memory_space<vmem>>, vector<16xi32>,
        %add3A_1846 = arith.constant 133 : i32
        %add3A_1847 = vector.broadcast %add3A_1846 : i32 to vector<16xi32>
        %add3A_1848 = arith.addi %mul3A_5, %add3A_1847 : vector<16xi32>
        %gather3A_1849 = arith.constant 1 : i32
        %gather3A_1850 = arith.constant 0 : i32
        %gather3A_1851 = tpu.memref_slice %arg9[%gather3A_1849, %gather3A_1850] : memref<2x1024xi32, #tpu.memory_space<vmem>> -> memref<1x1024xi32, #tpu.memory_space<vmem>>
        %gather3A_1852 = tpu.memref_squeeze %gather3A_1851 : memref<1x1024xi32, #tpu.memory_space<vmem>> -> memref<1024xi32, #tpu.memory_space<vmem>>
        %gather3A_1853 = tpu.vector_load_idx %gather3A_1852[%add3A_1848] : memref<1024xi32, #tpu.memory_space<vmem>>[vector<16xi32>], vector<16xi32>,
        %swap3A_1854 = arith.constant 1 : i32
        %swap3A_1855 = arith.constant 5 : i32
        %swap3A_1856 = arith.index_cast %swap3A_1854 : i32 to index
        %swap3A_1857 = arith.index_cast %swap3A_1855 : i32 to index
        %swap3A_1858 = arith.constant 16 : index
        %swap3A_1859 = tpu.vector_load %arg10[%swap3A_1856, %swap3A_1857, %swap3A_1858] {strides = array<i32>} : memref<2x8x128xi32, #tpu.memory_space<vmem>>, vector<16xi32>,
        tpu.vector_store %arg10[%swap3A_1856, %swap3A_1857, %swap3A_1858], %gather3A_1853 {strides = array<i32>} : memref<2x8x128xi32, #tpu.memory_space<vmem>>, vector<16xi32>,
        %add3A_1860 = arith.constant 261 : i32
        %add3A_1861 = vector.broadcast %add3A_1860 : i32 to vector<16xi32>
        %add3A_1862 = arith.addi %mul3A_5, %add3A_1861 : vector<16xi32>
        %gather3A_1863 = arith.constant 1 : i32
        %gather3A_1864 = arith.constant 0 : i32
        %gather3A_1865 = tpu.memref_slice %arg9[%gather3A_1863, %gather3A_1864] : memref<2x1024xi32, #tpu.memory_space<vmem>> -> memref<1x1024xi32, #tpu.memory_space<vmem>>
        %gather3A_1866 = tpu.memref_squeeze %gather3A_1865 : memref<1x1024xi32, #tpu.memory_space<vmem>> -> memref<1024xi32, #tpu.memory_space<vmem>>
        %gather3A_1867 = tpu.vector_load_idx %gather3A_1866[%add3A_1862] : memref<1024xi32, #tpu.memory_space<vmem>>[vector<16xi32>], vector<16xi32>,
        %swap3A_1868 = arith.constant 1 : i32
        %swap3A_1869 = arith.constant 5 : i32
        %swap3A_1870 = arith.index_cast %swap3A_1868 : i32 to index
        %swap3A_1871 = arith.index_cast %swap3A_1869 : i32 to index
        %swap3A_1872 = arith.constant 32 : index
        %swap3A_1873 = tpu.vector_load %arg10[%swap3A_1870, %swap3A_1871, %swap3A_1872] {strides = array<i32>} : memref<2x8x128xi32, #tpu.memory_space<vmem>>, vector<16xi32>,
        tpu.vector_store %arg10[%swap3A_1870, %swap3A_1871, %swap3A_1872], %gather3A_1867 {strides = array<i32>} : memref<2x8x128xi32, #tpu.memory_space<vmem>>, vector<16xi32>,
        %add3A_1874 = arith.constant 389 : i32
        %add3A_1875 = vector.broadcast %add3A_1874 : i32 to vector<16xi32>
        %add3A_1876 = arith.addi %mul3A_5, %add3A_1875 : vector<16xi32>
        %gather3A_1877 = arith.constant 1 : i32
        %gather3A_1878 = arith.constant 0 : i32
        %gather3A_1879 = tpu.memref_slice %arg9[%gather3A_1877, %gather3A_1878] : memref<2x1024xi32, #tpu.memory_space<vmem>> -> memref<1x1024xi32, #tpu.memory_space<vmem>>
        %gather3A_1880 = tpu.memref_squeeze %gather3A_1879 : memref<1x1024xi32, #tpu.memory_space<vmem>> -> memref<1024xi32, #tpu.memory_space<vmem>>
        %gather3A_1881 = tpu.vector_load_idx %gather3A_1880[%add3A_1876] : memref<1024xi32, #tpu.memory_space<vmem>>[vector<16xi32>], vector<16xi32>,
        %swap3A_1882 = arith.constant 1 : i32
        %swap3A_1883 = arith.constant 5 : i32
        %swap3A_1884 = arith.index_cast %swap3A_1882 : i32 to index
        %swap3A_1885 = arith.index_cast %swap3A_1883 : i32 to index
        %swap3A_1886 = arith.constant 48 : index
        %swap3A_1887 = tpu.vector_load %arg10[%swap3A_1884, %swap3A_1885, %swap3A_1886] {strides = array<i32>} : memref<2x8x128xi32, #tpu.memory_space<vmem>>, vector<16xi32>,
        tpu.vector_store %arg10[%swap3A_1884, %swap3A_1885, %swap3A_1886], %gather3A_1881 {strides = array<i32>} : memref<2x8x128xi32, #tpu.memory_space<vmem>>, vector<16xi32>,
        %add3A_1888 = arith.constant 517 : i32
        %add3A_1889 = vector.broadcast %add3A_1888 : i32 to vector<16xi32>
        %add3A_1890 = arith.addi %mul3A_5, %add3A_1889 : vector<16xi32>
        %gather3A_1891 = arith.constant 1 : i32
        %gather3A_1892 = arith.constant 0 : i32
        %gather3A_1893 = tpu.memref_slice %arg9[%gather3A_1891, %gather3A_1892] : memref<2x1024xi32, #tpu.memory_space<vmem>> -> memref<1x1024xi32, #tpu.memory_space<vmem>>
        %gather3A_1894 = tpu.memref_squeeze %gather3A_1893 : memref<1x1024xi32, #tpu.memory_space<vmem>> -> memref<1024xi32, #tpu.memory_space<vmem>>
        %gather3A_1895 = tpu.vector_load_idx %gather3A_1894[%add3A_1890] : memref<1024xi32, #tpu.memory_space<vmem>>[vector<16xi32>], vector<16xi32>,
        %swap3A_1896 = arith.constant 1 : i32
        %swap3A_1897 = arith.constant 5 : i32
        %swap3A_1898 = arith.index_cast %swap3A_1896 : i32 to index
        %swap3A_1899 = arith.index_cast %swap3A_1897 : i32 to index
        %swap3A_1900 = arith.constant 64 : index
        %swap3A_1901 = tpu.vector_load %arg10[%swap3A_1898, %swap3A_1899, %swap3A_1900] {strides = array<i32>} : memref<2x8x128xi32, #tpu.memory_space<vmem>>, vector<16xi32>,
        tpu.vector_store %arg10[%swap3A_1898, %swap3A_1899, %swap3A_1900], %gather3A_1895 {strides = array<i32>} : memref<2x8x128xi32, #tpu.memory_space<vmem>>, vector<16xi32>,
        %add3A_1902 = arith.constant 645 : i32
        %add3A_1903 = vector.broadcast %add3A_1902 : i32 to vector<16xi32>
        %add3A_1904 = arith.addi %mul3A_5, %add3A_1903 : vector<16xi32>
        %gather3A_1905 = arith.constant 1 : i32
        %gather3A_1906 = arith.constant 0 : i32
        %gather3A_1907 = tpu.memref_slice %arg9[%gather3A_1905, %gather3A_1906] : memref<2x1024xi32, #tpu.memory_space<vmem>> -> memref<1x1024xi32, #tpu.memory_space<vmem>>
        %gather3A_1908 = tpu.memref_squeeze %gather3A_1907 : memref<1x1024xi32, #tpu.memory_space<vmem>> -> memref<1024xi32, #tpu.memory_space<vmem>>
        %gather3A_1909 = tpu.vector_load_idx %gather3A_1908[%add3A_1904] : memref<1024xi32, #tpu.memory_space<vmem>>[vector<16xi32>], vector<16xi32>,
        %swap3A_1910 = arith.constant 1 : i32
        %swap3A_1911 = arith.constant 5 : i32
        %swap3A_1912 = arith.index_cast %swap3A_1910 : i32 to index
        %swap3A_1913 = arith.index_cast %swap3A_1911 : i32 to index
        %swap3A_1914 = arith.constant 80 : index
        %swap3A_1915 = tpu.vector_load %arg10[%swap3A_1912, %swap3A_1913, %swap3A_1914] {strides = array<i32>} : memref<2x8x128xi32, #tpu.memory_space<vmem>>, vector<16xi32>,
        tpu.vector_store %arg10[%swap3A_1912, %swap3A_1913, %swap3A_1914], %gather3A_1909 {strides = array<i32>} : memref<2x8x128xi32, #tpu.memory_space<vmem>>, vector<16xi32>,
        %add3A_1916 = arith.constant 773 : i32
        %add3A_1917 = vector.broadcast %add3A_1916 : i32 to vector<16xi32>
        %add3A_1918 = arith.addi %mul3A_5, %add3A_1917 : vector<16xi32>
        %gather3A_1919 = arith.constant 1 : i32
        %gather3A_1920 = arith.constant 0 : i32
        %gather3A_1921 = tpu.memref_slice %arg9[%gather3A_1919, %gather3A_1920] : memref<2x1024xi32, #tpu.memory_space<vmem>> -> memref<1x1024xi32, #tpu.memory_space<vmem>>
        %gather3A_1922 = tpu.memref_squeeze %gather3A_1921 : memref<1x1024xi32, #tpu.memory_space<vmem>> -> memref<1024xi32, #tpu.memory_space<vmem>>
        %gather3A_1923 = tpu.vector_load_idx %gather3A_1922[%add3A_1918] : memref<1024xi32, #tpu.memory_space<vmem>>[vector<16xi32>], vector<16xi32>,
        %swap3A_1924 = arith.constant 1 : i32
        %swap3A_1925 = arith.constant 5 : i32
        %swap3A_1926 = arith.index_cast %swap3A_1924 : i32 to index
        %swap3A_1927 = arith.index_cast %swap3A_1925 : i32 to index
        %swap3A_1928 = arith.constant 96 : index
        %swap3A_1929 = tpu.vector_load %arg10[%swap3A_1926, %swap3A_1927, %swap3A_1928] {strides = array<i32>} : memref<2x8x128xi32, #tpu.memory_space<vmem>>, vector<16xi32>,
        tpu.vector_store %arg10[%swap3A_1926, %swap3A_1927, %swap3A_1928], %gather3A_1923 {strides = array<i32>} : memref<2x8x128xi32, #tpu.memory_space<vmem>>, vector<16xi32>,
        %add3A_1930 = arith.constant 901 : i32
        %add3A_1931 = vector.broadcast %add3A_1930 : i32 to vector<16xi32>
        %add3A_1932 = arith.addi %mul3A_5, %add3A_1931 : vector<16xi32>
        %gather3A_1933 = arith.constant 1 : i32
        %gather3A_1934 = arith.constant 0 : i32
        %gather3A_1935 = tpu.memref_slice %arg9[%gather3A_1933, %gather3A_1934] : memref<2x1024xi32, #tpu.memory_space<vmem>> -> memref<1x1024xi32, #tpu.memory_space<vmem>>
        %gather3A_1936 = tpu.memref_squeeze %gather3A_1935 : memref<1x1024xi32, #tpu.memory_space<vmem>> -> memref<1024xi32, #tpu.memory_space<vmem>>
        %gather3A_1937 = tpu.vector_load_idx %gather3A_1936[%add3A_1932] : memref<1024xi32, #tpu.memory_space<vmem>>[vector<16xi32>], vector<16xi32>,
        %swap3A_1938 = arith.constant 1 : i32
        %swap3A_1939 = arith.constant 5 : i32
        %swap3A_1940 = arith.index_cast %swap3A_1938 : i32 to index
        %swap3A_1941 = arith.index_cast %swap3A_1939 : i32 to index
        %swap3A_1942 = arith.constant 112 : index
        %swap3A_1943 = tpu.vector_load %arg10[%swap3A_1940, %swap3A_1941, %swap3A_1942] {strides = array<i32>} : memref<2x8x128xi32, #tpu.memory_space<vmem>>, vector<16xi32>,
        tpu.vector_store %arg10[%swap3A_1940, %swap3A_1941, %swap3A_1942], %gather3A_1937 {strides = array<i32>} : memref<2x8x128xi32, #tpu.memory_space<vmem>>, vector<16xi32>,
        %add3A_1944 = arith.constant 6 : i32
        %add3A_1945 = vector.broadcast %add3A_1944 : i32 to vector<16xi32>
        %add3A_1946 = arith.addi %mul3A_5, %add3A_1945 : vector<16xi32>
        %gather3A_1947 = arith.constant 1 : i32
        %gather3A_1948 = arith.constant 0 : i32
        %gather3A_1949 = tpu.memref_slice %arg9[%gather3A_1947, %gather3A_1948] : memref<2x1024xi32, #tpu.memory_space<vmem>> -> memref<1x1024xi32, #tpu.memory_space<vmem>>
        %gather3A_1950 = tpu.memref_squeeze %gather3A_1949 : memref<1x1024xi32, #tpu.memory_space<vmem>> -> memref<1024xi32, #tpu.memory_space<vmem>>
        %gather3A_1951 = tpu.vector_load_idx %gather3A_1950[%add3A_1946] : memref<1024xi32, #tpu.memory_space<vmem>>[vector<16xi32>], vector<16xi32>,
        %swap3A_1952 = arith.constant 1 : i32
        %swap3A_1953 = arith.constant 6 : i32
        %swap3A_1954 = arith.index_cast %swap3A_1952 : i32 to index
        %swap3A_1955 = arith.index_cast %swap3A_1953 : i32 to index
        %swap3A_1956 = arith.constant 0 : index
        %swap3A_1957 = tpu.vector_load %arg10[%swap3A_1954, %swap3A_1955, %swap3A_1956] {strides = array<i32>} : memref<2x8x128xi32, #tpu.memory_space<vmem>>, vector<16xi32>,
        tpu.vector_store %arg10[%swap3A_1954, %swap3A_1955, %swap3A_1956], %gather3A_1951 {strides = array<i32>} : memref<2x8x128xi32, #tpu.memory_space<vmem>>, vector<16xi32>,
        %add3A_1958 = arith.constant 134 : i32
        %add3A_1959 = vector.broadcast %add3A_1958 : i32 to vector<16xi32>
        %add3A_1960 = arith.addi %mul3A_5, %add3A_1959 : vector<16xi32>
        %gather3A_1961 = arith.constant 1 : i32
        %gather3A_1962 = arith.constant 0 : i32
        %gather3A_1963 = tpu.memref_slice %arg9[%gather3A_1961, %gather3A_1962] : memref<2x1024xi32, #tpu.memory_space<vmem>> -> memref<1x1024xi32, #tpu.memory_space<vmem>>
        %gather3A_1964 = tpu.memref_squeeze %gather3A_1963 : memref<1x1024xi32, #tpu.memory_space<vmem>> -> memref<1024xi32, #tpu.memory_space<vmem>>
        %gather3A_1965 = tpu.vector_load_idx %gather3A_1964[%add3A_1960] : memref<1024xi32, #tpu.memory_space<vmem>>[vector<16xi32>], vector<16xi32>,
        %swap3A_1966 = arith.constant 1 : i32
        %swap3A_1967 = arith.constant 6 : i32
        %swap3A_1968 = arith.index_cast %swap3A_1966 : i32 to index
        %swap3A_1969 = arith.index_cast %swap3A_1967 : i32 to index
        %swap3A_1970 = arith.constant 16 : index
        %swap3A_1971 = tpu.vector_load %arg10[%swap3A_1968, %swap3A_1969, %swap3A_1970] {strides = array<i32>} : memref<2x8x128xi32, #tpu.memory_space<vmem>>, vector<16xi32>,
        tpu.vector_store %arg10[%swap3A_1968, %swap3A_1969, %swap3A_1970], %gather3A_1965 {strides = array<i32>} : memref<2x8x128xi32, #tpu.memory_space<vmem>>, vector<16xi32>,
        %add3A_1972 = arith.constant 262 : i32
        %add3A_1973 = vector.broadcast %add3A_1972 : i32 to vector<16xi32>
        %add3A_1974 = arith.addi %mul3A_5, %add3A_1973 : vector<16xi32>
        %gather3A_1975 = arith.constant 1 : i32
        %gather3A_1976 = arith.constant 0 : i32
        %gather3A_1977 = tpu.memref_slice %arg9[%gather3A_1975, %gather3A_1976] : memref<2x1024xi32, #tpu.memory_space<vmem>> -> memref<1x1024xi32, #tpu.memory_space<vmem>>
        %gather3A_1978 = tpu.memref_squeeze %gather3A_1977 : memref<1x1024xi32, #tpu.memory_space<vmem>> -> memref<1024xi32, #tpu.memory_space<vmem>>
        %gather3A_1979 = tpu.vector_load_idx %gather3A_1978[%add3A_1974] : memref<1024xi32, #tpu.memory_space<vmem>>[vector<16xi32>], vector<16xi32>,
        %swap3A_1980 = arith.constant 1 : i32
        %swap3A_1981 = arith.constant 6 : i32
        %swap3A_1982 = arith.index_cast %swap3A_1980 : i32 to index
        %swap3A_1983 = arith.index_cast %swap3A_1981 : i32 to index
        %swap3A_1984 = arith.constant 32 : index
        %swap3A_1985 = tpu.vector_load %arg10[%swap3A_1982, %swap3A_1983, %swap3A_1984] {strides = array<i32>} : memref<2x8x128xi32, #tpu.memory_space<vmem>>, vector<16xi32>,
        tpu.vector_store %arg10[%swap3A_1982, %swap3A_1983, %swap3A_1984], %gather3A_1979 {strides = array<i32>} : memref<2x8x128xi32, #tpu.memory_space<vmem>>, vector<16xi32>,
        %add3A_1986 = arith.constant 390 : i32
        %add3A_1987 = vector.broadcast %add3A_1986 : i32 to vector<16xi32>
        %add3A_1988 = arith.addi %mul3A_5, %add3A_1987 : vector<16xi32>
        %gather3A_1989 = arith.constant 1 : i32
        %gather3A_1990 = arith.constant 0 : i32
        %gather3A_1991 = tpu.memref_slice %arg9[%gather3A_1989, %gather3A_1990] : memref<2x1024xi32, #tpu.memory_space<vmem>> -> memref<1x1024xi32, #tpu.memory_space<vmem>>
        %gather3A_1992 = tpu.memref_squeeze %gather3A_1991 : memref<1x1024xi32, #tpu.memory_space<vmem>> -> memref<1024xi32, #tpu.memory_space<vmem>>
        %gather3A_1993 = tpu.vector_load_idx %gather3A_1992[%add3A_1988] : memref<1024xi32, #tpu.memory_space<vmem>>[vector<16xi32>], vector<16xi32>,
        %swap3A_1994 = arith.constant 1 : i32
        %swap3A_1995 = arith.constant 6 : i32
        %swap3A_1996 = arith.index_cast %swap3A_1994 : i32 to index
        %swap3A_1997 = arith.index_cast %swap3A_1995 : i32 to index
        %swap3A_1998 = arith.constant 48 : index
        %swap3A_1999 = tpu.vector_load %arg10[%swap3A_1996, %swap3A_1997, %swap3A_1998] {strides = array<i32>} : memref<2x8x128xi32, #tpu.memory_space<vmem>>, vector<16xi32>,
        tpu.vector_store %arg10[%swap3A_1996, %swap3A_1997, %swap3A_1998], %gather3A_1993 {strides = array<i32>} : memref<2x8x128xi32, #tpu.memory_space<vmem>>, vector<16xi32>,
        %add3A_2000 = arith.constant 518 : i32
        %add3A_2001 = vector.broadcast %add3A_2000 : i32 to vector<16xi32>
        %add3A_2002 = arith.addi %mul3A_5, %add3A_2001 : vector<16xi32>
        %gather3A_2003 = arith.constant 1 : i32
        %gather3A_2004 = arith.constant 0 : i32
        %gather3A_2005 = tpu.memref_slice %arg9[%gather3A_2003, %gather3A_2004] : memref<2x1024xi32, #tpu.memory_space<vmem>> -> memref<1x1024xi32, #tpu.memory_space<vmem>>
        %gather3A_2006 = tpu.memref_squeeze %gather3A_2005 : memref<1x1024xi32, #tpu.memory_space<vmem>> -> memref<1024xi32, #tpu.memory_space<vmem>>
        %gather3A_2007 = tpu.vector_load_idx %gather3A_2006[%add3A_2002] : memref<1024xi32, #tpu.memory_space<vmem>>[vector<16xi32>], vector<16xi32>,
        %swap3A_2008 = arith.constant 1 : i32
        %swap3A_2009 = arith.constant 6 : i32
        %swap3A_2010 = arith.index_cast %swap3A_2008 : i32 to index
        %swap3A_2011 = arith.index_cast %swap3A_2009 : i32 to index
        %swap3A_2012 = arith.constant 64 : index
        %swap3A_2013 = tpu.vector_load %arg10[%swap3A_2010, %swap3A_2011, %swap3A_2012] {strides = array<i32>} : memref<2x8x128xi32, #tpu.memory_space<vmem>>, vector<16xi32>,
        tpu.vector_store %arg10[%swap3A_2010, %swap3A_2011, %swap3A_2012], %gather3A_2007 {strides = array<i32>} : memref<2x8x128xi32, #tpu.memory_space<vmem>>, vector<16xi32>,
        %add3A_2014 = arith.constant 646 : i32
        %add3A_2015 = vector.broadcast %add3A_2014 : i32 to vector<16xi32>
        %add3A_2016 = arith.addi %mul3A_5, %add3A_2015 : vector<16xi32>
        %gather3A_2017 = arith.constant 1 : i32
        %gather3A_2018 = arith.constant 0 : i32
        %gather3A_2019 = tpu.memref_slice %arg9[%gather3A_2017, %gather3A_2018] : memref<2x1024xi32, #tpu.memory_space<vmem>> -> memref<1x1024xi32, #tpu.memory_space<vmem>>
        %gather3A_2020 = tpu.memref_squeeze %gather3A_2019 : memref<1x1024xi32, #tpu.memory_space<vmem>> -> memref<1024xi32, #tpu.memory_space<vmem>>
        %gather3A_2021 = tpu.vector_load_idx %gather3A_2020[%add3A_2016] : memref<1024xi32, #tpu.memory_space<vmem>>[vector<16xi32>], vector<16xi32>,
        %swap3A_2022 = arith.constant 1 : i32
        %swap3A_2023 = arith.constant 6 : i32
        %swap3A_2024 = arith.index_cast %swap3A_2022 : i32 to index
        %swap3A_2025 = arith.index_cast %swap3A_2023 : i32 to index
        %swap3A_2026 = arith.constant 80 : index
        %swap3A_2027 = tpu.vector_load %arg10[%swap3A_2024, %swap3A_2025, %swap3A_2026] {strides = array<i32>} : memref<2x8x128xi32, #tpu.memory_space<vmem>>, vector<16xi32>,
        tpu.vector_store %arg10[%swap3A_2024, %swap3A_2025, %swap3A_2026], %gather3A_2021 {strides = array<i32>} : memref<2x8x128xi32, #tpu.memory_space<vmem>>, vector<16xi32>,
        %add3A_2028 = arith.constant 774 : i32
        %add3A_2029 = vector.broadcast %add3A_2028 : i32 to vector<16xi32>
        %add3A_2030 = arith.addi %mul3A_5, %add3A_2029 : vector<16xi32>
        %gather3A_2031 = arith.constant 1 : i32
        %gather3A_2032 = arith.constant 0 : i32
        %gather3A_2033 = tpu.memref_slice %arg9[%gather3A_2031, %gather3A_2032] : memref<2x1024xi32, #tpu.memory_space<vmem>> -> memref<1x1024xi32, #tpu.memory_space<vmem>>
        %gather3A_2034 = tpu.memref_squeeze %gather3A_2033 : memref<1x1024xi32, #tpu.memory_space<vmem>> -> memref<1024xi32, #tpu.memory_space<vmem>>
        %gather3A_2035 = tpu.vector_load_idx %gather3A_2034[%add3A_2030] : memref<1024xi32, #tpu.memory_space<vmem>>[vector<16xi32>], vector<16xi32>,
        %swap3A_2036 = arith.constant 1 : i32
        %swap3A_2037 = arith.constant 6 : i32
        %swap3A_2038 = arith.index_cast %swap3A_2036 : i32 to index
        %swap3A_2039 = arith.index_cast %swap3A_2037 : i32 to index
        %swap3A_2040 = arith.constant 96 : index
        %swap3A_2041 = tpu.vector_load %arg10[%swap3A_2038, %swap3A_2039, %swap3A_2040] {strides = array<i32>} : memref<2x8x128xi32, #tpu.memory_space<vmem>>, vector<16xi32>,
        tpu.vector_store %arg10[%swap3A_2038, %swap3A_2039, %swap3A_2040], %gather3A_2035 {strides = array<i32>} : memref<2x8x128xi32, #tpu.memory_space<vmem>>, vector<16xi32>,
        %add3A_2042 = arith.constant 902 : i32
        %add3A_2043 = vector.broadcast %add3A_2042 : i32 to vector<16xi32>
        %add3A_2044 = arith.addi %mul3A_5, %add3A_2043 : vector<16xi32>
        %gather3A_2045 = arith.constant 1 : i32
        %gather3A_2046 = arith.constant 0 : i32
        %gather3A_2047 = tpu.memref_slice %arg9[%gather3A_2045, %gather3A_2046] : memref<2x1024xi32, #tpu.memory_space<vmem>> -> memref<1x1024xi32, #tpu.memory_space<vmem>>
        %gather3A_2048 = tpu.memref_squeeze %gather3A_2047 : memref<1x1024xi32, #tpu.memory_space<vmem>> -> memref<1024xi32, #tpu.memory_space<vmem>>
        %gather3A_2049 = tpu.vector_load_idx %gather3A_2048[%add3A_2044] : memref<1024xi32, #tpu.memory_space<vmem>>[vector<16xi32>], vector<16xi32>,
        %swap3A_2050 = arith.constant 1 : i32
        %swap3A_2051 = arith.constant 6 : i32
        %swap3A_2052 = arith.index_cast %swap3A_2050 : i32 to index
        %swap3A_2053 = arith.index_cast %swap3A_2051 : i32 to index
        %swap3A_2054 = arith.constant 112 : index
        %swap3A_2055 = tpu.vector_load %arg10[%swap3A_2052, %swap3A_2053, %swap3A_2054] {strides = array<i32>} : memref<2x8x128xi32, #tpu.memory_space<vmem>>, vector<16xi32>,
        tpu.vector_store %arg10[%swap3A_2052, %swap3A_2053, %swap3A_2054], %gather3A_2049 {strides = array<i32>} : memref<2x8x128xi32, #tpu.memory_space<vmem>>, vector<16xi32>,
        %add3A_2056 = arith.constant 7 : i32
        %add3A_2057 = vector.broadcast %add3A_2056 : i32 to vector<16xi32>
        %add3A_2058 = arith.addi %mul3A_5, %add3A_2057 : vector<16xi32>
        %gather3A_2059 = arith.constant 1 : i32
        %gather3A_2060 = arith.constant 0 : i32
        %gather3A_2061 = tpu.memref_slice %arg9[%gather3A_2059, %gather3A_2060] : memref<2x1024xi32, #tpu.memory_space<vmem>> -> memref<1x1024xi32, #tpu.memory_space<vmem>>
        %gather3A_2062 = tpu.memref_squeeze %gather3A_2061 : memref<1x1024xi32, #tpu.memory_space<vmem>> -> memref<1024xi32, #tpu.memory_space<vmem>>
        %gather3A_2063 = tpu.vector_load_idx %gather3A_2062[%add3A_2058] : memref<1024xi32, #tpu.memory_space<vmem>>[vector<16xi32>], vector<16xi32>,
        %swap3A_2064 = arith.constant 1 : i32
        %swap3A_2065 = arith.constant 7 : i32
        %swap3A_2066 = arith.index_cast %swap3A_2064 : i32 to index
        %swap3A_2067 = arith.index_cast %swap3A_2065 : i32 to index
        %swap3A_2068 = arith.constant 0 : index
        %swap3A_2069 = tpu.vector_load %arg10[%swap3A_2066, %swap3A_2067, %swap3A_2068] {strides = array<i32>} : memref<2x8x128xi32, #tpu.memory_space<vmem>>, vector<16xi32>,
        tpu.vector_store %arg10[%swap3A_2066, %swap3A_2067, %swap3A_2068], %gather3A_2063 {strides = array<i32>} : memref<2x8x128xi32, #tpu.memory_space<vmem>>, vector<16xi32>,
        %add3A_2070 = arith.constant 135 : i32
        %add3A_2071 = vector.broadcast %add3A_2070 : i32 to vector<16xi32>
        %add3A_2072 = arith.addi %mul3A_5, %add3A_2071 : vector<16xi32>
        %gather3A_2073 = arith.constant 1 : i32
        %gather3A_2074 = arith.constant 0 : i32
        %gather3A_2075 = tpu.memref_slice %arg9[%gather3A_2073, %gather3A_2074] : memref<2x1024xi32, #tpu.memory_space<vmem>> -> memref<1x1024xi32, #tpu.memory_space<vmem>>
        %gather3A_2076 = tpu.memref_squeeze %gather3A_2075 : memref<1x1024xi32, #tpu.memory_space<vmem>> -> memref<1024xi32, #tpu.memory_space<vmem>>
        %gather3A_2077 = tpu.vector_load_idx %gather3A_2076[%add3A_2072] : memref<1024xi32, #tpu.memory_space<vmem>>[vector<16xi32>], vector<16xi32>,
        %swap3A_2078 = arith.constant 1 : i32
        %swap3A_2079 = arith.constant 7 : i32
        %swap3A_2080 = arith.index_cast %swap3A_2078 : i32 to index
        %swap3A_2081 = arith.index_cast %swap3A_2079 : i32 to index
        %swap3A_2082 = arith.constant 16 : index
        %swap3A_2083 = tpu.vector_load %arg10[%swap3A_2080, %swap3A_2081, %swap3A_2082] {strides = array<i32>} : memref<2x8x128xi32, #tpu.memory_space<vmem>>, vector<16xi32>,
        tpu.vector_store %arg10[%swap3A_2080, %swap3A_2081, %swap3A_2082], %gather3A_2077 {strides = array<i32>} : memref<2x8x128xi32, #tpu.memory_space<vmem>>, vector<16xi32>,
        %add3A_2084 = arith.constant 263 : i32
        %add3A_2085 = vector.broadcast %add3A_2084 : i32 to vector<16xi32>
        %add3A_2086 = arith.addi %mul3A_5, %add3A_2085 : vector<16xi32>
        %gather3A_2087 = arith.constant 1 : i32
        %gather3A_2088 = arith.constant 0 : i32
        %gather3A_2089 = tpu.memref_slice %arg9[%gather3A_2087, %gather3A_2088] : memref<2x1024xi32, #tpu.memory_space<vmem>> -> memref<1x1024xi32, #tpu.memory_space<vmem>>
        %gather3A_2090 = tpu.memref_squeeze %gather3A_2089 : memref<1x1024xi32, #tpu.memory_space<vmem>> -> memref<1024xi32, #tpu.memory_space<vmem>>
        %gather3A_2091 = tpu.vector_load_idx %gather3A_2090[%add3A_2086] : memref<1024xi32, #tpu.memory_space<vmem>>[vector<16xi32>], vector<16xi32>,
        %swap3A_2092 = arith.constant 1 : i32
        %swap3A_2093 = arith.constant 7 : i32
        %swap3A_2094 = arith.index_cast %swap3A_2092 : i32 to index
        %swap3A_2095 = arith.index_cast %swap3A_2093 : i32 to index
        %swap3A_2096 = arith.constant 32 : index
        %swap3A_2097 = tpu.vector_load %arg10[%swap3A_2094, %swap3A_2095, %swap3A_2096] {strides = array<i32>} : memref<2x8x128xi32, #tpu.memory_space<vmem>>, vector<16xi32>,
        tpu.vector_store %arg10[%swap3A_2094, %swap3A_2095, %swap3A_2096], %gather3A_2091 {strides = array<i32>} : memref<2x8x128xi32, #tpu.memory_space<vmem>>, vector<16xi32>,
        %add3A_2098 = arith.constant 391 : i32
        %add3A_2099 = vector.broadcast %add3A_2098 : i32 to vector<16xi32>
        %add3A_2100 = arith.addi %mul3A_5, %add3A_2099 : vector<16xi32>
        %gather3A_2101 = arith.constant 1 : i32
        %gather3A_2102 = arith.constant 0 : i32
        %gather3A_2103 = tpu.memref_slice %arg9[%gather3A_2101, %gather3A_2102] : memref<2x1024xi32, #tpu.memory_space<vmem>> -> memref<1x1024xi32, #tpu.memory_space<vmem>>
        %gather3A_2104 = tpu.memref_squeeze %gather3A_2103 : memref<1x1024xi32, #tpu.memory_space<vmem>> -> memref<1024xi32, #tpu.memory_space<vmem>>
        %gather3A_2105 = tpu.vector_load_idx %gather3A_2104[%add3A_2100] : memref<1024xi32, #tpu.memory_space<vmem>>[vector<16xi32>], vector<16xi32>,
        %swap3A_2106 = arith.constant 1 : i32
        %swap3A_2107 = arith.constant 7 : i32
        %swap3A_2108 = arith.index_cast %swap3A_2106 : i32 to index
        %swap3A_2109 = arith.index_cast %swap3A_2107 : i32 to index
        %swap3A_2110 = arith.constant 48 : index
        %swap3A_2111 = tpu.vector_load %arg10[%swap3A_2108, %swap3A_2109, %swap3A_2110] {strides = array<i32>} : memref<2x8x128xi32, #tpu.memory_space<vmem>>, vector<16xi32>,
        tpu.vector_store %arg10[%swap3A_2108, %swap3A_2109, %swap3A_2110], %gather3A_2105 {strides = array<i32>} : memref<2x8x128xi32, #tpu.memory_space<vmem>>, vector<16xi32>,
        %add3A_2112 = arith.constant 519 : i32
        %add3A_2113 = vector.broadcast %add3A_2112 : i32 to vector<16xi32>
        %add3A_2114 = arith.addi %mul3A_5, %add3A_2113 : vector<16xi32>
        %gather3A_2115 = arith.constant 1 : i32
        %gather3A_2116 = arith.constant 0 : i32
        %gather3A_2117 = tpu.memref_slice %arg9[%gather3A_2115, %gather3A_2116] : memref<2x1024xi32, #tpu.memory_space<vmem>> -> memref<1x1024xi32, #tpu.memory_space<vmem>>
        %gather3A_2118 = tpu.memref_squeeze %gather3A_2117 : memref<1x1024xi32, #tpu.memory_space<vmem>> -> memref<1024xi32, #tpu.memory_space<vmem>>
        %gather3A_2119 = tpu.vector_load_idx %gather3A_2118[%add3A_2114] : memref<1024xi32, #tpu.memory_space<vmem>>[vector<16xi32>], vector<16xi32>,
        %swap3A_2120 = arith.constant 1 : i32
        %swap3A_2121 = arith.constant 7 : i32
        %swap3A_2122 = arith.index_cast %swap3A_2120 : i32 to index
        %swap3A_2123 = arith.index_cast %swap3A_2121 : i32 to index
        %swap3A_2124 = arith.constant 64 : index
        %swap3A_2125 = tpu.vector_load %arg10[%swap3A_2122, %swap3A_2123, %swap3A_2124] {strides = array<i32>} : memref<2x8x128xi32, #tpu.memory_space<vmem>>, vector<16xi32>,
        tpu.vector_store %arg10[%swap3A_2122, %swap3A_2123, %swap3A_2124], %gather3A_2119 {strides = array<i32>} : memref<2x8x128xi32, #tpu.memory_space<vmem>>, vector<16xi32>,
        %add3A_2126 = arith.constant 647 : i32
        %add3A_2127 = vector.broadcast %add3A_2126 : i32 to vector<16xi32>
        %add3A_2128 = arith.addi %mul3A_5, %add3A_2127 : vector<16xi32>
        %gather3A_2129 = arith.constant 1 : i32
        %gather3A_2130 = arith.constant 0 : i32
        %gather3A_2131 = tpu.memref_slice %arg9[%gather3A_2129, %gather3A_2130] : memref<2x1024xi32, #tpu.memory_space<vmem>> -> memref<1x1024xi32, #tpu.memory_space<vmem>>
        %gather3A_2132 = tpu.memref_squeeze %gather3A_2131 : memref<1x1024xi32, #tpu.memory_space<vmem>> -> memref<1024xi32, #tpu.memory_space<vmem>>
        %gather3A_2133 = tpu.vector_load_idx %gather3A_2132[%add3A_2128] : memref<1024xi32, #tpu.memory_space<vmem>>[vector<16xi32>], vector<16xi32>,
        %swap3A_2134 = arith.constant 1 : i32
        %swap3A_2135 = arith.constant 7 : i32
        %swap3A_2136 = arith.index_cast %swap3A_2134 : i32 to index
        %swap3A_2137 = arith.index_cast %swap3A_2135 : i32 to index
        %swap3A_2138 = arith.constant 80 : index
        %swap3A_2139 = tpu.vector_load %arg10[%swap3A_2136, %swap3A_2137, %swap3A_2138] {strides = array<i32>} : memref<2x8x128xi32, #tpu.memory_space<vmem>>, vector<16xi32>,
        tpu.vector_store %arg10[%swap3A_2136, %swap3A_2137, %swap3A_2138], %gather3A_2133 {strides = array<i32>} : memref<2x8x128xi32, #tpu.memory_space<vmem>>, vector<16xi32>,
        %add3A_2140 = arith.constant 775 : i32
        %add3A_2141 = vector.broadcast %add3A_2140 : i32 to vector<16xi32>
        %add3A_2142 = arith.addi %mul3A_5, %add3A_2141 : vector<16xi32>
        %gather3A_2143 = arith.constant 1 : i32
        %gather3A_2144 = arith.constant 0 : i32
        %gather3A_2145 = tpu.memref_slice %arg9[%gather3A_2143, %gather3A_2144] : memref<2x1024xi32, #tpu.memory_space<vmem>> -> memref<1x1024xi32, #tpu.memory_space<vmem>>
        %gather3A_2146 = tpu.memref_squeeze %gather3A_2145 : memref<1x1024xi32, #tpu.memory_space<vmem>> -> memref<1024xi32, #tpu.memory_space<vmem>>
        %gather3A_2147 = tpu.vector_load_idx %gather3A_2146[%add3A_2142] : memref<1024xi32, #tpu.memory_space<vmem>>[vector<16xi32>], vector<16xi32>,
        %swap3A_2148 = arith.constant 1 : i32
        %swap3A_2149 = arith.constant 7 : i32
        %swap3A_2150 = arith.index_cast %swap3A_2148 : i32 to index
        %swap3A_2151 = arith.index_cast %swap3A_2149 : i32 to index
        %swap3A_2152 = arith.constant 96 : index
        %swap3A_2153 = tpu.vector_load %arg10[%swap3A_2150, %swap3A_2151, %swap3A_2152] {strides = array<i32>} : memref<2x8x128xi32, #tpu.memory_space<vmem>>, vector<16xi32>,
        tpu.vector_store %arg10[%swap3A_2150, %swap3A_2151, %swap3A_2152], %gather3A_2147 {strides = array<i32>} : memref<2x8x128xi32, #tpu.memory_space<vmem>>, vector<16xi32>,
        %add3A_2154 = arith.constant 903 : i32
        %add3A_2155 = vector.broadcast %add3A_2154 : i32 to vector<16xi32>
        %add3A_2156 = arith.addi %mul3A_5, %add3A_2155 : vector<16xi32>
        %gather3A_2157 = arith.constant 1 : i32
        %gather3A_2158 = arith.constant 0 : i32
        %gather3A_2159 = tpu.memref_slice %arg9[%gather3A_2157, %gather3A_2158] : memref<2x1024xi32, #tpu.memory_space<vmem>> -> memref<1x1024xi32, #tpu.memory_space<vmem>>
        %gather3A_2160 = tpu.memref_squeeze %gather3A_2159 : memref<1x1024xi32, #tpu.memory_space<vmem>> -> memref<1024xi32, #tpu.memory_space<vmem>>
        %gather3A_2161 = tpu.vector_load_idx %gather3A_2160[%add3A_2156] : memref<1024xi32, #tpu.memory_space<vmem>>[vector<16xi32>], vector<16xi32>,
        %swap3A_2162 = arith.constant 1 : i32
        %swap3A_2163 = arith.constant 7 : i32
        %swap3A_2164 = arith.index_cast %swap3A_2162 : i32 to index
        %swap3A_2165 = arith.index_cast %swap3A_2163 : i32 to index
        %swap3A_2166 = arith.constant 112 : index
        %swap3A_2167 = tpu.vector_load %arg10[%swap3A_2164, %swap3A_2165, %swap3A_2166] {strides = array<i32>} : memref<2x8x128xi32, #tpu.memory_space<vmem>>, vector<16xi32>,
        tpu.vector_store %arg10[%swap3A_2164, %swap3A_2165, %swap3A_2166], %gather3A_2161 {strides = array<i32>} : memref<2x8x128xi32, #tpu.memory_space<vmem>>, vector<16xi32>,
        %dma_start3A_2168 = arith.constant 1 : i32
        %dma_start3A_2169 = arith.constant 0 : i32
        %dma_start3A_2170 = arith.constant 0 : i32
        %dma_start3A_2171 = tpu.memref_slice %arg10[%dma_start3A_2168, %dma_start3A_2169, %dma_start3A_2170] : memref<2x8x128xi32, #tpu.memory_space<vmem>> -> memref<1x1x128xi32, #tpu.memory_space<vmem>>
        %dma_start3A_2172 = tpu.memref_squeeze %dma_start3A_2171 : memref<1x1x128xi32, #tpu.memory_space<vmem>> -> memref<128xi32, #tpu.memory_space<vmem>>
        %dma_start3A_2173 = arith.constant 0 : i32
        %dma_start3A_2174 = arith.constant 0 : i32
        %dma_start3A_2175 = tpu.memref_slice %arg3[%dma_start3A_2173, %dma_start3A_2174] : memref<100000x64xf32, #tpu.memory_space<hbm>> -> memref<100000x64xf32, #tpu.memory_space<hbm>>
        tpu.enqueue_indirect_dma source(%dma_start3A_2175 : memref<100000x64xf32, #tpu.memory_space<hbm>>) target(%arg19 : memref<128x64xf32, #tpu.memory_space<vmem>>) offsets(%dma_start3A_2172 : memref<128xi32, #tpu.memory_space<vmem>>) semaphore(%arg28 : memref<!tpu.dma_semaphore, #tpu.memory_space<semaphore_mem>>)
        %dma_start3A_2176 = arith.constant 1 : i32
        %dma_start3A_2177 = arith.constant 1 : i32
        %dma_start3A_2178 = arith.constant 0 : i32
        %dma_start3A_2179 = tpu.memref_slice %arg10[%dma_start3A_2176, %dma_start3A_2177, %dma_start3A_2178] : memref<2x8x128xi32, #tpu.memory_space<vmem>> -> memref<1x1x128xi32, #tpu.memory_space<vmem>>
        %dma_start3A_2180 = tpu.memref_squeeze %dma_start3A_2179 : memref<1x1x128xi32, #tpu.memory_space<vmem>> -> memref<128xi32, #tpu.memory_space<vmem>>
        %dma_start3A_2181 = arith.constant 0 : i32
        %dma_start3A_2182 = arith.constant 0 : i32
        %dma_start3A_2183 = tpu.memref_slice %arg4[%dma_start3A_2181, %dma_start3A_2182] : memref<100000x32xf32, #tpu.memory_space<hbm>> -> memref<100000x32xf32, #tpu.memory_space<hbm>>
        tpu.enqueue_indirect_dma source(%dma_start3A_2183 : memref<100000x32xf32, #tpu.memory_space<hbm>>) target(%arg20 : memref<128x32xf32, #tpu.memory_space<vmem>>) offsets(%dma_start3A_2180 : memref<128xi32, #tpu.memory_space<vmem>>) semaphore(%arg28 : memref<!tpu.dma_semaphore, #tpu.memory_space<semaphore_mem>>)
        %dma_start3A_2184 = arith.constant 1 : i32
        %dma_start3A_2185 = arith.constant 2 : i32
        %dma_start3A_2186 = arith.constant 0 : i32
        %dma_start3A_2187 = tpu.memref_slice %arg10[%dma_start3A_2184, %dma_start3A_2185, %dma_start3A_2186] : memref<2x8x128xi32, #tpu.memory_space<vmem>> -> memref<1x1x128xi32, #tpu.memory_space<vmem>>
        %dma_start3A_2188 = tpu.memref_squeeze %dma_start3A_2187 : memref<1x1x128xi32, #tpu.memory_space<vmem>> -> memref<128xi32, #tpu.memory_space<vmem>>
        %dma_start3A_2189 = arith.constant 0 : i32
        %dma_start3A_2190 = arith.constant 0 : i32
        %dma_start3A_2191 = tpu.memref_slice %arg4[%dma_start3A_2189, %dma_start3A_2190] : memref<100000x32xf32, #tpu.memory_space<hbm>> -> memref<100000x32xf32, #tpu.memory_space<hbm>>
        tpu.enqueue_indirect_dma source(%dma_start3A_2191 : memref<100000x32xf32, #tpu.memory_space<hbm>>) target(%arg21 : memref<128x32xf32, #tpu.memory_space<vmem>>) offsets(%dma_start3A_2188 : memref<128xi32, #tpu.memory_space<vmem>>) semaphore(%arg28 : memref<!tpu.dma_semaphore, #tpu.memory_space<semaphore_mem>>)
        %dma_start3A_2192 = arith.constant 1 : i32
        %dma_start3A_2193 = arith.constant 3 : i32
        %dma_start3A_2194 = arith.constant 0 : i32
        %dma_start3A_2195 = tpu.memref_slice %arg10[%dma_start3A_2192, %dma_start3A_2193, %dma_start3A_2194] : memref<2x8x128xi32, #tpu.memory_space<vmem>> -> memref<1x1x128xi32, #tpu.memory_space<vmem>>
        %dma_start3A_2196 = tpu.memref_squeeze %dma_start3A_2195 : memref<1x1x128xi32, #tpu.memory_space<vmem>> -> memref<128xi32, #tpu.memory_space<vmem>>
        %dma_start3A_2197 = arith.constant 0 : i32
        %dma_start3A_2198 = arith.constant 0 : i32
        %dma_start3A_2199 = tpu.memref_slice %arg4[%dma_start3A_2197, %dma_start3A_2198] : memref<100000x32xf32, #tpu.memory_space<hbm>> -> memref<100000x32xf32, #tpu.memory_space<hbm>>
        tpu.enqueue_indirect_dma source(%dma_start3A_2199 : memref<100000x32xf32, #tpu.memory_space<hbm>>) target(%arg22 : memref<128x32xf32, #tpu.memory_space<vmem>>) offsets(%dma_start3A_2196 : memref<128xi32, #tpu.memory_space<vmem>>) semaphore(%arg28 : memref<!tpu.dma_semaphore, #tpu.memory_space<semaphore_mem>>)
        %dma_start3A_2200 = arith.constant 1 : i32
        %dma_start3A_2201 = arith.constant 4 : i32
        %dma_start3A_2202 = arith.constant 0 : i32
        %dma_start3A_2203 = tpu.memref_slice %arg10[%dma_start3A_2200, %dma_start3A_2201, %dma_start3A_2202] : memref<2x8x128xi32, #tpu.memory_space<vmem>> -> memref<1x1x128xi32, #tpu.memory_space<vmem>>
        %dma_start3A_2204 = tpu.memref_squeeze %dma_start3A_2203 : memref<1x1x128xi32, #tpu.memory_space<vmem>> -> memref<128xi32, #tpu.memory_space<vmem>>
        %dma_start3A_2205 = arith.constant 0 : i32
        %dma_start3A_2206 = arith.constant 0 : i32
        %dma_start3A_2207 = tpu.memref_slice %arg4[%dma_start3A_2205, %dma_start3A_2206] : memref<100000x32xf32, #tpu.memory_space<hbm>> -> memref<100000x32xf32, #tpu.memory_space<hbm>>
        tpu.enqueue_indirect_dma source(%dma_start3A_2207 : memref<100000x32xf32, #tpu.memory_space<hbm>>) target(%arg23 : memref<128x32xf32, #tpu.memory_space<vmem>>) offsets(%dma_start3A_2204 : memref<128xi32, #tpu.memory_space<vmem>>) semaphore(%arg28 : memref<!tpu.dma_semaphore, #tpu.memory_space<semaphore_mem>>)
        %dma_start3A_2208 = arith.constant 1 : i32
        %dma_start3A_2209 = arith.constant 5 : i32
        %dma_start3A_2210 = arith.constant 0 : i32
        %dma_start3A_2211 = tpu.memref_slice %arg10[%dma_start3A_2208, %dma_start3A_2209, %dma_start3A_2210] : memref<2x8x128xi32, #tpu.memory_space<vmem>> -> memref<1x1x128xi32, #tpu.memory_space<vmem>>
        %dma_start3A_2212 = tpu.memref_squeeze %dma_start3A_2211 : memref<1x1x128xi32, #tpu.memory_space<vmem>> -> memref<128xi32, #tpu.memory_space<vmem>>
        %dma_start3A_2213 = arith.constant 0 : i32
        %dma_start3A_2214 = arith.constant 0 : i32
        %dma_start3A_2215 = tpu.memref_slice %arg5[%dma_start3A_2213, %dma_start3A_2214] : memref<100000x16xf32, #tpu.memory_space<hbm>> -> memref<100000x16xf32, #tpu.memory_space<hbm>>
        tpu.enqueue_indirect_dma source(%dma_start3A_2215 : memref<100000x16xf32, #tpu.memory_space<hbm>>) target(%arg24 : memref<128x16xf32, #tpu.memory_space<vmem>>) offsets(%dma_start3A_2212 : memref<128xi32, #tpu.memory_space<vmem>>) semaphore(%arg28 : memref<!tpu.dma_semaphore, #tpu.memory_space<semaphore_mem>>)
        %dma_start3A_2216 = arith.constant 1 : i32
        %dma_start3A_2217 = arith.constant 6 : i32
        %dma_start3A_2218 = arith.constant 0 : i32
        %dma_start3A_2219 = tpu.memref_slice %arg10[%dma_start3A_2216, %dma_start3A_2217, %dma_start3A_2218] : memref<2x8x128xi32, #tpu.memory_space<vmem>> -> memref<1x1x128xi32, #tpu.memory_space<vmem>>
        %dma_start3A_2220 = tpu.memref_squeeze %dma_start3A_2219 : memref<1x1x128xi32, #tpu.memory_space<vmem>> -> memref<128xi32, #tpu.memory_space<vmem>>
        %dma_start3A_2221 = arith.constant 0 : i32
        %dma_start3A_2222 = arith.constant 0 : i32
        %dma_start3A_2223 = tpu.memref_slice %arg6[%dma_start3A_2221, %dma_start3A_2222] : memref<100000x16xf32, #tpu.memory_space<hbm>> -> memref<100000x16xf32, #tpu.memory_space<hbm>>
        tpu.enqueue_indirect_dma source(%dma_start3A_2223 : memref<100000x16xf32, #tpu.memory_space<hbm>>) target(%arg25 : memref<128x16xf32, #tpu.memory_space<vmem>>) offsets(%dma_start3A_2220 : memref<128xi32, #tpu.memory_space<vmem>>) semaphore(%arg28 : memref<!tpu.dma_semaphore, #tpu.memory_space<semaphore_mem>>)
        %dma_start3A_2224 = arith.constant 1 : i32
        %dma_start3A_2225 = arith.constant 7 : i32
        %dma_start3A_2226 = arith.constant 0 : i32
        %dma_start3A_2227 = tpu.memref_slice %arg10[%dma_start3A_2224, %dma_start3A_2225, %dma_start3A_2226] : memref<2x8x128xi32, #tpu.memory_space<vmem>> -> memref<1x1x128xi32, #tpu.memory_space<vmem>>
        %dma_start3A_2228 = tpu.memref_squeeze %dma_start3A_2227 : memref<1x1x128xi32, #tpu.memory_space<vmem>> -> memref<128xi32, #tpu.memory_space<vmem>>
        %dma_start3A_2229 = arith.constant 0 : i32
        %dma_start3A_2230 = arith.constant 0 : i32
        %dma_start3A_2231 = tpu.memref_slice %arg7[%dma_start3A_2229, %dma_start3A_2230] : memref<100000x32xf32, #tpu.memory_space<hbm>> -> memref<100000x32xf32, #tpu.memory_space<hbm>>
        tpu.enqueue_indirect_dma source(%dma_start3A_2231 : memref<100000x32xf32, #tpu.memory_space<hbm>>) target(%arg26 : memref<128x32xf32, #tpu.memory_space<vmem>>) offsets(%dma_start3A_2228 : memref<128xi32, #tpu.memory_space<vmem>>) semaphore(%arg28 : memref<!tpu.dma_semaphore, #tpu.memory_space<semaphore_mem>>)
      } else {
      }
      %dma_wait3A_1036 = arith.constant 0 : i32
      %dma_wait3A_1037 = arith.constant 0 : i32
      %dma_wait3A_1038 = arith.constant 0 : i32
      %dma_wait3A_1039 = tpu.memref_slice %arg10[%dma_wait3A_1036, %dma_wait3A_1037, %dma_wait3A_1038] : memref<2x8x128xi32, #tpu.memory_space<vmem>> -> memref<1x1x128xi32, #tpu.memory_space<vmem>>
      %dma_wait3A_1040 = tpu.memref_squeeze %dma_wait3A_1039 : memref<1x1x128xi32, #tpu.memory_space<vmem>> -> memref<128xi32, #tpu.memory_space<vmem>>
      %dma_wait3A_1041 = arith.constant 0 : i32
      %dma_wait3A_1042 = arith.constant 0 : i32
      %dma_wait3A_1043 = tpu.memref_slice %arg3[%dma_wait3A_1041, %dma_wait3A_1042] : memref<100000x64xf32, #tpu.memory_space<hbm>> -> memref<100000x64xf32, #tpu.memory_space<hbm>>
      tpu.wait_indirect_dma semaphore(%arg27 : memref<!tpu.dma_semaphore, #tpu.memory_space<semaphore_mem>>) src(%dma_wait3A_1043 : memref<100000x64xf32, #tpu.memory_space<hbm>>) dst(%arg11 : memref<128x64xf32, #tpu.memory_space<vmem>>)
      %dma_wait3A_1044 = arith.constant 0 : i32
      %dma_wait3A_1045 = arith.constant 1 : i32
      %dma_wait3A_1046 = arith.constant 0 : i32
      %dma_wait3A_1047 = tpu.memref_slice %arg10[%dma_wait3A_1044, %dma_wait3A_1045, %dma_wait3A_1046] : memref<2x8x128xi32, #tpu.memory_space<vmem>> -> memref<1x1x128xi32, #tpu.memory_space<vmem>>
      %dma_wait3A_1048 = tpu.memref_squeeze %dma_wait3A_1047 : memref<1x1x128xi32, #tpu.memory_space<vmem>> -> memref<128xi32, #tpu.memory_space<vmem>>
      %dma_wait3A_1049 = arith.constant 0 : i32
      %dma_wait3A_1050 = arith.constant 0 : i32
      %dma_wait3A_1051 = tpu.memref_slice %arg4[%dma_wait3A_1049, %dma_wait3A_1050] : memref<100000x32xf32, #tpu.memory_space<hbm>> -> memref<100000x32xf32, #tpu.memory_space<hbm>>
      tpu.wait_indirect_dma semaphore(%arg27 : memref<!tpu.dma_semaphore, #tpu.memory_space<semaphore_mem>>) src(%dma_wait3A_1051 : memref<100000x32xf32, #tpu.memory_space<hbm>>) dst(%arg12 : memref<128x32xf32, #tpu.memory_space<vmem>>)
      %dma_wait3A_1052 = arith.constant 0 : i32
      %dma_wait3A_1053 = arith.constant 2 : i32
      %dma_wait3A_1054 = arith.constant 0 : i32
      %dma_wait3A_1055 = tpu.memref_slice %arg10[%dma_wait3A_1052, %dma_wait3A_1053, %dma_wait3A_1054] : memref<2x8x128xi32, #tpu.memory_space<vmem>> -> memref<1x1x128xi32, #tpu.memory_space<vmem>>
      %dma_wait3A_1056 = tpu.memref_squeeze %dma_wait3A_1055 : memref<1x1x128xi32, #tpu.memory_space<vmem>> -> memref<128xi32, #tpu.memory_space<vmem>>
      %dma_wait3A_1057 = arith.constant 0 : i32
      %dma_wait3A_1058 = arith.constant 0 : i32
      %dma_wait3A_1059 = tpu.memref_slice %arg4[%dma_wait3A_1057, %dma_wait3A_1058] : memref<100000x32xf32, #tpu.memory_space<hbm>> -> memref<100000x32xf32, #tpu.memory_space<hbm>>
      tpu.wait_indirect_dma semaphore(%arg27 : memref<!tpu.dma_semaphore, #tpu.memory_space<semaphore_mem>>) src(%dma_wait3A_1059 : memref<100000x32xf32, #tpu.memory_space<hbm>>) dst(%arg13 : memref<128x32xf32, #tpu.memory_space<vmem>>)
      %dma_wait3A_1060 = arith.constant 0 : i32
      %dma_wait3A_1061 = arith.constant 3 : i32
      %dma_wait3A_1062 = arith.constant 0 : i32
      %dma_wait3A_1063 = tpu.memref_slice %arg10[%dma_wait3A_1060, %dma_wait3A_1061, %dma_wait3A_1062] : memref<2x8x128xi32, #tpu.memory_space<vmem>> -> memref<1x1x128xi32, #tpu.memory_space<vmem>>
      %dma_wait3A_1064 = tpu.memref_squeeze %dma_wait3A_1063 : memref<1x1x128xi32, #tpu.memory_space<vmem>> -> memref<128xi32, #tpu.memory_space<vmem>>
      %dma_wait3A_1065 = arith.constant 0 : i32
      %dma_wait3A_1066 = arith.constant 0 : i32
      %dma_wait3A_1067 = tpu.memref_slice %arg4[%dma_wait3A_1065, %dma_wait3A_1066] : memref<100000x32xf32, #tpu.memory_space<hbm>> -> memref<100000x32xf32, #tpu.memory_space<hbm>>
      tpu.wait_indirect_dma semaphore(%arg27 : memref<!tpu.dma_semaphore, #tpu.memory_space<semaphore_mem>>) src(%dma_wait3A_1067 : memref<100000x32xf32, #tpu.memory_space<hbm>>) dst(%arg14 : memref<128x32xf32, #tpu.memory_space<vmem>>)
      %dma_wait3A_1068 = arith.constant 0 : i32
      %dma_wait3A_1069 = arith.constant 4 : i32
      %dma_wait3A_1070 = arith.constant 0 : i32
      %dma_wait3A_1071 = tpu.memref_slice %arg10[%dma_wait3A_1068, %dma_wait3A_1069, %dma_wait3A_1070] : memref<2x8x128xi32, #tpu.memory_space<vmem>> -> memref<1x1x128xi32, #tpu.memory_space<vmem>>
      %dma_wait3A_1072 = tpu.memref_squeeze %dma_wait3A_1071 : memref<1x1x128xi32, #tpu.memory_space<vmem>> -> memref<128xi32, #tpu.memory_space<vmem>>
      %dma_wait3A_1073 = arith.constant 0 : i32
      %dma_wait3A_1074 = arith.constant 0 : i32
      %dma_wait3A_1075 = tpu.memref_slice %arg4[%dma_wait3A_1073, %dma_wait3A_1074] : memref<100000x32xf32, #tpu.memory_space<hbm>> -> memref<100000x32xf32, #tpu.memory_space<hbm>>
      tpu.wait_indirect_dma semaphore(%arg27 : memref<!tpu.dma_semaphore, #tpu.memory_space<semaphore_mem>>) src(%dma_wait3A_1075 : memref<100000x32xf32, #tpu.memory_space<hbm>>) dst(%arg15 : memref<128x32xf32, #tpu.memory_space<vmem>>)
      %dma_wait3A_1076 = arith.constant 0 : i32
      %dma_wait3A_1077 = arith.constant 5 : i32
      %dma_wait3A_1078 = arith.constant 0 : i32
      %dma_wait3A_1079 = tpu.memref_slice %arg10[%dma_wait3A_1076, %dma_wait3A_1077, %dma_wait3A_1078] : memref<2x8x128xi32, #tpu.memory_space<vmem>> -> memref<1x1x128xi32, #tpu.memory_space<vmem>>
      %dma_wait3A_1080 = tpu.memref_squeeze %dma_wait3A_1079 : memref<1x1x128xi32, #tpu.memory_space<vmem>> -> memref<128xi32, #tpu.memory_space<vmem>>
      %dma_wait3A_1081 = arith.constant 0 : i32
      %dma_wait3A_1082 = arith.constant 0 : i32
      %dma_wait3A_1083 = tpu.memref_slice %arg5[%dma_wait3A_1081, %dma_wait3A_1082] : memref<100000x16xf32, #tpu.memory_space<hbm>> -> memref<100000x16xf32, #tpu.memory_space<hbm>>
      tpu.wait_indirect_dma semaphore(%arg27 : memref<!tpu.dma_semaphore, #tpu.memory_space<semaphore_mem>>) src(%dma_wait3A_1083 : memref<100000x16xf32, #tpu.memory_space<hbm>>) dst(%arg16 : memref<128x16xf32, #tpu.memory_space<vmem>>)
      %dma_wait3A_1084 = arith.constant 0 : i32
      %dma_wait3A_1085 = arith.constant 6 : i32
      %dma_wait3A_1086 = arith.constant 0 : i32
      %dma_wait3A_1087 = tpu.memref_slice %arg10[%dma_wait3A_1084, %dma_wait3A_1085, %dma_wait3A_1086] : memref<2x8x128xi32, #tpu.memory_space<vmem>> -> memref<1x1x128xi32, #tpu.memory_space<vmem>>
      %dma_wait3A_1088 = tpu.memref_squeeze %dma_wait3A_1087 : memref<1x1x128xi32, #tpu.memory_space<vmem>> -> memref<128xi32, #tpu.memory_space<vmem>>
      %dma_wait3A_1089 = arith.constant 0 : i32
      %dma_wait3A_1090 = arith.constant 0 : i32
      %dma_wait3A_1091 = tpu.memref_slice %arg6[%dma_wait3A_1089, %dma_wait3A_1090] : memref<100000x16xf32, #tpu.memory_space<hbm>> -> memref<100000x16xf32, #tpu.memory_space<hbm>>
      tpu.wait_indirect_dma semaphore(%arg27 : memref<!tpu.dma_semaphore, #tpu.memory_space<semaphore_mem>>) src(%dma_wait3A_1091 : memref<100000x16xf32, #tpu.memory_space<hbm>>) dst(%arg17 : memref<128x16xf32, #tpu.memory_space<vmem>>)
      %dma_wait3A_1092 = arith.constant 0 : i32
      %dma_wait3A_1093 = arith.constant 7 : i32
      %dma_wait3A_1094 = arith.constant 0 : i32
      %dma_wait3A_1095 = tpu.memref_slice %arg10[%dma_wait3A_1092, %dma_wait3A_1093, %dma_wait3A_1094] : memref<2x8x128xi32, #tpu.memory_space<vmem>> -> memref<1x1x128xi32, #tpu.memory_space<vmem>>
      %dma_wait3A_1096 = tpu.memref_squeeze %dma_wait3A_1095 : memref<1x1x128xi32, #tpu.memory_space<vmem>> -> memref<128xi32, #tpu.memory_space<vmem>>
      %dma_wait3A_1097 = arith.constant 0 : i32
      %dma_wait3A_1098 = arith.constant 0 : i32
      %dma_wait3A_1099 = tpu.memref_slice %arg7[%dma_wait3A_1097, %dma_wait3A_1098] : memref<100000x32xf32, #tpu.memory_space<hbm>> -> memref<100000x32xf32, #tpu.memory_space<hbm>>
      tpu.wait_indirect_dma semaphore(%arg27 : memref<!tpu.dma_semaphore, #tpu.memory_space<semaphore_mem>>) src(%dma_wait3A_1099 : memref<100000x32xf32, #tpu.memory_space<hbm>>) dst(%arg18 : memref<128x32xf32, #tpu.memory_space<vmem>>)
      %mul3A_1100 = arith.constant 128 : i32
      %mul3A_1101 = arith.muli %add3A_1020, %mul3A_1100 : i32
      %multiple_of3A = tpu.assume_multiple %mul3A_1101, 128 : i32
      %dma_start3A_1102 = arith.constant 0 : i32
      %dma_start3A_1103 = tpu.memref_slice %arg8[%multiple_of3A, %dma_start3A_1102] : memref<204800x256xf32, #tpu.memory_space<hbm>> -> memref<128x64xf32, #tpu.memory_space<hbm>>
      %dma_start3A_1104 = arith.constant 0 : i32
      %dma_start3A_1105 = tpu.memref_slice %arg8[%multiple_of3A, %dma_start3A_1104] : memref<204800x256xf32, #tpu.memory_space<hbm>> -> memref<128x64xf32, #tpu.memory_space<hbm>>
      tpu.enqueue_dma source(%arg11 : memref<128x64xf32, #tpu.memory_space<vmem>>) target(%dma_start3A_1105 : memref<128x64xf32, #tpu.memory_space<hbm>>) target_semaphore(%arg29 : memref<!tpu.dma_semaphore, #tpu.memory_space<semaphore_mem>>)
      %dma_start3A_1106 = arith.constant 64 : i32
      %dma_start3A_1107 = tpu.memref_slice %arg8[%multiple_of3A, %dma_start3A_1106] : memref<204800x256xf32, #tpu.memory_space<hbm>> -> memref<128x32xf32, #tpu.memory_space<hbm>>
      %dma_start3A_1108 = arith.constant 64 : i32
      %dma_start3A_1109 = tpu.memref_slice %arg8[%multiple_of3A, %dma_start3A_1108] : memref<204800x256xf32, #tpu.memory_space<hbm>> -> memref<128x32xf32, #tpu.memory_space<hbm>>
      tpu.enqueue_dma source(%arg12 : memref<128x32xf32, #tpu.memory_space<vmem>>) target(%dma_start3A_1109 : memref<128x32xf32, #tpu.memory_space<hbm>>) target_semaphore(%arg29 : memref<!tpu.dma_semaphore, #tpu.memory_space<semaphore_mem>>)
      %dma_start3A_1110 = arith.constant 96 : i32
      %dma_start3A_1111 = tpu.memref_slice %arg8[%multiple_of3A, %dma_start3A_1110] : memref<204800x256xf32, #tpu.memory_space<hbm>> -> memref<128x32xf32, #tpu.memory_space<hbm>>
      %dma_start3A_1112 = arith.constant 96 : i32
      %dma_start3A_1113 = tpu.memref_slice %arg8[%multiple_of3A, %dma_start3A_1112] : memref<204800x256xf32, #tpu.memory_space<hbm>> -> memref<128x32xf32, #tpu.memory_space<hbm>>
      tpu.enqueue_dma source(%arg13 : memref<128x32xf32, #tpu.memory_space<vmem>>) target(%dma_start3A_1113 : memref<128x32xf32, #tpu.memory_space<hbm>>) target_semaphore(%arg29 : memref<!tpu.dma_semaphore, #tpu.memory_space<semaphore_mem>>)
      %dma_start3A_1114 = arith.constant 128 : i32
      %dma_start3A_1115 = tpu.memref_slice %arg8[%multiple_of3A, %dma_start3A_1114] : memref<204800x256xf32, #tpu.memory_space<hbm>> -> memref<128x32xf32, #tpu.memory_space<hbm>>
      %dma_start3A_1116 = arith.constant 128 : i32
      %dma_start3A_1117 = tpu.memref_slice %arg8[%multiple_of3A, %dma_start3A_1116] : memref<204800x256xf32, #tpu.memory_space<hbm>> -> memref<128x32xf32, #tpu.memory_space<hbm>>
      tpu.enqueue_dma source(%arg14 : memref<128x32xf32, #tpu.memory_space<vmem>>) target(%dma_start3A_1117 : memref<128x32xf32, #tpu.memory_space<hbm>>) target_semaphore(%arg29 : memref<!tpu.dma_semaphore, #tpu.memory_space<semaphore_mem>>)
      %dma_start3A_1118 = arith.constant 160 : i32
      %dma_start3A_1119 = tpu.memref_slice %arg8[%multiple_of3A, %dma_start3A_1118] : memref<204800x256xf32, #tpu.memory_space<hbm>> -> memref<128x32xf32, #tpu.memory_space<hbm>>
      %dma_start3A_1120 = arith.constant 160 : i32
      %dma_start3A_1121 = tpu.memref_slice %arg8[%multiple_of3A, %dma_start3A_1120] : memref<204800x256xf32, #tpu.memory_space<hbm>> -> memref<128x32xf32, #tpu.memory_space<hbm>>
      tpu.enqueue_dma source(%arg15 : memref<128x32xf32, #tpu.memory_space<vmem>>) target(%dma_start3A_1121 : memref<128x32xf32, #tpu.memory_space<hbm>>) target_semaphore(%arg29 : memref<!tpu.dma_semaphore, #tpu.memory_space<semaphore_mem>>)
      %dma_start3A_1122 = arith.constant 192 : i32
      %dma_start3A_1123 = tpu.memref_slice %arg8[%multiple_of3A, %dma_start3A_1122] : memref<204800x256xf32, #tpu.memory_space<hbm>> -> memref<128x16xf32, #tpu.memory_space<hbm>>
      %dma_start3A_1124 = arith.constant 192 : i32
      %dma_start3A_1125 = tpu.memref_slice %arg8[%multiple_of3A, %dma_start3A_1124] : memref<204800x256xf32, #tpu.memory_space<hbm>> -> memref<128x16xf32, #tpu.memory_space<hbm>>
      tpu.enqueue_dma source(%arg16 : memref<128x16xf32, #tpu.memory_space<vmem>>) target(%dma_start3A_1125 : memref<128x16xf32, #tpu.memory_space<hbm>>) target_semaphore(%arg29 : memref<!tpu.dma_semaphore, #tpu.memory_space<semaphore_mem>>)
      %dma_start3A_1126 = arith.constant 208 : i32
      %dma_start3A_1127 = tpu.memref_slice %arg8[%multiple_of3A, %dma_start3A_1126] : memref<204800x256xf32, #tpu.memory_space<hbm>> -> memref<128x16xf32, #tpu.memory_space<hbm>>
      %dma_start3A_1128 = arith.constant 208 : i32
      %dma_start3A_1129 = tpu.memref_slice %arg8[%multiple_of3A, %dma_start3A_1128] : memref<204800x256xf32, #tpu.memory_space<hbm>> -> memref<128x16xf32, #tpu.memory_space<hbm>>
      tpu.enqueue_dma source(%arg17 : memref<128x16xf32, #tpu.memory_space<vmem>>) target(%dma_start3A_1129 : memref<128x16xf32, #tpu.memory_space<hbm>>) target_semaphore(%arg29 : memref<!tpu.dma_semaphore, #tpu.memory_space<semaphore_mem>>)
      %dma_start3A_1130 = arith.constant 224 : i32
      %dma_start3A_1131 = tpu.memref_slice %arg8[%multiple_of3A, %dma_start3A_1130] : memref<204800x256xf32, #tpu.memory_space<hbm>> -> memref<128x32xf32, #tpu.memory_space<hbm>>
      %dma_start3A_1132 = arith.constant 224 : i32
      %dma_start3A_1133 = tpu.memref_slice %arg8[%multiple_of3A, %dma_start3A_1132] : memref<204800x256xf32, #tpu.memory_space<hbm>> -> memref<128x32xf32, #tpu.memory_space<hbm>>
      tpu.enqueue_dma source(%arg18 : memref<128x32xf32, #tpu.memory_space<vmem>>) target(%dma_start3A_1133 : memref<128x32xf32, #tpu.memory_space<hbm>>) target_semaphore(%arg29 : memref<!tpu.dma_semaphore, #tpu.memory_space<semaphore_mem>>)
      %mul3A_1134 = arith.constant 2 : i32
      %mul3A_1135 = arith.muli %scan3A_1015, %mul3A_1134 : i32
      %add3A_1136 = arith.constant 1 : i32
      %add3A_1137 = arith.addi %mul3A_1135, %add3A_1136 : i32
      %add3A_1138 = arith.addi %mul3A_2, %add3A_1137 : i32
      %add3A_1139 = arith.constant 1 : i32
      %add3A_1140 = arith.addi %add3A_1137, %add3A_1139 : i32
      %lt3A_1141 = arith.constant 50 : i32
      %lt3A_1142 = arith.cmpi slt, %add3A_1140, %lt3A_1141 : i32
      %convert_element_type3A_1143 = arith.extui %lt3A_1142 : i1 to i32
      %cond3A_1144 = arith.constant 0 : i32
      %cond3A_1145 = arith.cmpi ne, %convert_element_type3A_1143, %cond3A_1144 : i32
      scf.if %cond3A_1145 {
        %add3A_1257 = arith.constant 1 : i32
        %add3A_1258 = arith.addi %add3A_1138, %add3A_1257 : i32
        %dma_start3A_1259 = arith.constant 0 : i32
        %dma_start3A_1260 = arith.constant 0 : i32
        %dma_start3A_1261 = tpu.memref_slice %arg9[%dma_start3A_1259, %dma_start3A_1260] : memref<2x1024xi32, #tpu.memory_space<vmem>> -> memref<1x1024xi32, #tpu.memory_space<vmem>>
        %dma_start3A_1262 = tpu.memref_squeeze %dma_start3A_1261 : memref<1x1024xi32, #tpu.memory_space<vmem>> -> memref<1024xi32, #tpu.memory_space<vmem>>
        %dma_start3A_1263 = arith.constant 0 : i32
        %dma_start3A_1264 = tpu.memref_slice %arg2[%add3A_1258, %dma_start3A_1263] : memref<1600x1024xi32, #tpu.memory_space<hbm>> -> memref<1x1024xi32, #tpu.memory_space<hbm>>
        %dma_start3A_1265 = tpu.memref_squeeze %dma_start3A_1264 : memref<1x1024xi32, #tpu.memory_space<hbm>> -> memref<1024xi32, #tpu.memory_space<hbm>>
        %dma_start3A_1266 = arith.constant 0 : i32
        %dma_start3A_1267 = tpu.memref_slice %arg9[%dma_start3A_1259, %dma_start3A_1266] : memref<2x1024xi32, #tpu.memory_space<vmem>> -> memref<1x1024xi32, #tpu.memory_space<vmem>>
        %dma_start3A_1268 = tpu.memref_squeeze %dma_start3A_1267 : memref<1x1024xi32, #tpu.memory_space<vmem>> -> memref<1024xi32, #tpu.memory_space<vmem>>
        %dma_start3A_1269 = arith.constant 0 : i32
        %dma_start3A_1270 = tpu.memref_slice %arg2[%add3A_1258, %dma_start3A_1269] : memref<1600x1024xi32, #tpu.memory_space<hbm>> -> memref<1x1024xi32, #tpu.memory_space<hbm>>
        %dma_start3A_1271 = tpu.memref_squeeze %dma_start3A_1270 : memref<1x1024xi32, #tpu.memory_space<hbm>> -> memref<1024xi32, #tpu.memory_space<hbm>>
        tpu.enqueue_dma source(%dma_start3A_1271 : memref<1024xi32, #tpu.memory_space<hbm>>) target(%dma_start3A_1268 : memref<1024xi32, #tpu.memory_space<vmem>>) target_semaphore(%arg31 : memref<!tpu.dma_semaphore, #tpu.memory_space<semaphore_mem>>)
      } else {
      }
      %ge3A_1146 = arith.constant 1 : i32
      %ge3A_1147 = arith.cmpi sge, %add3A_1137, %ge3A_1146 : i32
      %convert_element_type3A_1148 = arith.extui %ge3A_1147 : i1 to i32
      %cond3A_1149 = arith.constant 0 : i32
      %cond3A_1150 = arith.cmpi ne, %convert_element_type3A_1148, %cond3A_1149 : i32
      scf.if %cond3A_1150 {
        %dma_wait3A_1257 = arith.constant 0 : i32
        %dma_wait3A_1258 = arith.constant 0 : i32
        %dma_wait3A_1259 = tpu.memref_slice %arg8[%dma_wait3A_1257, %dma_wait3A_1258] : memref<204800x256xf32, #tpu.memory_space<hbm>> -> memref<128x64xf32, #tpu.memory_space<hbm>>
        %dma_wait3A_1260 = arith.constant 0 : i32
        %dma_wait3A_1261 = arith.constant 0 : i32
        %dma_wait3A_1262 = tpu.memref_slice %arg8[%dma_wait3A_1260, %dma_wait3A_1261] : memref<204800x256xf32, #tpu.memory_space<hbm>> -> memref<128x64xf32, #tpu.memory_space<hbm>>
        tpu.wait_dma2 semaphore(%arg29 : memref<!tpu.dma_semaphore, #tpu.memory_space<semaphore_mem>>) src(%arg11 : memref<128x64xf32, #tpu.memory_space<vmem>>) dst(%dma_wait3A_1262 : memref<128x64xf32, #tpu.memory_space<hbm>>)
        %dma_wait3A_1263 = arith.constant 0 : i32
        %dma_wait3A_1264 = arith.constant 64 : i32
        %dma_wait3A_1265 = tpu.memref_slice %arg8[%dma_wait3A_1263, %dma_wait3A_1264] : memref<204800x256xf32, #tpu.memory_space<hbm>> -> memref<128x32xf32, #tpu.memory_space<hbm>>
        %dma_wait3A_1266 = arith.constant 0 : i32
        %dma_wait3A_1267 = arith.constant 64 : i32
        %dma_wait3A_1268 = tpu.memref_slice %arg8[%dma_wait3A_1266, %dma_wait3A_1267] : memref<204800x256xf32, #tpu.memory_space<hbm>> -> memref<128x32xf32, #tpu.memory_space<hbm>>
        tpu.wait_dma2 semaphore(%arg29 : memref<!tpu.dma_semaphore, #tpu.memory_space<semaphore_mem>>) src(%arg12 : memref<128x32xf32, #tpu.memory_space<vmem>>) dst(%dma_wait3A_1268 : memref<128x32xf32, #tpu.memory_space<hbm>>)
        %dma_wait3A_1269 = arith.constant 0 : i32
        %dma_wait3A_1270 = arith.constant 96 : i32
        %dma_wait3A_1271 = tpu.memref_slice %arg8[%dma_wait3A_1269, %dma_wait3A_1270] : memref<204800x256xf32, #tpu.memory_space<hbm>> -> memref<128x32xf32, #tpu.memory_space<hbm>>
        %dma_wait3A_1272 = arith.constant 0 : i32
        %dma_wait3A_1273 = arith.constant 96 : i32
        %dma_wait3A_1274 = tpu.memref_slice %arg8[%dma_wait3A_1272, %dma_wait3A_1273] : memref<204800x256xf32, #tpu.memory_space<hbm>> -> memref<128x32xf32, #tpu.memory_space<hbm>>
        tpu.wait_dma2 semaphore(%arg29 : memref<!tpu.dma_semaphore, #tpu.memory_space<semaphore_mem>>) src(%arg13 : memref<128x32xf32, #tpu.memory_space<vmem>>) dst(%dma_wait3A_1274 : memref<128x32xf32, #tpu.memory_space<hbm>>)
        %dma_wait3A_1275 = arith.constant 0 : i32
        %dma_wait3A_1276 = arith.constant 128 : i32
        %dma_wait3A_1277 = tpu.memref_slice %arg8[%dma_wait3A_1275, %dma_wait3A_1276] : memref<204800x256xf32, #tpu.memory_space<hbm>> -> memref<128x32xf32, #tpu.memory_space<hbm>>
        %dma_wait3A_1278 = arith.constant 0 : i32
        %dma_wait3A_1279 = arith.constant 128 : i32
        %dma_wait3A_1280 = tpu.memref_slice %arg8[%dma_wait3A_1278, %dma_wait3A_1279] : memref<204800x256xf32, #tpu.memory_space<hbm>> -> memref<128x32xf32, #tpu.memory_space<hbm>>
        tpu.wait_dma2 semaphore(%arg29 : memref<!tpu.dma_semaphore, #tpu.memory_space<semaphore_mem>>) src(%arg14 : memref<128x32xf32, #tpu.memory_space<vmem>>) dst(%dma_wait3A_1280 : memref<128x32xf32, #tpu.memory_space<hbm>>)
        %dma_wait3A_1281 = arith.constant 0 : i32
        %dma_wait3A_1282 = arith.constant 160 : i32
        %dma_wait3A_1283 = tpu.memref_slice %arg8[%dma_wait3A_1281, %dma_wait3A_1282] : memref<204800x256xf32, #tpu.memory_space<hbm>> -> memref<128x32xf32, #tpu.memory_space<hbm>>
        %dma_wait3A_1284 = arith.constant 0 : i32
        %dma_wait3A_1285 = arith.constant 160 : i32
        %dma_wait3A_1286 = tpu.memref_slice %arg8[%dma_wait3A_1284, %dma_wait3A_1285] : memref<204800x256xf32, #tpu.memory_space<hbm>> -> memref<128x32xf32, #tpu.memory_space<hbm>>
        tpu.wait_dma2 semaphore(%arg29 : memref<!tpu.dma_semaphore, #tpu.memory_space<semaphore_mem>>) src(%arg15 : memref<128x32xf32, #tpu.memory_space<vmem>>) dst(%dma_wait3A_1286 : memref<128x32xf32, #tpu.memory_space<hbm>>)
        %dma_wait3A_1287 = arith.constant 0 : i32
        %dma_wait3A_1288 = arith.constant 192 : i32
        %dma_wait3A_1289 = tpu.memref_slice %arg8[%dma_wait3A_1287, %dma_wait3A_1288] : memref<204800x256xf32, #tpu.memory_space<hbm>> -> memref<128x16xf32, #tpu.memory_space<hbm>>
        %dma_wait3A_1290 = arith.constant 0 : i32
        %dma_wait3A_1291 = arith.constant 192 : i32
        %dma_wait3A_1292 = tpu.memref_slice %arg8[%dma_wait3A_1290, %dma_wait3A_1291] : memref<204800x256xf32, #tpu.memory_space<hbm>> -> memref<128x16xf32, #tpu.memory_space<hbm>>
        tpu.wait_dma2 semaphore(%arg29 : memref<!tpu.dma_semaphore, #tpu.memory_space<semaphore_mem>>) src(%arg16 : memref<128x16xf32, #tpu.memory_space<vmem>>) dst(%dma_wait3A_1292 : memref<128x16xf32, #tpu.memory_space<hbm>>)
        %dma_wait3A_1293 = arith.constant 0 : i32
        %dma_wait3A_1294 = arith.constant 208 : i32
        %dma_wait3A_1295 = tpu.memref_slice %arg8[%dma_wait3A_1293, %dma_wait3A_1294] : memref<204800x256xf32, #tpu.memory_space<hbm>> -> memref<128x16xf32, #tpu.memory_space<hbm>>
        %dma_wait3A_1296 = arith.constant 0 : i32
        %dma_wait3A_1297 = arith.constant 208 : i32
        %dma_wait3A_1298 = tpu.memref_slice %arg8[%dma_wait3A_1296, %dma_wait3A_1297] : memref<204800x256xf32, #tpu.memory_space<hbm>> -> memref<128x16xf32, #tpu.memory_space<hbm>>
        tpu.wait_dma2 semaphore(%arg29 : memref<!tpu.dma_semaphore, #tpu.memory_space<semaphore_mem>>) src(%arg17 : memref<128x16xf32, #tpu.memory_space<vmem>>) dst(%dma_wait3A_1298 : memref<128x16xf32, #tpu.memory_space<hbm>>)
        %dma_wait3A_1299 = arith.constant 0 : i32
        %dma_wait3A_1300 = arith.constant 224 : i32
        %dma_wait3A_1301 = tpu.memref_slice %arg8[%dma_wait3A_1299, %dma_wait3A_1300] : memref<204800x256xf32, #tpu.memory_space<hbm>> -> memref<128x32xf32, #tpu.memory_space<hbm>>
        %dma_wait3A_1302 = arith.constant 0 : i32
        %dma_wait3A_1303 = arith.constant 224 : i32
        %dma_wait3A_1304 = tpu.memref_slice %arg8[%dma_wait3A_1302, %dma_wait3A_1303] : memref<204800x256xf32, #tpu.memory_space<hbm>> -> memref<128x32xf32, #tpu.memory_space<hbm>>
        tpu.wait_dma2 semaphore(%arg29 : memref<!tpu.dma_semaphore, #tpu.memory_space<semaphore_mem>>) src(%arg18 : memref<128x32xf32, #tpu.memory_space<vmem>>) dst(%dma_wait3A_1304 : memref<128x32xf32, #tpu.memory_space<hbm>>)
      } else {
      }
      %add3A_1151 = arith.constant 1 : i32
      %add3A_1152 = arith.addi %add3A_1137, %add3A_1151 : i32
      %lt3A_1153 = arith.constant 50 : i32
      %lt3A_1154 = arith.cmpi slt, %add3A_1152, %lt3A_1153 : i32
      %convert_element_type3A_1155 = arith.extui %lt3A_1154 : i1 to i32
      %cond3A_1156 = arith.constant 0 : i32
      %cond3A_1157 = arith.cmpi ne, %convert_element_type3A_1155, %cond3A_1156 : i32
      scf.if %cond3A_1157 {
        %add3A_1257 = arith.constant 1 : i32
        %add3A_1258 = arith.addi %add3A_1138, %add3A_1257 : i32
        %dma_wait3A_1259 = arith.constant 0 : i32
        %dma_wait3A_1260 = arith.constant 0 : i32
        %dma_wait3A_1261 = tpu.memref_slice %arg9[%dma_wait3A_1259, %dma_wait3A_1260] : memref<2x1024xi32, #tpu.memory_space<vmem>> -> memref<1x1024xi32, #tpu.memory_space<vmem>>
        %dma_wait3A_1262 = tpu.memref_squeeze %dma_wait3A_1261 : memref<1x1024xi32, #tpu.memory_space<vmem>> -> memref<1024xi32, #tpu.memory_space<vmem>>
        %dma_wait3A_1263 = arith.constant 0 : i32
        %dma_wait3A_1264 = tpu.memref_slice %arg2[%add3A_1258, %dma_wait3A_1263] : memref<1600x1024xi32, #tpu.memory_space<hbm>> -> memref<1x1024xi32, #tpu.memory_space<hbm>>
        %dma_wait3A_1265 = tpu.memref_squeeze %dma_wait3A_1264 : memref<1x1024xi32, #tpu.memory_space<hbm>> -> memref<1024xi32, #tpu.memory_space<hbm>>
        %dma_wait3A_1266 = arith.constant 0 : i32
        %dma_wait3A_1267 = tpu.memref_slice %arg9[%dma_wait3A_1259, %dma_wait3A_1266] : memref<2x1024xi32, #tpu.memory_space<vmem>> -> memref<1x1024xi32, #tpu.memory_space<vmem>>
        %dma_wait3A_1268 = tpu.memref_squeeze %dma_wait3A_1267 : memref<1x1024xi32, #tpu.memory_space<vmem>> -> memref<1024xi32, #tpu.memory_space<vmem>>
        %dma_wait3A_1269 = arith.constant 0 : i32
        %dma_wait3A_1270 = tpu.memref_slice %arg2[%add3A_1258, %dma_wait3A_1269] : memref<1600x1024xi32, #tpu.memory_space<hbm>> -> memref<1x1024xi32, #tpu.memory_space<hbm>>
        %dma_wait3A_1271 = tpu.memref_squeeze %dma_wait3A_1270 : memref<1x1024xi32, #tpu.memory_space<hbm>> -> memref<1024xi32, #tpu.memory_space<hbm>>
        tpu.wait_dma2 semaphore(%arg31 : memref<!tpu.dma_semaphore, #tpu.memory_space<semaphore_mem>>) src(%dma_wait3A_1271 : memref<1024xi32, #tpu.memory_space<hbm>>) dst(%dma_wait3A_1268 : memref<1024xi32, #tpu.memory_space<vmem>>)
        %add3A_1272 = arith.constant 0 : i32
        %add3A_1273 = vector.broadcast %add3A_1272 : i32 to vector<16xi32>
        %add3A_1274 = arith.addi %mul3A_5, %add3A_1273 : vector<16xi32>
        %gather3A_1275 = arith.constant 0 : i32
        %gather3A_1276 = arith.constant 0 : i32
        %gather3A_1277 = tpu.memref_slice %arg9[%gather3A_1275, %gather3A_1276] : memref<2x1024xi32, #tpu.memory_space<vmem>> -> memref<1x1024xi32, #tpu.memory_space<vmem>>
        %gather3A_1278 = tpu.memref_squeeze %gather3A_1277 : memref<1x1024xi32, #tpu.memory_space<vmem>> -> memref<1024xi32, #tpu.memory_space<vmem>>
        %gather3A_1279 = tpu.vector_load_idx %gather3A_1278[%add3A_1274] : memref<1024xi32, #tpu.memory_space<vmem>>[vector<16xi32>], vector<16xi32>,
        %swap3A_1280 = arith.constant 0 : i32
        %swap3A_1281 = arith.constant 0 : i32
        %swap3A_1282 = arith.index_cast %swap3A_1280 : i32 to index
        %swap3A_1283 = arith.index_cast %swap3A_1281 : i32 to index
        %swap3A_1284 = arith.constant 0 : index
        %swap3A_1285 = tpu.vector_load %arg10[%swap3A_1282, %swap3A_1283, %swap3A_1284] {strides = array<i32>} : memref<2x8x128xi32, #tpu.memory_space<vmem>>, vector<16xi32>,
        tpu.vector_store %arg10[%swap3A_1282, %swap3A_1283, %swap3A_1284], %gather3A_1279 {strides = array<i32>} : memref<2x8x128xi32, #tpu.memory_space<vmem>>, vector<16xi32>,
        %add3A_1286 = arith.constant 128 : i32
        %add3A_1287 = vector.broadcast %add3A_1286 : i32 to vector<16xi32>
        %add3A_1288 = arith.addi %mul3A_5, %add3A_1287 : vector<16xi32>
        %gather3A_1289 = arith.constant 0 : i32
        %gather3A_1290 = arith.constant 0 : i32
        %gather3A_1291 = tpu.memref_slice %arg9[%gather3A_1289, %gather3A_1290] : memref<2x1024xi32, #tpu.memory_space<vmem>> -> memref<1x1024xi32, #tpu.memory_space<vmem>>
        %gather3A_1292 = tpu.memref_squeeze %gather3A_1291 : memref<1x1024xi32, #tpu.memory_space<vmem>> -> memref<1024xi32, #tpu.memory_space<vmem>>
        %gather3A_1293 = tpu.vector_load_idx %gather3A_1292[%add3A_1288] : memref<1024xi32, #tpu.memory_space<vmem>>[vector<16xi32>], vector<16xi32>,
        %swap3A_1294 = arith.constant 0 : i32
        %swap3A_1295 = arith.constant 0 : i32
        %swap3A_1296 = arith.index_cast %swap3A_1294 : i32 to index
        %swap3A_1297 = arith.index_cast %swap3A_1295 : i32 to index
        %swap3A_1298 = arith.constant 16 : index
        %swap3A_1299 = tpu.vector_load %arg10[%swap3A_1296, %swap3A_1297, %swap3A_1298] {strides = array<i32>} : memref<2x8x128xi32, #tpu.memory_space<vmem>>, vector<16xi32>,
        tpu.vector_store %arg10[%swap3A_1296, %swap3A_1297, %swap3A_1298], %gather3A_1293 {strides = array<i32>} : memref<2x8x128xi32, #tpu.memory_space<vmem>>, vector<16xi32>,
        %add3A_1300 = arith.constant 256 : i32
        %add3A_1301 = vector.broadcast %add3A_1300 : i32 to vector<16xi32>
        %add3A_1302 = arith.addi %mul3A_5, %add3A_1301 : vector<16xi32>
        %gather3A_1303 = arith.constant 0 : i32
        %gather3A_1304 = arith.constant 0 : i32
        %gather3A_1305 = tpu.memref_slice %arg9[%gather3A_1303, %gather3A_1304] : memref<2x1024xi32, #tpu.memory_space<vmem>> -> memref<1x1024xi32, #tpu.memory_space<vmem>>
        %gather3A_1306 = tpu.memref_squeeze %gather3A_1305 : memref<1x1024xi32, #tpu.memory_space<vmem>> -> memref<1024xi32, #tpu.memory_space<vmem>>
        %gather3A_1307 = tpu.vector_load_idx %gather3A_1306[%add3A_1302] : memref<1024xi32, #tpu.memory_space<vmem>>[vector<16xi32>], vector<16xi32>,
        %swap3A_1308 = arith.constant 0 : i32
        %swap3A_1309 = arith.constant 0 : i32
        %swap3A_1310 = arith.index_cast %swap3A_1308 : i32 to index
        %swap3A_1311 = arith.index_cast %swap3A_1309 : i32 to index
        %swap3A_1312 = arith.constant 32 : index
        %swap3A_1313 = tpu.vector_load %arg10[%swap3A_1310, %swap3A_1311, %swap3A_1312] {strides = array<i32>} : memref<2x8x128xi32, #tpu.memory_space<vmem>>, vector<16xi32>,
        tpu.vector_store %arg10[%swap3A_1310, %swap3A_1311, %swap3A_1312], %gather3A_1307 {strides = array<i32>} : memref<2x8x128xi32, #tpu.memory_space<vmem>>, vector<16xi32>,
        %add3A_1314 = arith.constant 384 : i32
        %add3A_1315 = vector.broadcast %add3A_1314 : i32 to vector<16xi32>
        %add3A_1316 = arith.addi %mul3A_5, %add3A_1315 : vector<16xi32>
        %gather3A_1317 = arith.constant 0 : i32
        %gather3A_1318 = arith.constant 0 : i32
        %gather3A_1319 = tpu.memref_slice %arg9[%gather3A_1317, %gather3A_1318] : memref<2x1024xi32, #tpu.memory_space<vmem>> -> memref<1x1024xi32, #tpu.memory_space<vmem>>
        %gather3A_1320 = tpu.memref_squeeze %gather3A_1319 : memref<1x1024xi32, #tpu.memory_space<vmem>> -> memref<1024xi32, #tpu.memory_space<vmem>>
        %gather3A_1321 = tpu.vector_load_idx %gather3A_1320[%add3A_1316] : memref<1024xi32, #tpu.memory_space<vmem>>[vector<16xi32>], vector<16xi32>,
        %swap3A_1322 = arith.constant 0 : i32
        %swap3A_1323 = arith.constant 0 : i32
        %swap3A_1324 = arith.index_cast %swap3A_1322 : i32 to index
        %swap3A_1325 = arith.index_cast %swap3A_1323 : i32 to index
        %swap3A_1326 = arith.constant 48 : index
        %swap3A_1327 = tpu.vector_load %arg10[%swap3A_1324, %swap3A_1325, %swap3A_1326] {strides = array<i32>} : memref<2x8x128xi32, #tpu.memory_space<vmem>>, vector<16xi32>,
        tpu.vector_store %arg10[%swap3A_1324, %swap3A_1325, %swap3A_1326], %gather3A_1321 {strides = array<i32>} : memref<2x8x128xi32, #tpu.memory_space<vmem>>, vector<16xi32>,
        %add3A_1328 = arith.constant 512 : i32
        %add3A_1329 = vector.broadcast %add3A_1328 : i32 to vector<16xi32>
        %add3A_1330 = arith.addi %mul3A_5, %add3A_1329 : vector<16xi32>
        %gather3A_1331 = arith.constant 0 : i32
        %gather3A_1332 = arith.constant 0 : i32
        %gather3A_1333 = tpu.memref_slice %arg9[%gather3A_1331, %gather3A_1332] : memref<2x1024xi32, #tpu.memory_space<vmem>> -> memref<1x1024xi32, #tpu.memory_space<vmem>>
        %gather3A_1334 = tpu.memref_squeeze %gather3A_1333 : memref<1x1024xi32, #tpu.memory_space<vmem>> -> memref<1024xi32, #tpu.memory_space<vmem>>
        %gather3A_1335 = tpu.vector_load_idx %gather3A_1334[%add3A_1330] : memref<1024xi32, #tpu.memory_space<vmem>>[vector<16xi32>], vector<16xi32>,
        %swap3A_1336 = arith.constant 0 : i32
        %swap3A_1337 = arith.constant 0 : i32
        %swap3A_1338 = arith.index_cast %swap3A_1336 : i32 to index
        %swap3A_1339 = arith.index_cast %swap3A_1337 : i32 to index
        %swap3A_1340 = arith.constant 64 : index
        %swap3A_1341 = tpu.vector_load %arg10[%swap3A_1338, %swap3A_1339, %swap3A_1340] {strides = array<i32>} : memref<2x8x128xi32, #tpu.memory_space<vmem>>, vector<16xi32>,
        tpu.vector_store %arg10[%swap3A_1338, %swap3A_1339, %swap3A_1340], %gather3A_1335 {strides = array<i32>} : memref<2x8x128xi32, #tpu.memory_space<vmem>>, vector<16xi32>,
        %add3A_1342 = arith.constant 640 : i32
        %add3A_1343 = vector.broadcast %add3A_1342 : i32 to vector<16xi32>
        %add3A_1344 = arith.addi %mul3A_5, %add3A_1343 : vector<16xi32>
        %gather3A_1345 = arith.constant 0 : i32
        %gather3A_1346 = arith.constant 0 : i32
        %gather3A_1347 = tpu.memref_slice %arg9[%gather3A_1345, %gather3A_1346] : memref<2x1024xi32, #tpu.memory_space<vmem>> -> memref<1x1024xi32, #tpu.memory_space<vmem>>
        %gather3A_1348 = tpu.memref_squeeze %gather3A_1347 : memref<1x1024xi32, #tpu.memory_space<vmem>> -> memref<1024xi32, #tpu.memory_space<vmem>>
        %gather3A_1349 = tpu.vector_load_idx %gather3A_1348[%add3A_1344] : memref<1024xi32, #tpu.memory_space<vmem>>[vector<16xi32>], vector<16xi32>,
        %swap3A_1350 = arith.constant 0 : i32
        %swap3A_1351 = arith.constant 0 : i32
        %swap3A_1352 = arith.index_cast %swap3A_1350 : i32 to index
        %swap3A_1353 = arith.index_cast %swap3A_1351 : i32 to index
        %swap3A_1354 = arith.constant 80 : index
        %swap3A_1355 = tpu.vector_load %arg10[%swap3A_1352, %swap3A_1353, %swap3A_1354] {strides = array<i32>} : memref<2x8x128xi32, #tpu.memory_space<vmem>>, vector<16xi32>,
        tpu.vector_store %arg10[%swap3A_1352, %swap3A_1353, %swap3A_1354], %gather3A_1349 {strides = array<i32>} : memref<2x8x128xi32, #tpu.memory_space<vmem>>, vector<16xi32>,
        %add3A_1356 = arith.constant 768 : i32
        %add3A_1357 = vector.broadcast %add3A_1356 : i32 to vector<16xi32>
        %add3A_1358 = arith.addi %mul3A_5, %add3A_1357 : vector<16xi32>
        %gather3A_1359 = arith.constant 0 : i32
        %gather3A_1360 = arith.constant 0 : i32
        %gather3A_1361 = tpu.memref_slice %arg9[%gather3A_1359, %gather3A_1360] : memref<2x1024xi32, #tpu.memory_space<vmem>> -> memref<1x1024xi32, #tpu.memory_space<vmem>>
        %gather3A_1362 = tpu.memref_squeeze %gather3A_1361 : memref<1x1024xi32, #tpu.memory_space<vmem>> -> memref<1024xi32, #tpu.memory_space<vmem>>
        %gather3A_1363 = tpu.vector_load_idx %gather3A_1362[%add3A_1358] : memref<1024xi32, #tpu.memory_space<vmem>>[vector<16xi32>], vector<16xi32>,
        %swap3A_1364 = arith.constant 0 : i32
        %swap3A_1365 = arith.constant 0 : i32
        %swap3A_1366 = arith.index_cast %swap3A_1364 : i32 to index
        %swap3A_1367 = arith.index_cast %swap3A_1365 : i32 to index
        %swap3A_1368 = arith.constant 96 : index
        %swap3A_1369 = tpu.vector_load %arg10[%swap3A_1366, %swap3A_1367, %swap3A_1368] {strides = array<i32>} : memref<2x8x128xi32, #tpu.memory_space<vmem>>, vector<16xi32>,
        tpu.vector_store %arg10[%swap3A_1366, %swap3A_1367, %swap3A_1368], %gather3A_1363 {strides = array<i32>} : memref<2x8x128xi32, #tpu.memory_space<vmem>>, vector<16xi32>,
        %add3A_1370 = arith.constant 896 : i32
        %add3A_1371 = vector.broadcast %add3A_1370 : i32 to vector<16xi32>
        %add3A_1372 = arith.addi %mul3A_5, %add3A_1371 : vector<16xi32>
        %gather3A_1373 = arith.constant 0 : i32
        %gather3A_1374 = arith.constant 0 : i32
        %gather3A_1375 = tpu.memref_slice %arg9[%gather3A_1373, %gather3A_1374] : memref<2x1024xi32, #tpu.memory_space<vmem>> -> memref<1x1024xi32, #tpu.memory_space<vmem>>
        %gather3A_1376 = tpu.memref_squeeze %gather3A_1375 : memref<1x1024xi32, #tpu.memory_space<vmem>> -> memref<1024xi32, #tpu.memory_space<vmem>>
        %gather3A_1377 = tpu.vector_load_idx %gather3A_1376[%add3A_1372] : memref<1024xi32, #tpu.memory_space<vmem>>[vector<16xi32>], vector<16xi32>,
        %swap3A_1378 = arith.constant 0 : i32
        %swap3A_1379 = arith.constant 0 : i32
        %swap3A_1380 = arith.index_cast %swap3A_1378 : i32 to index
        %swap3A_1381 = arith.index_cast %swap3A_1379 : i32 to index
        %swap3A_1382 = arith.constant 112 : index
        %swap3A_1383 = tpu.vector_load %arg10[%swap3A_1380, %swap3A_1381, %swap3A_1382] {strides = array<i32>} : memref<2x8x128xi32, #tpu.memory_space<vmem>>, vector<16xi32>,
        tpu.vector_store %arg10[%swap3A_1380, %swap3A_1381, %swap3A_1382], %gather3A_1377 {strides = array<i32>} : memref<2x8x128xi32, #tpu.memory_space<vmem>>, vector<16xi32>,
        %add3A_1384 = arith.constant 1 : i32
        %add3A_1385 = vector.broadcast %add3A_1384 : i32 to vector<16xi32>
        %add3A_1386 = arith.addi %mul3A_5, %add3A_1385 : vector<16xi32>
        %gather3A_1387 = arith.constant 0 : i32
        %gather3A_1388 = arith.constant 0 : i32
        %gather3A_1389 = tpu.memref_slice %arg9[%gather3A_1387, %gather3A_1388] : memref<2x1024xi32, #tpu.memory_space<vmem>> -> memref<1x1024xi32, #tpu.memory_space<vmem>>
        %gather3A_1390 = tpu.memref_squeeze %gather3A_1389 : memref<1x1024xi32, #tpu.memory_space<vmem>> -> memref<1024xi32, #tpu.memory_space<vmem>>
        %gather3A_1391 = tpu.vector_load_idx %gather3A_1390[%add3A_1386] : memref<1024xi32, #tpu.memory_space<vmem>>[vector<16xi32>], vector<16xi32>,
        %swap3A_1392 = arith.constant 0 : i32
        %swap3A_1393 = arith.constant 1 : i32
        %swap3A_1394 = arith.index_cast %swap3A_1392 : i32 to index
        %swap3A_1395 = arith.index_cast %swap3A_1393 : i32 to index
        %swap3A_1396 = arith.constant 0 : index
        %swap3A_1397 = tpu.vector_load %arg10[%swap3A_1394, %swap3A_1395, %swap3A_1396] {strides = array<i32>} : memref<2x8x128xi32, #tpu.memory_space<vmem>>, vector<16xi32>,
        tpu.vector_store %arg10[%swap3A_1394, %swap3A_1395, %swap3A_1396], %gather3A_1391 {strides = array<i32>} : memref<2x8x128xi32, #tpu.memory_space<vmem>>, vector<16xi32>,
        %add3A_1398 = arith.constant 129 : i32
        %add3A_1399 = vector.broadcast %add3A_1398 : i32 to vector<16xi32>
        %add3A_1400 = arith.addi %mul3A_5, %add3A_1399 : vector<16xi32>
        %gather3A_1401 = arith.constant 0 : i32
        %gather3A_1402 = arith.constant 0 : i32
        %gather3A_1403 = tpu.memref_slice %arg9[%gather3A_1401, %gather3A_1402] : memref<2x1024xi32, #tpu.memory_space<vmem>> -> memref<1x1024xi32, #tpu.memory_space<vmem>>
        %gather3A_1404 = tpu.memref_squeeze %gather3A_1403 : memref<1x1024xi32, #tpu.memory_space<vmem>> -> memref<1024xi32, #tpu.memory_space<vmem>>
        %gather3A_1405 = tpu.vector_load_idx %gather3A_1404[%add3A_1400] : memref<1024xi32, #tpu.memory_space<vmem>>[vector<16xi32>], vector<16xi32>,
        %swap3A_1406 = arith.constant 0 : i32
        %swap3A_1407 = arith.constant 1 : i32
        %swap3A_1408 = arith.index_cast %swap3A_1406 : i32 to index
        %swap3A_1409 = arith.index_cast %swap3A_1407 : i32 to index
        %swap3A_1410 = arith.constant 16 : index
        %swap3A_1411 = tpu.vector_load %arg10[%swap3A_1408, %swap3A_1409, %swap3A_1410] {strides = array<i32>} : memref<2x8x128xi32, #tpu.memory_space<vmem>>, vector<16xi32>,
        tpu.vector_store %arg10[%swap3A_1408, %swap3A_1409, %swap3A_1410], %gather3A_1405 {strides = array<i32>} : memref<2x8x128xi32, #tpu.memory_space<vmem>>, vector<16xi32>,
        %add3A_1412 = arith.constant 257 : i32
        %add3A_1413 = vector.broadcast %add3A_1412 : i32 to vector<16xi32>
        %add3A_1414 = arith.addi %mul3A_5, %add3A_1413 : vector<16xi32>
        %gather3A_1415 = arith.constant 0 : i32
        %gather3A_1416 = arith.constant 0 : i32
        %gather3A_1417 = tpu.memref_slice %arg9[%gather3A_1415, %gather3A_1416] : memref<2x1024xi32, #tpu.memory_space<vmem>> -> memref<1x1024xi32, #tpu.memory_space<vmem>>
        %gather3A_1418 = tpu.memref_squeeze %gather3A_1417 : memref<1x1024xi32, #tpu.memory_space<vmem>> -> memref<1024xi32, #tpu.memory_space<vmem>>
        %gather3A_1419 = tpu.vector_load_idx %gather3A_1418[%add3A_1414] : memref<1024xi32, #tpu.memory_space<vmem>>[vector<16xi32>], vector<16xi32>,
        %swap3A_1420 = arith.constant 0 : i32
        %swap3A_1421 = arith.constant 1 : i32
        %swap3A_1422 = arith.index_cast %swap3A_1420 : i32 to index
        %swap3A_1423 = arith.index_cast %swap3A_1421 : i32 to index
        %swap3A_1424 = arith.constant 32 : index
        %swap3A_1425 = tpu.vector_load %arg10[%swap3A_1422, %swap3A_1423, %swap3A_1424] {strides = array<i32>} : memref<2x8x128xi32, #tpu.memory_space<vmem>>, vector<16xi32>,
        tpu.vector_store %arg10[%swap3A_1422, %swap3A_1423, %swap3A_1424], %gather3A_1419 {strides = array<i32>} : memref<2x8x128xi32, #tpu.memory_space<vmem>>, vector<16xi32>,
        %add3A_1426 = arith.constant 385 : i32
        %add3A_1427 = vector.broadcast %add3A_1426 : i32 to vector<16xi32>
        %add3A_1428 = arith.addi %mul3A_5, %add3A_1427 : vector<16xi32>
        %gather3A_1429 = arith.constant 0 : i32
        %gather3A_1430 = arith.constant 0 : i32
        %gather3A_1431 = tpu.memref_slice %arg9[%gather3A_1429, %gather3A_1430] : memref<2x1024xi32, #tpu.memory_space<vmem>> -> memref<1x1024xi32, #tpu.memory_space<vmem>>
        %gather3A_1432 = tpu.memref_squeeze %gather3A_1431 : memref<1x1024xi32, #tpu.memory_space<vmem>> -> memref<1024xi32, #tpu.memory_space<vmem>>
        %gather3A_1433 = tpu.vector_load_idx %gather3A_1432[%add3A_1428] : memref<1024xi32, #tpu.memory_space<vmem>>[vector<16xi32>], vector<16xi32>,
        %swap3A_1434 = arith.constant 0 : i32
        %swap3A_1435 = arith.constant 1 : i32
        %swap3A_1436 = arith.index_cast %swap3A_1434 : i32 to index
        %swap3A_1437 = arith.index_cast %swap3A_1435 : i32 to index
        %swap3A_1438 = arith.constant 48 : index
        %swap3A_1439 = tpu.vector_load %arg10[%swap3A_1436, %swap3A_1437, %swap3A_1438] {strides = array<i32>} : memref<2x8x128xi32, #tpu.memory_space<vmem>>, vector<16xi32>,
        tpu.vector_store %arg10[%swap3A_1436, %swap3A_1437, %swap3A_1438], %gather3A_1433 {strides = array<i32>} : memref<2x8x128xi32, #tpu.memory_space<vmem>>, vector<16xi32>,
        %add3A_1440 = arith.constant 513 : i32
        %add3A_1441 = vector.broadcast %add3A_1440 : i32 to vector<16xi32>
        %add3A_1442 = arith.addi %mul3A_5, %add3A_1441 : vector<16xi32>
        %gather3A_1443 = arith.constant 0 : i32
        %gather3A_1444 = arith.constant 0 : i32
        %gather3A_1445 = tpu.memref_slice %arg9[%gather3A_1443, %gather3A_1444] : memref<2x1024xi32, #tpu.memory_space<vmem>> -> memref<1x1024xi32, #tpu.memory_space<vmem>>
        %gather3A_1446 = tpu.memref_squeeze %gather3A_1445 : memref<1x1024xi32, #tpu.memory_space<vmem>> -> memref<1024xi32, #tpu.memory_space<vmem>>
        %gather3A_1447 = tpu.vector_load_idx %gather3A_1446[%add3A_1442] : memref<1024xi32, #tpu.memory_space<vmem>>[vector<16xi32>], vector<16xi32>,
        %swap3A_1448 = arith.constant 0 : i32
        %swap3A_1449 = arith.constant 1 : i32
        %swap3A_1450 = arith.index_cast %swap3A_1448 : i32 to index
        %swap3A_1451 = arith.index_cast %swap3A_1449 : i32 to index
        %swap3A_1452 = arith.constant 64 : index
        %swap3A_1453 = tpu.vector_load %arg10[%swap3A_1450, %swap3A_1451, %swap3A_1452] {strides = array<i32>} : memref<2x8x128xi32, #tpu.memory_space<vmem>>, vector<16xi32>,
        tpu.vector_store %arg10[%swap3A_1450, %swap3A_1451, %swap3A_1452], %gather3A_1447 {strides = array<i32>} : memref<2x8x128xi32, #tpu.memory_space<vmem>>, vector<16xi32>,
        %add3A_1454 = arith.constant 641 : i32
        %add3A_1455 = vector.broadcast %add3A_1454 : i32 to vector<16xi32>
        %add3A_1456 = arith.addi %mul3A_5, %add3A_1455 : vector<16xi32>
        %gather3A_1457 = arith.constant 0 : i32
        %gather3A_1458 = arith.constant 0 : i32
        %gather3A_1459 = tpu.memref_slice %arg9[%gather3A_1457, %gather3A_1458] : memref<2x1024xi32, #tpu.memory_space<vmem>> -> memref<1x1024xi32, #tpu.memory_space<vmem>>
        %gather3A_1460 = tpu.memref_squeeze %gather3A_1459 : memref<1x1024xi32, #tpu.memory_space<vmem>> -> memref<1024xi32, #tpu.memory_space<vmem>>
        %gather3A_1461 = tpu.vector_load_idx %gather3A_1460[%add3A_1456] : memref<1024xi32, #tpu.memory_space<vmem>>[vector<16xi32>], vector<16xi32>,
        %swap3A_1462 = arith.constant 0 : i32
        %swap3A_1463 = arith.constant 1 : i32
        %swap3A_1464 = arith.index_cast %swap3A_1462 : i32 to index
        %swap3A_1465 = arith.index_cast %swap3A_1463 : i32 to index
        %swap3A_1466 = arith.constant 80 : index
        %swap3A_1467 = tpu.vector_load %arg10[%swap3A_1464, %swap3A_1465, %swap3A_1466] {strides = array<i32>} : memref<2x8x128xi32, #tpu.memory_space<vmem>>, vector<16xi32>,
        tpu.vector_store %arg10[%swap3A_1464, %swap3A_1465, %swap3A_1466], %gather3A_1461 {strides = array<i32>} : memref<2x8x128xi32, #tpu.memory_space<vmem>>, vector<16xi32>,
        %add3A_1468 = arith.constant 769 : i32
        %add3A_1469 = vector.broadcast %add3A_1468 : i32 to vector<16xi32>
        %add3A_1470 = arith.addi %mul3A_5, %add3A_1469 : vector<16xi32>
        %gather3A_1471 = arith.constant 0 : i32
        %gather3A_1472 = arith.constant 0 : i32
        %gather3A_1473 = tpu.memref_slice %arg9[%gather3A_1471, %gather3A_1472] : memref<2x1024xi32, #tpu.memory_space<vmem>> -> memref<1x1024xi32, #tpu.memory_space<vmem>>
        %gather3A_1474 = tpu.memref_squeeze %gather3A_1473 : memref<1x1024xi32, #tpu.memory_space<vmem>> -> memref<1024xi32, #tpu.memory_space<vmem>>
        %gather3A_1475 = tpu.vector_load_idx %gather3A_1474[%add3A_1470] : memref<1024xi32, #tpu.memory_space<vmem>>[vector<16xi32>], vector<16xi32>,
        %swap3A_1476 = arith.constant 0 : i32
        %swap3A_1477 = arith.constant 1 : i32
        %swap3A_1478 = arith.index_cast %swap3A_1476 : i32 to index
        %swap3A_1479 = arith.index_cast %swap3A_1477 : i32 to index
        %swap3A_1480 = arith.constant 96 : index
        %swap3A_1481 = tpu.vector_load %arg10[%swap3A_1478, %swap3A_1479, %swap3A_1480] {strides = array<i32>} : memref<2x8x128xi32, #tpu.memory_space<vmem>>, vector<16xi32>,
        tpu.vector_store %arg10[%swap3A_1478, %swap3A_1479, %swap3A_1480], %gather3A_1475 {strides = array<i32>} : memref<2x8x128xi32, #tpu.memory_space<vmem>>, vector<16xi32>,
        %add3A_1482 = arith.constant 897 : i32
        %add3A_1483 = vector.broadcast %add3A_1482 : i32 to vector<16xi32>
        %add3A_1484 = arith.addi %mul3A_5, %add3A_1483 : vector<16xi32>
        %gather3A_1485 = arith.constant 0 : i32
        %gather3A_1486 = arith.constant 0 : i32
        %gather3A_1487 = tpu.memref_slice %arg9[%gather3A_1485, %gather3A_1486] : memref<2x1024xi32, #tpu.memory_space<vmem>> -> memref<1x1024xi32, #tpu.memory_space<vmem>>
        %gather3A_1488 = tpu.memref_squeeze %gather3A_1487 : memref<1x1024xi32, #tpu.memory_space<vmem>> -> memref<1024xi32, #tpu.memory_space<vmem>>
        %gather3A_1489 = tpu.vector_load_idx %gather3A_1488[%add3A_1484] : memref<1024xi32, #tpu.memory_space<vmem>>[vector<16xi32>], vector<16xi32>,
        %swap3A_1490 = arith.constant 0 : i32
        %swap3A_1491 = arith.constant 1 : i32
        %swap3A_1492 = arith.index_cast %swap3A_1490 : i32 to index
        %swap3A_1493 = arith.index_cast %swap3A_1491 : i32 to index
        %swap3A_1494 = arith.constant 112 : index
        %swap3A_1495 = tpu.vector_load %arg10[%swap3A_1492, %swap3A_1493, %swap3A_1494] {strides = array<i32>} : memref<2x8x128xi32, #tpu.memory_space<vmem>>, vector<16xi32>,
        tpu.vector_store %arg10[%swap3A_1492, %swap3A_1493, %swap3A_1494], %gather3A_1489 {strides = array<i32>} : memref<2x8x128xi32, #tpu.memory_space<vmem>>, vector<16xi32>,
        %add3A_1496 = arith.constant 2 : i32
        %add3A_1497 = vector.broadcast %add3A_1496 : i32 to vector<16xi32>
        %add3A_1498 = arith.addi %mul3A_5, %add3A_1497 : vector<16xi32>
        %gather3A_1499 = arith.constant 0 : i32
        %gather3A_1500 = arith.constant 0 : i32
        %gather3A_1501 = tpu.memref_slice %arg9[%gather3A_1499, %gather3A_1500] : memref<2x1024xi32, #tpu.memory_space<vmem>> -> memref<1x1024xi32, #tpu.memory_space<vmem>>
        %gather3A_1502 = tpu.memref_squeeze %gather3A_1501 : memref<1x1024xi32, #tpu.memory_space<vmem>> -> memref<1024xi32, #tpu.memory_space<vmem>>
        %gather3A_1503 = tpu.vector_load_idx %gather3A_1502[%add3A_1498] : memref<1024xi32, #tpu.memory_space<vmem>>[vector<16xi32>], vector<16xi32>,
        %swap3A_1504 = arith.constant 0 : i32
        %swap3A_1505 = arith.constant 2 : i32
        %swap3A_1506 = arith.index_cast %swap3A_1504 : i32 to index
        %swap3A_1507 = arith.index_cast %swap3A_1505 : i32 to index
        %swap3A_1508 = arith.constant 0 : index
        %swap3A_1509 = tpu.vector_load %arg10[%swap3A_1506, %swap3A_1507, %swap3A_1508] {strides = array<i32>} : memref<2x8x128xi32, #tpu.memory_space<vmem>>, vector<16xi32>,
        tpu.vector_store %arg10[%swap3A_1506, %swap3A_1507, %swap3A_1508], %gather3A_1503 {strides = array<i32>} : memref<2x8x128xi32, #tpu.memory_space<vmem>>, vector<16xi32>,
        %add3A_1510 = arith.constant 130 : i32
        %add3A_1511 = vector.broadcast %add3A_1510 : i32 to vector<16xi32>
        %add3A_1512 = arith.addi %mul3A_5, %add3A_1511 : vector<16xi32>
        %gather3A_1513 = arith.constant 0 : i32
        %gather3A_1514 = arith.constant 0 : i32
        %gather3A_1515 = tpu.memref_slice %arg9[%gather3A_1513, %gather3A_1514] : memref<2x1024xi32, #tpu.memory_space<vmem>> -> memref<1x1024xi32, #tpu.memory_space<vmem>>
        %gather3A_1516 = tpu.memref_squeeze %gather3A_1515 : memref<1x1024xi32, #tpu.memory_space<vmem>> -> memref<1024xi32, #tpu.memory_space<vmem>>
        %gather3A_1517 = tpu.vector_load_idx %gather3A_1516[%add3A_1512] : memref<1024xi32, #tpu.memory_space<vmem>>[vector<16xi32>], vector<16xi32>,
        %swap3A_1518 = arith.constant 0 : i32
        %swap3A_1519 = arith.constant 2 : i32
        %swap3A_1520 = arith.index_cast %swap3A_1518 : i32 to index
        %swap3A_1521 = arith.index_cast %swap3A_1519 : i32 to index
        %swap3A_1522 = arith.constant 16 : index
        %swap3A_1523 = tpu.vector_load %arg10[%swap3A_1520, %swap3A_1521, %swap3A_1522] {strides = array<i32>} : memref<2x8x128xi32, #tpu.memory_space<vmem>>, vector<16xi32>,
        tpu.vector_store %arg10[%swap3A_1520, %swap3A_1521, %swap3A_1522], %gather3A_1517 {strides = array<i32>} : memref<2x8x128xi32, #tpu.memory_space<vmem>>, vector<16xi32>,
        %add3A_1524 = arith.constant 258 : i32
        %add3A_1525 = vector.broadcast %add3A_1524 : i32 to vector<16xi32>
        %add3A_1526 = arith.addi %mul3A_5, %add3A_1525 : vector<16xi32>
        %gather3A_1527 = arith.constant 0 : i32
        %gather3A_1528 = arith.constant 0 : i32
        %gather3A_1529 = tpu.memref_slice %arg9[%gather3A_1527, %gather3A_1528] : memref<2x1024xi32, #tpu.memory_space<vmem>> -> memref<1x1024xi32, #tpu.memory_space<vmem>>
        %gather3A_1530 = tpu.memref_squeeze %gather3A_1529 : memref<1x1024xi32, #tpu.memory_space<vmem>> -> memref<1024xi32, #tpu.memory_space<vmem>>
        %gather3A_1531 = tpu.vector_load_idx %gather3A_1530[%add3A_1526] : memref<1024xi32, #tpu.memory_space<vmem>>[vector<16xi32>], vector<16xi32>,
        %swap3A_1532 = arith.constant 0 : i32
        %swap3A_1533 = arith.constant 2 : i32
        %swap3A_1534 = arith.index_cast %swap3A_1532 : i32 to index
        %swap3A_1535 = arith.index_cast %swap3A_1533 : i32 to index
        %swap3A_1536 = arith.constant 32 : index
        %swap3A_1537 = tpu.vector_load %arg10[%swap3A_1534, %swap3A_1535, %swap3A_1536] {strides = array<i32>} : memref<2x8x128xi32, #tpu.memory_space<vmem>>, vector<16xi32>,
        tpu.vector_store %arg10[%swap3A_1534, %swap3A_1535, %swap3A_1536], %gather3A_1531 {strides = array<i32>} : memref<2x8x128xi32, #tpu.memory_space<vmem>>, vector<16xi32>,
        %add3A_1538 = arith.constant 386 : i32
        %add3A_1539 = vector.broadcast %add3A_1538 : i32 to vector<16xi32>
        %add3A_1540 = arith.addi %mul3A_5, %add3A_1539 : vector<16xi32>
        %gather3A_1541 = arith.constant 0 : i32
        %gather3A_1542 = arith.constant 0 : i32
        %gather3A_1543 = tpu.memref_slice %arg9[%gather3A_1541, %gather3A_1542] : memref<2x1024xi32, #tpu.memory_space<vmem>> -> memref<1x1024xi32, #tpu.memory_space<vmem>>
        %gather3A_1544 = tpu.memref_squeeze %gather3A_1543 : memref<1x1024xi32, #tpu.memory_space<vmem>> -> memref<1024xi32, #tpu.memory_space<vmem>>
        %gather3A_1545 = tpu.vector_load_idx %gather3A_1544[%add3A_1540] : memref<1024xi32, #tpu.memory_space<vmem>>[vector<16xi32>], vector<16xi32>,
        %swap3A_1546 = arith.constant 0 : i32
        %swap3A_1547 = arith.constant 2 : i32
        %swap3A_1548 = arith.index_cast %swap3A_1546 : i32 to index
        %swap3A_1549 = arith.index_cast %swap3A_1547 : i32 to index
        %swap3A_1550 = arith.constant 48 : index
        %swap3A_1551 = tpu.vector_load %arg10[%swap3A_1548, %swap3A_1549, %swap3A_1550] {strides = array<i32>} : memref<2x8x128xi32, #tpu.memory_space<vmem>>, vector<16xi32>,
        tpu.vector_store %arg10[%swap3A_1548, %swap3A_1549, %swap3A_1550], %gather3A_1545 {strides = array<i32>} : memref<2x8x128xi32, #tpu.memory_space<vmem>>, vector<16xi32>,
        %add3A_1552 = arith.constant 514 : i32
        %add3A_1553 = vector.broadcast %add3A_1552 : i32 to vector<16xi32>
        %add3A_1554 = arith.addi %mul3A_5, %add3A_1553 : vector<16xi32>
        %gather3A_1555 = arith.constant 0 : i32
        %gather3A_1556 = arith.constant 0 : i32
        %gather3A_1557 = tpu.memref_slice %arg9[%gather3A_1555, %gather3A_1556] : memref<2x1024xi32, #tpu.memory_space<vmem>> -> memref<1x1024xi32, #tpu.memory_space<vmem>>
        %gather3A_1558 = tpu.memref_squeeze %gather3A_1557 : memref<1x1024xi32, #tpu.memory_space<vmem>> -> memref<1024xi32, #tpu.memory_space<vmem>>
        %gather3A_1559 = tpu.vector_load_idx %gather3A_1558[%add3A_1554] : memref<1024xi32, #tpu.memory_space<vmem>>[vector<16xi32>], vector<16xi32>,
        %swap3A_1560 = arith.constant 0 : i32
        %swap3A_1561 = arith.constant 2 : i32
        %swap3A_1562 = arith.index_cast %swap3A_1560 : i32 to index
        %swap3A_1563 = arith.index_cast %swap3A_1561 : i32 to index
        %swap3A_1564 = arith.constant 64 : index
        %swap3A_1565 = tpu.vector_load %arg10[%swap3A_1562, %swap3A_1563, %swap3A_1564] {strides = array<i32>} : memref<2x8x128xi32, #tpu.memory_space<vmem>>, vector<16xi32>,
        tpu.vector_store %arg10[%swap3A_1562, %swap3A_1563, %swap3A_1564], %gather3A_1559 {strides = array<i32>} : memref<2x8x128xi32, #tpu.memory_space<vmem>>, vector<16xi32>,
        %add3A_1566 = arith.constant 642 : i32
        %add3A_1567 = vector.broadcast %add3A_1566 : i32 to vector<16xi32>
        %add3A_1568 = arith.addi %mul3A_5, %add3A_1567 : vector<16xi32>
        %gather3A_1569 = arith.constant 0 : i32
        %gather3A_1570 = arith.constant 0 : i32
        %gather3A_1571 = tpu.memref_slice %arg9[%gather3A_1569, %gather3A_1570] : memref<2x1024xi32, #tpu.memory_space<vmem>> -> memref<1x1024xi32, #tpu.memory_space<vmem>>
        %gather3A_1572 = tpu.memref_squeeze %gather3A_1571 : memref<1x1024xi32, #tpu.memory_space<vmem>> -> memref<1024xi32, #tpu.memory_space<vmem>>
        %gather3A_1573 = tpu.vector_load_idx %gather3A_1572[%add3A_1568] : memref<1024xi32, #tpu.memory_space<vmem>>[vector<16xi32>], vector<16xi32>,
        %swap3A_1574 = arith.constant 0 : i32
        %swap3A_1575 = arith.constant 2 : i32
        %swap3A_1576 = arith.index_cast %swap3A_1574 : i32 to index
        %swap3A_1577 = arith.index_cast %swap3A_1575 : i32 to index
        %swap3A_1578 = arith.constant 80 : index
        %swap3A_1579 = tpu.vector_load %arg10[%swap3A_1576, %swap3A_1577, %swap3A_1578] {strides = array<i32>} : memref<2x8x128xi32, #tpu.memory_space<vmem>>, vector<16xi32>,
        tpu.vector_store %arg10[%swap3A_1576, %swap3A_1577, %swap3A_1578], %gather3A_1573 {strides = array<i32>} : memref<2x8x128xi32, #tpu.memory_space<vmem>>, vector<16xi32>,
        %add3A_1580 = arith.constant 770 : i32
        %add3A_1581 = vector.broadcast %add3A_1580 : i32 to vector<16xi32>
        %add3A_1582 = arith.addi %mul3A_5, %add3A_1581 : vector<16xi32>
        %gather3A_1583 = arith.constant 0 : i32
        %gather3A_1584 = arith.constant 0 : i32
        %gather3A_1585 = tpu.memref_slice %arg9[%gather3A_1583, %gather3A_1584] : memref<2x1024xi32, #tpu.memory_space<vmem>> -> memref<1x1024xi32, #tpu.memory_space<vmem>>
        %gather3A_1586 = tpu.memref_squeeze %gather3A_1585 : memref<1x1024xi32, #tpu.memory_space<vmem>> -> memref<1024xi32, #tpu.memory_space<vmem>>
        %gather3A_1587 = tpu.vector_load_idx %gather3A_1586[%add3A_1582] : memref<1024xi32, #tpu.memory_space<vmem>>[vector<16xi32>], vector<16xi32>,
        %swap3A_1588 = arith.constant 0 : i32
        %swap3A_1589 = arith.constant 2 : i32
        %swap3A_1590 = arith.index_cast %swap3A_1588 : i32 to index
        %swap3A_1591 = arith.index_cast %swap3A_1589 : i32 to index
        %swap3A_1592 = arith.constant 96 : index
        %swap3A_1593 = tpu.vector_load %arg10[%swap3A_1590, %swap3A_1591, %swap3A_1592] {strides = array<i32>} : memref<2x8x128xi32, #tpu.memory_space<vmem>>, vector<16xi32>,
        tpu.vector_store %arg10[%swap3A_1590, %swap3A_1591, %swap3A_1592], %gather3A_1587 {strides = array<i32>} : memref<2x8x128xi32, #tpu.memory_space<vmem>>, vector<16xi32>,
        %add3A_1594 = arith.constant 898 : i32
        %add3A_1595 = vector.broadcast %add3A_1594 : i32 to vector<16xi32>
        %add3A_1596 = arith.addi %mul3A_5, %add3A_1595 : vector<16xi32>
        %gather3A_1597 = arith.constant 0 : i32
        %gather3A_1598 = arith.constant 0 : i32
        %gather3A_1599 = tpu.memref_slice %arg9[%gather3A_1597, %gather3A_1598] : memref<2x1024xi32, #tpu.memory_space<vmem>> -> memref<1x1024xi32, #tpu.memory_space<vmem>>
        %gather3A_1600 = tpu.memref_squeeze %gather3A_1599 : memref<1x1024xi32, #tpu.memory_space<vmem>> -> memref<1024xi32, #tpu.memory_space<vmem>>
        %gather3A_1601 = tpu.vector_load_idx %gather3A_1600[%add3A_1596] : memref<1024xi32, #tpu.memory_space<vmem>>[vector<16xi32>], vector<16xi32>,
        %swap3A_1602 = arith.constant 0 : i32
        %swap3A_1603 = arith.constant 2 : i32
        %swap3A_1604 = arith.index_cast %swap3A_1602 : i32 to index
        %swap3A_1605 = arith.index_cast %swap3A_1603 : i32 to index
        %swap3A_1606 = arith.constant 112 : index
        %swap3A_1607 = tpu.vector_load %arg10[%swap3A_1604, %swap3A_1605, %swap3A_1606] {strides = array<i32>} : memref<2x8x128xi32, #tpu.memory_space<vmem>>, vector<16xi32>,
        tpu.vector_store %arg10[%swap3A_1604, %swap3A_1605, %swap3A_1606], %gather3A_1601 {strides = array<i32>} : memref<2x8x128xi32, #tpu.memory_space<vmem>>, vector<16xi32>,
        %add3A_1608 = arith.constant 3 : i32
        %add3A_1609 = vector.broadcast %add3A_1608 : i32 to vector<16xi32>
        %add3A_1610 = arith.addi %mul3A_5, %add3A_1609 : vector<16xi32>
        %gather3A_1611 = arith.constant 0 : i32
        %gather3A_1612 = arith.constant 0 : i32
        %gather3A_1613 = tpu.memref_slice %arg9[%gather3A_1611, %gather3A_1612] : memref<2x1024xi32, #tpu.memory_space<vmem>> -> memref<1x1024xi32, #tpu.memory_space<vmem>>
        %gather3A_1614 = tpu.memref_squeeze %gather3A_1613 : memref<1x1024xi32, #tpu.memory_space<vmem>> -> memref<1024xi32, #tpu.memory_space<vmem>>
        %gather3A_1615 = tpu.vector_load_idx %gather3A_1614[%add3A_1610] : memref<1024xi32, #tpu.memory_space<vmem>>[vector<16xi32>], vector<16xi32>,
        %swap3A_1616 = arith.constant 0 : i32
        %swap3A_1617 = arith.constant 3 : i32
        %swap3A_1618 = arith.index_cast %swap3A_1616 : i32 to index
        %swap3A_1619 = arith.index_cast %swap3A_1617 : i32 to index
        %swap3A_1620 = arith.constant 0 : index
        %swap3A_1621 = tpu.vector_load %arg10[%swap3A_1618, %swap3A_1619, %swap3A_1620] {strides = array<i32>} : memref<2x8x128xi32, #tpu.memory_space<vmem>>, vector<16xi32>,
        tpu.vector_store %arg10[%swap3A_1618, %swap3A_1619, %swap3A_1620], %gather3A_1615 {strides = array<i32>} : memref<2x8x128xi32, #tpu.memory_space<vmem>>, vector<16xi32>,
        %add3A_1622 = arith.constant 131 : i32
        %add3A_1623 = vector.broadcast %add3A_1622 : i32 to vector<16xi32>
        %add3A_1624 = arith.addi %mul3A_5, %add3A_1623 : vector<16xi32>
        %gather3A_1625 = arith.constant 0 : i32
        %gather3A_1626 = arith.constant 0 : i32
        %gather3A_1627 = tpu.memref_slice %arg9[%gather3A_1625, %gather3A_1626] : memref<2x1024xi32, #tpu.memory_space<vmem>> -> memref<1x1024xi32, #tpu.memory_space<vmem>>
        %gather3A_1628 = tpu.memref_squeeze %gather3A_1627 : memref<1x1024xi32, #tpu.memory_space<vmem>> -> memref<1024xi32, #tpu.memory_space<vmem>>
        %gather3A_1629 = tpu.vector_load_idx %gather3A_1628[%add3A_1624] : memref<1024xi32, #tpu.memory_space<vmem>>[vector<16xi32>], vector<16xi32>,
        %swap3A_1630 = arith.constant 0 : i32
        %swap3A_1631 = arith.constant 3 : i32
        %swap3A_1632 = arith.index_cast %swap3A_1630 : i32 to index
        %swap3A_1633 = arith.index_cast %swap3A_1631 : i32 to index
        %swap3A_1634 = arith.constant 16 : index
        %swap3A_1635 = tpu.vector_load %arg10[%swap3A_1632, %swap3A_1633, %swap3A_1634] {strides = array<i32>} : memref<2x8x128xi32, #tpu.memory_space<vmem>>, vector<16xi32>,
        tpu.vector_store %arg10[%swap3A_1632, %swap3A_1633, %swap3A_1634], %gather3A_1629 {strides = array<i32>} : memref<2x8x128xi32, #tpu.memory_space<vmem>>, vector<16xi32>,
        %add3A_1636 = arith.constant 259 : i32
        %add3A_1637 = vector.broadcast %add3A_1636 : i32 to vector<16xi32>
        %add3A_1638 = arith.addi %mul3A_5, %add3A_1637 : vector<16xi32>
        %gather3A_1639 = arith.constant 0 : i32
        %gather3A_1640 = arith.constant 0 : i32
        %gather3A_1641 = tpu.memref_slice %arg9[%gather3A_1639, %gather3A_1640] : memref<2x1024xi32, #tpu.memory_space<vmem>> -> memref<1x1024xi32, #tpu.memory_space<vmem>>
        %gather3A_1642 = tpu.memref_squeeze %gather3A_1641 : memref<1x1024xi32, #tpu.memory_space<vmem>> -> memref<1024xi32, #tpu.memory_space<vmem>>
        %gather3A_1643 = tpu.vector_load_idx %gather3A_1642[%add3A_1638] : memref<1024xi32, #tpu.memory_space<vmem>>[vector<16xi32>], vector<16xi32>,
        %swap3A_1644 = arith.constant 0 : i32
        %swap3A_1645 = arith.constant 3 : i32
        %swap3A_1646 = arith.index_cast %swap3A_1644 : i32 to index
        %swap3A_1647 = arith.index_cast %swap3A_1645 : i32 to index
        %swap3A_1648 = arith.constant 32 : index
        %swap3A_1649 = tpu.vector_load %arg10[%swap3A_1646, %swap3A_1647, %swap3A_1648] {strides = array<i32>} : memref<2x8x128xi32, #tpu.memory_space<vmem>>, vector<16xi32>,
        tpu.vector_store %arg10[%swap3A_1646, %swap3A_1647, %swap3A_1648], %gather3A_1643 {strides = array<i32>} : memref<2x8x128xi32, #tpu.memory_space<vmem>>, vector<16xi32>,
        %add3A_1650 = arith.constant 387 : i32
        %add3A_1651 = vector.broadcast %add3A_1650 : i32 to vector<16xi32>
        %add3A_1652 = arith.addi %mul3A_5, %add3A_1651 : vector<16xi32>
        %gather3A_1653 = arith.constant 0 : i32
        %gather3A_1654 = arith.constant 0 : i32
        %gather3A_1655 = tpu.memref_slice %arg9[%gather3A_1653, %gather3A_1654] : memref<2x1024xi32, #tpu.memory_space<vmem>> -> memref<1x1024xi32, #tpu.memory_space<vmem>>
        %gather3A_1656 = tpu.memref_squeeze %gather3A_1655 : memref<1x1024xi32, #tpu.memory_space<vmem>> -> memref<1024xi32, #tpu.memory_space<vmem>>
        %gather3A_1657 = tpu.vector_load_idx %gather3A_1656[%add3A_1652] : memref<1024xi32, #tpu.memory_space<vmem>>[vector<16xi32>], vector<16xi32>,
        %swap3A_1658 = arith.constant 0 : i32
        %swap3A_1659 = arith.constant 3 : i32
        %swap3A_1660 = arith.index_cast %swap3A_1658 : i32 to index
        %swap3A_1661 = arith.index_cast %swap3A_1659 : i32 to index
        %swap3A_1662 = arith.constant 48 : index
        %swap3A_1663 = tpu.vector_load %arg10[%swap3A_1660, %swap3A_1661, %swap3A_1662] {strides = array<i32>} : memref<2x8x128xi32, #tpu.memory_space<vmem>>, vector<16xi32>,
        tpu.vector_store %arg10[%swap3A_1660, %swap3A_1661, %swap3A_1662], %gather3A_1657 {strides = array<i32>} : memref<2x8x128xi32, #tpu.memory_space<vmem>>, vector<16xi32>,
        %add3A_1664 = arith.constant 515 : i32
        %add3A_1665 = vector.broadcast %add3A_1664 : i32 to vector<16xi32>
        %add3A_1666 = arith.addi %mul3A_5, %add3A_1665 : vector<16xi32>
        %gather3A_1667 = arith.constant 0 : i32
        %gather3A_1668 = arith.constant 0 : i32
        %gather3A_1669 = tpu.memref_slice %arg9[%gather3A_1667, %gather3A_1668] : memref<2x1024xi32, #tpu.memory_space<vmem>> -> memref<1x1024xi32, #tpu.memory_space<vmem>>
        %gather3A_1670 = tpu.memref_squeeze %gather3A_1669 : memref<1x1024xi32, #tpu.memory_space<vmem>> -> memref<1024xi32, #tpu.memory_space<vmem>>
        %gather3A_1671 = tpu.vector_load_idx %gather3A_1670[%add3A_1666] : memref<1024xi32, #tpu.memory_space<vmem>>[vector<16xi32>], vector<16xi32>,
        %swap3A_1672 = arith.constant 0 : i32
        %swap3A_1673 = arith.constant 3 : i32
        %swap3A_1674 = arith.index_cast %swap3A_1672 : i32 to index
        %swap3A_1675 = arith.index_cast %swap3A_1673 : i32 to index
        %swap3A_1676 = arith.constant 64 : index
        %swap3A_1677 = tpu.vector_load %arg10[%swap3A_1674, %swap3A_1675, %swap3A_1676] {strides = array<i32>} : memref<2x8x128xi32, #tpu.memory_space<vmem>>, vector<16xi32>,
        tpu.vector_store %arg10[%swap3A_1674, %swap3A_1675, %swap3A_1676], %gather3A_1671 {strides = array<i32>} : memref<2x8x128xi32, #tpu.memory_space<vmem>>, vector<16xi32>,
        %add3A_1678 = arith.constant 643 : i32
        %add3A_1679 = vector.broadcast %add3A_1678 : i32 to vector<16xi32>
        %add3A_1680 = arith.addi %mul3A_5, %add3A_1679 : vector<16xi32>
        %gather3A_1681 = arith.constant 0 : i32
        %gather3A_1682 = arith.constant 0 : i32
        %gather3A_1683 = tpu.memref_slice %arg9[%gather3A_1681, %gather3A_1682] : memref<2x1024xi32, #tpu.memory_space<vmem>> -> memref<1x1024xi32, #tpu.memory_space<vmem>>
        %gather3A_1684 = tpu.memref_squeeze %gather3A_1683 : memref<1x1024xi32, #tpu.memory_space<vmem>> -> memref<1024xi32, #tpu.memory_space<vmem>>
        %gather3A_1685 = tpu.vector_load_idx %gather3A_1684[%add3A_1680] : memref<1024xi32, #tpu.memory_space<vmem>>[vector<16xi32>], vector<16xi32>,
        %swap3A_1686 = arith.constant 0 : i32
        %swap3A_1687 = arith.constant 3 : i32
        %swap3A_1688 = arith.index_cast %swap3A_1686 : i32 to index
        %swap3A_1689 = arith.index_cast %swap3A_1687 : i32 to index
        %swap3A_1690 = arith.constant 80 : index
        %swap3A_1691 = tpu.vector_load %arg10[%swap3A_1688, %swap3A_1689, %swap3A_1690] {strides = array<i32>} : memref<2x8x128xi32, #tpu.memory_space<vmem>>, vector<16xi32>,
        tpu.vector_store %arg10[%swap3A_1688, %swap3A_1689, %swap3A_1690], %gather3A_1685 {strides = array<i32>} : memref<2x8x128xi32, #tpu.memory_space<vmem>>, vector<16xi32>,
        %add3A_1692 = arith.constant 771 : i32
        %add3A_1693 = vector.broadcast %add3A_1692 : i32 to vector<16xi32>
        %add3A_1694 = arith.addi %mul3A_5, %add3A_1693 : vector<16xi32>
        %gather3A_1695 = arith.constant 0 : i32
        %gather3A_1696 = arith.constant 0 : i32
        %gather3A_1697 = tpu.memref_slice %arg9[%gather3A_1695, %gather3A_1696] : memref<2x1024xi32, #tpu.memory_space<vmem>> -> memref<1x1024xi32, #tpu.memory_space<vmem>>
        %gather3A_1698 = tpu.memref_squeeze %gather3A_1697 : memref<1x1024xi32, #tpu.memory_space<vmem>> -> memref<1024xi32, #tpu.memory_space<vmem>>
        %gather3A_1699 = tpu.vector_load_idx %gather3A_1698[%add3A_1694] : memref<1024xi32, #tpu.memory_space<vmem>>[vector<16xi32>], vector<16xi32>,
        %swap3A_1700 = arith.constant 0 : i32
        %swap3A_1701 = arith.constant 3 : i32
        %swap3A_1702 = arith.index_cast %swap3A_1700 : i32 to index
        %swap3A_1703 = arith.index_cast %swap3A_1701 : i32 to index
        %swap3A_1704 = arith.constant 96 : index
        %swap3A_1705 = tpu.vector_load %arg10[%swap3A_1702, %swap3A_1703, %swap3A_1704] {strides = array<i32>} : memref<2x8x128xi32, #tpu.memory_space<vmem>>, vector<16xi32>,
        tpu.vector_store %arg10[%swap3A_1702, %swap3A_1703, %swap3A_1704], %gather3A_1699 {strides = array<i32>} : memref<2x8x128xi32, #tpu.memory_space<vmem>>, vector<16xi32>,
        %add3A_1706 = arith.constant 899 : i32
        %add3A_1707 = vector.broadcast %add3A_1706 : i32 to vector<16xi32>
        %add3A_1708 = arith.addi %mul3A_5, %add3A_1707 : vector<16xi32>
        %gather3A_1709 = arith.constant 0 : i32
        %gather3A_1710 = arith.constant 0 : i32
        %gather3A_1711 = tpu.memref_slice %arg9[%gather3A_1709, %gather3A_1710] : memref<2x1024xi32, #tpu.memory_space<vmem>> -> memref<1x1024xi32, #tpu.memory_space<vmem>>
        %gather3A_1712 = tpu.memref_squeeze %gather3A_1711 : memref<1x1024xi32, #tpu.memory_space<vmem>> -> memref<1024xi32, #tpu.memory_space<vmem>>
        %gather3A_1713 = tpu.vector_load_idx %gather3A_1712[%add3A_1708] : memref<1024xi32, #tpu.memory_space<vmem>>[vector<16xi32>], vector<16xi32>,
        %swap3A_1714 = arith.constant 0 : i32
        %swap3A_1715 = arith.constant 3 : i32
        %swap3A_1716 = arith.index_cast %swap3A_1714 : i32 to index
        %swap3A_1717 = arith.index_cast %swap3A_1715 : i32 to index
        %swap3A_1718 = arith.constant 112 : index
        %swap3A_1719 = tpu.vector_load %arg10[%swap3A_1716, %swap3A_1717, %swap3A_1718] {strides = array<i32>} : memref<2x8x128xi32, #tpu.memory_space<vmem>>, vector<16xi32>,
        tpu.vector_store %arg10[%swap3A_1716, %swap3A_1717, %swap3A_1718], %gather3A_1713 {strides = array<i32>} : memref<2x8x128xi32, #tpu.memory_space<vmem>>, vector<16xi32>,
        %add3A_1720 = arith.constant 4 : i32
        %add3A_1721 = vector.broadcast %add3A_1720 : i32 to vector<16xi32>
        %add3A_1722 = arith.addi %mul3A_5, %add3A_1721 : vector<16xi32>
        %gather3A_1723 = arith.constant 0 : i32
        %gather3A_1724 = arith.constant 0 : i32
        %gather3A_1725 = tpu.memref_slice %arg9[%gather3A_1723, %gather3A_1724] : memref<2x1024xi32, #tpu.memory_space<vmem>> -> memref<1x1024xi32, #tpu.memory_space<vmem>>
        %gather3A_1726 = tpu.memref_squeeze %gather3A_1725 : memref<1x1024xi32, #tpu.memory_space<vmem>> -> memref<1024xi32, #tpu.memory_space<vmem>>
        %gather3A_1727 = tpu.vector_load_idx %gather3A_1726[%add3A_1722] : memref<1024xi32, #tpu.memory_space<vmem>>[vector<16xi32>], vector<16xi32>,
        %swap3A_1728 = arith.constant 0 : i32
        %swap3A_1729 = arith.constant 4 : i32
        %swap3A_1730 = arith.index_cast %swap3A_1728 : i32 to index
        %swap3A_1731 = arith.index_cast %swap3A_1729 : i32 to index
        %swap3A_1732 = arith.constant 0 : index
        %swap3A_1733 = tpu.vector_load %arg10[%swap3A_1730, %swap3A_1731, %swap3A_1732] {strides = array<i32>} : memref<2x8x128xi32, #tpu.memory_space<vmem>>, vector<16xi32>,
        tpu.vector_store %arg10[%swap3A_1730, %swap3A_1731, %swap3A_1732], %gather3A_1727 {strides = array<i32>} : memref<2x8x128xi32, #tpu.memory_space<vmem>>, vector<16xi32>,
        %add3A_1734 = arith.constant 132 : i32
        %add3A_1735 = vector.broadcast %add3A_1734 : i32 to vector<16xi32>
        %add3A_1736 = arith.addi %mul3A_5, %add3A_1735 : vector<16xi32>
        %gather3A_1737 = arith.constant 0 : i32
        %gather3A_1738 = arith.constant 0 : i32
        %gather3A_1739 = tpu.memref_slice %arg9[%gather3A_1737, %gather3A_1738] : memref<2x1024xi32, #tpu.memory_space<vmem>> -> memref<1x1024xi32, #tpu.memory_space<vmem>>
        %gather3A_1740 = tpu.memref_squeeze %gather3A_1739 : memref<1x1024xi32, #tpu.memory_space<vmem>> -> memref<1024xi32, #tpu.memory_space<vmem>>
        %gather3A_1741 = tpu.vector_load_idx %gather3A_1740[%add3A_1736] : memref<1024xi32, #tpu.memory_space<vmem>>[vector<16xi32>], vector<16xi32>,
        %swap3A_1742 = arith.constant 0 : i32
        %swap3A_1743 = arith.constant 4 : i32
        %swap3A_1744 = arith.index_cast %swap3A_1742 : i32 to index
        %swap3A_1745 = arith.index_cast %swap3A_1743 : i32 to index
        %swap3A_1746 = arith.constant 16 : index
        %swap3A_1747 = tpu.vector_load %arg10[%swap3A_1744, %swap3A_1745, %swap3A_1746] {strides = array<i32>} : memref<2x8x128xi32, #tpu.memory_space<vmem>>, vector<16xi32>,
        tpu.vector_store %arg10[%swap3A_1744, %swap3A_1745, %swap3A_1746], %gather3A_1741 {strides = array<i32>} : memref<2x8x128xi32, #tpu.memory_space<vmem>>, vector<16xi32>,
        %add3A_1748 = arith.constant 260 : i32
        %add3A_1749 = vector.broadcast %add3A_1748 : i32 to vector<16xi32>
        %add3A_1750 = arith.addi %mul3A_5, %add3A_1749 : vector<16xi32>
        %gather3A_1751 = arith.constant 0 : i32
        %gather3A_1752 = arith.constant 0 : i32
        %gather3A_1753 = tpu.memref_slice %arg9[%gather3A_1751, %gather3A_1752] : memref<2x1024xi32, #tpu.memory_space<vmem>> -> memref<1x1024xi32, #tpu.memory_space<vmem>>
        %gather3A_1754 = tpu.memref_squeeze %gather3A_1753 : memref<1x1024xi32, #tpu.memory_space<vmem>> -> memref<1024xi32, #tpu.memory_space<vmem>>
        %gather3A_1755 = tpu.vector_load_idx %gather3A_1754[%add3A_1750] : memref<1024xi32, #tpu.memory_space<vmem>>[vector<16xi32>], vector<16xi32>,
        %swap3A_1756 = arith.constant 0 : i32
        %swap3A_1757 = arith.constant 4 : i32
        %swap3A_1758 = arith.index_cast %swap3A_1756 : i32 to index
        %swap3A_1759 = arith.index_cast %swap3A_1757 : i32 to index
        %swap3A_1760 = arith.constant 32 : index
        %swap3A_1761 = tpu.vector_load %arg10[%swap3A_1758, %swap3A_1759, %swap3A_1760] {strides = array<i32>} : memref<2x8x128xi32, #tpu.memory_space<vmem>>, vector<16xi32>,
        tpu.vector_store %arg10[%swap3A_1758, %swap3A_1759, %swap3A_1760], %gather3A_1755 {strides = array<i32>} : memref<2x8x128xi32, #tpu.memory_space<vmem>>, vector<16xi32>,
        %add3A_1762 = arith.constant 388 : i32
        %add3A_1763 = vector.broadcast %add3A_1762 : i32 to vector<16xi32>
        %add3A_1764 = arith.addi %mul3A_5, %add3A_1763 : vector<16xi32>
        %gather3A_1765 = arith.constant 0 : i32
        %gather3A_1766 = arith.constant 0 : i32
        %gather3A_1767 = tpu.memref_slice %arg9[%gather3A_1765, %gather3A_1766] : memref<2x1024xi32, #tpu.memory_space<vmem>> -> memref<1x1024xi32, #tpu.memory_space<vmem>>
        %gather3A_1768 = tpu.memref_squeeze %gather3A_1767 : memref<1x1024xi32, #tpu.memory_space<vmem>> -> memref<1024xi32, #tpu.memory_space<vmem>>
        %gather3A_1769 = tpu.vector_load_idx %gather3A_1768[%add3A_1764] : memref<1024xi32, #tpu.memory_space<vmem>>[vector<16xi32>], vector<16xi32>,
        %swap3A_1770 = arith.constant 0 : i32
        %swap3A_1771 = arith.constant 4 : i32
        %swap3A_1772 = arith.index_cast %swap3A_1770 : i32 to index
        %swap3A_1773 = arith.index_cast %swap3A_1771 : i32 to index
        %swap3A_1774 = arith.constant 48 : index
        %swap3A_1775 = tpu.vector_load %arg10[%swap3A_1772, %swap3A_1773, %swap3A_1774] {strides = array<i32>} : memref<2x8x128xi32, #tpu.memory_space<vmem>>, vector<16xi32>,
        tpu.vector_store %arg10[%swap3A_1772, %swap3A_1773, %swap3A_1774], %gather3A_1769 {strides = array<i32>} : memref<2x8x128xi32, #tpu.memory_space<vmem>>, vector<16xi32>,
        %add3A_1776 = arith.constant 516 : i32
        %add3A_1777 = vector.broadcast %add3A_1776 : i32 to vector<16xi32>
        %add3A_1778 = arith.addi %mul3A_5, %add3A_1777 : vector<16xi32>
        %gather3A_1779 = arith.constant 0 : i32
        %gather3A_1780 = arith.constant 0 : i32
        %gather3A_1781 = tpu.memref_slice %arg9[%gather3A_1779, %gather3A_1780] : memref<2x1024xi32, #tpu.memory_space<vmem>> -> memref<1x1024xi32, #tpu.memory_space<vmem>>
        %gather3A_1782 = tpu.memref_squeeze %gather3A_1781 : memref<1x1024xi32, #tpu.memory_space<vmem>> -> memref<1024xi32, #tpu.memory_space<vmem>>
        %gather3A_1783 = tpu.vector_load_idx %gather3A_1782[%add3A_1778] : memref<1024xi32, #tpu.memory_space<vmem>>[vector<16xi32>], vector<16xi32>,
        %swap3A_1784 = arith.constant 0 : i32
        %swap3A_1785 = arith.constant 4 : i32
        %swap3A_1786 = arith.index_cast %swap3A_1784 : i32 to index
        %swap3A_1787 = arith.index_cast %swap3A_1785 : i32 to index
        %swap3A_1788 = arith.constant 64 : index
        %swap3A_1789 = tpu.vector_load %arg10[%swap3A_1786, %swap3A_1787, %swap3A_1788] {strides = array<i32>} : memref<2x8x128xi32, #tpu.memory_space<vmem>>, vector<16xi32>,
        tpu.vector_store %arg10[%swap3A_1786, %swap3A_1787, %swap3A_1788], %gather3A_1783 {strides = array<i32>} : memref<2x8x128xi32, #tpu.memory_space<vmem>>, vector<16xi32>,
        %add3A_1790 = arith.constant 644 : i32
        %add3A_1791 = vector.broadcast %add3A_1790 : i32 to vector<16xi32>
        %add3A_1792 = arith.addi %mul3A_5, %add3A_1791 : vector<16xi32>
        %gather3A_1793 = arith.constant 0 : i32
        %gather3A_1794 = arith.constant 0 : i32
        %gather3A_1795 = tpu.memref_slice %arg9[%gather3A_1793, %gather3A_1794] : memref<2x1024xi32, #tpu.memory_space<vmem>> -> memref<1x1024xi32, #tpu.memory_space<vmem>>
        %gather3A_1796 = tpu.memref_squeeze %gather3A_1795 : memref<1x1024xi32, #tpu.memory_space<vmem>> -> memref<1024xi32, #tpu.memory_space<vmem>>
        %gather3A_1797 = tpu.vector_load_idx %gather3A_1796[%add3A_1792] : memref<1024xi32, #tpu.memory_space<vmem>>[vector<16xi32>], vector<16xi32>,
        %swap3A_1798 = arith.constant 0 : i32
        %swap3A_1799 = arith.constant 4 : i32
        %swap3A_1800 = arith.index_cast %swap3A_1798 : i32 to index
        %swap3A_1801 = arith.index_cast %swap3A_1799 : i32 to index
        %swap3A_1802 = arith.constant 80 : index
        %swap3A_1803 = tpu.vector_load %arg10[%swap3A_1800, %swap3A_1801, %swap3A_1802] {strides = array<i32>} : memref<2x8x128xi32, #tpu.memory_space<vmem>>, vector<16xi32>,
        tpu.vector_store %arg10[%swap3A_1800, %swap3A_1801, %swap3A_1802], %gather3A_1797 {strides = array<i32>} : memref<2x8x128xi32, #tpu.memory_space<vmem>>, vector<16xi32>,
        %add3A_1804 = arith.constant 772 : i32
        %add3A_1805 = vector.broadcast %add3A_1804 : i32 to vector<16xi32>
        %add3A_1806 = arith.addi %mul3A_5, %add3A_1805 : vector<16xi32>
        %gather3A_1807 = arith.constant 0 : i32
        %gather3A_1808 = arith.constant 0 : i32
        %gather3A_1809 = tpu.memref_slice %arg9[%gather3A_1807, %gather3A_1808] : memref<2x1024xi32, #tpu.memory_space<vmem>> -> memref<1x1024xi32, #tpu.memory_space<vmem>>
        %gather3A_1810 = tpu.memref_squeeze %gather3A_1809 : memref<1x1024xi32, #tpu.memory_space<vmem>> -> memref<1024xi32, #tpu.memory_space<vmem>>
        %gather3A_1811 = tpu.vector_load_idx %gather3A_1810[%add3A_1806] : memref<1024xi32, #tpu.memory_space<vmem>>[vector<16xi32>], vector<16xi32>,
        %swap3A_1812 = arith.constant 0 : i32
        %swap3A_1813 = arith.constant 4 : i32
        %swap3A_1814 = arith.index_cast %swap3A_1812 : i32 to index
        %swap3A_1815 = arith.index_cast %swap3A_1813 : i32 to index
        %swap3A_1816 = arith.constant 96 : index
        %swap3A_1817 = tpu.vector_load %arg10[%swap3A_1814, %swap3A_1815, %swap3A_1816] {strides = array<i32>} : memref<2x8x128xi32, #tpu.memory_space<vmem>>, vector<16xi32>,
        tpu.vector_store %arg10[%swap3A_1814, %swap3A_1815, %swap3A_1816], %gather3A_1811 {strides = array<i32>} : memref<2x8x128xi32, #tpu.memory_space<vmem>>, vector<16xi32>,
        %add3A_1818 = arith.constant 900 : i32
        %add3A_1819 = vector.broadcast %add3A_1818 : i32 to vector<16xi32>
        %add3A_1820 = arith.addi %mul3A_5, %add3A_1819 : vector<16xi32>
        %gather3A_1821 = arith.constant 0 : i32
        %gather3A_1822 = arith.constant 0 : i32
        %gather3A_1823 = tpu.memref_slice %arg9[%gather3A_1821, %gather3A_1822] : memref<2x1024xi32, #tpu.memory_space<vmem>> -> memref<1x1024xi32, #tpu.memory_space<vmem>>
        %gather3A_1824 = tpu.memref_squeeze %gather3A_1823 : memref<1x1024xi32, #tpu.memory_space<vmem>> -> memref<1024xi32, #tpu.memory_space<vmem>>
        %gather3A_1825 = tpu.vector_load_idx %gather3A_1824[%add3A_1820] : memref<1024xi32, #tpu.memory_space<vmem>>[vector<16xi32>], vector<16xi32>,
        %swap3A_1826 = arith.constant 0 : i32
        %swap3A_1827 = arith.constant 4 : i32
        %swap3A_1828 = arith.index_cast %swap3A_1826 : i32 to index
        %swap3A_1829 = arith.index_cast %swap3A_1827 : i32 to index
        %swap3A_1830 = arith.constant 112 : index
        %swap3A_1831 = tpu.vector_load %arg10[%swap3A_1828, %swap3A_1829, %swap3A_1830] {strides = array<i32>} : memref<2x8x128xi32, #tpu.memory_space<vmem>>, vector<16xi32>,
        tpu.vector_store %arg10[%swap3A_1828, %swap3A_1829, %swap3A_1830], %gather3A_1825 {strides = array<i32>} : memref<2x8x128xi32, #tpu.memory_space<vmem>>, vector<16xi32>,
        %add3A_1832 = arith.constant 5 : i32
        %add3A_1833 = vector.broadcast %add3A_1832 : i32 to vector<16xi32>
        %add3A_1834 = arith.addi %mul3A_5, %add3A_1833 : vector<16xi32>
        %gather3A_1835 = arith.constant 0 : i32
        %gather3A_1836 = arith.constant 0 : i32
        %gather3A_1837 = tpu.memref_slice %arg9[%gather3A_1835, %gather3A_1836] : memref<2x1024xi32, #tpu.memory_space<vmem>> -> memref<1x1024xi32, #tpu.memory_space<vmem>>
        %gather3A_1838 = tpu.memref_squeeze %gather3A_1837 : memref<1x1024xi32, #tpu.memory_space<vmem>> -> memref<1024xi32, #tpu.memory_space<vmem>>
        %gather3A_1839 = tpu.vector_load_idx %gather3A_1838[%add3A_1834] : memref<1024xi32, #tpu.memory_space<vmem>>[vector<16xi32>], vector<16xi32>,
        %swap3A_1840 = arith.constant 0 : i32
        %swap3A_1841 = arith.constant 5 : i32
        %swap3A_1842 = arith.index_cast %swap3A_1840 : i32 to index
        %swap3A_1843 = arith.index_cast %swap3A_1841 : i32 to index
        %swap3A_1844 = arith.constant 0 : index
        %swap3A_1845 = tpu.vector_load %arg10[%swap3A_1842, %swap3A_1843, %swap3A_1844] {strides = array<i32>} : memref<2x8x128xi32, #tpu.memory_space<vmem>>, vector<16xi32>,
        tpu.vector_store %arg10[%swap3A_1842, %swap3A_1843, %swap3A_1844], %gather3A_1839 {strides = array<i32>} : memref<2x8x128xi32, #tpu.memory_space<vmem>>, vector<16xi32>,
        %add3A_1846 = arith.constant 133 : i32
        %add3A_1847 = vector.broadcast %add3A_1846 : i32 to vector<16xi32>
        %add3A_1848 = arith.addi %mul3A_5, %add3A_1847 : vector<16xi32>
        %gather3A_1849 = arith.constant 0 : i32
        %gather3A_1850 = arith.constant 0 : i32
        %gather3A_1851 = tpu.memref_slice %arg9[%gather3A_1849, %gather3A_1850] : memref<2x1024xi32, #tpu.memory_space<vmem>> -> memref<1x1024xi32, #tpu.memory_space<vmem>>
        %gather3A_1852 = tpu.memref_squeeze %gather3A_1851 : memref<1x1024xi32, #tpu.memory_space<vmem>> -> memref<1024xi32, #tpu.memory_space<vmem>>
        %gather3A_1853 = tpu.vector_load_idx %gather3A_1852[%add3A_1848] : memref<1024xi32, #tpu.memory_space<vmem>>[vector<16xi32>], vector<16xi32>,
        %swap3A_1854 = arith.constant 0 : i32
        %swap3A_1855 = arith.constant 5 : i32
        %swap3A_1856 = arith.index_cast %swap3A_1854 : i32 to index
        %swap3A_1857 = arith.index_cast %swap3A_1855 : i32 to index
        %swap3A_1858 = arith.constant 16 : index
        %swap3A_1859 = tpu.vector_load %arg10[%swap3A_1856, %swap3A_1857, %swap3A_1858] {strides = array<i32>} : memref<2x8x128xi32, #tpu.memory_space<vmem>>, vector<16xi32>,
        tpu.vector_store %arg10[%swap3A_1856, %swap3A_1857, %swap3A_1858], %gather3A_1853 {strides = array<i32>} : memref<2x8x128xi32, #tpu.memory_space<vmem>>, vector<16xi32>,
        %add3A_1860 = arith.constant 261 : i32
        %add3A_1861 = vector.broadcast %add3A_1860 : i32 to vector<16xi32>
        %add3A_1862 = arith.addi %mul3A_5, %add3A_1861 : vector<16xi32>
        %gather3A_1863 = arith.constant 0 : i32
        %gather3A_1864 = arith.constant 0 : i32
        %gather3A_1865 = tpu.memref_slice %arg9[%gather3A_1863, %gather3A_1864] : memref<2x1024xi32, #tpu.memory_space<vmem>> -> memref<1x1024xi32, #tpu.memory_space<vmem>>
        %gather3A_1866 = tpu.memref_squeeze %gather3A_1865 : memref<1x1024xi32, #tpu.memory_space<vmem>> -> memref<1024xi32, #tpu.memory_space<vmem>>
        %gather3A_1867 = tpu.vector_load_idx %gather3A_1866[%add3A_1862] : memref<1024xi32, #tpu.memory_space<vmem>>[vector<16xi32>], vector<16xi32>,
        %swap3A_1868 = arith.constant 0 : i32
        %swap3A_1869 = arith.constant 5 : i32
        %swap3A_1870 = arith.index_cast %swap3A_1868 : i32 to index
        %swap3A_1871 = arith.index_cast %swap3A_1869 : i32 to index
        %swap3A_1872 = arith.constant 32 : index
        %swap3A_1873 = tpu.vector_load %arg10[%swap3A_1870, %swap3A_1871, %swap3A_1872] {strides = array<i32>} : memref<2x8x128xi32, #tpu.memory_space<vmem>>, vector<16xi32>,
        tpu.vector_store %arg10[%swap3A_1870, %swap3A_1871, %swap3A_1872], %gather3A_1867 {strides = array<i32>} : memref<2x8x128xi32, #tpu.memory_space<vmem>>, vector<16xi32>,
        %add3A_1874 = arith.constant 389 : i32
        %add3A_1875 = vector.broadcast %add3A_1874 : i32 to vector<16xi32>
        %add3A_1876 = arith.addi %mul3A_5, %add3A_1875 : vector<16xi32>
        %gather3A_1877 = arith.constant 0 : i32
        %gather3A_1878 = arith.constant 0 : i32
        %gather3A_1879 = tpu.memref_slice %arg9[%gather3A_1877, %gather3A_1878] : memref<2x1024xi32, #tpu.memory_space<vmem>> -> memref<1x1024xi32, #tpu.memory_space<vmem>>
        %gather3A_1880 = tpu.memref_squeeze %gather3A_1879 : memref<1x1024xi32, #tpu.memory_space<vmem>> -> memref<1024xi32, #tpu.memory_space<vmem>>
        %gather3A_1881 = tpu.vector_load_idx %gather3A_1880[%add3A_1876] : memref<1024xi32, #tpu.memory_space<vmem>>[vector<16xi32>], vector<16xi32>,
        %swap3A_1882 = arith.constant 0 : i32
        %swap3A_1883 = arith.constant 5 : i32
        %swap3A_1884 = arith.index_cast %swap3A_1882 : i32 to index
        %swap3A_1885 = arith.index_cast %swap3A_1883 : i32 to index
        %swap3A_1886 = arith.constant 48 : index
        %swap3A_1887 = tpu.vector_load %arg10[%swap3A_1884, %swap3A_1885, %swap3A_1886] {strides = array<i32>} : memref<2x8x128xi32, #tpu.memory_space<vmem>>, vector<16xi32>,
        tpu.vector_store %arg10[%swap3A_1884, %swap3A_1885, %swap3A_1886], %gather3A_1881 {strides = array<i32>} : memref<2x8x128xi32, #tpu.memory_space<vmem>>, vector<16xi32>,
        %add3A_1888 = arith.constant 517 : i32
        %add3A_1889 = vector.broadcast %add3A_1888 : i32 to vector<16xi32>
        %add3A_1890 = arith.addi %mul3A_5, %add3A_1889 : vector<16xi32>
        %gather3A_1891 = arith.constant 0 : i32
        %gather3A_1892 = arith.constant 0 : i32
        %gather3A_1893 = tpu.memref_slice %arg9[%gather3A_1891, %gather3A_1892] : memref<2x1024xi32, #tpu.memory_space<vmem>> -> memref<1x1024xi32, #tpu.memory_space<vmem>>
        %gather3A_1894 = tpu.memref_squeeze %gather3A_1893 : memref<1x1024xi32, #tpu.memory_space<vmem>> -> memref<1024xi32, #tpu.memory_space<vmem>>
        %gather3A_1895 = tpu.vector_load_idx %gather3A_1894[%add3A_1890] : memref<1024xi32, #tpu.memory_space<vmem>>[vector<16xi32>], vector<16xi32>,
        %swap3A_1896 = arith.constant 0 : i32
        %swap3A_1897 = arith.constant 5 : i32
        %swap3A_1898 = arith.index_cast %swap3A_1896 : i32 to index
        %swap3A_1899 = arith.index_cast %swap3A_1897 : i32 to index
        %swap3A_1900 = arith.constant 64 : index
        %swap3A_1901 = tpu.vector_load %arg10[%swap3A_1898, %swap3A_1899, %swap3A_1900] {strides = array<i32>} : memref<2x8x128xi32, #tpu.memory_space<vmem>>, vector<16xi32>,
        tpu.vector_store %arg10[%swap3A_1898, %swap3A_1899, %swap3A_1900], %gather3A_1895 {strides = array<i32>} : memref<2x8x128xi32, #tpu.memory_space<vmem>>, vector<16xi32>,
        %add3A_1902 = arith.constant 645 : i32
        %add3A_1903 = vector.broadcast %add3A_1902 : i32 to vector<16xi32>
        %add3A_1904 = arith.addi %mul3A_5, %add3A_1903 : vector<16xi32>
        %gather3A_1905 = arith.constant 0 : i32
        %gather3A_1906 = arith.constant 0 : i32
        %gather3A_1907 = tpu.memref_slice %arg9[%gather3A_1905, %gather3A_1906] : memref<2x1024xi32, #tpu.memory_space<vmem>> -> memref<1x1024xi32, #tpu.memory_space<vmem>>
        %gather3A_1908 = tpu.memref_squeeze %gather3A_1907 : memref<1x1024xi32, #tpu.memory_space<vmem>> -> memref<1024xi32, #tpu.memory_space<vmem>>
        %gather3A_1909 = tpu.vector_load_idx %gather3A_1908[%add3A_1904] : memref<1024xi32, #tpu.memory_space<vmem>>[vector<16xi32>], vector<16xi32>,
        %swap3A_1910 = arith.constant 0 : i32
        %swap3A_1911 = arith.constant 5 : i32
        %swap3A_1912 = arith.index_cast %swap3A_1910 : i32 to index
        %swap3A_1913 = arith.index_cast %swap3A_1911 : i32 to index
        %swap3A_1914 = arith.constant 80 : index
        %swap3A_1915 = tpu.vector_load %arg10[%swap3A_1912, %swap3A_1913, %swap3A_1914] {strides = array<i32>} : memref<2x8x128xi32, #tpu.memory_space<vmem>>, vector<16xi32>,
        tpu.vector_store %arg10[%swap3A_1912, %swap3A_1913, %swap3A_1914], %gather3A_1909 {strides = array<i32>} : memref<2x8x128xi32, #tpu.memory_space<vmem>>, vector<16xi32>,
        %add3A_1916 = arith.constant 773 : i32
        %add3A_1917 = vector.broadcast %add3A_1916 : i32 to vector<16xi32>
        %add3A_1918 = arith.addi %mul3A_5, %add3A_1917 : vector<16xi32>
        %gather3A_1919 = arith.constant 0 : i32
        %gather3A_1920 = arith.constant 0 : i32
        %gather3A_1921 = tpu.memref_slice %arg9[%gather3A_1919, %gather3A_1920] : memref<2x1024xi32, #tpu.memory_space<vmem>> -> memref<1x1024xi32, #tpu.memory_space<vmem>>
        %gather3A_1922 = tpu.memref_squeeze %gather3A_1921 : memref<1x1024xi32, #tpu.memory_space<vmem>> -> memref<1024xi32, #tpu.memory_space<vmem>>
        %gather3A_1923 = tpu.vector_load_idx %gather3A_1922[%add3A_1918] : memref<1024xi32, #tpu.memory_space<vmem>>[vector<16xi32>], vector<16xi32>,
        %swap3A_1924 = arith.constant 0 : i32
        %swap3A_1925 = arith.constant 5 : i32
        %swap3A_1926 = arith.index_cast %swap3A_1924 : i32 to index
        %swap3A_1927 = arith.index_cast %swap3A_1925 : i32 to index
        %swap3A_1928 = arith.constant 96 : index
        %swap3A_1929 = tpu.vector_load %arg10[%swap3A_1926, %swap3A_1927, %swap3A_1928] {strides = array<i32>} : memref<2x8x128xi32, #tpu.memory_space<vmem>>, vector<16xi32>,
        tpu.vector_store %arg10[%swap3A_1926, %swap3A_1927, %swap3A_1928], %gather3A_1923 {strides = array<i32>} : memref<2x8x128xi32, #tpu.memory_space<vmem>>, vector<16xi32>,
        %add3A_1930 = arith.constant 901 : i32
        %add3A_1931 = vector.broadcast %add3A_1930 : i32 to vector<16xi32>
        %add3A_1932 = arith.addi %mul3A_5, %add3A_1931 : vector<16xi32>
        %gather3A_1933 = arith.constant 0 : i32
        %gather3A_1934 = arith.constant 0 : i32
        %gather3A_1935 = tpu.memref_slice %arg9[%gather3A_1933, %gather3A_1934] : memref<2x1024xi32, #tpu.memory_space<vmem>> -> memref<1x1024xi32, #tpu.memory_space<vmem>>
        %gather3A_1936 = tpu.memref_squeeze %gather3A_1935 : memref<1x1024xi32, #tpu.memory_space<vmem>> -> memref<1024xi32, #tpu.memory_space<vmem>>
        %gather3A_1937 = tpu.vector_load_idx %gather3A_1936[%add3A_1932] : memref<1024xi32, #tpu.memory_space<vmem>>[vector<16xi32>], vector<16xi32>,
        %swap3A_1938 = arith.constant 0 : i32
        %swap3A_1939 = arith.constant 5 : i32
        %swap3A_1940 = arith.index_cast %swap3A_1938 : i32 to index
        %swap3A_1941 = arith.index_cast %swap3A_1939 : i32 to index
        %swap3A_1942 = arith.constant 112 : index
        %swap3A_1943 = tpu.vector_load %arg10[%swap3A_1940, %swap3A_1941, %swap3A_1942] {strides = array<i32>} : memref<2x8x128xi32, #tpu.memory_space<vmem>>, vector<16xi32>,
        tpu.vector_store %arg10[%swap3A_1940, %swap3A_1941, %swap3A_1942], %gather3A_1937 {strides = array<i32>} : memref<2x8x128xi32, #tpu.memory_space<vmem>>, vector<16xi32>,
        %add3A_1944 = arith.constant 6 : i32
        %add3A_1945 = vector.broadcast %add3A_1944 : i32 to vector<16xi32>
        %add3A_1946 = arith.addi %mul3A_5, %add3A_1945 : vector<16xi32>
        %gather3A_1947 = arith.constant 0 : i32
        %gather3A_1948 = arith.constant 0 : i32
        %gather3A_1949 = tpu.memref_slice %arg9[%gather3A_1947, %gather3A_1948] : memref<2x1024xi32, #tpu.memory_space<vmem>> -> memref<1x1024xi32, #tpu.memory_space<vmem>>
        %gather3A_1950 = tpu.memref_squeeze %gather3A_1949 : memref<1x1024xi32, #tpu.memory_space<vmem>> -> memref<1024xi32, #tpu.memory_space<vmem>>
        %gather3A_1951 = tpu.vector_load_idx %gather3A_1950[%add3A_1946] : memref<1024xi32, #tpu.memory_space<vmem>>[vector<16xi32>], vector<16xi32>,
        %swap3A_1952 = arith.constant 0 : i32
        %swap3A_1953 = arith.constant 6 : i32
        %swap3A_1954 = arith.index_cast %swap3A_1952 : i32 to index
        %swap3A_1955 = arith.index_cast %swap3A_1953 : i32 to index
        %swap3A_1956 = arith.constant 0 : index
        %swap3A_1957 = tpu.vector_load %arg10[%swap3A_1954, %swap3A_1955, %swap3A_1956] {strides = array<i32>} : memref<2x8x128xi32, #tpu.memory_space<vmem>>, vector<16xi32>,
        tpu.vector_store %arg10[%swap3A_1954, %swap3A_1955, %swap3A_1956], %gather3A_1951 {strides = array<i32>} : memref<2x8x128xi32, #tpu.memory_space<vmem>>, vector<16xi32>,
        %add3A_1958 = arith.constant 134 : i32
        %add3A_1959 = vector.broadcast %add3A_1958 : i32 to vector<16xi32>
        %add3A_1960 = arith.addi %mul3A_5, %add3A_1959 : vector<16xi32>
        %gather3A_1961 = arith.constant 0 : i32
        %gather3A_1962 = arith.constant 0 : i32
        %gather3A_1963 = tpu.memref_slice %arg9[%gather3A_1961, %gather3A_1962] : memref<2x1024xi32, #tpu.memory_space<vmem>> -> memref<1x1024xi32, #tpu.memory_space<vmem>>
        %gather3A_1964 = tpu.memref_squeeze %gather3A_1963 : memref<1x1024xi32, #tpu.memory_space<vmem>> -> memref<1024xi32, #tpu.memory_space<vmem>>
        %gather3A_1965 = tpu.vector_load_idx %gather3A_1964[%add3A_1960] : memref<1024xi32, #tpu.memory_space<vmem>>[vector<16xi32>], vector<16xi32>,
        %swap3A_1966 = arith.constant 0 : i32
        %swap3A_1967 = arith.constant 6 : i32
        %swap3A_1968 = arith.index_cast %swap3A_1966 : i32 to index
        %swap3A_1969 = arith.index_cast %swap3A_1967 : i32 to index
        %swap3A_1970 = arith.constant 16 : index
        %swap3A_1971 = tpu.vector_load %arg10[%swap3A_1968, %swap3A_1969, %swap3A_1970] {strides = array<i32>} : memref<2x8x128xi32, #tpu.memory_space<vmem>>, vector<16xi32>,
        tpu.vector_store %arg10[%swap3A_1968, %swap3A_1969, %swap3A_1970], %gather3A_1965 {strides = array<i32>} : memref<2x8x128xi32, #tpu.memory_space<vmem>>, vector<16xi32>,
        %add3A_1972 = arith.constant 262 : i32
        %add3A_1973 = vector.broadcast %add3A_1972 : i32 to vector<16xi32>
        %add3A_1974 = arith.addi %mul3A_5, %add3A_1973 : vector<16xi32>
        %gather3A_1975 = arith.constant 0 : i32
        %gather3A_1976 = arith.constant 0 : i32
        %gather3A_1977 = tpu.memref_slice %arg9[%gather3A_1975, %gather3A_1976] : memref<2x1024xi32, #tpu.memory_space<vmem>> -> memref<1x1024xi32, #tpu.memory_space<vmem>>
        %gather3A_1978 = tpu.memref_squeeze %gather3A_1977 : memref<1x1024xi32, #tpu.memory_space<vmem>> -> memref<1024xi32, #tpu.memory_space<vmem>>
        %gather3A_1979 = tpu.vector_load_idx %gather3A_1978[%add3A_1974] : memref<1024xi32, #tpu.memory_space<vmem>>[vector<16xi32>], vector<16xi32>,
        %swap3A_1980 = arith.constant 0 : i32
        %swap3A_1981 = arith.constant 6 : i32
        %swap3A_1982 = arith.index_cast %swap3A_1980 : i32 to index
        %swap3A_1983 = arith.index_cast %swap3A_1981 : i32 to index
        %swap3A_1984 = arith.constant 32 : index
        %swap3A_1985 = tpu.vector_load %arg10[%swap3A_1982, %swap3A_1983, %swap3A_1984] {strides = array<i32>} : memref<2x8x128xi32, #tpu.memory_space<vmem>>, vector<16xi32>,
        tpu.vector_store %arg10[%swap3A_1982, %swap3A_1983, %swap3A_1984], %gather3A_1979 {strides = array<i32>} : memref<2x8x128xi32, #tpu.memory_space<vmem>>, vector<16xi32>,
        %add3A_1986 = arith.constant 390 : i32
        %add3A_1987 = vector.broadcast %add3A_1986 : i32 to vector<16xi32>
        %add3A_1988 = arith.addi %mul3A_5, %add3A_1987 : vector<16xi32>
        %gather3A_1989 = arith.constant 0 : i32
        %gather3A_1990 = arith.constant 0 : i32
        %gather3A_1991 = tpu.memref_slice %arg9[%gather3A_1989, %gather3A_1990] : memref<2x1024xi32, #tpu.memory_space<vmem>> -> memref<1x1024xi32, #tpu.memory_space<vmem>>
        %gather3A_1992 = tpu.memref_squeeze %gather3A_1991 : memref<1x1024xi32, #tpu.memory_space<vmem>> -> memref<1024xi32, #tpu.memory_space<vmem>>
        %gather3A_1993 = tpu.vector_load_idx %gather3A_1992[%add3A_1988] : memref<1024xi32, #tpu.memory_space<vmem>>[vector<16xi32>], vector<16xi32>,
        %swap3A_1994 = arith.constant 0 : i32
        %swap3A_1995 = arith.constant 6 : i32
        %swap3A_1996 = arith.index_cast %swap3A_1994 : i32 to index
        %swap3A_1997 = arith.index_cast %swap3A_1995 : i32 to index
        %swap3A_1998 = arith.constant 48 : index
        %swap3A_1999 = tpu.vector_load %arg10[%swap3A_1996, %swap3A_1997, %swap3A_1998] {strides = array<i32>} : memref<2x8x128xi32, #tpu.memory_space<vmem>>, vector<16xi32>,
        tpu.vector_store %arg10[%swap3A_1996, %swap3A_1997, %swap3A_1998], %gather3A_1993 {strides = array<i32>} : memref<2x8x128xi32, #tpu.memory_space<vmem>>, vector<16xi32>,
        %add3A_2000 = arith.constant 518 : i32
        %add3A_2001 = vector.broadcast %add3A_2000 : i32 to vector<16xi32>
        %add3A_2002 = arith.addi %mul3A_5, %add3A_2001 : vector<16xi32>
        %gather3A_2003 = arith.constant 0 : i32
        %gather3A_2004 = arith.constant 0 : i32
        %gather3A_2005 = tpu.memref_slice %arg9[%gather3A_2003, %gather3A_2004] : memref<2x1024xi32, #tpu.memory_space<vmem>> -> memref<1x1024xi32, #tpu.memory_space<vmem>>
        %gather3A_2006 = tpu.memref_squeeze %gather3A_2005 : memref<1x1024xi32, #tpu.memory_space<vmem>> -> memref<1024xi32, #tpu.memory_space<vmem>>
        %gather3A_2007 = tpu.vector_load_idx %gather3A_2006[%add3A_2002] : memref<1024xi32, #tpu.memory_space<vmem>>[vector<16xi32>], vector<16xi32>,
        %swap3A_2008 = arith.constant 0 : i32
        %swap3A_2009 = arith.constant 6 : i32
        %swap3A_2010 = arith.index_cast %swap3A_2008 : i32 to index
        %swap3A_2011 = arith.index_cast %swap3A_2009 : i32 to index
        %swap3A_2012 = arith.constant 64 : index
        %swap3A_2013 = tpu.vector_load %arg10[%swap3A_2010, %swap3A_2011, %swap3A_2012] {strides = array<i32>} : memref<2x8x128xi32, #tpu.memory_space<vmem>>, vector<16xi32>,
        tpu.vector_store %arg10[%swap3A_2010, %swap3A_2011, %swap3A_2012], %gather3A_2007 {strides = array<i32>} : memref<2x8x128xi32, #tpu.memory_space<vmem>>, vector<16xi32>,
        %add3A_2014 = arith.constant 646 : i32
        %add3A_2015 = vector.broadcast %add3A_2014 : i32 to vector<16xi32>
        %add3A_2016 = arith.addi %mul3A_5, %add3A_2015 : vector<16xi32>
        %gather3A_2017 = arith.constant 0 : i32
        %gather3A_2018 = arith.constant 0 : i32
        %gather3A_2019 = tpu.memref_slice %arg9[%gather3A_2017, %gather3A_2018] : memref<2x1024xi32, #tpu.memory_space<vmem>> -> memref<1x1024xi32, #tpu.memory_space<vmem>>
        %gather3A_2020 = tpu.memref_squeeze %gather3A_2019 : memref<1x1024xi32, #tpu.memory_space<vmem>> -> memref<1024xi32, #tpu.memory_space<vmem>>
        %gather3A_2021 = tpu.vector_load_idx %gather3A_2020[%add3A_2016] : memref<1024xi32, #tpu.memory_space<vmem>>[vector<16xi32>], vector<16xi32>,
        %swap3A_2022 = arith.constant 0 : i32
        %swap3A_2023 = arith.constant 6 : i32
        %swap3A_2024 = arith.index_cast %swap3A_2022 : i32 to index
        %swap3A_2025 = arith.index_cast %swap3A_2023 : i32 to index
        %swap3A_2026 = arith.constant 80 : index
        %swap3A_2027 = tpu.vector_load %arg10[%swap3A_2024, %swap3A_2025, %swap3A_2026] {strides = array<i32>} : memref<2x8x128xi32, #tpu.memory_space<vmem>>, vector<16xi32>,
        tpu.vector_store %arg10[%swap3A_2024, %swap3A_2025, %swap3A_2026], %gather3A_2021 {strides = array<i32>} : memref<2x8x128xi32, #tpu.memory_space<vmem>>, vector<16xi32>,
        %add3A_2028 = arith.constant 774 : i32
        %add3A_2029 = vector.broadcast %add3A_2028 : i32 to vector<16xi32>
        %add3A_2030 = arith.addi %mul3A_5, %add3A_2029 : vector<16xi32>
        %gather3A_2031 = arith.constant 0 : i32
        %gather3A_2032 = arith.constant 0 : i32
        %gather3A_2033 = tpu.memref_slice %arg9[%gather3A_2031, %gather3A_2032] : memref<2x1024xi32, #tpu.memory_space<vmem>> -> memref<1x1024xi32, #tpu.memory_space<vmem>>
        %gather3A_2034 = tpu.memref_squeeze %gather3A_2033 : memref<1x1024xi32, #tpu.memory_space<vmem>> -> memref<1024xi32, #tpu.memory_space<vmem>>
        %gather3A_2035 = tpu.vector_load_idx %gather3A_2034[%add3A_2030] : memref<1024xi32, #tpu.memory_space<vmem>>[vector<16xi32>], vector<16xi32>,
        %swap3A_2036 = arith.constant 0 : i32
        %swap3A_2037 = arith.constant 6 : i32
        %swap3A_2038 = arith.index_cast %swap3A_2036 : i32 to index
        %swap3A_2039 = arith.index_cast %swap3A_2037 : i32 to index
        %swap3A_2040 = arith.constant 96 : index
        %swap3A_2041 = tpu.vector_load %arg10[%swap3A_2038, %swap3A_2039, %swap3A_2040] {strides = array<i32>} : memref<2x8x128xi32, #tpu.memory_space<vmem>>, vector<16xi32>,
        tpu.vector_store %arg10[%swap3A_2038, %swap3A_2039, %swap3A_2040], %gather3A_2035 {strides = array<i32>} : memref<2x8x128xi32, #tpu.memory_space<vmem>>, vector<16xi32>,
        %add3A_2042 = arith.constant 902 : i32
        %add3A_2043 = vector.broadcast %add3A_2042 : i32 to vector<16xi32>
        %add3A_2044 = arith.addi %mul3A_5, %add3A_2043 : vector<16xi32>
        %gather3A_2045 = arith.constant 0 : i32
        %gather3A_2046 = arith.constant 0 : i32
        %gather3A_2047 = tpu.memref_slice %arg9[%gather3A_2045, %gather3A_2046] : memref<2x1024xi32, #tpu.memory_space<vmem>> -> memref<1x1024xi32, #tpu.memory_space<vmem>>
        %gather3A_2048 = tpu.memref_squeeze %gather3A_2047 : memref<1x1024xi32, #tpu.memory_space<vmem>> -> memref<1024xi32, #tpu.memory_space<vmem>>
        %gather3A_2049 = tpu.vector_load_idx %gather3A_2048[%add3A_2044] : memref<1024xi32, #tpu.memory_space<vmem>>[vector<16xi32>], vector<16xi32>,
        %swap3A_2050 = arith.constant 0 : i32
        %swap3A_2051 = arith.constant 6 : i32
        %swap3A_2052 = arith.index_cast %swap3A_2050 : i32 to index
        %swap3A_2053 = arith.index_cast %swap3A_2051 : i32 to index
        %swap3A_2054 = arith.constant 112 : index
        %swap3A_2055 = tpu.vector_load %arg10[%swap3A_2052, %swap3A_2053, %swap3A_2054] {strides = array<i32>} : memref<2x8x128xi32, #tpu.memory_space<vmem>>, vector<16xi32>,
        tpu.vector_store %arg10[%swap3A_2052, %swap3A_2053, %swap3A_2054], %gather3A_2049 {strides = array<i32>} : memref<2x8x128xi32, #tpu.memory_space<vmem>>, vector<16xi32>,
        %add3A_2056 = arith.constant 7 : i32
        %add3A_2057 = vector.broadcast %add3A_2056 : i32 to vector<16xi32>
        %add3A_2058 = arith.addi %mul3A_5, %add3A_2057 : vector<16xi32>
        %gather3A_2059 = arith.constant 0 : i32
        %gather3A_2060 = arith.constant 0 : i32
        %gather3A_2061 = tpu.memref_slice %arg9[%gather3A_2059, %gather3A_2060] : memref<2x1024xi32, #tpu.memory_space<vmem>> -> memref<1x1024xi32, #tpu.memory_space<vmem>>
        %gather3A_2062 = tpu.memref_squeeze %gather3A_2061 : memref<1x1024xi32, #tpu.memory_space<vmem>> -> memref<1024xi32, #tpu.memory_space<vmem>>
        %gather3A_2063 = tpu.vector_load_idx %gather3A_2062[%add3A_2058] : memref<1024xi32, #tpu.memory_space<vmem>>[vector<16xi32>], vector<16xi32>,
        %swap3A_2064 = arith.constant 0 : i32
        %swap3A_2065 = arith.constant 7 : i32
        %swap3A_2066 = arith.index_cast %swap3A_2064 : i32 to index
        %swap3A_2067 = arith.index_cast %swap3A_2065 : i32 to index
        %swap3A_2068 = arith.constant 0 : index
        %swap3A_2069 = tpu.vector_load %arg10[%swap3A_2066, %swap3A_2067, %swap3A_2068] {strides = array<i32>} : memref<2x8x128xi32, #tpu.memory_space<vmem>>, vector<16xi32>,
        tpu.vector_store %arg10[%swap3A_2066, %swap3A_2067, %swap3A_2068], %gather3A_2063 {strides = array<i32>} : memref<2x8x128xi32, #tpu.memory_space<vmem>>, vector<16xi32>,
        %add3A_2070 = arith.constant 135 : i32
        %add3A_2071 = vector.broadcast %add3A_2070 : i32 to vector<16xi32>
        %add3A_2072 = arith.addi %mul3A_5, %add3A_2071 : vector<16xi32>
        %gather3A_2073 = arith.constant 0 : i32
        %gather3A_2074 = arith.constant 0 : i32
        %gather3A_2075 = tpu.memref_slice %arg9[%gather3A_2073, %gather3A_2074] : memref<2x1024xi32, #tpu.memory_space<vmem>> -> memref<1x1024xi32, #tpu.memory_space<vmem>>
        %gather3A_2076 = tpu.memref_squeeze %gather3A_2075 : memref<1x1024xi32, #tpu.memory_space<vmem>> -> memref<1024xi32, #tpu.memory_space<vmem>>
        %gather3A_2077 = tpu.vector_load_idx %gather3A_2076[%add3A_2072] : memref<1024xi32, #tpu.memory_space<vmem>>[vector<16xi32>], vector<16xi32>,
        %swap3A_2078 = arith.constant 0 : i32
        %swap3A_2079 = arith.constant 7 : i32
        %swap3A_2080 = arith.index_cast %swap3A_2078 : i32 to index
        %swap3A_2081 = arith.index_cast %swap3A_2079 : i32 to index
        %swap3A_2082 = arith.constant 16 : index
        %swap3A_2083 = tpu.vector_load %arg10[%swap3A_2080, %swap3A_2081, %swap3A_2082] {strides = array<i32>} : memref<2x8x128xi32, #tpu.memory_space<vmem>>, vector<16xi32>,
        tpu.vector_store %arg10[%swap3A_2080, %swap3A_2081, %swap3A_2082], %gather3A_2077 {strides = array<i32>} : memref<2x8x128xi32, #tpu.memory_space<vmem>>, vector<16xi32>,
        %add3A_2084 = arith.constant 263 : i32
        %add3A_2085 = vector.broadcast %add3A_2084 : i32 to vector<16xi32>
        %add3A_2086 = arith.addi %mul3A_5, %add3A_2085 : vector<16xi32>
        %gather3A_2087 = arith.constant 0 : i32
        %gather3A_2088 = arith.constant 0 : i32
        %gather3A_2089 = tpu.memref_slice %arg9[%gather3A_2087, %gather3A_2088] : memref<2x1024xi32, #tpu.memory_space<vmem>> -> memref<1x1024xi32, #tpu.memory_space<vmem>>
        %gather3A_2090 = tpu.memref_squeeze %gather3A_2089 : memref<1x1024xi32, #tpu.memory_space<vmem>> -> memref<1024xi32, #tpu.memory_space<vmem>>
        %gather3A_2091 = tpu.vector_load_idx %gather3A_2090[%add3A_2086] : memref<1024xi32, #tpu.memory_space<vmem>>[vector<16xi32>], vector<16xi32>,
        %swap3A_2092 = arith.constant 0 : i32
        %swap3A_2093 = arith.constant 7 : i32
        %swap3A_2094 = arith.index_cast %swap3A_2092 : i32 to index
        %swap3A_2095 = arith.index_cast %swap3A_2093 : i32 to index
        %swap3A_2096 = arith.constant 32 : index
        %swap3A_2097 = tpu.vector_load %arg10[%swap3A_2094, %swap3A_2095, %swap3A_2096] {strides = array<i32>} : memref<2x8x128xi32, #tpu.memory_space<vmem>>, vector<16xi32>,
        tpu.vector_store %arg10[%swap3A_2094, %swap3A_2095, %swap3A_2096], %gather3A_2091 {strides = array<i32>} : memref<2x8x128xi32, #tpu.memory_space<vmem>>, vector<16xi32>,
        %add3A_2098 = arith.constant 391 : i32
        %add3A_2099 = vector.broadcast %add3A_2098 : i32 to vector<16xi32>
        %add3A_2100 = arith.addi %mul3A_5, %add3A_2099 : vector<16xi32>
        %gather3A_2101 = arith.constant 0 : i32
        %gather3A_2102 = arith.constant 0 : i32
        %gather3A_2103 = tpu.memref_slice %arg9[%gather3A_2101, %gather3A_2102] : memref<2x1024xi32, #tpu.memory_space<vmem>> -> memref<1x1024xi32, #tpu.memory_space<vmem>>
        %gather3A_2104 = tpu.memref_squeeze %gather3A_2103 : memref<1x1024xi32, #tpu.memory_space<vmem>> -> memref<1024xi32, #tpu.memory_space<vmem>>
        %gather3A_2105 = tpu.vector_load_idx %gather3A_2104[%add3A_2100] : memref<1024xi32, #tpu.memory_space<vmem>>[vector<16xi32>], vector<16xi32>,
        %swap3A_2106 = arith.constant 0 : i32
        %swap3A_2107 = arith.constant 7 : i32
        %swap3A_2108 = arith.index_cast %swap3A_2106 : i32 to index
        %swap3A_2109 = arith.index_cast %swap3A_2107 : i32 to index
        %swap3A_2110 = arith.constant 48 : index
        %swap3A_2111 = tpu.vector_load %arg10[%swap3A_2108, %swap3A_2109, %swap3A_2110] {strides = array<i32>} : memref<2x8x128xi32, #tpu.memory_space<vmem>>, vector<16xi32>,
        tpu.vector_store %arg10[%swap3A_2108, %swap3A_2109, %swap3A_2110], %gather3A_2105 {strides = array<i32>} : memref<2x8x128xi32, #tpu.memory_space<vmem>>, vector<16xi32>,
        %add3A_2112 = arith.constant 519 : i32
        %add3A_2113 = vector.broadcast %add3A_2112 : i32 to vector<16xi32>
        %add3A_2114 = arith.addi %mul3A_5, %add3A_2113 : vector<16xi32>
        %gather3A_2115 = arith.constant 0 : i32
        %gather3A_2116 = arith.constant 0 : i32
        %gather3A_2117 = tpu.memref_slice %arg9[%gather3A_2115, %gather3A_2116] : memref<2x1024xi32, #tpu.memory_space<vmem>> -> memref<1x1024xi32, #tpu.memory_space<vmem>>
        %gather3A_2118 = tpu.memref_squeeze %gather3A_2117 : memref<1x1024xi32, #tpu.memory_space<vmem>> -> memref<1024xi32, #tpu.memory_space<vmem>>
        %gather3A_2119 = tpu.vector_load_idx %gather3A_2118[%add3A_2114] : memref<1024xi32, #tpu.memory_space<vmem>>[vector<16xi32>], vector<16xi32>,
        %swap3A_2120 = arith.constant 0 : i32
        %swap3A_2121 = arith.constant 7 : i32
        %swap3A_2122 = arith.index_cast %swap3A_2120 : i32 to index
        %swap3A_2123 = arith.index_cast %swap3A_2121 : i32 to index
        %swap3A_2124 = arith.constant 64 : index
        %swap3A_2125 = tpu.vector_load %arg10[%swap3A_2122, %swap3A_2123, %swap3A_2124] {strides = array<i32>} : memref<2x8x128xi32, #tpu.memory_space<vmem>>, vector<16xi32>,
        tpu.vector_store %arg10[%swap3A_2122, %swap3A_2123, %swap3A_2124], %gather3A_2119 {strides = array<i32>} : memref<2x8x128xi32, #tpu.memory_space<vmem>>, vector<16xi32>,
        %add3A_2126 = arith.constant 647 : i32
        %add3A_2127 = vector.broadcast %add3A_2126 : i32 to vector<16xi32>
        %add3A_2128 = arith.addi %mul3A_5, %add3A_2127 : vector<16xi32>
        %gather3A_2129 = arith.constant 0 : i32
        %gather3A_2130 = arith.constant 0 : i32
        %gather3A_2131 = tpu.memref_slice %arg9[%gather3A_2129, %gather3A_2130] : memref<2x1024xi32, #tpu.memory_space<vmem>> -> memref<1x1024xi32, #tpu.memory_space<vmem>>
        %gather3A_2132 = tpu.memref_squeeze %gather3A_2131 : memref<1x1024xi32, #tpu.memory_space<vmem>> -> memref<1024xi32, #tpu.memory_space<vmem>>
        %gather3A_2133 = tpu.vector_load_idx %gather3A_2132[%add3A_2128] : memref<1024xi32, #tpu.memory_space<vmem>>[vector<16xi32>], vector<16xi32>,
        %swap3A_2134 = arith.constant 0 : i32
        %swap3A_2135 = arith.constant 7 : i32
        %swap3A_2136 = arith.index_cast %swap3A_2134 : i32 to index
        %swap3A_2137 = arith.index_cast %swap3A_2135 : i32 to index
        %swap3A_2138 = arith.constant 80 : index
        %swap3A_2139 = tpu.vector_load %arg10[%swap3A_2136, %swap3A_2137, %swap3A_2138] {strides = array<i32>} : memref<2x8x128xi32, #tpu.memory_space<vmem>>, vector<16xi32>,
        tpu.vector_store %arg10[%swap3A_2136, %swap3A_2137, %swap3A_2138], %gather3A_2133 {strides = array<i32>} : memref<2x8x128xi32, #tpu.memory_space<vmem>>, vector<16xi32>,
        %add3A_2140 = arith.constant 775 : i32
        %add3A_2141 = vector.broadcast %add3A_2140 : i32 to vector<16xi32>
        %add3A_2142 = arith.addi %mul3A_5, %add3A_2141 : vector<16xi32>
        %gather3A_2143 = arith.constant 0 : i32
        %gather3A_2144 = arith.constant 0 : i32
        %gather3A_2145 = tpu.memref_slice %arg9[%gather3A_2143, %gather3A_2144] : memref<2x1024xi32, #tpu.memory_space<vmem>> -> memref<1x1024xi32, #tpu.memory_space<vmem>>
        %gather3A_2146 = tpu.memref_squeeze %gather3A_2145 : memref<1x1024xi32, #tpu.memory_space<vmem>> -> memref<1024xi32, #tpu.memory_space<vmem>>
        %gather3A_2147 = tpu.vector_load_idx %gather3A_2146[%add3A_2142] : memref<1024xi32, #tpu.memory_space<vmem>>[vector<16xi32>], vector<16xi32>,
        %swap3A_2148 = arith.constant 0 : i32
        %swap3A_2149 = arith.constant 7 : i32
        %swap3A_2150 = arith.index_cast %swap3A_2148 : i32 to index
        %swap3A_2151 = arith.index_cast %swap3A_2149 : i32 to index
        %swap3A_2152 = arith.constant 96 : index
        %swap3A_2153 = tpu.vector_load %arg10[%swap3A_2150, %swap3A_2151, %swap3A_2152] {strides = array<i32>} : memref<2x8x128xi32, #tpu.memory_space<vmem>>, vector<16xi32>,
        tpu.vector_store %arg10[%swap3A_2150, %swap3A_2151, %swap3A_2152], %gather3A_2147 {strides = array<i32>} : memref<2x8x128xi32, #tpu.memory_space<vmem>>, vector<16xi32>,
        %add3A_2154 = arith.constant 903 : i32
        %add3A_2155 = vector.broadcast %add3A_2154 : i32 to vector<16xi32>
        %add3A_2156 = arith.addi %mul3A_5, %add3A_2155 : vector<16xi32>
        %gather3A_2157 = arith.constant 0 : i32
        %gather3A_2158 = arith.constant 0 : i32
        %gather3A_2159 = tpu.memref_slice %arg9[%gather3A_2157, %gather3A_2158] : memref<2x1024xi32, #tpu.memory_space<vmem>> -> memref<1x1024xi32, #tpu.memory_space<vmem>>
        %gather3A_2160 = tpu.memref_squeeze %gather3A_2159 : memref<1x1024xi32, #tpu.memory_space<vmem>> -> memref<1024xi32, #tpu.memory_space<vmem>>
        %gather3A_2161 = tpu.vector_load_idx %gather3A_2160[%add3A_2156] : memref<1024xi32, #tpu.memory_space<vmem>>[vector<16xi32>], vector<16xi32>,
        %swap3A_2162 = arith.constant 0 : i32
        %swap3A_2163 = arith.constant 7 : i32
        %swap3A_2164 = arith.index_cast %swap3A_2162 : i32 to index
        %swap3A_2165 = arith.index_cast %swap3A_2163 : i32 to index
        %swap3A_2166 = arith.constant 112 : index
        %swap3A_2167 = tpu.vector_load %arg10[%swap3A_2164, %swap3A_2165, %swap3A_2166] {strides = array<i32>} : memref<2x8x128xi32, #tpu.memory_space<vmem>>, vector<16xi32>,
        tpu.vector_store %arg10[%swap3A_2164, %swap3A_2165, %swap3A_2166], %gather3A_2161 {strides = array<i32>} : memref<2x8x128xi32, #tpu.memory_space<vmem>>, vector<16xi32>,
        %dma_start3A_2168 = arith.constant 0 : i32
        %dma_start3A_2169 = arith.constant 0 : i32
        %dma_start3A_2170 = arith.constant 0 : i32
        %dma_start3A_2171 = tpu.memref_slice %arg10[%dma_start3A_2168, %dma_start3A_2169, %dma_start3A_2170] : memref<2x8x128xi32, #tpu.memory_space<vmem>> -> memref<1x1x128xi32, #tpu.memory_space<vmem>>
        %dma_start3A_2172 = tpu.memref_squeeze %dma_start3A_2171 : memref<1x1x128xi32, #tpu.memory_space<vmem>> -> memref<128xi32, #tpu.memory_space<vmem>>
        %dma_start3A_2173 = arith.constant 0 : i32
        %dma_start3A_2174 = arith.constant 0 : i32
        %dma_start3A_2175 = tpu.memref_slice %arg3[%dma_start3A_2173, %dma_start3A_2174] : memref<100000x64xf32, #tpu.memory_space<hbm>> -> memref<100000x64xf32, #tpu.memory_space<hbm>>
        tpu.enqueue_indirect_dma source(%dma_start3A_2175 : memref<100000x64xf32, #tpu.memory_space<hbm>>) target(%arg11 : memref<128x64xf32, #tpu.memory_space<vmem>>) offsets(%dma_start3A_2172 : memref<128xi32, #tpu.memory_space<vmem>>) semaphore(%arg27 : memref<!tpu.dma_semaphore, #tpu.memory_space<semaphore_mem>>)
        %dma_start3A_2176 = arith.constant 0 : i32
        %dma_start3A_2177 = arith.constant 1 : i32
        %dma_start3A_2178 = arith.constant 0 : i32
        %dma_start3A_2179 = tpu.memref_slice %arg10[%dma_start3A_2176, %dma_start3A_2177, %dma_start3A_2178] : memref<2x8x128xi32, #tpu.memory_space<vmem>> -> memref<1x1x128xi32, #tpu.memory_space<vmem>>
        %dma_start3A_2180 = tpu.memref_squeeze %dma_start3A_2179 : memref<1x1x128xi32, #tpu.memory_space<vmem>> -> memref<128xi32, #tpu.memory_space<vmem>>
        %dma_start3A_2181 = arith.constant 0 : i32
        %dma_start3A_2182 = arith.constant 0 : i32
        %dma_start3A_2183 = tpu.memref_slice %arg4[%dma_start3A_2181, %dma_start3A_2182] : memref<100000x32xf32, #tpu.memory_space<hbm>> -> memref<100000x32xf32, #tpu.memory_space<hbm>>
        tpu.enqueue_indirect_dma source(%dma_start3A_2183 : memref<100000x32xf32, #tpu.memory_space<hbm>>) target(%arg12 : memref<128x32xf32, #tpu.memory_space<vmem>>) offsets(%dma_start3A_2180 : memref<128xi32, #tpu.memory_space<vmem>>) semaphore(%arg27 : memref<!tpu.dma_semaphore, #tpu.memory_space<semaphore_mem>>)
        %dma_start3A_2184 = arith.constant 0 : i32
        %dma_start3A_2185 = arith.constant 2 : i32
        %dma_start3A_2186 = arith.constant 0 : i32
        %dma_start3A_2187 = tpu.memref_slice %arg10[%dma_start3A_2184, %dma_start3A_2185, %dma_start3A_2186] : memref<2x8x128xi32, #tpu.memory_space<vmem>> -> memref<1x1x128xi32, #tpu.memory_space<vmem>>
        %dma_start3A_2188 = tpu.memref_squeeze %dma_start3A_2187 : memref<1x1x128xi32, #tpu.memory_space<vmem>> -> memref<128xi32, #tpu.memory_space<vmem>>
        %dma_start3A_2189 = arith.constant 0 : i32
        %dma_start3A_2190 = arith.constant 0 : i32
        %dma_start3A_2191 = tpu.memref_slice %arg4[%dma_start3A_2189, %dma_start3A_2190] : memref<100000x32xf32, #tpu.memory_space<hbm>> -> memref<100000x32xf32, #tpu.memory_space<hbm>>
        tpu.enqueue_indirect_dma source(%dma_start3A_2191 : memref<100000x32xf32, #tpu.memory_space<hbm>>) target(%arg13 : memref<128x32xf32, #tpu.memory_space<vmem>>) offsets(%dma_start3A_2188 : memref<128xi32, #tpu.memory_space<vmem>>) semaphore(%arg27 : memref<!tpu.dma_semaphore, #tpu.memory_space<semaphore_mem>>)
        %dma_start3A_2192 = arith.constant 0 : i32
        %dma_start3A_2193 = arith.constant 3 : i32
        %dma_start3A_2194 = arith.constant 0 : i32
        %dma_start3A_2195 = tpu.memref_slice %arg10[%dma_start3A_2192, %dma_start3A_2193, %dma_start3A_2194] : memref<2x8x128xi32, #tpu.memory_space<vmem>> -> memref<1x1x128xi32, #tpu.memory_space<vmem>>
        %dma_start3A_2196 = tpu.memref_squeeze %dma_start3A_2195 : memref<1x1x128xi32, #tpu.memory_space<vmem>> -> memref<128xi32, #tpu.memory_space<vmem>>
        %dma_start3A_2197 = arith.constant 0 : i32
        %dma_start3A_2198 = arith.constant 0 : i32
        %dma_start3A_2199 = tpu.memref_slice %arg4[%dma_start3A_2197, %dma_start3A_2198] : memref<100000x32xf32, #tpu.memory_space<hbm>> -> memref<100000x32xf32, #tpu.memory_space<hbm>>
        tpu.enqueue_indirect_dma source(%dma_start3A_2199 : memref<100000x32xf32, #tpu.memory_space<hbm>>) target(%arg14 : memref<128x32xf32, #tpu.memory_space<vmem>>) offsets(%dma_start3A_2196 : memref<128xi32, #tpu.memory_space<vmem>>) semaphore(%arg27 : memref<!tpu.dma_semaphore, #tpu.memory_space<semaphore_mem>>)
        %dma_start3A_2200 = arith.constant 0 : i32
        %dma_start3A_2201 = arith.constant 4 : i32
        %dma_start3A_2202 = arith.constant 0 : i32
        %dma_start3A_2203 = tpu.memref_slice %arg10[%dma_start3A_2200, %dma_start3A_2201, %dma_start3A_2202] : memref<2x8x128xi32, #tpu.memory_space<vmem>> -> memref<1x1x128xi32, #tpu.memory_space<vmem>>
        %dma_start3A_2204 = tpu.memref_squeeze %dma_start3A_2203 : memref<1x1x128xi32, #tpu.memory_space<vmem>> -> memref<128xi32, #tpu.memory_space<vmem>>
        %dma_start3A_2205 = arith.constant 0 : i32
        %dma_start3A_2206 = arith.constant 0 : i32
        %dma_start3A_2207 = tpu.memref_slice %arg4[%dma_start3A_2205, %dma_start3A_2206] : memref<100000x32xf32, #tpu.memory_space<hbm>> -> memref<100000x32xf32, #tpu.memory_space<hbm>>
        tpu.enqueue_indirect_dma source(%dma_start3A_2207 : memref<100000x32xf32, #tpu.memory_space<hbm>>) target(%arg15 : memref<128x32xf32, #tpu.memory_space<vmem>>) offsets(%dma_start3A_2204 : memref<128xi32, #tpu.memory_space<vmem>>) semaphore(%arg27 : memref<!tpu.dma_semaphore, #tpu.memory_space<semaphore_mem>>)
        %dma_start3A_2208 = arith.constant 0 : i32
        %dma_start3A_2209 = arith.constant 5 : i32
        %dma_start3A_2210 = arith.constant 0 : i32
        %dma_start3A_2211 = tpu.memref_slice %arg10[%dma_start3A_2208, %dma_start3A_2209, %dma_start3A_2210] : memref<2x8x128xi32, #tpu.memory_space<vmem>> -> memref<1x1x128xi32, #tpu.memory_space<vmem>>
        %dma_start3A_2212 = tpu.memref_squeeze %dma_start3A_2211 : memref<1x1x128xi32, #tpu.memory_space<vmem>> -> memref<128xi32, #tpu.memory_space<vmem>>
        %dma_start3A_2213 = arith.constant 0 : i32
        %dma_start3A_2214 = arith.constant 0 : i32
        %dma_start3A_2215 = tpu.memref_slice %arg5[%dma_start3A_2213, %dma_start3A_2214] : memref<100000x16xf32, #tpu.memory_space<hbm>> -> memref<100000x16xf32, #tpu.memory_space<hbm>>
        tpu.enqueue_indirect_dma source(%dma_start3A_2215 : memref<100000x16xf32, #tpu.memory_space<hbm>>) target(%arg16 : memref<128x16xf32, #tpu.memory_space<vmem>>) offsets(%dma_start3A_2212 : memref<128xi32, #tpu.memory_space<vmem>>) semaphore(%arg27 : memref<!tpu.dma_semaphore, #tpu.memory_space<semaphore_mem>>)
        %dma_start3A_2216 = arith.constant 0 : i32
        %dma_start3A_2217 = arith.constant 6 : i32
        %dma_start3A_2218 = arith.constant 0 : i32
        %dma_start3A_2219 = tpu.memref_slice %arg10[%dma_start3A_2216, %dma_start3A_2217, %dma_start3A_2218] : memref<2x8x128xi32, #tpu.memory_space<vmem>> -> memref<1x1x128xi32, #tpu.memory_space<vmem>>
        %dma_start3A_2220 = tpu.memref_squeeze %dma_start3A_2219 : memref<1x1x128xi32, #tpu.memory_space<vmem>> -> memref<128xi32, #tpu.memory_space<vmem>>
        %dma_start3A_2221 = arith.constant 0 : i32
        %dma_start3A_2222 = arith.constant 0 : i32
        %dma_start3A_2223 = tpu.memref_slice %arg6[%dma_start3A_2221, %dma_start3A_2222] : memref<100000x16xf32, #tpu.memory_space<hbm>> -> memref<100000x16xf32, #tpu.memory_space<hbm>>
        tpu.enqueue_indirect_dma source(%dma_start3A_2223 : memref<100000x16xf32, #tpu.memory_space<hbm>>) target(%arg17 : memref<128x16xf32, #tpu.memory_space<vmem>>) offsets(%dma_start3A_2220 : memref<128xi32, #tpu.memory_space<vmem>>) semaphore(%arg27 : memref<!tpu.dma_semaphore, #tpu.memory_space<semaphore_mem>>)
        %dma_start3A_2224 = arith.constant 0 : i32
        %dma_start3A_2225 = arith.constant 7 : i32
        %dma_start3A_2226 = arith.constant 0 : i32
        %dma_start3A_2227 = tpu.memref_slice %arg10[%dma_start3A_2224, %dma_start3A_2225, %dma_start3A_2226] : memref<2x8x128xi32, #tpu.memory_space<vmem>> -> memref<1x1x128xi32, #tpu.memory_space<vmem>>
        %dma_start3A_2228 = tpu.memref_squeeze %dma_start3A_2227 : memref<1x1x128xi32, #tpu.memory_space<vmem>> -> memref<128xi32, #tpu.memory_space<vmem>>
        %dma_start3A_2229 = arith.constant 0 : i32
        %dma_start3A_2230 = arith.constant 0 : i32
        %dma_start3A_2231 = tpu.memref_slice %arg7[%dma_start3A_2229, %dma_start3A_2230] : memref<100000x32xf32, #tpu.memory_space<hbm>> -> memref<100000x32xf32, #tpu.memory_space<hbm>>
        tpu.enqueue_indirect_dma source(%dma_start3A_2231 : memref<100000x32xf32, #tpu.memory_space<hbm>>) target(%arg18 : memref<128x32xf32, #tpu.memory_space<vmem>>) offsets(%dma_start3A_2228 : memref<128xi32, #tpu.memory_space<vmem>>) semaphore(%arg27 : memref<!tpu.dma_semaphore, #tpu.memory_space<semaphore_mem>>)
      } else {
      }
      %dma_wait3A_1158 = arith.constant 1 : i32
      %dma_wait3A_1159 = arith.constant 0 : i32
      %dma_wait3A_1160 = arith.constant 0 : i32
      %dma_wait3A_1161 = tpu.memref_slice %arg10[%dma_wait3A_1158, %dma_wait3A_1159, %dma_wait3A_1160] : memref<2x8x128xi32, #tpu.memory_space<vmem>> -> memref<1x1x128xi32, #tpu.memory_space<vmem>>
      %dma_wait3A_1162 = tpu.memref_squeeze %dma_wait3A_1161 : memref<1x1x128xi32, #tpu.memory_space<vmem>> -> memref<128xi32, #tpu.memory_space<vmem>>
      %dma_wait3A_1163 = arith.constant 0 : i32
      %dma_wait3A_1164 = arith.constant 0 : i32
      %dma_wait3A_1165 = tpu.memref_slice %arg3[%dma_wait3A_1163, %dma_wait3A_1164] : memref<100000x64xf32, #tpu.memory_space<hbm>> -> memref<100000x64xf32, #tpu.memory_space<hbm>>
      tpu.wait_indirect_dma semaphore(%arg28 : memref<!tpu.dma_semaphore, #tpu.memory_space<semaphore_mem>>) src(%dma_wait3A_1165 : memref<100000x64xf32, #tpu.memory_space<hbm>>) dst(%arg19 : memref<128x64xf32, #tpu.memory_space<vmem>>)
      %dma_wait3A_1166 = arith.constant 1 : i32
      %dma_wait3A_1167 = arith.constant 1 : i32
      %dma_wait3A_1168 = arith.constant 0 : i32
      %dma_wait3A_1169 = tpu.memref_slice %arg10[%dma_wait3A_1166, %dma_wait3A_1167, %dma_wait3A_1168] : memref<2x8x128xi32, #tpu.memory_space<vmem>> -> memref<1x1x128xi32, #tpu.memory_space<vmem>>
      %dma_wait3A_1170 = tpu.memref_squeeze %dma_wait3A_1169 : memref<1x1x128xi32, #tpu.memory_space<vmem>> -> memref<128xi32, #tpu.memory_space<vmem>>
      %dma_wait3A_1171 = arith.constant 0 : i32
      %dma_wait3A_1172 = arith.constant 0 : i32
      %dma_wait3A_1173 = tpu.memref_slice %arg4[%dma_wait3A_1171, %dma_wait3A_1172] : memref<100000x32xf32, #tpu.memory_space<hbm>> -> memref<100000x32xf32, #tpu.memory_space<hbm>>
      tpu.wait_indirect_dma semaphore(%arg28 : memref<!tpu.dma_semaphore, #tpu.memory_space<semaphore_mem>>) src(%dma_wait3A_1173 : memref<100000x32xf32, #tpu.memory_space<hbm>>) dst(%arg20 : memref<128x32xf32, #tpu.memory_space<vmem>>)
      %dma_wait3A_1174 = arith.constant 1 : i32
      %dma_wait3A_1175 = arith.constant 2 : i32
      %dma_wait3A_1176 = arith.constant 0 : i32
      %dma_wait3A_1177 = tpu.memref_slice %arg10[%dma_wait3A_1174, %dma_wait3A_1175, %dma_wait3A_1176] : memref<2x8x128xi32, #tpu.memory_space<vmem>> -> memref<1x1x128xi32, #tpu.memory_space<vmem>>
      %dma_wait3A_1178 = tpu.memref_squeeze %dma_wait3A_1177 : memref<1x1x128xi32, #tpu.memory_space<vmem>> -> memref<128xi32, #tpu.memory_space<vmem>>
      %dma_wait3A_1179 = arith.constant 0 : i32
      %dma_wait3A_1180 = arith.constant 0 : i32
      %dma_wait3A_1181 = tpu.memref_slice %arg4[%dma_wait3A_1179, %dma_wait3A_1180] : memref<100000x32xf32, #tpu.memory_space<hbm>> -> memref<100000x32xf32, #tpu.memory_space<hbm>>
      tpu.wait_indirect_dma semaphore(%arg28 : memref<!tpu.dma_semaphore, #tpu.memory_space<semaphore_mem>>) src(%dma_wait3A_1181 : memref<100000x32xf32, #tpu.memory_space<hbm>>) dst(%arg21 : memref<128x32xf32, #tpu.memory_space<vmem>>)
      %dma_wait3A_1182 = arith.constant 1 : i32
      %dma_wait3A_1183 = arith.constant 3 : i32
      %dma_wait3A_1184 = arith.constant 0 : i32
      %dma_wait3A_1185 = tpu.memref_slice %arg10[%dma_wait3A_1182, %dma_wait3A_1183, %dma_wait3A_1184] : memref<2x8x128xi32, #tpu.memory_space<vmem>> -> memref<1x1x128xi32, #tpu.memory_space<vmem>>
      %dma_wait3A_1186 = tpu.memref_squeeze %dma_wait3A_1185 : memref<1x1x128xi32, #tpu.memory_space<vmem>> -> memref<128xi32, #tpu.memory_space<vmem>>
      %dma_wait3A_1187 = arith.constant 0 : i32
      %dma_wait3A_1188 = arith.constant 0 : i32
      %dma_wait3A_1189 = tpu.memref_slice %arg4[%dma_wait3A_1187, %dma_wait3A_1188] : memref<100000x32xf32, #tpu.memory_space<hbm>> -> memref<100000x32xf32, #tpu.memory_space<hbm>>
      tpu.wait_indirect_dma semaphore(%arg28 : memref<!tpu.dma_semaphore, #tpu.memory_space<semaphore_mem>>) src(%dma_wait3A_1189 : memref<100000x32xf32, #tpu.memory_space<hbm>>) dst(%arg22 : memref<128x32xf32, #tpu.memory_space<vmem>>)
      %dma_wait3A_1190 = arith.constant 1 : i32
      %dma_wait3A_1191 = arith.constant 4 : i32
      %dma_wait3A_1192 = arith.constant 0 : i32
      %dma_wait3A_1193 = tpu.memref_slice %arg10[%dma_wait3A_1190, %dma_wait3A_1191, %dma_wait3A_1192] : memref<2x8x128xi32, #tpu.memory_space<vmem>> -> memref<1x1x128xi32, #tpu.memory_space<vmem>>
      %dma_wait3A_1194 = tpu.memref_squeeze %dma_wait3A_1193 : memref<1x1x128xi32, #tpu.memory_space<vmem>> -> memref<128xi32, #tpu.memory_space<vmem>>
      %dma_wait3A_1195 = arith.constant 0 : i32
      %dma_wait3A_1196 = arith.constant 0 : i32
      %dma_wait3A_1197 = tpu.memref_slice %arg4[%dma_wait3A_1195, %dma_wait3A_1196] : memref<100000x32xf32, #tpu.memory_space<hbm>> -> memref<100000x32xf32, #tpu.memory_space<hbm>>
      tpu.wait_indirect_dma semaphore(%arg28 : memref<!tpu.dma_semaphore, #tpu.memory_space<semaphore_mem>>) src(%dma_wait3A_1197 : memref<100000x32xf32, #tpu.memory_space<hbm>>) dst(%arg23 : memref<128x32xf32, #tpu.memory_space<vmem>>)
      %dma_wait3A_1198 = arith.constant 1 : i32
      %dma_wait3A_1199 = arith.constant 5 : i32
      %dma_wait3A_1200 = arith.constant 0 : i32
      %dma_wait3A_1201 = tpu.memref_slice %arg10[%dma_wait3A_1198, %dma_wait3A_1199, %dma_wait3A_1200] : memref<2x8x128xi32, #tpu.memory_space<vmem>> -> memref<1x1x128xi32, #tpu.memory_space<vmem>>
      %dma_wait3A_1202 = tpu.memref_squeeze %dma_wait3A_1201 : memref<1x1x128xi32, #tpu.memory_space<vmem>> -> memref<128xi32, #tpu.memory_space<vmem>>
      %dma_wait3A_1203 = arith.constant 0 : i32
      %dma_wait3A_1204 = arith.constant 0 : i32
      %dma_wait3A_1205 = tpu.memref_slice %arg5[%dma_wait3A_1203, %dma_wait3A_1204] : memref<100000x16xf32, #tpu.memory_space<hbm>> -> memref<100000x16xf32, #tpu.memory_space<hbm>>
      tpu.wait_indirect_dma semaphore(%arg28 : memref<!tpu.dma_semaphore, #tpu.memory_space<semaphore_mem>>) src(%dma_wait3A_1205 : memref<100000x16xf32, #tpu.memory_space<hbm>>) dst(%arg24 : memref<128x16xf32, #tpu.memory_space<vmem>>)
      %dma_wait3A_1206 = arith.constant 1 : i32
      %dma_wait3A_1207 = arith.constant 6 : i32
      %dma_wait3A_1208 = arith.constant 0 : i32
      %dma_wait3A_1209 = tpu.memref_slice %arg10[%dma_wait3A_1206, %dma_wait3A_1207, %dma_wait3A_1208] : memref<2x8x128xi32, #tpu.memory_space<vmem>> -> memref<1x1x128xi32, #tpu.memory_space<vmem>>
      %dma_wait3A_1210 = tpu.memref_squeeze %dma_wait3A_1209 : memref<1x1x128xi32, #tpu.memory_space<vmem>> -> memref<128xi32, #tpu.memory_space<vmem>>
      %dma_wait3A_1211 = arith.constant 0 : i32
      %dma_wait3A_1212 = arith.constant 0 : i32
      %dma_wait3A_1213 = tpu.memref_slice %arg6[%dma_wait3A_1211, %dma_wait3A_1212] : memref<100000x16xf32, #tpu.memory_space<hbm>> -> memref<100000x16xf32, #tpu.memory_space<hbm>>
      tpu.wait_indirect_dma semaphore(%arg28 : memref<!tpu.dma_semaphore, #tpu.memory_space<semaphore_mem>>) src(%dma_wait3A_1213 : memref<100000x16xf32, #tpu.memory_space<hbm>>) dst(%arg25 : memref<128x16xf32, #tpu.memory_space<vmem>>)
      %dma_wait3A_1214 = arith.constant 1 : i32
      %dma_wait3A_1215 = arith.constant 7 : i32
      %dma_wait3A_1216 = arith.constant 0 : i32
      %dma_wait3A_1217 = tpu.memref_slice %arg10[%dma_wait3A_1214, %dma_wait3A_1215, %dma_wait3A_1216] : memref<2x8x128xi32, #tpu.memory_space<vmem>> -> memref<1x1x128xi32, #tpu.memory_space<vmem>>
      %dma_wait3A_1218 = tpu.memref_squeeze %dma_wait3A_1217 : memref<1x1x128xi32, #tpu.memory_space<vmem>> -> memref<128xi32, #tpu.memory_space<vmem>>
      %dma_wait3A_1219 = arith.constant 0 : i32
      %dma_wait3A_1220 = arith.constant 0 : i32
      %dma_wait3A_1221 = tpu.memref_slice %arg7[%dma_wait3A_1219, %dma_wait3A_1220] : memref<100000x32xf32, #tpu.memory_space<hbm>> -> memref<100000x32xf32, #tpu.memory_space<hbm>>
      tpu.wait_indirect_dma semaphore(%arg28 : memref<!tpu.dma_semaphore, #tpu.memory_space<semaphore_mem>>) src(%dma_wait3A_1221 : memref<100000x32xf32, #tpu.memory_space<hbm>>) dst(%arg26 : memref<128x32xf32, #tpu.memory_space<vmem>>)
      %mul3A_1222 = arith.constant 128 : i32
      %mul3A_1223 = arith.muli %add3A_1138, %mul3A_1222 : i32
      %multiple_of3A_1224 = tpu.assume_multiple %mul3A_1223, 128 : i32
      %dma_start3A_1225 = arith.constant 0 : i32
      %dma_start3A_1226 = tpu.memref_slice %arg8[%multiple_of3A_1224, %dma_start3A_1225] : memref<204800x256xf32, #tpu.memory_space<hbm>> -> memref<128x64xf32, #tpu.memory_space<hbm>>
      %dma_start3A_1227 = arith.constant 0 : i32
      %dma_start3A_1228 = tpu.memref_slice %arg8[%multiple_of3A_1224, %dma_start3A_1227] : memref<204800x256xf32, #tpu.memory_space<hbm>> -> memref<128x64xf32, #tpu.memory_space<hbm>>
      tpu.enqueue_dma source(%arg19 : memref<128x64xf32, #tpu.memory_space<vmem>>) target(%dma_start3A_1228 : memref<128x64xf32, #tpu.memory_space<hbm>>) target_semaphore(%arg30 : memref<!tpu.dma_semaphore, #tpu.memory_space<semaphore_mem>>)
      %dma_start3A_1229 = arith.constant 64 : i32
      %dma_start3A_1230 = tpu.memref_slice %arg8[%multiple_of3A_1224, %dma_start3A_1229] : memref<204800x256xf32, #tpu.memory_space<hbm>> -> memref<128x32xf32, #tpu.memory_space<hbm>>
      %dma_start3A_1231 = arith.constant 64 : i32
      %dma_start3A_1232 = tpu.memref_slice %arg8[%multiple_of3A_1224, %dma_start3A_1231] : memref<204800x256xf32, #tpu.memory_space<hbm>> -> memref<128x32xf32, #tpu.memory_space<hbm>>
      tpu.enqueue_dma source(%arg20 : memref<128x32xf32, #tpu.memory_space<vmem>>) target(%dma_start3A_1232 : memref<128x32xf32, #tpu.memory_space<hbm>>) target_semaphore(%arg30 : memref<!tpu.dma_semaphore, #tpu.memory_space<semaphore_mem>>)
      %dma_start3A_1233 = arith.constant 96 : i32
      %dma_start3A_1234 = tpu.memref_slice %arg8[%multiple_of3A_1224, %dma_start3A_1233] : memref<204800x256xf32, #tpu.memory_space<hbm>> -> memref<128x32xf32, #tpu.memory_space<hbm>>
      %dma_start3A_1235 = arith.constant 96 : i32
      %dma_start3A_1236 = tpu.memref_slice %arg8[%multiple_of3A_1224, %dma_start3A_1235] : memref<204800x256xf32, #tpu.memory_space<hbm>> -> memref<128x32xf32, #tpu.memory_space<hbm>>
      tpu.enqueue_dma source(%arg21 : memref<128x32xf32, #tpu.memory_space<vmem>>) target(%dma_start3A_1236 : memref<128x32xf32, #tpu.memory_space<hbm>>) target_semaphore(%arg30 : memref<!tpu.dma_semaphore, #tpu.memory_space<semaphore_mem>>)
      %dma_start3A_1237 = arith.constant 128 : i32
      %dma_start3A_1238 = tpu.memref_slice %arg8[%multiple_of3A_1224, %dma_start3A_1237] : memref<204800x256xf32, #tpu.memory_space<hbm>> -> memref<128x32xf32, #tpu.memory_space<hbm>>
      %dma_start3A_1239 = arith.constant 128 : i32
      %dma_start3A_1240 = tpu.memref_slice %arg8[%multiple_of3A_1224, %dma_start3A_1239] : memref<204800x256xf32, #tpu.memory_space<hbm>> -> memref<128x32xf32, #tpu.memory_space<hbm>>
      tpu.enqueue_dma source(%arg22 : memref<128x32xf32, #tpu.memory_space<vmem>>) target(%dma_start3A_1240 : memref<128x32xf32, #tpu.memory_space<hbm>>) target_semaphore(%arg30 : memref<!tpu.dma_semaphore, #tpu.memory_space<semaphore_mem>>)
      %dma_start3A_1241 = arith.constant 160 : i32
      %dma_start3A_1242 = tpu.memref_slice %arg8[%multiple_of3A_1224, %dma_start3A_1241] : memref<204800x256xf32, #tpu.memory_space<hbm>> -> memref<128x32xf32, #tpu.memory_space<hbm>>
      %dma_start3A_1243 = arith.constant 160 : i32
      %dma_start3A_1244 = tpu.memref_slice %arg8[%multiple_of3A_1224, %dma_start3A_1243] : memref<204800x256xf32, #tpu.memory_space<hbm>> -> memref<128x32xf32, #tpu.memory_space<hbm>>
      tpu.enqueue_dma source(%arg23 : memref<128x32xf32, #tpu.memory_space<vmem>>) target(%dma_start3A_1244 : memref<128x32xf32, #tpu.memory_space<hbm>>) target_semaphore(%arg30 : memref<!tpu.dma_semaphore, #tpu.memory_space<semaphore_mem>>)
      %dma_start3A_1245 = arith.constant 192 : i32
      %dma_start3A_1246 = tpu.memref_slice %arg8[%multiple_of3A_1224, %dma_start3A_1245] : memref<204800x256xf32, #tpu.memory_space<hbm>> -> memref<128x16xf32, #tpu.memory_space<hbm>>
      %dma_start3A_1247 = arith.constant 192 : i32
      %dma_start3A_1248 = tpu.memref_slice %arg8[%multiple_of3A_1224, %dma_start3A_1247] : memref<204800x256xf32, #tpu.memory_space<hbm>> -> memref<128x16xf32, #tpu.memory_space<hbm>>
      tpu.enqueue_dma source(%arg24 : memref<128x16xf32, #tpu.memory_space<vmem>>) target(%dma_start3A_1248 : memref<128x16xf32, #tpu.memory_space<hbm>>) target_semaphore(%arg30 : memref<!tpu.dma_semaphore, #tpu.memory_space<semaphore_mem>>)
      %dma_start3A_1249 = arith.constant 208 : i32
      %dma_start3A_1250 = tpu.memref_slice %arg8[%multiple_of3A_1224, %dma_start3A_1249] : memref<204800x256xf32, #tpu.memory_space<hbm>> -> memref<128x16xf32, #tpu.memory_space<hbm>>
      %dma_start3A_1251 = arith.constant 208 : i32
      %dma_start3A_1252 = tpu.memref_slice %arg8[%multiple_of3A_1224, %dma_start3A_1251] : memref<204800x256xf32, #tpu.memory_space<hbm>> -> memref<128x16xf32, #tpu.memory_space<hbm>>
      tpu.enqueue_dma source(%arg25 : memref<128x16xf32, #tpu.memory_space<vmem>>) target(%dma_start3A_1252 : memref<128x16xf32, #tpu.memory_space<hbm>>) target_semaphore(%arg30 : memref<!tpu.dma_semaphore, #tpu.memory_space<semaphore_mem>>)
      %dma_start3A_1253 = arith.constant 224 : i32
      %dma_start3A_1254 = tpu.memref_slice %arg8[%multiple_of3A_1224, %dma_start3A_1253] : memref<204800x256xf32, #tpu.memory_space<hbm>> -> memref<128x32xf32, #tpu.memory_space<hbm>>
      %dma_start3A_1255 = arith.constant 224 : i32
      %dma_start3A_1256 = tpu.memref_slice %arg8[%multiple_of3A_1224, %dma_start3A_1255] : memref<204800x256xf32, #tpu.memory_space<hbm>> -> memref<128x32xf32, #tpu.memory_space<hbm>>
      tpu.enqueue_dma source(%arg26 : memref<128x32xf32, #tpu.memory_space<vmem>>) target(%dma_start3A_1256 : memref<128x32xf32, #tpu.memory_space<hbm>>) target_semaphore(%arg30 : memref<!tpu.dma_semaphore, #tpu.memory_space<semaphore_mem>>)
    }
    %scan3A_967 = arith.constant 25 : i32
    %dma_wait3A = arith.constant 0 : i32
    %dma_wait3A_968 = arith.constant 0 : i32
    %dma_wait3A_969 = tpu.memref_slice %arg8[%dma_wait3A, %dma_wait3A_968] : memref<204800x256xf32, #tpu.memory_space<hbm>> -> memref<128x64xf32, #tpu.memory_space<hbm>>
    %dma_wait3A_970 = arith.constant 0 : i32
    %dma_wait3A_971 = arith.constant 0 : i32
    %dma_wait3A_972 = tpu.memref_slice %arg8[%dma_wait3A_970, %dma_wait3A_971] : memref<204800x256xf32, #tpu.memory_space<hbm>> -> memref<128x64xf32, #tpu.memory_space<hbm>>
    tpu.wait_dma2 semaphore(%arg30 : memref<!tpu.dma_semaphore, #tpu.memory_space<semaphore_mem>>) src(%arg19 : memref<128x64xf32, #tpu.memory_space<vmem>>) dst(%dma_wait3A_972 : memref<128x64xf32, #tpu.memory_space<hbm>>)
    %dma_wait3A_973 = arith.constant 0 : i32
    %dma_wait3A_974 = arith.constant 64 : i32
    %dma_wait3A_975 = tpu.memref_slice %arg8[%dma_wait3A_973, %dma_wait3A_974] : memref<204800x256xf32, #tpu.memory_space<hbm>> -> memref<128x32xf32, #tpu.memory_space<hbm>>
    %dma_wait3A_976 = arith.constant 0 : i32
    %dma_wait3A_977 = arith.constant 64 : i32
    %dma_wait3A_978 = tpu.memref_slice %arg8[%dma_wait3A_976, %dma_wait3A_977] : memref<204800x256xf32, #tpu.memory_space<hbm>> -> memref<128x32xf32, #tpu.memory_space<hbm>>
    tpu.wait_dma2 semaphore(%arg30 : memref<!tpu.dma_semaphore, #tpu.memory_space<semaphore_mem>>) src(%arg20 : memref<128x32xf32, #tpu.memory_space<vmem>>) dst(%dma_wait3A_978 : memref<128x32xf32, #tpu.memory_space<hbm>>)
    %dma_wait3A_979 = arith.constant 0 : i32
    %dma_wait3A_980 = arith.constant 96 : i32
    %dma_wait3A_981 = tpu.memref_slice %arg8[%dma_wait3A_979, %dma_wait3A_980] : memref<204800x256xf32, #tpu.memory_space<hbm>> -> memref<128x32xf32, #tpu.memory_space<hbm>>
    %dma_wait3A_982 = arith.constant 0 : i32
    %dma_wait3A_983 = arith.constant 96 : i32
    %dma_wait3A_984 = tpu.memref_slice %arg8[%dma_wait3A_982, %dma_wait3A_983] : memref<204800x256xf32, #tpu.memory_space<hbm>> -> memref<128x32xf32, #tpu.memory_space<hbm>>
    tpu.wait_dma2 semaphore(%arg30 : memref<!tpu.dma_semaphore, #tpu.memory_space<semaphore_mem>>) src(%arg21 : memref<128x32xf32, #tpu.memory_space<vmem>>) dst(%dma_wait3A_984 : memref<128x32xf32, #tpu.memory_space<hbm>>)
    %dma_wait3A_985 = arith.constant 0 : i32
    %dma_wait3A_986 = arith.constant 128 : i32
    %dma_wait3A_987 = tpu.memref_slice %arg8[%dma_wait3A_985, %dma_wait3A_986] : memref<204800x256xf32, #tpu.memory_space<hbm>> -> memref<128x32xf32, #tpu.memory_space<hbm>>
    %dma_wait3A_988 = arith.constant 0 : i32
    %dma_wait3A_989 = arith.constant 128 : i32
    %dma_wait3A_990 = tpu.memref_slice %arg8[%dma_wait3A_988, %dma_wait3A_989] : memref<204800x256xf32, #tpu.memory_space<hbm>> -> memref<128x32xf32, #tpu.memory_space<hbm>>
    tpu.wait_dma2 semaphore(%arg30 : memref<!tpu.dma_semaphore, #tpu.memory_space<semaphore_mem>>) src(%arg22 : memref<128x32xf32, #tpu.memory_space<vmem>>) dst(%dma_wait3A_990 : memref<128x32xf32, #tpu.memory_space<hbm>>)
    %dma_wait3A_991 = arith.constant 0 : i32
    %dma_wait3A_992 = arith.constant 160 : i32
    %dma_wait3A_993 = tpu.memref_slice %arg8[%dma_wait3A_991, %dma_wait3A_992] : memref<204800x256xf32, #tpu.memory_space<hbm>> -> memref<128x32xf32, #tpu.memory_space<hbm>>
    %dma_wait3A_994 = arith.constant 0 : i32
    %dma_wait3A_995 = arith.constant 160 : i32
    %dma_wait3A_996 = tpu.memref_slice %arg8[%dma_wait3A_994, %dma_wait3A_995] : memref<204800x256xf32, #tpu.memory_space<hbm>> -> memref<128x32xf32, #tpu.memory_space<hbm>>
    tpu.wait_dma2 semaphore(%arg30 : memref<!tpu.dma_semaphore, #tpu.memory_space<semaphore_mem>>) src(%arg23 : memref<128x32xf32, #tpu.memory_space<vmem>>) dst(%dma_wait3A_996 : memref<128x32xf32, #tpu.memory_space<hbm>>)
    %dma_wait3A_997 = arith.constant 0 : i32
    %dma_wait3A_998 = arith.constant 192 : i32
    %dma_wait3A_999 = tpu.memref_slice %arg8[%dma_wait3A_997, %dma_wait3A_998] : memref<204800x256xf32, #tpu.memory_space<hbm>> -> memref<128x16xf32, #tpu.memory_space<hbm>>
    %dma_wait3A_1000 = arith.constant 0 : i32
    %dma_wait3A_1001 = arith.constant 192 : i32
    %dma_wait3A_1002 = tpu.memref_slice %arg8[%dma_wait3A_1000, %dma_wait3A_1001] : memref<204800x256xf32, #tpu.memory_space<hbm>> -> memref<128x16xf32, #tpu.memory_space<hbm>>
    tpu.wait_dma2 semaphore(%arg30 : memref<!tpu.dma_semaphore, #tpu.memory_space<semaphore_mem>>) src(%arg24 : memref<128x16xf32, #tpu.memory_space<vmem>>) dst(%dma_wait3A_1002 : memref<128x16xf32, #tpu.memory_space<hbm>>)
    %dma_wait3A_1003 = arith.constant 0 : i32
    %dma_wait3A_1004 = arith.constant 208 : i32
    %dma_wait3A_1005 = tpu.memref_slice %arg8[%dma_wait3A_1003, %dma_wait3A_1004] : memref<204800x256xf32, #tpu.memory_space<hbm>> -> memref<128x16xf32, #tpu.memory_space<hbm>>
    %dma_wait3A_1006 = arith.constant 0 : i32
    %dma_wait3A_1007 = arith.constant 208 : i32
    %dma_wait3A_1008 = tpu.memref_slice %arg8[%dma_wait3A_1006, %dma_wait3A_1007] : memref<204800x256xf32, #tpu.memory_space<hbm>> -> memref<128x16xf32, #tpu.memory_space<hbm>>
    tpu.wait_dma2 semaphore(%arg30 : memref<!tpu.dma_semaphore, #tpu.memory_space<semaphore_mem>>) src(%arg25 : memref<128x16xf32, #tpu.memory_space<vmem>>) dst(%dma_wait3A_1008 : memref<128x16xf32, #tpu.memory_space<hbm>>)
    %dma_wait3A_1009 = arith.constant 0 : i32
    %dma_wait3A_1010 = arith.constant 224 : i32
    %dma_wait3A_1011 = tpu.memref_slice %arg8[%dma_wait3A_1009, %dma_wait3A_1010] : memref<204800x256xf32, #tpu.memory_space<hbm>> -> memref<128x32xf32, #tpu.memory_space<hbm>>
    %dma_wait3A_1012 = arith.constant 0 : i32
    %dma_wait3A_1013 = arith.constant 224 : i32
    %dma_wait3A_1014 = tpu.memref_slice %arg8[%dma_wait3A_1012, %dma_wait3A_1013] : memref<204800x256xf32, #tpu.memory_space<hbm>> -> memref<128x32xf32, #tpu.memory_space<hbm>>
    tpu.wait_dma2 semaphore(%arg30 : memref<!tpu.dma_semaphore, #tpu.memory_space<semaphore_mem>>) src(%arg26 : memref<128x32xf32, #tpu.memory_space<vmem>>) dst(%dma_wait3A_1014 : memref<128x32xf32, #tpu.memory_space<hbm>>)
    return
  }
}

</mosaic_0001>

<sc_bundles>
// kernel: _run.3.cloned.1.call-start
scs
__scs_entry_jumppad:
0x0: {  	(pc) =	sbr.rel $0x88, $3  }
0x1: {  	(tag) =	ssettag $0x0;
	lr =	simm.s32 $0x1  }
0x2: {  	[smem:$0x3F9B] =	sst lr;
	_ =	strace $0xD0000000  }
0x3: {  	_ = 	snop  }
0x4: {  	_ = 	snop  }
0x5: {  	_ = 	snop  }
0x6: {  	_ = 	snop  }
0x7: {  	_ = 	snop  }
__scs_overlays_trampoline_lowered:
0x8: {  	[smem:$0x3FAA] =	sst s0  }
0x9: {  	[smem:$0x3FAB] =	sst s1  }
0xa: {  	[smem:$0x3FAC] =	sst s2  }
0xb: {  	[smem:$0x3FAD] =	sst s3  }
0xc: {  	[smem:$0x3FAE] =	sst s4  }
0xd: {  	[smem:$0x3FAF] =	sst s5  }
0xe: {  	[smem:$0x3FB0] =	sst s6  }
0xf: {  	[smem:$0x3FB1] =	sst s7  }
0x10: {  	[smem:$0x3FB2] =	sst s8  }
0x11: {  	[smem:$0x3FB3] =	sst s9;
	s0 =	simm.s32 @!p0 $0x0  }
0x12: {  	s1 =	sld [smem:$0x3F99];
	s0 =	simm.s32 @p0 $0x1  }
0x13: {  	[smem:$0x3FB4] =	sst s0;
	s0 =	simm.s32 @!p1 $0x0  }
0x14: {  	s2 =	sld [smem:$0x3F98];
	s0 =	simm.s32 @p1 $0x1  }
0x15: {  	[smem:$0x3FB5] =	sst s0;
	s0 =	simm.s32 @!p2 $0x0  }
0x16: {  	s3 =	sld [smem:$0x3FDB];
	s0 =	simm.s32 @p2 $0x1  }
0x17: {  	s4 =	simm.s32 $0x1BF5;
	[smem:$0x3FB7] =	sst s0  }
0x18: {  	s0 =	sld [smem:$0x3F9A];
	_ =	swait.ge [sflag:s4], $0x0  }
0x19: {  	s7 =	sld [smem:$0x3F9B]  }
0x1a: {  	s8 =	sadd.s32 $0xFFFFE003, lr  }
0x1b: {  	s9 =	sadd.s32 $0xFFFFFEF7, lr;
	s5 =	simm.s32 $0xFFFFFFFF;
	p2 =	slt.u32 s8, $0xFFFFF086  }
0x1c: {  	p1 =	slt.u32 s9, $0xF7A;
	s5 =	simm.s32 @!p2 $0x0  }
0x1d: {  	s5 =	simm.s32 @p1 $0x1;
	p0 =	seq.s32 s7, s2  }
0x1e: {  	s7 =	smul.u32 @!p0 $0xF7A, s2;
	p2 =	seq.s32 @!p0 s5, $0x0  }
0x1f: {  	s9 =	smul.u32 $0xF7A, s1;
	s8 =	simm.s32 @!p0 $0x1BF5;
	p2 =	por !p2, p0  }
0x20: {  	[sflag:s8] =	ssyncset.s32 @!p0 $0xFFFFF086;
	s6 =	sadd.s32 @!p0 s3, s7;
	s7 =	simm.s32 @!p0 $0x108  }
0x21: {  	s3 =	sadd.s32 s3, s9;
	s6 =	sadd.s32 @!p0 $0x88, s6;
	s7 =	simm.s32 @p2 $0x1082  }
0x22: {  	[simem:s7], [sflag:s8] =	dma.local @!p0 [hbm:s6], $0xF7A  }
0x23: {  	s9 =	sor.u32 $0xD0000000, s2;
	s6 =	simm.s32 $0x108;
	_ =	swait.ge @!p0 [sflag:s8], $0x0  }
0x24: {  	s3 =	sadd.s32 $0x88, s3;
	s6 =	simm.s32 @!p1 $0x1082;
	[sflag:s4] =	ssyncset.s32 $0xFFFFF086  }
0x25: {  	[simem:s6], [sflag:s4] =	dma.local [hbm:s3], $0xF7A  }
0x26: {  	[smem:$0x3F9B] =	sst s1;
	(tag) =	ssettag s2;
	_ =	strace s9  }
0x27: {  	s1 =	sld [smem:$0x3FAB]  }
0x28: {  	s2 =	sld [smem:$0x3FAC]  }
0x29: {  	s4 =	sld [smem:$0x3FAE]  }
0x2a: {  	p0 =	seq.s32 s5, $0x0;
	s5 =	sld [smem:$0x3FAF]  }
0x2b: {  	s6 =	sld [smem:$0x3FB0]  }
0x2c: {  	s7 =	sld [smem:$0x3FB1]  }
0x2d: {  	s3 =	simm.s32 $0x108;
	s8 =	sld [smem:$0x3FB2]  }
0x2e: {  	s3 =	simm.s32 @!p0 $0x1082;
	s9 =	sld [smem:$0x3FB3]  }
0x2f: {  	lr =	sadd.s32 s0, s3;
	s0 =	sld [smem:$0x3FAA]  }
0x30: {  	s3 =	sld [smem:$0x3FAD]  }
0x31: {  	[smem:$0x3FB6] =	sst s10  }
0x32: {  	s10 =	sld [smem:$0x3FB4];
	_ =	sdelay $0x3  }
0x33: {  	p0 =	seq.s32 s10, $0x1;
	s10 =	sld [smem:$0x3FB6];
	_ =	sdelay $0x3  }
0x34: {  	[smem:$0x3FB6] =	sst s10  }
0x35: {  	s10 =	sld [smem:$0x3FB5];
	_ =	sdelay $0x3  }
0x36: {  	p1 =	seq.s32 s10, $0x1;
	s10 =	sld [smem:$0x3FB6];
	_ =	sdelay $0x3  }
0x37: {  	[smem:$0x3FB6] =	sst s10  }
0x38: {  	s10 =	sld [smem:$0x3FB7]  }
0x39: {  	_ = 	snop;
	(pc) =	sbr.ind lr, $3  }
0x3a: {  	_ = 	snop  }
0x3b: {  	_ = 	snop  }
0x3c: {  	p2 =	seq.s32 s10, $0x1;
	s10 =	sld [smem:$0x3FB6]  }
0x3d: {  	_ =	shalt  }
0x3e: {  	_ =	shalt  }
0x3f: {  	_ =	shalt  }
0x40: {  	_ =	shalt  }
0x41: {  	_ =	shalt  }
0x42: {  	_ =	shalt  }
0x43: {  	_ =	shalt  }
0x44: {  	_ =	shalt  }
0x45: {  	_ =	shalt  }
0x46: {  	_ =	shalt  }
0x47: {  	_ =	shalt  }
0x48: {  	_ =	shalt  }
0x49: {  	_ =	shalt  }
0x4a: {  	_ =	shalt  }
0x4b: {  	_ =	shalt  }
0x4c: {  	_ =	shalt  }
0x4d: {  	_ =	shalt  }
0x4e: {  	_ =	shalt  }
0x4f: {  	_ =	shalt  }
0x50: {  	_ =	shalt  }
0x51: {  	_ =	shalt  }
0x52: {  	_ =	shalt  }
0x53: {  	_ =	shalt  }
0x54: {  	_ =	shalt  }
0x55: {  	_ =	shalt  }
0x56: {  	_ =	shalt  }
0x57: {  	_ =	shalt  }
0x58: {  	_ =	shalt  }
0x59: {  	_ =	shalt  }
0x5a: {  	_ =	shalt  }
0x5b: {  	_ =	shalt  }
0x5c: {  	_ =	shalt  }
0x5d: {  	_ =	shalt  }
0x5e: {  	_ =	shalt  }
0x5f: {  	_ =	shalt  }
0x60: {  	_ =	shalt  }
0x61: {  	_ =	shalt  }
0x62: {  	_ =	shalt  }
0x63: {  	_ =	shalt  }
0x64: {  	_ =	shalt  }
0x65: {  	_ =	shalt  }
0x66: {  	_ =	shalt  }
0x67: {  	_ =	shalt  }
0x68: {  	_ =	shalt  }
0x69: {  	_ =	shalt  }
0x6a: {  	_ =	shalt  }
0x6b: {  	_ =	shalt  }
0x6c: {  	_ =	shalt  }
0x6d: {  	_ =	shalt  }
0x6e: {  	_ =	shalt  }
0x6f: {  	_ =	shalt  }
0x70: {  	_ =	shalt  }
0x71: {  	_ =	shalt  }
0x72: {  	_ =	shalt  }
0x73: {  	_ =	shalt  }
0x74: {  	_ =	shalt  }
0x75: {  	_ =	shalt  }
0x76: {  	_ =	shalt  }
0x77: {  	_ =	shalt  }
0x78: {  	_ =	shalt  }
0x79: {  	_ =	shalt  }
0x7a: {  	_ =	shalt  }
0x7b: {  	_ =	shalt  }
0x7c: {  	_ =	shalt  }
0x7d: {  	_ =	shalt  }
0x7e: {  	_ =	shalt  }
0x7f: {  	_ =	shalt  }
0x80: {  	_ =	shalt  }
0x81: {  	_ =	shalt  }
0x82: {  	_ =	shalt  }
0x83: {  	_ =	shalt  }
0x84: {  	_ =	shalt  }
0x85: {  	_ =	shalt  }
0x86: {  	_ =	shalt  }
0x87: {  	_ =	shalt  }
.Lfunc_end0:
.L_simem_size_0:
called_computation_lowered:
.L_overlay_start_0:
0x88: {  	s2 =	sld [smem:$0x3FD9]  }
0x89: {  	s3 =	sld [smem:$0x3FFE];
	_ =	sdelay $0x1  }
0x8a: {  	s1 =	srdreg.scid  }
0x8b: {  	s0 =	sand.u32 $0x1, s1  }
0x8c: {  	s16 =	sshll.u32 s0, $0xA;
	s2 =	sadd.s32 s3, s2  }
0x8d: {  	s2 =	sadd.s32 s2, s16  }
0x8e: {  	[smem:$0x3FC2] =	sst s2  }
0x8f: {  	_ = 	snop  }
0x90: {  	(tm) =	ssettm $0x1  }
0x91: {  	s17 =	sld [smem:$0x3FFB];
	_ =	sdelay $0x3  }
0x92: {  	_ =	strace s17  }
0x93: {  	s2 =	sld [smem:$0x3FFC];
	_ =	sdelay $0x3  }
0x94: {  	_ =	strace s2  }
0x95: {  	s2 =	sld [smem:$0x3FFD];
	_ =	sdelay $0x3  }
0x96: {  	_ =	strace s2  }
0x97: {  	_ =	strace $0x8FFFFFFF  }
0x98: {  	s18 =	sld [smem:$0x3FDB];
	_ =	sdelay $0x1  }
0x99: {  	s19 =	simm.s32 $_scs_section_size  }
0x9a: {  	s4 =	simm.s32 $_size__tile_overlayer_lowered;
	s5 =	simm.s32 $_tile_overlayer_lowered  }
0x9b: {  	s22 =	simm.s32 $0x1BFF;
	s21 =	sshll.u32 s5, $0x1;
	s2 =	sadd.s32 s19, s18  }
0x9c: {  	s6 =	simm.s32 $0x0;
	s20 =	sshll.u32 s4, $0x1;
	s4 =	sadd.s32 s21, s2  }
0x9d: {  	[timem:s6], [sflag:s22] =	dma.local [hbm:s4], s20  }
0x9e: {  	_ =	swait.ge [sflag:s22], s20  }
0x9f: {  	s3 =	ssub.s32 $0x0, s20;
	[sflag:s22] =	ssyncset.done $0x0  }
0xa0: {  	[sflag:s22] =	ssyncadd.s32 s3;
	_ =	sdelay $0x1  }
0xa1: {  	s23 =	simm.s32 $0x1B8B  }
0xa2: {  	_ =	swait.ge [sflag:s23], $0x1  }
0xa3: {  	[sflag:s23] =	ssyncset.done $0x0  }
0xa4: {  	s25 =	simm.s32 $0x1B8E;
	s24 =	sld [smem:$0x3FFE];
	[sflag:s23] =	ssyncadd.s32 $0xFFFFFFFF  }
0xa5: {  	s26 =	simm.s32 $execute0_lowered;
	[smem:$0x3FD2] =	sst s25  }
0xa6: {  	s4 =	sshll.u32 s26, $0x1;
	_ =	strace $0x80000046;
	[dreg:$0x1] =	wrdreg $0xFFFFFFFF  }
0xa7: {  	s28 =	simm.s32 $_size_execute0_lowered;
	s2 =	sadd.s32 s2, s4;
	[dreg:$0x0] =	wrdreg $0x0  }
0xa8: {  	s4 =	sshll.u32 s28, $0x1;
	[dreg:$0x2] =	wrdreg s2  }
0xa9: {  	[dreg:$0x3] =	wrdreg s4  }
0xaa: {  	[dreg:$0x4] =	wrdreg $0xC0  }
0xab: {  	_ =	task [dreg:s6], $0x5FFFF  }
0xac: {  	[dreg:$0x1] =	wrdreg $0xFFFFFFFF  }
0xad: {  	[dreg:$0x0] =	wrdreg $0x60  }
0xae: {  	[dreg:$0x2] =	wrdreg s24  }
0xaf: {  	[dreg:$0x3] =	wrdreg $0x9  }
0xb0: {  	_ =	task.clear_ibuf [dreg:s6], $0x4FFFF;
	_ =	strace $0x90000046  }
0xb1: {  	s29 =	simm.s32 $0x9;
	_ =	strace $0x80000048  }
0xb2: {  	_ =	swait.ge [sflag:s29], $0x1  }
0xb3: {  	[sflag:s29] =	ssyncadd.s32 $0xFFFFFFFF  }
0xb4: {  	_ =	strace $0x90000048  }
0xb5: {  	_ =	sfence  }
0xb6: {  	s30 =	sld [smem:$0x0];
	_ =	sdelay $0x2  }
0xb7: {  	s31 =	sshll.u32 s1, $0xD;
	s1 =	sshrl.u32 s1, $0x2  }
0xb8: {  	s3 =	sand.u32 $0x4000, s31;
	s1 =	sadd.s32 s1, s30  }
0xb9: {  	s0 =	sor.u32 s3, s0;
	s1 =	sshll.u32 s1, $0x11  }
0xba: {  	s0 =	sor.u32 s1, s0  }
0xbb: {  	s0 =	sadd.s32 $0x8F2B, s0  }
0xbc: {  	[sflag:s0] =	ssyncadd.remote.s32 $0x1  }
0xbd: {  	_ =	sfence.sel $0xFFFF  }
0xbe: {  	[dreg:$0x0] =	wrdreg $0xFFFFFFFF;
	(pc) =	sbr.abs _section_cstart, $3  }
0xbf: {  	[dreg:$0x1] =	wrdreg $0xFFFFFFFF  }
0xc0: {  	_ =	task.clear_ibuf [dreg:s6], $0x2FFFF;
	_ =	strace $0x9FFFFFFF  }
0xc1: {  	(tm) =	ssettm $0x7FFFFFFF  }
tec
execute0_lowered:
.L_overlay_start_1:
0x0: {  	(tag) =	ssettag $0x1  }
0x1: {  	v0 =	vlaneseq.u32  }
0x2: {  	v0 =	vmul.u32 $0x8, v0;
	_ =	sdelay $0x1  }
0x3: {  	v1 =	vor.u32 $0x80, v0;
	v2 =	vor.u32 $0x100, v0;
	v3 =	vor.u32 $0x180, v0  }
0x4: {  	v4 =	vor.u32 $0x200, v0;
	v5 =	vor.u32 $0x280, v0;
	v6 =	vor.u32 $0x300, v0  }
0x5: {  	s0 =	rddreg [dreg:$0x0];
	v7 =	vor.u32 $0x380, v0;
	v8 =	vor.u32 $0x1, v0;
	v9 =	vor.u32 $0x81, v0  }
0x6: {  	s2 =	simm.s32 $0x0;
	s6 =	stileid.u32;
	s1 =	srdreg.scid;
	v10 =	vor.u32 $0x101, v0;
	v11 =	vor.u32 $0x181, v0;
	v12 =	vor.u32 $0x201, v0  }
0x7: {  	s28 =	simm.s32 $0x3000;
	s31 =	simm.s32 $0x400;
	s18 =	simm.s32 $0xD000;
	v13 =	vor.u32 $0x281, v0;
	v14 =	vor.u32 $0x301, v0;
	v15 =	vor.u32 $0x381, v0  }
0x8: {  	s22 =	simm.s32 $0xE000;
	s16 =	simm.s32 $0x1;
	s20 =	simm.s32 $0x40;
	v16 =	vor.u32 $0x2, v0;
	v17 =	vor.u32 $0x82, v0;
	v18 =	vor.u32 $0x102, v0  }
0x9: {  	s29 =	simm.s32 $0x20;
	s15 =	simm.s32 $0x3;
	s17 =	simm.s32 $0x2;
	v19 =	vor.u32 $0x182, v0;
	v20 =	vor.u32 $0x202, v0;
	v21 =	vor.u32 $0x282, v0  }
0xa: {  	[smem:$0x7FF] =	sst s2;
	s8 =	sadd.s32 $0x3400, s0;
	s9 =	smul.u32 $0x64000, s6;
	v22 =	vor.u32 $0x302, v0;
	v23 =	vor.u32 $0x382, v0;
	v24 =	vor.u32 $0x3, v0  }
0xb: {  	s3 =	sshll.u32 s6, $0x1;
	s11 =	smul.u32 $0x3200, s6;
	s6 =	sadd.s32 $0x18B400, s0;
	v25 =	vor.u32 $0x83, v0;
	v26 =	vor.u32 $0x103, v0;
	v27 =	vor.u32 $0x183, v0  }
0xc: {  	s1 =	sand.u32 $0x1, s1;
	s4 =	sadd.s32 $0xF8A00, s0;
	s7 =	sadd.s32 $0x1BC200, s0;
	v28 =	vor.u32 $0x203, v0;
	v29 =	vor.u32 $0x283, v0;
	v30 =	vor.u32 $0x303, v0  }
0xd: {  	_ =	strace $0x80000047;
	s5 =	sor.u32 s1, s3;
	s13 =	smul.u32 $0x1900, s1;
	v31 =	vor.u32 $0x383, v0;
	v32 =	vor.u32 $0x4, v0;
	v33 =	vor.u32 $0x84, v0  }
0xe: {  	s3 =	sadd.s32 $0x35400, s0;
	s12 =	ssub.s32 $0x2, s1;
	s1 =	smul.u32 $0x32000, s1;
	v34 =	vor.u32 $0x104, v0;
	v35 =	vor.u32 $0x184, v0;
	v36 =	vor.u32 $0x204, v0  }
0xf: {  	s23 =	simm.s32 $0x0;
	s10 =	smul.u32 $0x1900, s5;
	s5 =	sadd.s32 $0x15A600, s0;
	v37 =	vor.u32 $0x284, v0;
	v38 =	vor.u32 $0x304, v0;
	v39 =	vor.u32 $0x384, v0  }
0x10: {  	s14 =	sshrl.u32 s12, $0x1;
	s0 =	sadd.s32 s9, s0;
	s11 =	sadd.s32 s11, s8;
	v40 =	vor.u32 $0x5, v0;
	v41 =	vor.u32 $0x85, v0;
	v42 =	vor.u32 $0x105, v0  }
0x11: {  	v43 =	vor.u32 $0x185, v0;
	v44 =	vor.u32 $0x205, v0;
	v45 =	vor.u32 $0x285, v0;
	s9 =	simm.s32 $0x10;
	s24 =	ssub.s32 s12, s14;
	s25 =	sadd.s32 s13, s11  }
0x12: {  	v46 =	vor.u32 $0x305, v0;
	v47 =	vor.u32 $0x385, v0;
	v48 =	vor.u32 $0x6, v0;
	s0 =	sadd.s32 s1, s0;
	s13 =	simm.s32 $0x80;
	s14 =	simm.s32 $0xC000  }
.Ltmp0:
0x13: {  	v49 =	vor.u32 $0x86, v0;
	v50 =	vor.u32 $0x106, v0;
	v51 =	vor.u32 $0x186, v0;
	s1 =	simm.s32 $0xF800;
	s12 =	simm.s32 $0x10000;
	(pc) =	sbr.rel .LBB2_1-.Ltmp0, $4  }
0x14: {  	v52 =	vor.u32 $0x206, v0;
	v53 =	vor.u32 $0x286, v0;
	v54 =	vor.u32 $0x306, v0;
	s8 =	sadd.s32 s8, s10;
	s26 =	smax.u32 s24, $0x1;
	s30 =	sadd.s32 $0x100, s25  }
0x15: {  	v55 =	vor.u32 $0x386, v0;
	v56 =	vor.u32 $0x7, v0;
	v57 =	vor.u32 $0x87, v0;
	s11 =	sadd.s32 $0x21DE00, s0;
	s0 =	simm.s32 $0x5;
	[dreg:$0x2] =	wrdreg s8  }
0x16: {  	v58 =	vor.u32 $0x107, v0;
	v59 =	vor.u32 $0x187, v0;
	v60 =	vor.u32 $0x207, v0;
	s10 =	simm.s32 $0xB000;
	s24 =	simm.s32 $0x100;
	[dreg:$0x3] =	wrdreg s26  }
0x17: {  	v61 =	vor.u32 $0x287, v0;
	v62 =	vor.u32 $0x307, v0;
	v63 =	vor.u32 $0x387, v0;
	[tilespmem:$0x1FFF0] =	vst v1;
	[dreg:$0x4] =	wrdreg s30;
	s8 =	simm.s32 $0x9000;
	s26 =	simm.s32 $0xF000  }
.LBB2_5:
0x18: {  	s21 =	simm.s32 $0x4  }
0x19: {  	_ =	swait.ge [sflag:s21], $0x2000  }
0x1a: {  	[sflag:s21] =	ssyncset.done $0x0  }
0x1b: {  	[sflag:s21] =	ssyncadd.s32 $0xFFFFE000  }
0x1c: {  	_ =	swait.ge [sflag:s21], $0x1000  }
0x1d: {  	[sflag:s21] =	ssyncset.done $0x0  }
0x1e: {  	[sflag:s21] =	ssyncadd.s32 $0xFFFFF000  }
0x1f: {  	_ =	swait.ge [sflag:s21], $0x1000  }
0x20: {  	[sflag:s21] =	ssyncset.done $0x0  }
0x21: {  	[sflag:s21] =	ssyncadd.s32 $0xFFFFF000  }
0x22: {  	_ =	swait.ge [sflag:s21], $0x1000  }
0x23: {  	[sflag:s21] =	ssyncset.done $0x0  }
0x24: {  	[sflag:s21] =	ssyncadd.s32 $0xFFFFF000  }
0x25: {  	_ =	swait.ge [sflag:s21], $0x1000  }
0x26: {  	[sflag:s21] =	ssyncset.done $0x0  }
0x27: {  	[sflag:s21] =	ssyncadd.s32 $0xFFFFF000  }
0x28: {  	_ =	swait.ge [sflag:s21], $0x800  }
0x29: {  	[sflag:s21] =	ssyncset.done $0x0  }
0x2a: {  	[sflag:s21] =	ssyncadd.s32 $0xFFFFF800  }
0x2b: {  	_ =	swait.ge [sflag:s21], $0x800  }
0x2c: {  	[sflag:s21] =	ssyncset.done $0x0  }
0x2d: {  	[sflag:s21] =	ssyncadd.s32 $0xFFFFF800  }
0x2e: {  	_ =	swait.ge [sflag:s21], $0x1000  }
0x2f: {  	s23 =	rddreg [dreg:$0x5]  }
0x30: {  	s19 =	rddreg [dreg:$0x3];
	s23 =	sadd.s32 $0x1, s23  }
0x31: {  	p0 =	sne.s32 s23, s19  }
.Ltmp1:
0x32: {  	_ = 	snop;
	(pc) =	sbr.rel @!p0 .LBB2_6-.Ltmp1, $3  }
0x33: {  	_ =	sdelay $0x1  }
0x34: {  	[sflag:s21] =	ssyncset.done $0x0  }
0x35: {  	[sflag:s21] =	ssyncadd.s32 $0xFFFFF000  }
.LBB2_1:
0x36: {  	[dreg:$0x5] =	wrdreg s23  }
0x37: {  	s19 =	rddreg [dreg:$0x2];
	s23 =	simm.s32 $0x6  }
0x38: {  	[tilespmem:s2], [sflag:$0x6] =	stream.linear.gather [hbm4b:s19+s2], $0x400, $0x38;
	[tilespmem:$0x11000] =	vst v63  }
0x39: {  	_ =	swait.ge [sflag:s23], $0x400  }
0x3a: {  	[sflag:s23] =	ssyncset.done $0x0  }
0x3b: {  	[sflag:s23] =	ssyncadd.s32 $0xFFFFFC00  }
0x3c: {  	v1 =	vld.idx.msk [tilespmem:v0+s2+$0x0], $0xffff;
	_ =	sdelay $0x4  }
0x3d: {  	[tilespmem:$0x800] =	vst v1;
	v1 =	vld [tilespmem:$0x1FFF0];
	_ =	sdelay $0x7  }
0x3e: {  	v1 =	vld.idx.msk [tilespmem:v1+s2+$0x0], $0xffff;
	_ =	sdelay $0x4  }
0x3f: {  	[tilespmem:$0x810] =	vst v1  }
0x40: {  	v1 =	vld.idx.msk [tilespmem:v2+s2+$0x0], $0xffff;
	_ =	sdelay $0x4  }
0x41: {  	[tilespmem:$0x820] =	vst v1  }
0x42: {  	v1 =	vld.idx.msk [tilespmem:v3+s2+$0x0], $0xffff;
	_ =	sdelay $0x4  }
0x43: {  	[tilespmem:$0x830] =	vst v1  }
0x44: {  	v1 =	vld.idx.msk [tilespmem:v4+s2+$0x0], $0xffff;
	_ =	sdelay $0x4  }
0x45: {  	[tilespmem:$0x840] =	vst v1  }
0x46: {  	v1 =	vld.idx.msk [tilespmem:v5+s2+$0x0], $0xffff;
	_ =	sdelay $0x4  }
0x47: {  	[tilespmem:$0x850] =	vst v1  }
0x48: {  	v1 =	vld.idx.msk [tilespmem:v6+s2+$0x0], $0xffff;
	_ =	sdelay $0x4  }
0x49: {  	[tilespmem:$0x860] =	vst v1  }
0x4a: {  	v1 =	vld.idx.msk [tilespmem:v7+s2+$0x0], $0xffff;
	_ =	sdelay $0x4  }
0x4b: {  	[tilespmem:$0x870] =	vst v1  }
0x4c: {  	v1 =	vld.idx.msk [tilespmem:v8+s2+$0x0], $0xffff;
	_ =	sdelay $0x4  }
0x4d: {  	[tilespmem:$0x880] =	vst v1  }
0x4e: {  	v1 =	vld.idx.msk [tilespmem:v9+s2+$0x0], $0xffff;
	_ =	sdelay $0x4  }
0x4f: {  	[tilespmem:$0x890] =	vst v1  }
0x50: {  	v1 =	vld.idx.msk [tilespmem:v10+s2+$0x0], $0xffff;
	_ =	sdelay $0x4  }
0x51: {  	[tilespmem:$0x8A0] =	vst v1  }
0x52: {  	v1 =	vld.idx.msk [tilespmem:v11+s2+$0x0], $0xffff;
	_ =	sdelay $0x4  }
0x53: {  	[tilespmem:$0x8B0] =	vst v1  }
0x54: {  	v1 =	vld.idx.msk [tilespmem:v12+s2+$0x0], $0xffff;
	_ =	sdelay $0x4  }
0x55: {  	[tilespmem:$0x8C0] =	vst v1  }
0x56: {  	v1 =	vld.idx.msk [tilespmem:v13+s2+$0x0], $0xffff;
	_ =	sdelay $0x4  }
0x57: {  	[tilespmem:$0x8D0] =	vst v1  }
0x58: {  	v1 =	vld.idx.msk [tilespmem:v14+s2+$0x0], $0xffff;
	_ =	sdelay $0x4  }
0x59: {  	[tilespmem:$0x8E0] =	vst v1  }
0x5a: {  	v1 =	vld.idx.msk [tilespmem:v15+s2+$0x0], $0xffff;
	_ =	sdelay $0x4  }
0x5b: {  	[tilespmem:$0x8F0] =	vst v1  }
0x5c: {  	v1 =	vld.idx.msk [tilespmem:v16+s2+$0x0], $0xffff;
	_ =	sdelay $0x4  }
0x5d: {  	[tilespmem:$0x900] =	vst v1  }
0x5e: {  	v1 =	vld.idx.msk [tilespmem:v17+s2+$0x0], $0xffff;
	_ =	sdelay $0x4  }
0x5f: {  	[tilespmem:$0x910] =	vst v1  }
0x60: {  	v1 =	vld.idx.msk [tilespmem:v18+s2+$0x0], $0xffff;
	_ =	sdelay $0x4  }
0x61: {  	[tilespmem:$0x920] =	vst v1  }
0x62: {  	v1 =	vld.idx.msk [tilespmem:v19+s2+$0x0], $0xffff;
	_ =	sdelay $0x4  }
0x63: {  	[tilespmem:$0x930] =	vst v1  }
0x64: {  	v1 =	vld.idx.msk [tilespmem:v20+s2+$0x0], $0xffff;
	_ =	sdelay $0x4  }
0x65: {  	[tilespmem:$0x940] =	vst v1  }
0x66: {  	v1 =	vld.idx.msk [tilespmem:v21+s2+$0x0], $0xffff;
	_ =	sdelay $0x4  }
0x67: {  	[tilespmem:$0x950] =	vst v1  }
0x68: {  	v1 =	vld.idx.msk [tilespmem:v22+s2+$0x0], $0xffff;
	_ =	sdelay $0x4  }
0x69: {  	[tilespmem:$0x960] =	vst v1  }
0x6a: {  	v1 =	vld.idx.msk [tilespmem:v23+s2+$0x0], $0xffff;
	_ =	sdelay $0x4  }
0x6b: {  	[tilespmem:$0x970] =	vst v1  }
0x6c: {  	v1 =	vld.idx.msk [tilespmem:v24+s2+$0x0], $0xffff;
	_ =	sdelay $0x4  }
0x6d: {  	[tilespmem:$0x980] =	vst v1  }
0x6e: {  	v1 =	vld.idx.msk [tilespmem:v25+s2+$0x0], $0xffff;
	_ =	sdelay $0x4  }
0x6f: {  	[tilespmem:$0x990] =	vst v1  }
0x70: {  	v1 =	vld.idx.msk [tilespmem:v26+s2+$0x0], $0xffff;
	_ =	sdelay $0x4  }
0x71: {  	[tilespmem:$0x9A0] =	vst v1  }
0x72: {  	v1 =	vld.idx.msk [tilespmem:v27+s2+$0x0], $0xffff;
	_ =	sdelay $0x4  }
0x73: {  	[tilespmem:$0x9B0] =	vst v1  }
0x74: {  	v1 =	vld.idx.msk [tilespmem:v28+s2+$0x0], $0xffff;
	_ =	sdelay $0x4  }
0x75: {  	[tilespmem:$0x9C0] =	vst v1  }
0x76: {  	v1 =	vld.idx.msk [tilespmem:v29+s2+$0x0], $0xffff;
	_ =	sdelay $0x4  }
0x77: {  	[tilespmem:$0x9D0] =	vst v1  }
0x78: {  	v1 =	vld.idx.msk [tilespmem:v30+s2+$0x0], $0xffff;
	_ =	sdelay $0x4  }
0x79: {  	[tilespmem:$0x9E0] =	vst v1  }
0x7a: {  	v1 =	vld.idx.msk [tilespmem:v31+s2+$0x0], $0xffff;
	_ =	sdelay $0x4  }
0x7b: {  	[tilespmem:$0x9F0] =	vst v1  }
0x7c: {  	v1 =	vld.idx.msk [tilespmem:v32+s2+$0x0], $0xffff;
	_ =	sdelay $0x4  }
0x7d: {  	[tilespmem:$0xA00] =	vst v1  }
0x7e: {  	v1 =	vld.idx.msk [tilespmem:v33+s2+$0x0], $0xffff;
	_ =	sdelay $0x4  }
0x7f: {  	[tilespmem:$0xA10] =	vst v1  }
0x80: {  	v1 =	vld.idx.msk [tilespmem:v34+s2+$0x0], $0xffff;
	_ =	sdelay $0x4  }
0x81: {  	[tilespmem:$0xA20] =	vst v1  }
0x82: {  	v1 =	vld.idx.msk [tilespmem:v35+s2+$0x0], $0xffff;
	_ =	sdelay $0x4  }
0x83: {  	[tilespmem:$0xA30] =	vst v1  }
0x84: {  	v1 =	vld.idx.msk [tilespmem:v36+s2+$0x0], $0xffff;
	_ =	sdelay $0x4  }
0x85: {  	[tilespmem:$0xA40] =	vst v1  }
0x86: {  	v1 =	vld.idx.msk [tilespmem:v37+s2+$0x0], $0xffff;
	_ =	sdelay $0x4  }
0x87: {  	[tilespmem:$0xA50] =	vst v1  }
0x88: {  	v1 =	vld.idx.msk [tilespmem:v38+s2+$0x0], $0xffff;
	_ =	sdelay $0x4  }
0x89: {  	[tilespmem:$0xA60] =	vst v1  }
0x8a: {  	v1 =	vld.idx.msk [tilespmem:v39+s2+$0x0], $0xffff;
	_ =	sdelay $0x4  }
0x8b: {  	[tilespmem:$0xA70] =	vst v1  }
0x8c: {  	v1 =	vld.idx.msk [tilespmem:v40+s2+$0x0], $0xffff;
	_ =	sdelay $0x4  }
0x8d: {  	[tilespmem:$0xA80] =	vst v1  }
0x8e: {  	v1 =	vld.idx.msk [tilespmem:v41+s2+$0x0], $0xffff;
	_ =	sdelay $0x4  }
0x8f: {  	[tilespmem:$0xA90] =	vst v1  }
0x90: {  	v1 =	vld.idx.msk [tilespmem:v42+s2+$0x0], $0xffff;
	_ =	sdelay $0x4  }
0x91: {  	[tilespmem:$0xAA0] =	vst v1  }
0x92: {  	v1 =	vld.idx.msk [tilespmem:v43+s2+$0x0], $0xffff;
	_ =	sdelay $0x4  }
0x93: {  	[tilespmem:$0xAB0] =	vst v1  }
0x94: {  	v1 =	vld.idx.msk [tilespmem:v44+s2+$0x0], $0xffff;
	_ =	sdelay $0x4  }
0x95: {  	[tilespmem:$0xAC0] =	vst v1  }
0x96: {  	v1 =	vld.idx.msk [tilespmem:v45+s2+$0x0], $0xffff;
	_ =	sdelay $0x4  }
0x97: {  	[tilespmem:$0xAD0] =	vst v1  }
0x98: {  	v1 =	vld.idx.msk [tilespmem:v46+s2+$0x0], $0xffff;
	_ =	sdelay $0x4  }
0x99: {  	[tilespmem:$0xAE0] =	vst v1  }
0x9a: {  	v1 =	vld.idx.msk [tilespmem:v47+s2+$0x0], $0xffff;
	_ =	sdelay $0x4  }
0x9b: {  	[tilespmem:$0xAF0] =	vst v1  }
0x9c: {  	v1 =	vld.idx.msk [tilespmem:v48+s2+$0x0], $0xffff;
	_ =	sdelay $0x4  }
0x9d: {  	[tilespmem:$0xB00] =	vst v1  }
0x9e: {  	v1 =	vld.idx.msk [tilespmem:v49+s2+$0x0], $0xffff;
	_ =	sdelay $0x4  }
0x9f: {  	[tilespmem:$0xB10] =	vst v1  }
0xa0: {  	v1 =	vld.idx.msk [tilespmem:v50+s2+$0x0], $0xffff;
	_ =	sdelay $0x4  }
0xa1: {  	[tilespmem:$0xB20] =	vst v1  }
0xa2: {  	v1 =	vld.idx.msk [tilespmem:v51+s2+$0x0], $0xffff;
	_ =	sdelay $0x4  }
0xa3: {  	[tilespmem:$0xB30] =	vst v1  }
0xa4: {  	v1 =	vld.idx.msk [tilespmem:v52+s2+$0x0], $0xffff;
	_ =	sdelay $0x4  }
0xa5: {  	[tilespmem:$0xB40] =	vst v1  }
0xa6: {  	v1 =	vld.idx.msk [tilespmem:v53+s2+$0x0], $0xffff;
	_ =	sdelay $0x4  }
0xa7: {  	[tilespmem:$0xB50] =	vst v1  }
0xa8: {  	v1 =	vld.idx.msk [tilespmem:v54+s2+$0x0], $0xffff;
	_ =	sdelay $0x4  }
0xa9: {  	[tilespmem:$0xB60] =	vst v1  }
0xaa: {  	v1 =	vld.idx.msk [tilespmem:v55+s2+$0x0], $0xffff;
	_ =	sdelay $0x4  }
0xab: {  	[tilespmem:$0xB70] =	vst v1  }
0xac: {  	v1 =	vld.idx.msk [tilespmem:v56+s2+$0x0], $0xffff;
	_ =	sdelay $0x4  }
0xad: {  	[tilespmem:$0xB80] =	vst v1  }
0xae: {  	v1 =	vld.idx.msk [tilespmem:v57+s2+$0x0], $0xffff;
	_ =	sdelay $0x4  }
0xaf: {  	[tilespmem:$0xB90] =	vst v1  }
0xb0: {  	v1 =	vld.idx.msk [tilespmem:v58+s2+$0x0], $0xffff;
	_ =	sdelay $0x4  }
0xb1: {  	[tilespmem:$0xBA0] =	vst v1  }
0xb2: {  	v1 =	vld.idx.msk [tilespmem:v59+s2+$0x0], $0xffff;
	_ =	sdelay $0x4  }
0xb3: {  	[tilespmem:$0xBB0] =	vst v1  }
0xb4: {  	v1 =	vld.idx.msk [tilespmem:v60+s2+$0x0], $0xffff;
	_ =	sdelay $0x4  }
0xb5: {  	[tilespmem:$0xBC0] =	vst v1  }
0xb6: {  	v1 =	vld.idx.msk [tilespmem:v61+s2+$0x0], $0xffff;
	_ =	sdelay $0x4  }
0xb7: {  	[tilespmem:$0xBD0] =	vst v1  }
0xb8: {  	v1 =	vld.idx.msk [tilespmem:v62+s2+$0x0], $0xffff;
	_ =	sdelay $0x4  }
0xb9: {  	[tilespmem:$0xBE0] =	vst v1  }
0xba: {  	v1 =	vld.idx.msk [tilespmem:v63+s2+$0x0], $0xffff;
	_ =	sdelay $0x4  }
0xbb: {  	s25 =	simm.s32 $0x800;
	s21 =	simm.s32 $0x1000;
	[tilespmem:$0xBF0] =	vst v1  }
0xbc: {  	[tilespmem:s21], [sflag:$0x1] =	stream.indirect.gather [hbm4b:s3+s13], $0x40, s25, s13, $0xb8;
	[tilespmem:$0x11000] =	vst v63  }
0xbd: {  	s30 =	simm.s32 $0x880  }
0xbe: {  	[tilespmem:s28], [sflag:$0x1] =	stream.indirect.gather [hbm4b:s4+s13], $0x20, s30, s13, $0xb8;
	[tilespmem:$0x11000] =	vst v63  }
0xbf: {  	s23 =	simm.s32 $0x4000;
	s21 =	simm.s32 $0x900  }
0xc0: {  	[tilespmem:s23], [sflag:$0x1] =	stream.indirect.gather [hbm4b:s4+s13], $0x20, s21, s13, $0xb8;
	[tilespmem:$0x11000] =	vst v63  }
0xc1: {  	s25 =	simm.s32 $0x980;
	s30 =	simm.s32 $0x5000  }
0xc2: {  	[tilespmem:s30], [sflag:$0x1] =	stream.indirect.gather [hbm4b:s4+s13], $0x20, s25, s13, $0xb8;
	[tilespmem:$0x11000] =	vst v63  }
0xc3: {  	s21 =	simm.s32 $0xA00;
	s23 =	simm.s32 $0x6000  }
0xc4: {  	[tilespmem:s23], [sflag:$0x1] =	stream.indirect.gather [hbm4b:s4+s13], $0x20, s21, s13, $0xb8;
	[tilespmem:$0x11000] =	vst v63  }
0xc5: {  	s25 =	simm.s32 $0xA80;
	s30 =	simm.s32 $0x7000  }
0xc6: {  	[tilespmem:s30], [sflag:$0x1] =	stream.indirect.gather [hbm4b:s5+s13], $0x10, s25, s13, $0xb8;
	[tilespmem:$0x11000] =	vst v63  }
.Ltmp2:
0xc7: {  	_ = 	snop;
	(pc) =	sbr.rel .LBB2_2-.Ltmp2, $4  }
0xc8: {  	s19 =	rddreg [dreg:$0x4];
	s21 =	simm.s32 $0xB00;
	s23 =	simm.s32 $0x7800  }
0xc9: {  	[tilespmem:s23], [sflag:$0x1] =	stream.indirect.gather [hbm4b:s6+s13], $0x10, s21, s13, $0xb8;
	[tilespmem:$0x11000] =	vst v63  }
0xca: {  	s25 =	simm.s32 $0xB80;
	s30 =	simm.s32 $0x8000;
	s21 =	simm.s32 $0x0  }
0xcb: {  	[tilespmem:s30], [sflag:$0x1] =	stream.indirect.gather [hbm4b:s7+s13], $0x20, s25, s13, $0xb8;
	[tilespmem:$0x11000] =	vst v63  }
.LBB2_4:
0xcc: {  	_ =	swait.ge [sflag:s17], $0x2000  }
0xcd: {  	[sflag:s17] =	ssyncset.done $0x0  }
0xce: {  	[sflag:s17] =	ssyncadd.s32 $0xFFFFE000  }
0xcf: {  	_ =	swait.ge [sflag:s17], $0x1000  }
0xd0: {  	[sflag:s17] =	ssyncset.done $0x0  }
0xd1: {  	[sflag:s17] =	ssyncadd.s32 $0xFFFFF000  }
0xd2: {  	_ =	swait.ge [sflag:s17], $0x1000  }
0xd3: {  	[sflag:s17] =	ssyncset.done $0x0  }
0xd4: {  	[sflag:s17] =	ssyncadd.s32 $0xFFFFF000  }
0xd5: {  	_ =	swait.ge [sflag:s17], $0x1000  }
0xd6: {  	[sflag:s17] =	ssyncset.done $0x0  }
0xd7: {  	[sflag:s17] =	ssyncadd.s32 $0xFFFFF000  }
0xd8: {  	_ =	swait.ge [sflag:s17], $0x1000  }
0xd9: {  	[sflag:s17] =	ssyncset.done $0x0  }
0xda: {  	[sflag:s17] =	ssyncadd.s32 $0xFFFFF000  }
0xdb: {  	_ =	swait.ge [sflag:s17], $0x800  }
0xdc: {  	[sflag:s17] =	ssyncset.done $0x0  }
0xdd: {  	[sflag:s17] =	ssyncadd.s32 $0xFFFFF800  }
0xde: {  	_ =	swait.ge [sflag:s17], $0x800  }
0xdf: {  	[sflag:s17] =	ssyncset.done $0x0  }
0xe0: {  	[sflag:s17] =	ssyncadd.s32 $0xFFFFF800  }
0xe1: {  	_ =	swait.ge [sflag:s17], $0x1000  }
0xe2: {  	[sflag:s17] =	ssyncset.done $0x0  }
0xe3: {  	s25 =	sadd.s32 $0x1000, s23;
	[sflag:s17] =	ssyncadd.s32 $0xFFFFF000  }
0xe4: {  	[hbm4b:s25+s20] =	stream.strided.scatter [tilespmem:s8], [sflag:$0x4], $0x2000, s24, s20, $0x38;
	[tilespmem:$0x11000] =	vst v63  }
0xe5: {  	s30 =	sadd.s32 $0x1008, s23  }
0xe6: {  	[hbm4b:s30+s29] =	stream.strided.scatter [tilespmem:s10], [sflag:$0x4], $0x1000, s24, s29, $0x38;
	[tilespmem:$0x11000] =	vst v63  }
0xe7: {  	s30 =	sadd.s32 $0x100C, s23  }
0xe8: {  	[hbm4b:s30+s29] =	stream.strided.scatter [tilespmem:s14], [sflag:$0x4], $0x1000, s24, s29, $0x38;
	[tilespmem:$0x11000] =	vst v63  }
0xe9: {  	s30 =	sadd.s32 $0x1010, s23  }
0xea: {  	[hbm4b:s30+s29] =	stream.strided.scatter [tilespmem:s18], [sflag:$0x4], $0x1000, s24, s29, $0x38;
	[tilespmem:$0x11000] =	vst v63  }
0xeb: {  	s21 =	sadd.s32 $0x2000, s21;
	s30 =	sadd.s32 $0x1014, s23  }
0xec: {  	[hbm4b:s30+s29] =	stream.strided.scatter [tilespmem:s22], [sflag:$0x4], $0x1000, s24, s29, $0x38;
	[tilespmem:$0x11000] =	vst v63  }
0xed: {  	p0 =	sne.s32 s21, $0x32000;
	s30 =	sadd.s32 $0x1018, s23  }
0xee: {  	[hbm4b:s30+s9] =	stream.strided.scatter [tilespmem:s26], [sflag:$0x4], $0x800, s24, s9, $0x38;
	[tilespmem:$0x11000] =	vst v63  }
.Ltmp3:
0xef: {  	_ = 	snop;
	(pc) =	sbr.rel @!p0 .LBB2_5-.Ltmp3, $4  }
0xf0: {  	s30 =	sadd.s32 $0x101A, s23  }
0xf1: {  	[hbm4b:s30+s9] =	stream.strided.scatter [tilespmem:s1], [sflag:$0x4], $0x800, s24, s9, $0x38;
	[tilespmem:$0x11000] =	vst v63  }
0xf2: {  	s19 =	sadd.s32 $0x100, s19;
	s30 =	sadd.s32 $0x101C, s23  }
0xf3: {  	[hbm4b:s30+s29] =	stream.strided.scatter [tilespmem:s12], [sflag:$0x4], $0x1000, s24, s29, $0x38;
	[tilespmem:$0x11000] =	vst v63  }
.LBB2_2:
0xf4: {  	s23 =	sadd.s32 $0xFFFFFF80, s19;
	p0 =	seq.s32 s21, $0x0  }
0xf5: {  	[tilespmem:s31], [sflag:$0x5] =	stream.linear.gather [hbm4b:s23+s2], $0x400, $0x38;
	[tilespmem:$0x11000] =	vst v63  }
0xf6: {  	s23 =	simm.s32 @!p0 $0x4  }
0xf7: {  	_ =	swait.ge @!p0 [sflag:s23], $0x2000  }
0xf8: {  	[sflag:s23] =	ssyncset.done @!p0 $0x0  }
0xf9: {  	[sflag:s23] =	ssyncadd.s32 @!p0 $0xFFFFE000  }
0xfa: {  	_ =	swait.ge @!p0 [sflag:s23], $0x1000  }
0xfb: {  	[sflag:s23] =	ssyncset.done @!p0 $0x0  }
0xfc: {  	[sflag:s23] =	ssyncadd.s32 @!p0 $0xFFFFF000  }
0xfd: {  	_ =	swait.ge @!p0 [sflag:s23], $0x1000  }
0xfe: {  	[sflag:s23] =	ssyncset.done @!p0 $0x0  }
0xff: {  	[sflag:s23] =	ssyncadd.s32 @!p0 $0xFFFFF000  }
0x100: {  	_ =	swait.ge @!p0 [sflag:s23], $0x1000  }
0x101: {  	[sflag:s23] =	ssyncset.done @!p0 $0x0  }
0x102: {  	[sflag:s23] =	ssyncadd.s32 @!p0 $0xFFFFF000  }
0x103: {  	_ =	swait.ge @!p0 [sflag:s23], $0x1000  }
0x104: {  	[sflag:s23] =	ssyncset.done @!p0 $0x0  }
0x105: {  	[sflag:s23] =	ssyncadd.s32 @!p0 $0xFFFFF000  }
0x106: {  	_ =	swait.ge @!p0 [sflag:s23], $0x800  }
0x107: {  	[sflag:s23] =	ssyncset.done @!p0 $0x0  }
0x108: {  	[sflag:s23] =	ssyncadd.s32 @!p0 $0xFFFFF800  }
0x109: {  	_ =	swait.ge @!p0 [sflag:s23], $0x800  }
0x10a: {  	[sflag:s23] =	ssyncset.done @!p0 $0x0  }
0x10b: {  	[sflag:s23] =	ssyncadd.s32 @!p0 $0xFFFFF800  }
0x10c: {  	_ =	swait.ge @!p0 [sflag:s23], $0x1000  }
0x10d: {  	[sflag:s23] =	ssyncset.done @!p0 $0x0  }
0x10e: {  	[sflag:s23] =	ssyncadd.s32 @!p0 $0xFFFFF000  }
0x10f: {  	_ =	swait.ge [sflag:s0], $0x400  }
0x110: {  	[sflag:s0] =	ssyncset.done $0x0  }
0x111: {  	[sflag:s0] =	ssyncadd.s32 $0xFFFFFC00  }
0x112: {  	v1 =	vld.idx.msk [tilespmem:v0+s31+$0x0], $0xffff;
	_ =	sdelay $0x4  }
0x113: {  	[tilespmem:$0xC00] =	vst v1;
	v1 =	vld [tilespmem:$0x1FFF0];
	_ =	sdelay $0x7  }
0x114: {  	v1 =	vld.idx.msk [tilespmem:v1+s31+$0x0], $0xffff;
	_ =	sdelay $0x4  }
0x115: {  	[tilespmem:$0xC10] =	vst v1  }
0x116: {  	v1 =	vld.idx.msk [tilespmem:v2+s31+$0x0], $0xffff;
	_ =	sdelay $0x4  }
0x117: {  	[tilespmem:$0xC20] =	vst v1  }
0x118: {  	v1 =	vld.idx.msk [tilespmem:v3+s31+$0x0], $0xffff;
	_ =	sdelay $0x4  }
0x119: {  	[tilespmem:$0xC30] =	vst v1  }
0x11a: {  	v1 =	vld.idx.msk [tilespmem:v4+s31+$0x0], $0xffff;
	_ =	sdelay $0x4  }
0x11b: {  	[tilespmem:$0xC40] =	vst v1  }
0x11c: {  	v1 =	vld.idx.msk [tilespmem:v5+s31+$0x0], $0xffff;
	_ =	sdelay $0x4  }
0x11d: {  	[tilespmem:$0xC50] =	vst v1  }
0x11e: {  	v1 =	vld.idx.msk [tilespmem:v6+s31+$0x0], $0xffff;
	_ =	sdelay $0x4  }
0x11f: {  	[tilespmem:$0xC60] =	vst v1  }
0x120: {  	v1 =	vld.idx.msk [tilespmem:v7+s31+$0x0], $0xffff;
	_ =	sdelay $0x4  }
0x121: {  	[tilespmem:$0xC70] =	vst v1  }
0x122: {  	v1 =	vld.idx.msk [tilespmem:v8+s31+$0x0], $0xffff;
	_ =	sdelay $0x4  }
0x123: {  	[tilespmem:$0xC80] =	vst v1  }
0x124: {  	v1 =	vld.idx.msk [tilespmem:v9+s31+$0x0], $0xffff;
	_ =	sdelay $0x4  }
0x125: {  	[tilespmem:$0xC90] =	vst v1  }
0x126: {  	v1 =	vld.idx.msk [tilespmem:v10+s31+$0x0], $0xffff;
	_ =	sdelay $0x4  }
0x127: {  	[tilespmem:$0xCA0] =	vst v1  }
0x128: {  	v1 =	vld.idx.msk [tilespmem:v11+s31+$0x0], $0xffff;
	_ =	sdelay $0x4  }
0x129: {  	[tilespmem:$0xCB0] =	vst v1  }
0x12a: {  	v1 =	vld.idx.msk [tilespmem:v12+s31+$0x0], $0xffff;
	_ =	sdelay $0x4  }
0x12b: {  	[tilespmem:$0xCC0] =	vst v1  }
0x12c: {  	v1 =	vld.idx.msk [tilespmem:v13+s31+$0x0], $0xffff;
	_ =	sdelay $0x4  }
0x12d: {  	[tilespmem:$0xCD0] =	vst v1  }
0x12e: {  	v1 =	vld.idx.msk [tilespmem:v14+s31+$0x0], $0xffff;
	_ =	sdelay $0x4  }
0x12f: {  	[tilespmem:$0xCE0] =	vst v1  }
0x130: {  	v1 =	vld.idx.msk [tilespmem:v15+s31+$0x0], $0xffff;
	_ =	sdelay $0x4  }
0x131: {  	[tilespmem:$0xCF0] =	vst v1  }
0x132: {  	v1 =	vld.idx.msk [tilespmem:v16+s31+$0x0], $0xffff;
	_ =	sdelay $0x4  }
0x133: {  	[tilespmem:$0xD00] =	vst v1  }
0x134: {  	v1 =	vld.idx.msk [tilespmem:v17+s31+$0x0], $0xffff;
	_ =	sdelay $0x4  }
0x135: {  	[tilespmem:$0xD10] =	vst v1  }
0x136: {  	v1 =	vld.idx.msk [tilespmem:v18+s31+$0x0], $0xffff;
	_ =	sdelay $0x4  }
0x137: {  	[tilespmem:$0xD20] =	vst v1  }
0x138: {  	v1 =	vld.idx.msk [tilespmem:v19+s31+$0x0], $0xffff;
	_ =	sdelay $0x4  }
0x139: {  	[tilespmem:$0xD30] =	vst v1  }
0x13a: {  	v1 =	vld.idx.msk [tilespmem:v20+s31+$0x0], $0xffff;
	_ =	sdelay $0x4  }
0x13b: {  	[tilespmem:$0xD40] =	vst v1  }
0x13c: {  	v1 =	vld.idx.msk [tilespmem:v21+s31+$0x0], $0xffff;
	_ =	sdelay $0x4  }
0x13d: {  	[tilespmem:$0xD50] =	vst v1  }
0x13e: {  	v1 =	vld.idx.msk [tilespmem:v22+s31+$0x0], $0xffff;
	_ =	sdelay $0x4  }
0x13f: {  	[tilespmem:$0xD60] =	vst v1  }
0x140: {  	v1 =	vld.idx.msk [tilespmem:v23+s31+$0x0], $0xffff;
	_ =	sdelay $0x4  }
0x141: {  	[tilespmem:$0xD70] =	vst v1  }
0x142: {  	v1 =	vld.idx.msk [tilespmem:v24+s31+$0x0], $0xffff;
	_ =	sdelay $0x4  }
0x143: {  	[tilespmem:$0xD80] =	vst v1  }
0x144: {  	v1 =	vld.idx.msk [tilespmem:v25+s31+$0x0], $0xffff;
	_ =	sdelay $0x4  }
0x145: {  	[tilespmem:$0xD90] =	vst v1  }
0x146: {  	v1 =	vld.idx.msk [tilespmem:v26+s31+$0x0], $0xffff;
	_ =	sdelay $0x4  }
0x147: {  	[tilespmem:$0xDA0] =	vst v1  }
0x148: {  	v1 =	vld.idx.msk [tilespmem:v27+s31+$0x0], $0xffff;
	_ =	sdelay $0x4  }
0x149: {  	[tilespmem:$0xDB0] =	vst v1  }
0x14a: {  	v1 =	vld.idx.msk [tilespmem:v28+s31+$0x0], $0xffff;
	_ =	sdelay $0x4  }
0x14b: {  	[tilespmem:$0xDC0] =	vst v1  }
0x14c: {  	v1 =	vld.idx.msk [tilespmem:v29+s31+$0x0], $0xffff;
	_ =	sdelay $0x4  }
0x14d: {  	[tilespmem:$0xDD0] =	vst v1  }
0x14e: {  	v1 =	vld.idx.msk [tilespmem:v30+s31+$0x0], $0xffff;
	_ =	sdelay $0x4  }
0x14f: {  	[tilespmem:$0xDE0] =	vst v1  }
0x150: {  	v1 =	vld.idx.msk [tilespmem:v31+s31+$0x0], $0xffff;
	_ =	sdelay $0x4  }
0x151: {  	[tilespmem:$0xDF0] =	vst v1  }
0x152: {  	v1 =	vld.idx.msk [tilespmem:v32+s31+$0x0], $0xffff;
	_ =	sdelay $0x4  }
0x153: {  	[tilespmem:$0xE00] =	vst v1  }
0x154: {  	v1 =	vld.idx.msk [tilespmem:v33+s31+$0x0], $0xffff;
	_ =	sdelay $0x4  }
0x155: {  	[tilespmem:$0xE10] =	vst v1  }
0x156: {  	v1 =	vld.idx.msk [tilespmem:v34+s31+$0x0], $0xffff;
	_ =	sdelay $0x4  }
0x157: {  	[tilespmem:$0xE20] =	vst v1  }
0x158: {  	v1 =	vld.idx.msk [tilespmem:v35+s31+$0x0], $0xffff;
	_ =	sdelay $0x4  }
0x159: {  	[tilespmem:$0xE30] =	vst v1  }
0x15a: {  	v1 =	vld.idx.msk [tilespmem:v36+s31+$0x0], $0xffff;
	_ =	sdelay $0x4  }
0x15b: {  	[tilespmem:$0xE40] =	vst v1  }
0x15c: {  	v1 =	vld.idx.msk [tilespmem:v37+s31+$0x0], $0xffff;
	_ =	sdelay $0x4  }
0x15d: {  	[tilespmem:$0xE50] =	vst v1  }
0x15e: {  	v1 =	vld.idx.msk [tilespmem:v38+s31+$0x0], $0xffff;
	_ =	sdelay $0x4  }
0x15f: {  	[tilespmem:$0xE60] =	vst v1  }
0x160: {  	v1 =	vld.idx.msk [tilespmem:v39+s31+$0x0], $0xffff;
	_ =	sdelay $0x4  }
0x161: {  	[tilespmem:$0xE70] =	vst v1  }
0x162: {  	v1 =	vld.idx.msk [tilespmem:v40+s31+$0x0], $0xffff;
	_ =	sdelay $0x4  }
0x163: {  	[tilespmem:$0xE80] =	vst v1  }
0x164: {  	v1 =	vld.idx.msk [tilespmem:v41+s31+$0x0], $0xffff;
	_ =	sdelay $0x4  }
0x165: {  	[tilespmem:$0xE90] =	vst v1  }
0x166: {  	v1 =	vld.idx.msk [tilespmem:v42+s31+$0x0], $0xffff;
	_ =	sdelay $0x4  }
0x167: {  	[tilespmem:$0xEA0] =	vst v1  }
0x168: {  	v1 =	vld.idx.msk [tilespmem:v43+s31+$0x0], $0xffff;
	_ =	sdelay $0x4  }
0x169: {  	[tilespmem:$0xEB0] =	vst v1  }
0x16a: {  	v1 =	vld.idx.msk [tilespmem:v44+s31+$0x0], $0xffff;
	_ =	sdelay $0x4  }
0x16b: {  	[tilespmem:$0xEC0] =	vst v1  }
0x16c: {  	v1 =	vld.idx.msk [tilespmem:v45+s31+$0x0], $0xffff;
	_ =	sdelay $0x4  }
0x16d: {  	[tilespmem:$0xED0] =	vst v1  }
0x16e: {  	v1 =	vld.idx.msk [tilespmem:v46+s31+$0x0], $0xffff;
	_ =	sdelay $0x4  }
0x16f: {  	[tilespmem:$0xEE0] =	vst v1  }
0x170: {  	v1 =	vld.idx.msk [tilespmem:v47+s31+$0x0], $0xffff;
	_ =	sdelay $0x4  }
0x171: {  	[tilespmem:$0xEF0] =	vst v1  }
0x172: {  	v1 =	vld.idx.msk [tilespmem:v48+s31+$0x0], $0xffff;
	_ =	sdelay $0x4  }
0x173: {  	[tilespmem:$0xF00] =	vst v1  }
0x174: {  	v1 =	vld.idx.msk [tilespmem:v49+s31+$0x0], $0xffff;
	_ =	sdelay $0x4  }
0x175: {  	[tilespmem:$0xF10] =	vst v1  }
0x176: {  	v1 =	vld.idx.msk [tilespmem:v50+s31+$0x0], $0xffff;
	_ =	sdelay $0x4  }
0x177: {  	[tilespmem:$0xF20] =	vst v1  }
0x178: {  	v1 =	vld.idx.msk [tilespmem:v51+s31+$0x0], $0xffff;
	_ =	sdelay $0x4  }
0x179: {  	[tilespmem:$0xF30] =	vst v1  }
0x17a: {  	v1 =	vld.idx.msk [tilespmem:v52+s31+$0x0], $0xffff;
	_ =	sdelay $0x4  }
0x17b: {  	[tilespmem:$0xF40] =	vst v1  }
0x17c: {  	v1 =	vld.idx.msk [tilespmem:v53+s31+$0x0], $0xffff;
	_ =	sdelay $0x4  }
0x17d: {  	[tilespmem:$0xF50] =	vst v1  }
0x17e: {  	v1 =	vld.idx.msk [tilespmem:v54+s31+$0x0], $0xffff;
	_ =	sdelay $0x4  }
0x17f: {  	[tilespmem:$0xF60] =	vst v1  }
0x180: {  	v1 =	vld.idx.msk [tilespmem:v55+s31+$0x0], $0xffff;
	_ =	sdelay $0x4  }
0x181: {  	[tilespmem:$0xF70] =	vst v1  }
0x182: {  	v1 =	vld.idx.msk [tilespmem:v56+s31+$0x0], $0xffff;
	_ =	sdelay $0x4  }
0x183: {  	[tilespmem:$0xF80] =	vst v1  }
0x184: {  	v1 =	vld.idx.msk [tilespmem:v57+s31+$0x0], $0xffff;
	_ =	sdelay $0x4  }
0x185: {  	[tilespmem:$0xF90] =	vst v1  }
0x186: {  	v1 =	vld.idx.msk [tilespmem:v58+s31+$0x0], $0xffff;
	_ =	sdelay $0x4  }
0x187: {  	[tilespmem:$0xFA0] =	vst v1  }
0x188: {  	v1 =	vld.idx.msk [tilespmem:v59+s31+$0x0], $0xffff;
	_ =	sdelay $0x4  }
0x189: {  	[tilespmem:$0xFB0] =	vst v1  }
0x18a: {  	v1 =	vld.idx.msk [tilespmem:v60+s31+$0x0], $0xffff;
	_ =	sdelay $0x4  }
0x18b: {  	[tilespmem:$0xFC0] =	vst v1  }
0x18c: {  	v1 =	vld.idx.msk [tilespmem:v61+s31+$0x0], $0xffff;
	_ =	sdelay $0x4  }
0x18d: {  	[tilespmem:$0xFD0] =	vst v1  }
0x18e: {  	v1 =	vld.idx.msk [tilespmem:v62+s31+$0x0], $0xffff;
	_ =	sdelay $0x4  }
0x18f: {  	[tilespmem:$0xFE0] =	vst v1  }
0x190: {  	v1 =	vld.idx.msk [tilespmem:v63+s31+$0x0], $0xffff;
	_ =	sdelay $0x4  }
0x191: {  	s30 =	simm.s32 $0xC00;
	[tilespmem:$0xFF0] =	vst v1  }
0x192: {  	[tilespmem:s8], [sflag:$0x2] =	stream.indirect.gather [hbm4b:s3+s13], $0x40, s30, s13, $0xb8;
	[tilespmem:$0x11000] =	vst v63  }
0x193: {  	s25 =	simm.s32 $0xC80  }
0x194: {  	[tilespmem:s10], [sflag:$0x2] =	stream.indirect.gather [hbm4b:s4+s13], $0x20, s25, s13, $0xb8;
	[tilespmem:$0x11000] =	vst v63  }
0x195: {  	s30 =	simm.s32 $0xD00  }
0x196: {  	[tilespmem:s14], [sflag:$0x2] =	stream.indirect.gather [hbm4b:s4+s13], $0x20, s30, s13, $0xb8;
	[tilespmem:$0x11000] =	vst v63  }
0x197: {  	s25 =	simm.s32 $0xD80  }
0x198: {  	[tilespmem:s18], [sflag:$0x2] =	stream.indirect.gather [hbm4b:s4+s13], $0x20, s25, s13, $0xb8;
	[tilespmem:$0x11000] =	vst v63  }
0x199: {  	s30 =	simm.s32 $0xE00  }
0x19a: {  	[tilespmem:s22], [sflag:$0x2] =	stream.indirect.gather [hbm4b:s4+s13], $0x20, s30, s13, $0xb8;
	[tilespmem:$0x11000] =	vst v63  }
0x19b: {  	s25 =	simm.s32 $0xE80  }
0x19c: {  	[tilespmem:s26], [sflag:$0x2] =	stream.indirect.gather [hbm4b:s5+s13], $0x10, s25, s13, $0xb8;
	[tilespmem:$0x11000] =	vst v63  }
0x19d: {  	s30 =	simm.s32 $0xF00  }
0x19e: {  	[tilespmem:s1], [sflag:$0x2] =	stream.indirect.gather [hbm4b:s6+s13], $0x10, s30, s13, $0xb8;
	[tilespmem:$0x11000] =	vst v63  }
0x19f: {  	s25 =	simm.s32 $0xF80  }
0x1a0: {  	[tilespmem:s12], [sflag:$0x2] =	stream.indirect.gather [hbm4b:s7+s13], $0x20, s25, s13, $0xb8;
	[tilespmem:$0x11000] =	vst v63  }
0x1a1: {  	_ =	swait.ge [sflag:s16], $0x2000  }
0x1a2: {  	[sflag:s16] =	ssyncset.done $0x0  }
0x1a3: {  	[sflag:s16] =	ssyncadd.s32 $0xFFFFE000  }
0x1a4: {  	_ =	swait.ge [sflag:s16], $0x1000  }
0x1a5: {  	[sflag:s16] =	ssyncset.done $0x0  }
0x1a6: {  	[sflag:s16] =	ssyncadd.s32 $0xFFFFF000  }
0x1a7: {  	_ =	swait.ge [sflag:s16], $0x1000  }
0x1a8: {  	[sflag:s16] =	ssyncset.done $0x0  }
0x1a9: {  	[sflag:s16] =	ssyncadd.s32 $0xFFFFF000  }
0x1aa: {  	_ =	swait.ge [sflag:s16], $0x1000  }
0x1ab: {  	[sflag:s16] =	ssyncset.done $0x0  }
0x1ac: {  	[sflag:s16] =	ssyncadd.s32 $0xFFFFF000  }
0x1ad: {  	_ =	swait.ge [sflag:s16], $0x1000  }
0x1ae: {  	[sflag:s16] =	ssyncset.done $0x0  }
0x1af: {  	[sflag:s16] =	ssyncadd.s32 $0xFFFFF000  }
0x1b0: {  	_ =	swait.ge [sflag:s16], $0x800  }
0x1b1: {  	[sflag:s16] =	ssyncset.done $0x0  }
0x1b2: {  	[sflag:s16] =	ssyncadd.s32 $0xFFFFF800  }
0x1b3: {  	_ =	swait.ge [sflag:s16], $0x800  }
0x1b4: {  	[sflag:s16] =	ssyncset.done $0x0  }
0x1b5: {  	[sflag:s16] =	ssyncadd.s32 $0xFFFFF800  }
0x1b6: {  	_ =	swait.ge [sflag:s16], $0x1000  }
0x1b7: {  	[sflag:s16] =	ssyncset.done $0x0  }
0x1b8: {  	s23 =	sadd.s32 s21, s11;
	s25 =	simm.s32 $0x1000;
	[sflag:s16] =	ssyncadd.s32 $0xFFFFF000  }
0x1b9: {  	[hbm4b:s23+s20] =	stream.strided.scatter [tilespmem:s25], [sflag:$0x3], $0x2000, s24, s20, $0x38;
	[tilespmem:$0x11000] =	vst v63  }
0x1ba: {  	s30 =	sadd.s32 $0x8, s23  }
0x1bb: {  	[hbm4b:s30+s29] =	stream.strided.scatter [tilespmem:s28], [sflag:$0x3], $0x1000, s24, s29, $0x38;
	[tilespmem:$0x11000] =	vst v63  }
0x1bc: {  	s25 =	sadd.s32 $0xC, s23;
	s30 =	simm.s32 $0x4000  }
0x1bd: {  	[hbm4b:s25+s29] =	stream.strided.scatter [tilespmem:s30], [sflag:$0x3], $0x1000, s24, s29, $0x38;
	[tilespmem:$0x11000] =	vst v63  }
0x1be: {  	s25 =	sadd.s32 $0x10, s23;
	s30 =	simm.s32 $0x5000  }
0x1bf: {  	[hbm4b:s25+s29] =	stream.strided.scatter [tilespmem:s30], [sflag:$0x3], $0x1000, s24, s29, $0x38;
	[tilespmem:$0x11000] =	vst v63  }
0x1c0: {  	s25 =	sadd.s32 $0x14, s23;
	s30 =	simm.s32 $0x6000  }
0x1c1: {  	[hbm4b:s25+s29] =	stream.strided.scatter [tilespmem:s30], [sflag:$0x3], $0x1000, s24, s29, $0x38;
	[tilespmem:$0x11000] =	vst v63  }
0x1c2: {  	s25 =	sadd.s32 $0x18, s23;
	s30 =	simm.s32 $0x7000  }
0x1c3: {  	[hbm4b:s25+s9] =	stream.strided.scatter [tilespmem:s30], [sflag:$0x3], $0x800, s24, s9, $0x38;
	[tilespmem:$0x11000] =	vst v63  }
0x1c4: {  	s25 =	sadd.s32 $0x1A, s23;
	s30 =	simm.s32 $0x7800  }
0x1c5: {  	[hbm4b:s25+s9] =	stream.strided.scatter [tilespmem:s30], [sflag:$0x3], $0x800, s24, s9, $0x38;
	[tilespmem:$0x11000] =	vst v63  }
0x1c6: {  	p0 =	seq.s32 s21, $0x30000;
	s25 =	sadd.s32 $0x1C, s23;
	s30 =	simm.s32 $0x8000  }
0x1c7: {  	[hbm4b:s25+s29] =	stream.strided.scatter [tilespmem:s30], [sflag:$0x3], $0x1000, s24, s29, $0x38;
	[tilespmem:$0x11000] =	vst v63  }
0x1c8: {  	s25 =	simm.s32 @!p0 $0x0  }
0x1c9: {  	[tilespmem:s25], [sflag:$0x5] =	stream.linear.gather @!p0 [hbm4b:s19+s25], $0x400, $0x38;
	[tilespmem:$0x11000] =	vst v63  }
0x1ca: {  	_ =	swait.ge [sflag:s15], $0x2000  }
0x1cb: {  	[sflag:s15] =	ssyncset.done $0x0  }
0x1cc: {  	[sflag:s15] =	ssyncadd.s32 $0xFFFFE000  }
0x1cd: {  	_ =	swait.ge [sflag:s15], $0x1000  }
0x1ce: {  	[sflag:s15] =	ssyncset.done $0x0  }
0x1cf: {  	[sflag:s15] =	ssyncadd.s32 $0xFFFFF000  }
0x1d0: {  	_ =	swait.ge [sflag:s15], $0x1000  }
0x1d1: {  	[sflag:s15] =	ssyncset.done $0x0  }
0x1d2: {  	[sflag:s15] =	ssyncadd.s32 $0xFFFFF000  }
0x1d3: {  	_ =	swait.ge [sflag:s15], $0x1000  }
0x1d4: {  	[sflag:s15] =	ssyncset.done $0x0  }
0x1d5: {  	[sflag:s15] =	ssyncadd.s32 $0xFFFFF000  }
0x1d6: {  	_ =	swait.ge [sflag:s15], $0x1000  }
0x1d7: {  	[sflag:s15] =	ssyncset.done $0x0  }
0x1d8: {  	[sflag:s15] =	ssyncadd.s32 $0xFFFFF000  }
0x1d9: {  	_ =	swait.ge [sflag:s15], $0x800  }
0x1da: {  	[sflag:s15] =	ssyncset.done $0x0  }
0x1db: {  	[sflag:s15] =	ssyncadd.s32 $0xFFFFF800  }
0x1dc: {  	_ =	swait.ge [sflag:s15], $0x800  }
.Ltmp4:
0x1dd: {  	[sflag:s15] =	ssyncset.done $0x0;
	(pc) =	sbr.rel @p0 .LBB2_4-.Ltmp4, $4  }
0x1de: {  	[sflag:s15] =	ssyncadd.s32 $0xFFFFF800  }
0x1df: {  	_ =	swait.ge [sflag:s15], $0x1000  }
0x1e0: {  	[sflag:s15] =	ssyncset.done $0x0  }
0x1e1: {  	[sflag:s15] =	ssyncadd.s32 $0xFFFFF000  }
0x1e2: {  	_ = 	snop  }
0x1e3: {  	_ =	swait.ge [sflag:s0], $0x400  }
0x1e4: {  	[sflag:s0] =	ssyncset.done $0x0  }
0x1e5: {  	[sflag:s0] =	ssyncadd.s32 $0xFFFFFC00  }
0x1e6: {  	v1 =	vld.idx.msk [tilespmem:v0+s2+$0x0], $0xffff;
	_ =	sdelay $0x4  }
0x1e7: {  	[tilespmem:$0x800] =	vst v1;
	v1 =	vld [tilespmem:$0x1FFF0];
	_ =	sdelay $0x7  }
0x1e8: {  	v1 =	vld.idx.msk [tilespmem:v1+s2+$0x0], $0xffff;
	_ =	sdelay $0x4  }
0x1e9: {  	[tilespmem:$0x810] =	vst v1  }
0x1ea: {  	v1 =	vld.idx.msk [tilespmem:v2+s2+$0x0], $0xffff;
	_ =	sdelay $0x4  }
0x1eb: {  	[tilespmem:$0x820] =	vst v1  }
0x1ec: {  	v1 =	vld.idx.msk [tilespmem:v3+s2+$0x0], $0xffff;
	_ =	sdelay $0x4  }
0x1ed: {  	[tilespmem:$0x830] =	vst v1  }
0x1ee: {  	v1 =	vld.idx.msk [tilespmem:v4+s2+$0x0], $0xffff;
	_ =	sdelay $0x4  }
0x1ef: {  	[tilespmem:$0x840] =	vst v1  }
0x1f0: {  	v1 =	vld.idx.msk [tilespmem:v5+s2+$0x0], $0xffff;
	_ =	sdelay $0x4  }
0x1f1: {  	[tilespmem:$0x850] =	vst v1  }
0x1f2: {  	v1 =	vld.idx.msk [tilespmem:v6+s2+$0x0], $0xffff;
	_ =	sdelay $0x4  }
0x1f3: {  	[tilespmem:$0x860] =	vst v1  }
0x1f4: {  	v1 =	vld.idx.msk [tilespmem:v7+s2+$0x0], $0xffff;
	_ =	sdelay $0x4  }
0x1f5: {  	[tilespmem:$0x870] =	vst v1  }
0x1f6: {  	v1 =	vld.idx.msk [tilespmem:v8+s2+$0x0], $0xffff;
	_ =	sdelay $0x4  }
0x1f7: {  	[tilespmem:$0x880] =	vst v1  }
0x1f8: {  	v1 =	vld.idx.msk [tilespmem:v9+s2+$0x0], $0xffff;
	_ =	sdelay $0x4  }
0x1f9: {  	[tilespmem:$0x890] =	vst v1  }
0x1fa: {  	v1 =	vld.idx.msk [tilespmem:v10+s2+$0x0], $0xffff;
	_ =	sdelay $0x4  }
0x1fb: {  	[tilespmem:$0x8A0] =	vst v1  }
0x1fc: {  	v1 =	vld.idx.msk [tilespmem:v11+s2+$0x0], $0xffff;
	_ =	sdelay $0x4  }
0x1fd: {  	[tilespmem:$0x8B0] =	vst v1  }
0x1fe: {  	v1 =	vld.idx.msk [tilespmem:v12+s2+$0x0], $0xffff;
	_ =	sdelay $0x4  }
0x1ff: {  	[tilespmem:$0x8C0] =	vst v1  }
0x200: {  	v1 =	vld.idx.msk [tilespmem:v13+s2+$0x0], $0xffff;
	_ =	sdelay $0x4  }
0x201: {  	[tilespmem:$0x8D0] =	vst v1  }
0x202: {  	v1 =	vld.idx.msk [tilespmem:v14+s2+$0x0], $0xffff;
	_ =	sdelay $0x4  }
0x203: {  	[tilespmem:$0x8E0] =	vst v1  }
0x204: {  	v1 =	vld.idx.msk [tilespmem:v15+s2+$0x0], $0xffff;
	_ =	sdelay $0x4  }
0x205: {  	[tilespmem:$0x8F0] =	vst v1  }
0x206: {  	v1 =	vld.idx.msk [tilespmem:v16+s2+$0x0], $0xffff;
	_ =	sdelay $0x4  }
0x207: {  	[tilespmem:$0x900] =	vst v1  }
0x208: {  	v1 =	vld.idx.msk [tilespmem:v17+s2+$0x0], $0xffff;
	_ =	sdelay $0x4  }
0x209: {  	[tilespmem:$0x910] =	vst v1  }
0x20a: {  	v1 =	vld.idx.msk [tilespmem:v18+s2+$0x0], $0xffff;
	_ =	sdelay $0x4  }
0x20b: {  	[tilespmem:$0x920] =	vst v1  }
0x20c: {  	v1 =	vld.idx.msk [tilespmem:v19+s2+$0x0], $0xffff;
	_ =	sdelay $0x4  }
0x20d: {  	[tilespmem:$0x930] =	vst v1  }
0x20e: {  	v1 =	vld.idx.msk [tilespmem:v20+s2+$0x0], $0xffff;
	_ =	sdelay $0x4  }
0x20f: {  	[tilespmem:$0x940] =	vst v1  }
0x210: {  	v1 =	vld.idx.msk [tilespmem:v21+s2+$0x0], $0xffff;
	_ =	sdelay $0x4  }
0x211: {  	[tilespmem:$0x950] =	vst v1  }
0x212: {  	v1 =	vld.idx.msk [tilespmem:v22+s2+$0x0], $0xffff;
	_ =	sdelay $0x4  }
0x213: {  	[tilespmem:$0x960] =	vst v1  }
0x214: {  	v1 =	vld.idx.msk [tilespmem:v23+s2+$0x0], $0xffff;
	_ =	sdelay $0x4  }
0x215: {  	[tilespmem:$0x970] =	vst v1  }
0x216: {  	v1 =	vld.idx.msk [tilespmem:v24+s2+$0x0], $0xffff;
	_ =	sdelay $0x4  }
0x217: {  	[tilespmem:$0x980] =	vst v1  }
0x218: {  	v1 =	vld.idx.msk [tilespmem:v25+s2+$0x0], $0xffff;
	_ =	sdelay $0x4  }
0x219: {  	[tilespmem:$0x990] =	vst v1  }
0x21a: {  	v1 =	vld.idx.msk [tilespmem:v26+s2+$0x0], $0xffff;
	_ =	sdelay $0x4  }
0x21b: {  	[tilespmem:$0x9A0] =	vst v1  }
0x21c: {  	v1 =	vld.idx.msk [tilespmem:v27+s2+$0x0], $0xffff;
	_ =	sdelay $0x4  }
0x21d: {  	[tilespmem:$0x9B0] =	vst v1  }
0x21e: {  	v1 =	vld.idx.msk [tilespmem:v28+s2+$0x0], $0xffff;
	_ =	sdelay $0x4  }
0x21f: {  	[tilespmem:$0x9C0] =	vst v1  }
0x220: {  	v1 =	vld.idx.msk [tilespmem:v29+s2+$0x0], $0xffff;
	_ =	sdelay $0x4  }
0x221: {  	[tilespmem:$0x9D0] =	vst v1  }
0x222: {  	v1 =	vld.idx.msk [tilespmem:v30+s2+$0x0], $0xffff;
	_ =	sdelay $0x4  }
0x223: {  	[tilespmem:$0x9E0] =	vst v1  }
0x224: {  	v1 =	vld.idx.msk [tilespmem:v31+s2+$0x0], $0xffff;
	_ =	sdelay $0x4  }
0x225: {  	[tilespmem:$0x9F0] =	vst v1  }
0x226: {  	v1 =	vld.idx.msk [tilespmem:v32+s2+$0x0], $0xffff;
	_ =	sdelay $0x4  }
0x227: {  	[tilespmem:$0xA00] =	vst v1  }
0x228: {  	v1 =	vld.idx.msk [tilespmem:v33+s2+$0x0], $0xffff;
	_ =	sdelay $0x4  }
0x229: {  	[tilespmem:$0xA10] =	vst v1  }
0x22a: {  	v1 =	vld.idx.msk [tilespmem:v34+s2+$0x0], $0xffff;
	_ =	sdelay $0x4  }
0x22b: {  	[tilespmem:$0xA20] =	vst v1  }
0x22c: {  	v1 =	vld.idx.msk [tilespmem:v35+s2+$0x0], $0xffff;
	_ =	sdelay $0x4  }
0x22d: {  	[tilespmem:$0xA30] =	vst v1  }
0x22e: {  	v1 =	vld.idx.msk [tilespmem:v36+s2+$0x0], $0xffff;
	_ =	sdelay $0x4  }
0x22f: {  	[tilespmem:$0xA40] =	vst v1  }
0x230: {  	v1 =	vld.idx.msk [tilespmem:v37+s2+$0x0], $0xffff;
	_ =	sdelay $0x4  }
0x231: {  	[tilespmem:$0xA50] =	vst v1  }
0x232: {  	v1 =	vld.idx.msk [tilespmem:v38+s2+$0x0], $0xffff;
	_ =	sdelay $0x4  }
0x233: {  	[tilespmem:$0xA60] =	vst v1  }
0x234: {  	v1 =	vld.idx.msk [tilespmem:v39+s2+$0x0], $0xffff;
	_ =	sdelay $0x4  }
0x235: {  	[tilespmem:$0xA70] =	vst v1  }
0x236: {  	v1 =	vld.idx.msk [tilespmem:v40+s2+$0x0], $0xffff;
	_ =	sdelay $0x4  }
0x237: {  	[tilespmem:$0xA80] =	vst v1  }
0x238: {  	v1 =	vld.idx.msk [tilespmem:v41+s2+$0x0], $0xffff;
	_ =	sdelay $0x4  }
0x239: {  	[tilespmem:$0xA90] =	vst v1  }
0x23a: {  	v1 =	vld.idx.msk [tilespmem:v42+s2+$0x0], $0xffff;
	_ =	sdelay $0x4  }
0x23b: {  	[tilespmem:$0xAA0] =	vst v1  }
0x23c: {  	v1 =	vld.idx.msk [tilespmem:v43+s2+$0x0], $0xffff;
	_ =	sdelay $0x4  }
0x23d: {  	[tilespmem:$0xAB0] =	vst v1  }
0x23e: {  	v1 =	vld.idx.msk [tilespmem:v44+s2+$0x0], $0xffff;
	_ =	sdelay $0x4  }
0x23f: {  	[tilespmem:$0xAC0] =	vst v1  }
0x240: {  	v1 =	vld.idx.msk [tilespmem:v45+s2+$0x0], $0xffff;
	_ =	sdelay $0x4  }
0x241: {  	[tilespmem:$0xAD0] =	vst v1  }
0x242: {  	v1 =	vld.idx.msk [tilespmem:v46+s2+$0x0], $0xffff;
	_ =	sdelay $0x4  }
0x243: {  	[tilespmem:$0xAE0] =	vst v1  }
0x244: {  	v1 =	vld.idx.msk [tilespmem:v47+s2+$0x0], $0xffff;
	_ =	sdelay $0x4  }
0x245: {  	[tilespmem:$0xAF0] =	vst v1  }
0x246: {  	v1 =	vld.idx.msk [tilespmem:v48+s2+$0x0], $0xffff;
	_ =	sdelay $0x4  }
0x247: {  	[tilespmem:$0xB00] =	vst v1  }
0x248: {  	v1 =	vld.idx.msk [tilespmem:v49+s2+$0x0], $0xffff;
	_ =	sdelay $0x4  }
0x249: {  	[tilespmem:$0xB10] =	vst v1  }
0x24a: {  	v1 =	vld.idx.msk [tilespmem:v50+s2+$0x0], $0xffff;
	_ =	sdelay $0x4  }
0x24b: {  	[tilespmem:$0xB20] =	vst v1  }
0x24c: {  	v1 =	vld.idx.msk [tilespmem:v51+s2+$0x0], $0xffff;
	_ =	sdelay $0x4  }
0x24d: {  	[tilespmem:$0xB30] =	vst v1  }
0x24e: {  	v1 =	vld.idx.msk [tilespmem:v52+s2+$0x0], $0xffff;
	_ =	sdelay $0x4  }
0x24f: {  	[tilespmem:$0xB40] =	vst v1  }
0x250: {  	v1 =	vld.idx.msk [tilespmem:v53+s2+$0x0], $0xffff;
	_ =	sdelay $0x4  }
0x251: {  	[tilespmem:$0xB50] =	vst v1  }
0x252: {  	v1 =	vld.idx.msk [tilespmem:v54+s2+$0x0], $0xffff;
	_ =	sdelay $0x4  }
0x253: {  	[tilespmem:$0xB60] =	vst v1  }
0x254: {  	v1 =	vld.idx.msk [tilespmem:v55+s2+$0x0], $0xffff;
	_ =	sdelay $0x4  }
0x255: {  	[tilespmem:$0xB70] =	vst v1  }
0x256: {  	v1 =	vld.idx.msk [tilespmem:v56+s2+$0x0], $0xffff;
	_ =	sdelay $0x4  }
0x257: {  	[tilespmem:$0xB80] =	vst v1  }
0x258: {  	v1 =	vld.idx.msk [tilespmem:v57+s2+$0x0], $0xffff;
	_ =	sdelay $0x4  }
0x259: {  	[tilespmem:$0xB90] =	vst v1  }
0x25a: {  	v1 =	vld.idx.msk [tilespmem:v58+s2+$0x0], $0xffff;
	_ =	sdelay $0x4  }
0x25b: {  	[tilespmem:$0xBA0] =	vst v1  }
0x25c: {  	v1 =	vld.idx.msk [tilespmem:v59+s2+$0x0], $0xffff;
	_ =	sdelay $0x4  }
0x25d: {  	[tilespmem:$0xBB0] =	vst v1  }
0x25e: {  	v1 =	vld.idx.msk [tilespmem:v60+s2+$0x0], $0xffff;
	_ =	sdelay $0x4  }
0x25f: {  	[tilespmem:$0xBC0] =	vst v1  }
0x260: {  	v1 =	vld.idx.msk [tilespmem:v61+s2+$0x0], $0xffff;
	_ =	sdelay $0x4  }
0x261: {  	[tilespmem:$0xBD0] =	vst v1  }
0x262: {  	v1 =	vld.idx.msk [tilespmem:v62+s2+$0x0], $0xffff;
	_ =	sdelay $0x4  }
0x263: {  	[tilespmem:$0xBE0] =	vst v1  }
0x264: {  	v1 =	vld.idx.msk [tilespmem:v63+s2+$0x0], $0xffff;
	_ =	sdelay $0x4  }
0x265: {  	s25 =	simm.s32 $0x800;
	s28 =	simm.s32 $0x1000;
	[tilespmem:$0xBF0] =	vst v1  }
0x266: {  	[tilespmem:s28], [sflag:$0x1] =	stream.indirect.gather [hbm4b:s3+s13], $0x40, s25, s13, $0xb8;
	[tilespmem:$0x11000] =	vst v63  }
0x267: {  	s30 =	simm.s32 $0x880;
	s28 =	simm.s32 $0x3000  }
0x268: {  	[tilespmem:s28], [sflag:$0x1] =	stream.indirect.gather [hbm4b:s4+s13], $0x20, s30, s13, $0xb8;
	[tilespmem:$0x11000] =	vst v63  }
0x269: {  	s25 =	simm.s32 $0x900;
	s30 =	simm.s32 $0x4000  }
0x26a: {  	[tilespmem:s30], [sflag:$0x1] =	stream.indirect.gather [hbm4b:s4+s13], $0x20, s25, s13, $0xb8;
	[tilespmem:$0x11000] =	vst v63  }
0x26b: {  	s25 =	simm.s32 $0x980;
	s30 =	simm.s32 $0x5000  }
0x26c: {  	[tilespmem:s30], [sflag:$0x1] =	stream.indirect.gather [hbm4b:s4+s13], $0x20, s25, s13, $0xb8;
	[tilespmem:$0x11000] =	vst v63  }
0x26d: {  	s25 =	simm.s32 $0xA00;
	s30 =	simm.s32 $0x6000  }
0x26e: {  	[tilespmem:s30], [sflag:$0x1] =	stream.indirect.gather [hbm4b:s4+s13], $0x20, s25, s13, $0xb8;
	[tilespmem:$0x11000] =	vst v63  }
0x26f: {  	s25 =	simm.s32 $0xA80;
	s30 =	simm.s32 $0x7000  }
0x270: {  	[tilespmem:s30], [sflag:$0x1] =	stream.indirect.gather [hbm4b:s5+s13], $0x10, s25, s13, $0xb8;
	[tilespmem:$0x11000] =	vst v63  }
.Ltmp5:
0x271: {  	_ = 	snop;
	(pc) =	sbr.rel .LBB2_4-.Ltmp5, $4  }
0x272: {  	s25 =	simm.s32 $0xB00;
	s30 =	simm.s32 $0x7800  }
0x273: {  	[tilespmem:s30], [sflag:$0x1] =	stream.indirect.gather [hbm4b:s6+s13], $0x10, s25, s13, $0xb8;
	[tilespmem:$0x11000] =	vst v63  }
0x274: {  	s25 =	simm.s32 $0xB80;
	s30 =	simm.s32 $0x8000  }
0x275: {  	[tilespmem:s30], [sflag:$0x1] =	stream.indirect.gather [hbm4b:s7+s13], $0x20, s25, s13, $0xb8;
	[tilespmem:$0x11000] =	vst v63  }
.LBB2_6:
0x276: {  	_ =	sfence.sel $0x180000  }
0x277: {  	[bflag:$0x0] =	sbarrier.arrive $0xFFFF  }
0x278: {  	_ =	strace $0x90000047  }
0x279: {  	s0 =	stileid.u32;
	[bflag:$0x2] =	sbarrier.arrive $0xFFFF  }
0x27a: {  	p0 =	sne.s32 s0, $0x0;
	s0 =	rddreg [dreg:$0x1]  }
0x27b: {  	s0 =	sadd.s32 @!p0 $0x100000, s0  }
0x27c: {  	[sflag:s0] =	ssyncadd.tile.s32 @!p0 $0x1;
	_ =	shalt  }
.Lfunc_end2:
_tile_overlayer_lowered:
.L_overlay_start_2:
0x27d: {  	(tag) =	ssettag $0x2  }
0x27e: {  	s0 =	rddreg [dreg:$0x0];
	s2 =	stileid.u32  }
0x27f: {  	s1 =	rddreg [dreg:$0x1];
	p0 =	sne.s32 s2, $0x0  }
0x280: {  	s3 =	rddreg [dreg:$0x2];
	[bflag:$0x3] =	sbarrier.arrive $0xFFFF;
	s2 =	simm.s32 @!p0 $0x1C06  }
0x281: {  	[timem:s3], [sflag:s2] =	dma.local @!p0 [hbm:s0], s1  }
0x282: {  	s0 =	simm.s32 @!p0 $0x6  }
0x283: {  	_ =	swait.ge @!p0 [sflag:s0], s1  }
0x284: {  	s1 =	ssub.s32 @!p0 $0x0, s1;
	[sflag:s0] =	ssyncset.done @!p0 $0x0  }
0x285: {  	[sflag:s0] =	ssyncadd.s32 @!p0 s1  }
0x286: {  	[bflag:$0x3] =	sbarrier.arrive $0xFFFF  }
0x287: {  	_ =	shalt  }

</sc_bundles>
